<compile_context>
chip_gen: v7x
topology: tpu7x:2x2x1
jax: 0.10.2.dev20260603
libtpu: 0.0.44.dev20260713+nightly
codegen_flags: <defaults>
</compile_context>

<pallas_src>
import functools

import jax
import jax.numpy as jnp
from jax import lax
from jax.experimental import pallas as pl
from jax.experimental.pallas import tpu as pltpu
from jax.experimental.pallas import tpu_sc as plsc

NC = 2
NS = 16
LANES = 16
NW = NC * NS

BATCH_N = 16384
HIST_N = 200
EDIM = 4
ODIM = 2

ROWW = 16
DLEN = 128
RPW = BATCH_N // NW
CB = 16
NCHUNK = RPW // CB
IDX_N = CB * HIST_N
NDESC = IDX_N // DLEN


def _sc_kernel_body(idx_hbm, table_hbm, w_hbm, b_hbm, out_hbm,
                    idx_v0, idx_v1, rows_v0, rows_v1, lo_v0, lo_v1,
                    h_v, out_v, w_v, b_v, sem0, sem1):
    wid = lax.axis_index("s") * NC + lax.axis_index("c")
    base_row = wid * RPW

    pltpu.sync_copy(w_hbm, w_v)
    pltpu.sync_copy(b_hbm, b_v)

    iota = lax.iota(jnp.int32, LANES)
    quad = iota >> 2
    col = iota & 3
    rbase = quad * HIST_N

    half = iota >> 1
    jout = iota & 1
    neg_inf = jnp.full((LANES,), -jnp.inf, dtype=jnp.float32)

    wv = [plsc.load_gather(w_v, [jout * EDIM + d]) for d in range(EDIM)]
    bv = plsc.load_gather(b_v, [jout])

    def issue(c, idx_v, rows_v, lo_v, sem):
        row0 = ((base_row + c * CB) * HIST_N) // DLEN
        pltpu.sync_copy(idx_hbm.at[pl.ds(row0, NDESC)], idx_v)

        def split_body(m, _):
            j = m // (DLEN // 16)
            k = m % (DLEN // 16)
            vec = idx_v[j, pl.ds(k * 16, 16)]
            idx_v[j, pl.ds(k * 16, 16)] = vec >> 2
            lo_v[pl.ds(j * DLEN + k * 16, 16)] = (vec & 3) << 2
            return 0

        lax.fori_loop(0, NDESC * (DLEN // 16), split_body, 0, unroll=8)
        for j in range(NDESC):
            pltpu.async_copy(
                table_hbm.at[idx_v.at[j]],
                rows_v.at[pl.ds(j * DLEN, DLEN)],
                sem,
            )

    def drain(rows_v, sem):
        pltpu.make_async_copy(
            table_hbm.at[pl.ds(0, IDX_N)], rows_v, sem).wait()

    def compute(c, rows_v, lo_v):
        def group_body(g, _):
            rb = rbase + g * (4 * HIST_N)

            def t_body(t, acc):
                lo = plsc.load_gather(lo_v, [rb + t])
                v = plsc.load_gather(rows_v, [rb + t, lo + col])
                return jnp.maximum(acc, v)

            acc = lax.fori_loop(0, HIST_N, t_body, neg_inf, unroll=8)
            h_v[pl.ds((c * CB + g * 4) * EDIM, LANES)] = acc
            return 0

        lax.fori_loop(0, CB // 4, group_body, 0)

    issue(0, idx_v0, rows_v0, lo_v0, sem0)

    def pair_body(i, _):
        c = i * 2
        issue(c + 1, idx_v1, rows_v1, lo_v1, sem1)
        drain(rows_v0, sem0)
        compute(c, rows_v0, lo_v0)

        @pl.when(c + 2 < NCHUNK)
        def _():
            issue(c + 2, idx_v0, rows_v0, lo_v0, sem0)

        drain(rows_v1, sem1)
        compute(c + 1, rows_v1, lo_v1)
        return 0

    lax.fori_loop(0, NCHUNK // 2, pair_body, 0)

    def out_body(o, _):
        hbase = (o * 8 + half) * EDIM
        acc = bv
        for d in range(EDIM):
            acc = acc + wv[d] * plsc.load_gather(h_v, [hbase + d])
        out_v[pl.ds(o * LANES, LANES)] = acc
        return 0

    lax.fori_loop(0, RPW * ODIM // LANES, out_body, 0)
    pltpu.sync_copy(out_v, out_hbm.at[pl.ds(base_row * ODIM, RPW * ODIM)])


@jax.jit
def kernel(inputs, embed_table, W, b):
    idx_flat = lax.optimization_barrier(
        inputs.astype(jnp.int32).reshape(-1, DLEN))
    w_flat = W.reshape(-1).astype(jnp.float32)
    b_pad = jnp.zeros((8,), jnp.float32).at[:ODIM].set(b)
    table_g = embed_table.reshape(-1, ROWW)

    mesh = plsc.VectorSubcoreMesh(core_axis_name="c", subcore_axis_name="s")
    run = pl.kernel(
        _sc_kernel_body,
        out_type=jax.ShapeDtypeStruct((BATCH_N * ODIM,), jnp.float32),
        mesh=mesh,
        scratch_types=[
            pltpu.VMEM((NDESC, DLEN), jnp.int32),
            pltpu.VMEM((NDESC, DLEN), jnp.int32),
            pltpu.VMEM((IDX_N, ROWW), jnp.float32),
            pltpu.VMEM((IDX_N, ROWW), jnp.float32),
            pltpu.VMEM((IDX_N,), jnp.int32),
            pltpu.VMEM((IDX_N,), jnp.int32),
            pltpu.VMEM((RPW * EDIM,), jnp.float32),
            pltpu.VMEM((RPW * ODIM,), jnp.float32),
            pltpu.VMEM((ODIM * EDIM,), jnp.float32),
            pltpu.VMEM((8,), jnp.float32),
            pltpu.SemaphoreType.DMA,
            pltpu.SemaphoreType.DMA,
        ],
        compiler_params=pltpu.CompilerParams(
            needs_layout_passes=False, use_tc_tiling_on_sc=False),
    )
    out = run(idx_flat, table_g, w_flat, b_pad)
    return out.reshape(BATCH_N, ODIM)

# --- scband reference (transcript-rebuilt; emitter-appended) ---
"""Pipeline reference for scband-predict-importance-34084860461060 (READ-ONLY COPY).

The authoritative reference and input builder live on the scoring server;
editing this copy changes nothing except your own understanding.
"""

import jax, jax.numpy as jnp
import numpy as np

N_VOCAB = 1000000
EMBED_DIM = 4
OUT_DIM = 2
BATCH = 16384
HIST = 200


def setup_inputs(seed: int = 0) -> dict:
    key = jax.random.key(seed)
    k_idx, k_emb, k_w, k_b = jax.random.split(key, 4)
    inputs = jax.random.randint(k_idx, (BATCH, HIST), 0, N_VOCAB, dtype=jnp.int64 if jax.config.jax_enable_x64 else jnp.int32)
    embed_table = jax.random.normal(k_emb, (N_VOCAB, EMBED_DIM), dtype=jnp.float32)
    # torch Linear(4, 2): weight [out, in] = [2, 4], bias [2]
    W = jax.random.normal(k_w, (OUT_DIM, EMBED_DIM), dtype=jnp.float32) * 0.5
    b = jax.random.normal(k_b, (OUT_DIM,), dtype=jnp.float32) * 0.1
    return {"inputs": inputs, "embed_table": embed_table, "W": W, "b": b}


def reference(inputs, embed_table, W, b):
    # hidden = self.embed(inputs) -> gather rows: [B, L, 4]
    hidden = jnp.take(embed_table, inputs, axis=0)
    # hidden, _ = torch.max(hidden, dim=1) -> [B, 4]
    hidden = jnp.max(hidden, axis=1)
    # logits = self.linear(hidden) -> [B, 2]
    logits = hidden @ W.T + b
    return logits

if __name__ == "__main__":
    import jax
    _d = setup_inputs()
    print(jax.jit(kernel)(*tuple(_d.values())))

</pallas_src>

<mosaic_0001>
#map = affine_map<(d0, d1) -> (0, 0)>
#map1 = affine_map<(d0, d1) -> (0)>
module attributes {stable_mosaic.version = 14 : i64} {
  func.func @_sc_kernel_body(%arg0: i32, %arg1: i32, %arg2: memref<25600x128xi32, #tpu.memory_space<hbm>>, %arg3: memref<250000x16xf32, #tpu.memory_space<hbm>>, %arg4: memref<8xf32, #tpu.memory_space<hbm>>, %arg5: memref<8xf32, #tpu.memory_space<hbm>>, %arg6: memref<32768xf32, #tpu.memory_space<hbm>>, %arg7: memref<25x128xi32, #tpu.memory_space<vmem>>, %arg8: memref<25x128xi32, #tpu.memory_space<vmem>>, %arg9: memref<3200x16xf32, #tpu.memory_space<vmem>>, %arg10: memref<3200x16xf32, #tpu.memory_space<vmem>>, %arg11: memref<3200xi32, #tpu.memory_space<vmem>>, %arg12: memref<3200xi32, #tpu.memory_space<vmem>>, %arg13: memref<2048xf32, #tpu.memory_space<vmem>>, %arg14: memref<1024xf32, #tpu.memory_space<vmem>>, %arg15: memref<8xf32, #tpu.memory_space<vmem>>, %arg16: memref<8xf32, #tpu.memory_space<vmem>>, %arg17: memref<!tpu.dma_semaphore, #tpu.memory_space<semaphore_mem>>, %arg18: memref<!tpu.dma_semaphore, #tpu.memory_space<semaphore_mem>>) attributes {dimension_semantics = [#tpu.dimension_semantics<core_parallel>, #tpu.dimension_semantics<subcore_parallel>], iteration_bounds = array<i64: 2, 16>, scalar_prefetch = 0 : i64, scratch_operands = 12 : i64, tpu.core_type = #tpu.core_type<sc_vector_subcore>, window_params = [{transform_indices = #map}, {transform_indices = #map}, {transform_indices = #map1}, {transform_indices = #map1}, {transform_indices = #map1}]} {
    %mul3A = arith.constant 2 : i32
    %mul3A_0 = arith.muli %arg1, %mul3A : i32
    %add3A = arith.addi %mul3A_0, %arg0 : i32
    %mul3A_1 = arith.constant 512 : i32
    %mul3A_2 = arith.muli %add3A, %mul3A_1 : i32
    "tpu.region"() ({
      %run_scoped3A = tpu.sem_alloc : memref<!tpu.dma_semaphore, #tpu.memory_space<semaphore_mem>>
      tpu.enqueue_dma source(%arg4 : memref<8xf32, #tpu.memory_space<hbm>>) target(%arg15 : memref<8xf32, #tpu.memory_space<vmem>>) target_semaphore(%run_scoped3A : memref<!tpu.dma_semaphore, #tpu.memory_space<semaphore_mem>>)
      tpu.wait_dma2 semaphore(%run_scoped3A : memref<!tpu.dma_semaphore, #tpu.memory_space<semaphore_mem>>) src(%arg4 : memref<8xf32, #tpu.memory_space<hbm>>) dst(%arg15 : memref<8xf32, #tpu.memory_space<vmem>>)
      tpu.yield
    }) : () -> ()
    "tpu.region"() ({
      %run_scoped3A = tpu.sem_alloc : memref<!tpu.dma_semaphore, #tpu.memory_space<semaphore_mem>>
      tpu.enqueue_dma source(%arg5 : memref<8xf32, #tpu.memory_space<hbm>>) target(%arg16 : memref<8xf32, #tpu.memory_space<vmem>>) target_semaphore(%run_scoped3A : memref<!tpu.dma_semaphore, #tpu.memory_space<semaphore_mem>>)
      tpu.wait_dma2 semaphore(%run_scoped3A : memref<!tpu.dma_semaphore, #tpu.memory_space<semaphore_mem>>) src(%arg5 : memref<8xf32, #tpu.memory_space<hbm>>) dst(%arg16 : memref<8xf32, #tpu.memory_space<vmem>>)
      tpu.yield
    }) : () -> ()
    %iota3A = tpu.iota {dimensions = array<i32: 0>} : vector<16xi32>
    %shift_right_arithmetic3A = arith.constant 2 : i32
    %shift_right_arithmetic3A_3 = vector.broadcast %shift_right_arithmetic3A : i32 to vector<16xi32>
    %shift_right_arithmetic3A_4 = arith.shrsi %iota3A, %shift_right_arithmetic3A_3 : vector<16xi32>
    %and3A = arith.constant 3 : i32
    %and3A_5 = vector.broadcast %and3A : i32 to vector<16xi32>
    %and3A_6 = arith.andi %iota3A, %and3A_5 : vector<16xi32>
    %mul3A_7 = arith.constant 200 : i32
    %mul3A_8 = vector.broadcast %mul3A_7 : i32 to vector<16xi32>
    %mul3A_9 = arith.muli %shift_right_arithmetic3A_4, %mul3A_8 : vector<16xi32>
    %shift_right_arithmetic3A_10 = arith.constant 1 : i32
    %shift_right_arithmetic3A_11 = vector.broadcast %shift_right_arithmetic3A_10 : i32 to vector<16xi32>
    %shift_right_arithmetic3A_12 = arith.shrsi %iota3A, %shift_right_arithmetic3A_11 : vector<16xi32>
    %and3A_13 = arith.constant 1 : i32
    %and3A_14 = vector.broadcast %and3A_13 : i32 to vector<16xi32>
    %and3A_15 = arith.andi %iota3A, %and3A_14 : vector<16xi32>
    %broadcast_in_dim3A = arith.constant 0xFF800000 : f32
    %broadcast_in_dim3A_16 = vector.broadcast %broadcast_in_dim3A : f32 to vector<16xf32>
    %mul3A_17 = arith.constant 4 : i32
    %mul3A_18 = vector.broadcast %mul3A_17 : i32 to vector<16xi32>
    %mul3A_19 = arith.muli %and3A_15, %mul3A_18 : vector<16xi32>
    %add3A_20 = arith.constant 0 : i32
    %add3A_21 = vector.broadcast %add3A_20 : i32 to vector<16xi32>
    %add3A_22 = arith.addi %mul3A_19, %add3A_21 : vector<16xi32>
    %gather3A = tpu.vector_load_idx %arg15[%add3A_22] : memref<8xf32, #tpu.memory_space<vmem>>[vector<16xi32>], vector<16xf32>,
    %mul3A_23 = arith.constant 4 : i32
    %mul3A_24 = vector.broadcast %mul3A_23 : i32 to vector<16xi32>
    %mul3A_25 = arith.muli %and3A_15, %mul3A_24 : vector<16xi32>
    %add3A_26 = arith.constant 1 : i32
    %add3A_27 = vector.broadcast %add3A_26 : i32 to vector<16xi32>
    %add3A_28 = arith.addi %mul3A_25, %add3A_27 : vector<16xi32>
    %gather3A_29 = tpu.vector_load_idx %arg15[%add3A_28] : memref<8xf32, #tpu.memory_space<vmem>>[vector<16xi32>], vector<16xf32>,
    %mul3A_30 = arith.constant 4 : i32
    %mul3A_31 = vector.broadcast %mul3A_30 : i32 to vector<16xi32>
    %mul3A_32 = arith.muli %and3A_15, %mul3A_31 : vector<16xi32>
    %add3A_33 = arith.constant 2 : i32
    %add3A_34 = vector.broadcast %add3A_33 : i32 to vector<16xi32>
    %add3A_35 = arith.addi %mul3A_32, %add3A_34 : vector<16xi32>
    %gather3A_36 = tpu.vector_load_idx %arg15[%add3A_35] : memref<8xf32, #tpu.memory_space<vmem>>[vector<16xi32>], vector<16xf32>,
    %mul3A_37 = arith.constant 4 : i32
    %mul3A_38 = vector.broadcast %mul3A_37 : i32 to vector<16xi32>
    %mul3A_39 = arith.muli %and3A_15, %mul3A_38 : vector<16xi32>
    %add3A_40 = arith.constant 3 : i32
    %add3A_41 = vector.broadcast %add3A_40 : i32 to vector<16xi32>
    %add3A_42 = arith.addi %mul3A_39, %add3A_41 : vector<16xi32>
    %gather3A_43 = tpu.vector_load_idx %arg15[%add3A_42] : memref<8xf32, #tpu.memory_space<vmem>>[vector<16xi32>], vector<16xf32>,
    %gather3A_44 = tpu.vector_load_idx %arg16[%and3A_15] : memref<8xf32, #tpu.memory_space<vmem>>[vector<16xi32>], vector<16xf32>,
    %add3A_45 = arith.constant 0 : i32
    %add3A_46 = arith.addi %mul3A_2, %add3A_45 : i32
    %mul3A_47 = arith.constant 200 : i32
    %mul3A_48 = arith.muli %add3A_46, %mul3A_47 : i32
    %jit3A = arith.constant 128 : i32
    %div3A = arith.divsi %mul3A_48, %jit3A : i32
    %sign3A = arith.constant 0 : i32
    %sign3A_49 = arith.cmpi sgt, %mul3A_48, %sign3A : i32
    %sign3A_50 = arith.extui %sign3A_49 : i1 to i32
    %sign3A_51 = arith.constant 0 : i32
    %sign3A_52 = arith.cmpi slt, %mul3A_48, %sign3A_51 : i32
    %sign3A_53 = arith.extui %sign3A_52 : i1 to i32
    %sign3A_54 = arith.subi %sign3A_50, %sign3A_53 : i32
    %sign3A_55 = arith.constant 0 : i32
    %sign3A_56 = arith.cmpi sgt, %jit3A, %sign3A_55 : i32
    %sign3A_57 = arith.extui %sign3A_56 : i1 to i32
    %sign3A_58 = arith.constant 0 : i32
    %sign3A_59 = arith.cmpi slt, %jit3A, %sign3A_58 : i32
    %sign3A_60 = arith.extui %sign3A_59 : i1 to i32
    %sign3A_61 = arith.subi %sign3A_57, %sign3A_60 : i32
    %ne3A = arith.cmpi ne, %sign3A_54, %sign3A_61 : i32
    %rem3A = arith.remsi %mul3A_48, %jit3A : i32
    %ne3A_62 = arith.constant 0 : i32
    %ne3A_63 = arith.cmpi ne, %rem3A, %ne3A_62 : i32
    %and3A_64 = arith.andi %ne3A, %ne3A_63 : i1
    %sub3A = arith.constant 1 : i32
    %sub3A_65 = arith.subi %div3A, %sub3A : i32
    %select_n3A = arith.select %and3A_64, %sub3A_65, %div3A : i32
    "tpu.region"() ({
      %run_scoped3A = tpu.sem_alloc : memref<!tpu.dma_semaphore, #tpu.memory_space<semaphore_mem>>
      %dma_start3A_337 = arith.constant 0 : i32
      %dma_start3A_338 = tpu.memref_slice %arg2[%select_n3A, %dma_start3A_337] : memref<25600x128xi32, #tpu.memory_space<hbm>> -> memref<25x128xi32, #tpu.memory_space<hbm>>
      %dma_start3A_339 = arith.constant 0 : i32
      %dma_start3A_340 = tpu.memref_slice %arg2[%select_n3A, %dma_start3A_339] : memref<25600x128xi32, #tpu.memory_space<hbm>> -> memref<25x128xi32, #tpu.memory_space<hbm>>
      tpu.enqueue_dma source(%dma_start3A_340 : memref<25x128xi32, #tpu.memory_space<hbm>>) target(%arg7 : memref<25x128xi32, #tpu.memory_space<vmem>>) target_semaphore(%run_scoped3A : memref<!tpu.dma_semaphore, #tpu.memory_space<semaphore_mem>>)
      %dma_wait3A = arith.constant 0 : i32
      %dma_wait3A_341 = tpu.memref_slice %arg2[%select_n3A, %dma_wait3A] : memref<25600x128xi32, #tpu.memory_space<hbm>> -> memref<25x128xi32, #tpu.memory_space<hbm>>
      %dma_wait3A_342 = arith.constant 0 : i32
      %dma_wait3A_343 = tpu.memref_slice %arg2[%select_n3A, %dma_wait3A_342] : memref<25600x128xi32, #tpu.memory_space<hbm>> -> memref<25x128xi32, #tpu.memory_space<hbm>>
      tpu.wait_dma2 semaphore(%run_scoped3A : memref<!tpu.dma_semaphore, #tpu.memory_space<semaphore_mem>>) src(%dma_wait3A_343 : memref<25x128xi32, #tpu.memory_space<hbm>>) dst(%arg7 : memref<25x128xi32, #tpu.memory_space<vmem>>)
      tpu.yield
    }) : () -> ()
    %scan3A = arith.constant 0 : i32
    %scan3A_66 = arith.constant 0 : i32
    %scan3A_67 = arith.constant 200 : i32
    %scan3A_68 = arith.addi %scan3A_66, %scan3A_67 : i32
    %scan3A_69 = arith.constant 8 : i32
    %scan3A_70 = scf.for %scan3A_337 = %scan3A_66 to %scan3A_68 step %scan3A_69 iter_args(%scan3A_338 = %scan3A) -> (i32)  : i32 {
      %jit3A_339 = arith.constant 8 : i32
      %div3A_340 = arith.divsi %scan3A_337, %jit3A_339 : i32
      %sign3A_341 = arith.constant 0 : i32
      %sign3A_342 = arith.cmpi sgt, %scan3A_337, %sign3A_341 : i32
      %sign3A_343 = arith.extui %sign3A_342 : i1 to i32
      %sign3A_344 = arith.constant 0 : i32
      %sign3A_345 = arith.cmpi slt, %scan3A_337, %sign3A_344 : i32
      %sign3A_346 = arith.extui %sign3A_345 : i1 to i32
      %sign3A_347 = arith.subi %sign3A_343, %sign3A_346 : i32
      %sign3A_348 = arith.constant 0 : i32
      %sign3A_349 = arith.cmpi sgt, %jit3A_339, %sign3A_348 : i32
      %sign3A_350 = arith.extui %sign3A_349 : i1 to i32
      %sign3A_351 = arith.constant 0 : i32
      %sign3A_352 = arith.cmpi slt, %jit3A_339, %sign3A_351 : i32
      %sign3A_353 = arith.extui %sign3A_352 : i1 to i32
      %sign3A_354 = arith.subi %sign3A_350, %sign3A_353 : i32
      %ne3A_355 = arith.cmpi ne, %sign3A_347, %sign3A_354 : i32
      %rem3A_356 = arith.remsi %scan3A_337, %jit3A_339 : i32
      %ne3A_357 = arith.constant 0 : i32
      %ne3A_358 = arith.cmpi ne, %rem3A_356, %ne3A_357 : i32
      %and3A_359 = arith.andi %ne3A_355, %ne3A_358 : i1
      %sub3A_360 = arith.constant 1 : i32
      %sub3A_361 = arith.subi %div3A_340, %sub3A_360 : i32
      %select_n3A_362 = arith.select %and3A_359, %sub3A_361, %div3A_340 : i32
      %jit3A_363 = arith.constant 8 : i32
      %eq3A = arith.constant 0 : i32
      %eq3A_364 = arith.cmpi eq, %jit3A_363, %eq3A : i32
      %jit3A_365 = arith.constant 1 : i32
      %select_n3A_366 = arith.select %eq3A_364, %jit3A_365, %jit3A_363 : i32
      %rem3A_367 = arith.remsi %scan3A_337, %select_n3A_366 : i32
      %ne3A_368 = arith.constant 0 : i32
      %ne3A_369 = arith.cmpi ne, %rem3A_367, %ne3A_368 : i32
      %lt3A = arith.constant 0 : i32
      %lt3A_370 = arith.cmpi slt, %rem3A_367, %lt3A : i32
      %lt3A_371 = arith.constant 0 : i32
      %lt3A_372 = arith.cmpi slt, %select_n3A_366, %lt3A_371 : i32
      %ne3A_373 = arith.xori %lt3A_370, %lt3A_372 : i1
      %and3A_374 = arith.andi %ne3A_373, %ne3A_369 : i1
      %add3A_375 = arith.addi %rem3A_367, %select_n3A_366 : i32
      %select_n3A_376 = arith.select %and3A_374, %add3A_375, %rem3A_367 : i32
      %mul3A_377 = arith.constant 16 : i32
      %mul3A_378 = arith.muli %select_n3A_376, %mul3A_377 : i32
      %get3A = arith.index_cast %select_n3A_362 : i32 to index
      %get3A_379 = arith.index_cast %mul3A_378 : i32 to index
      %get3A_380 = tpu.vector_load %arg7[%get3A, %get3A_379] {strides = array<i32>} : memref<25x128xi32, #tpu.memory_space<vmem>>, vector<16xi32>,
      %shift_right_arithmetic3A_381 = arith.constant 2 : i32
      %shift_right_arithmetic3A_382 = vector.broadcast %shift_right_arithmetic3A_381 : i32 to vector<16xi32>
      %shift_right_arithmetic3A_383 = arith.shrsi %get3A_380, %shift_right_arithmetic3A_382 : vector<16xi32>
      %mul3A_384 = arith.constant 16 : i32
      %mul3A_385 = arith.muli %select_n3A_376, %mul3A_384 : i32
      %swap3A = arith.index_cast %select_n3A_362 : i32 to index
      %swap3A_386 = arith.index_cast %mul3A_385 : i32 to index
      %swap3A_387 = tpu.vector_load %arg7[%swap3A, %swap3A_386] {strides = array<i32>} : memref<25x128xi32, #tpu.memory_space<vmem>>, vector<16xi32>,
      tpu.vector_store %arg7[%swap3A, %swap3A_386], %shift_right_arithmetic3A_383 {strides = array<i32>} : memref<25x128xi32, #tpu.memory_space<vmem>>, vector<16xi32>,
      %and3A_388 = arith.constant 3 : i32
      %and3A_389 = vector.broadcast %and3A_388 : i32 to vector<16xi32>
      %and3A_390 = arith.andi %get3A_380, %and3A_389 : vector<16xi32>
      %shift_left3A = arith.constant 2 : i32
      %shift_left3A_391 = vector.broadcast %shift_left3A : i32 to vector<16xi32>
      %shift_left3A_392 = arith.shli %and3A_390, %shift_left3A_391 : vector<16xi32>
      %mul3A_393 = arith.constant 128 : i32
      %mul3A_394 = arith.muli %select_n3A_362, %mul3A_393 : i32
      %mul3A_395 = arith.constant 16 : i32
      %mul3A_396 = arith.muli %select_n3A_376, %mul3A_395 : i32
      %add3A_397 = arith.addi %mul3A_394, %mul3A_396 : i32
      %swap3A_398 = arith.index_cast %add3A_397 : i32 to index
      %swap3A_399 = tpu.vector_load %arg11[%swap3A_398] {strides = array<i32>} : memref<3200xi32, #tpu.memory_space<vmem>>, vector<16xi32>,
      tpu.vector_store %arg11[%swap3A_398], %shift_left3A_392 {strides = array<i32>} : memref<3200xi32, #tpu.memory_space<vmem>>, vector<16xi32>,
      %scan3A_400 = arith.constant 0 : i32
      %scan3A_401 = arith.constant 1 : i32
      %scan3A_402 = arith.addi %scan3A_337, %scan3A_401 : i32
      %jit3A_403 = arith.constant 8 : i32
      %div3A_404 = arith.divsi %scan3A_402, %jit3A_403 : i32
      %sign3A_405 = arith.constant 0 : i32
      %sign3A_406 = arith.cmpi sgt, %scan3A_402, %sign3A_405 : i32
      %sign3A_407 = arith.extui %sign3A_406 : i1 to i32
      %sign3A_408 = arith.constant 0 : i32
      %sign3A_409 = arith.cmpi slt, %scan3A_402, %sign3A_408 : i32
      %sign3A_410 = arith.extui %sign3A_409 : i1 to i32
      %sign3A_411 = arith.subi %sign3A_407, %sign3A_410 : i32
      %sign3A_412 = arith.constant 0 : i32
      %sign3A_413 = arith.cmpi sgt, %jit3A_403, %sign3A_412 : i32
      %sign3A_414 = arith.extui %sign3A_413 : i1 to i32
      %sign3A_415 = arith.constant 0 : i32
      %sign3A_416 = arith.cmpi slt, %jit3A_403, %sign3A_415 : i32
      %sign3A_417 = arith.extui %sign3A_416 : i1 to i32
      %sign3A_418 = arith.subi %sign3A_414, %sign3A_417 : i32
      %ne3A_419 = arith.cmpi ne, %sign3A_411, %sign3A_418 : i32
      %rem3A_420 = arith.remsi %scan3A_402, %jit3A_403 : i32
      %ne3A_421 = arith.constant 0 : i32
      %ne3A_422 = arith.cmpi ne, %rem3A_420, %ne3A_421 : i32
      %and3A_423 = arith.andi %ne3A_419, %ne3A_422 : i1
      %sub3A_424 = arith.constant 1 : i32
      %sub3A_425 = arith.subi %div3A_404, %sub3A_424 : i32
      %select_n3A_426 = arith.select %and3A_423, %sub3A_425, %div3A_404 : i32
      %jit3A_427 = arith.constant 8 : i32
      %eq3A_428 = arith.constant 0 : i32
      %eq3A_429 = arith.cmpi eq, %jit3A_427, %eq3A_428 : i32
      %jit3A_430 = arith.constant 1 : i32
      %select_n3A_431 = arith.select %eq3A_429, %jit3A_430, %jit3A_427 : i32
      %rem3A_432 = arith.remsi %scan3A_402, %select_n3A_431 : i32
      %ne3A_433 = arith.constant 0 : i32
      %ne3A_434 = arith.cmpi ne, %rem3A_432, %ne3A_433 : i32
      %lt3A_435 = arith.constant 0 : i32
      %lt3A_436 = arith.cmpi slt, %rem3A_432, %lt3A_435 : i32
      %lt3A_437 = arith.constant 0 : i32
      %lt3A_438 = arith.cmpi slt, %select_n3A_431, %lt3A_437 : i32
      %ne3A_439 = arith.xori %lt3A_436, %lt3A_438 : i1
      %and3A_440 = arith.andi %ne3A_439, %ne3A_434 : i1
      %add3A_441 = arith.addi %rem3A_432, %select_n3A_431 : i32
      %select_n3A_442 = arith.select %and3A_440, %add3A_441, %rem3A_432 : i32
      %mul3A_443 = arith.constant 16 : i32
      %mul3A_444 = arith.muli %select_n3A_442, %mul3A_443 : i32
      %get3A_445 = arith.index_cast %select_n3A_426 : i32 to index
      %get3A_446 = arith.index_cast %mul3A_444 : i32 to index
      %get3A_447 = tpu.vector_load %arg7[%get3A_445, %get3A_446] {strides = array<i32>} : memref<25x128xi32, #tpu.memory_space<vmem>>, vector<16xi32>,
      %shift_right_arithmetic3A_448 = arith.constant 2 : i32
      %shift_right_arithmetic3A_449 = vector.broadcast %shift_right_arithmetic3A_448 : i32 to vector<16xi32>
      %shift_right_arithmetic3A_450 = arith.shrsi %get3A_447, %shift_right_arithmetic3A_449 : vector<16xi32>
      %mul3A_451 = arith.constant 16 : i32
      %mul3A_452 = arith.muli %select_n3A_442, %mul3A_451 : i32
      %swap3A_453 = arith.index_cast %select_n3A_426 : i32 to index
      %swap3A_454 = arith.index_cast %mul3A_452 : i32 to index
      %swap3A_455 = tpu.vector_load %arg7[%swap3A_453, %swap3A_454] {strides = array<i32>} : memref<25x128xi32, #tpu.memory_space<vmem>>, vector<16xi32>,
      tpu.vector_store %arg7[%swap3A_453, %swap3A_454], %shift_right_arithmetic3A_450 {strides = array<i32>} : memref<25x128xi32, #tpu.memory_space<vmem>>, vector<16xi32>,
      %and3A_456 = arith.constant 3 : i32
      %and3A_457 = vector.broadcast %and3A_456 : i32 to vector<16xi32>
      %and3A_458 = arith.andi %get3A_447, %and3A_457 : vector<16xi32>
      %shift_left3A_459 = arith.constant 2 : i32
      %shift_left3A_460 = vector.broadcast %shift_left3A_459 : i32 to vector<16xi32>
      %shift_left3A_461 = arith.shli %and3A_458, %shift_left3A_460 : vector<16xi32>
      %mul3A_462 = arith.constant 128 : i32
      %mul3A_463 = arith.muli %select_n3A_426, %mul3A_462 : i32
      %mul3A_464 = arith.constant 16 : i32
      %mul3A_465 = arith.muli %select_n3A_442, %mul3A_464 : i32
      %add3A_466 = arith.addi %mul3A_463, %mul3A_465 : i32
      %swap3A_467 = arith.index_cast %add3A_466 : i32 to index
      %swap3A_468 = tpu.vector_load %arg11[%swap3A_467] {strides = array<i32>} : memref<3200xi32, #tpu.memory_space<vmem>>, vector<16xi32>,
      tpu.vector_store %arg11[%swap3A_467], %shift_left3A_461 {strides = array<i32>} : memref<3200xi32, #tpu.memory_space<vmem>>, vector<16xi32>,
      %scan3A_469 = arith.constant 0 : i32
      %scan3A_470 = arith.constant 2 : i32
      %scan3A_471 = arith.addi %scan3A_337, %scan3A_470 : i32
      %jit3A_472 = arith.constant 8 : i32
      %div3A_473 = arith.divsi %scan3A_471, %jit3A_472 : i32
      %sign3A_474 = arith.constant 0 : i32
      %sign3A_475 = arith.cmpi sgt, %scan3A_471, %sign3A_474 : i32
      %sign3A_476 = arith.extui %sign3A_475 : i1 to i32
      %sign3A_477 = arith.constant 0 : i32
      %sign3A_478 = arith.cmpi slt, %scan3A_471, %sign3A_477 : i32
      %sign3A_479 = arith.extui %sign3A_478 : i1 to i32
      %sign3A_480 = arith.subi %sign3A_476, %sign3A_479 : i32
      %sign3A_481 = arith.constant 0 : i32
      %sign3A_482 = arith.cmpi sgt, %jit3A_472, %sign3A_481 : i32
      %sign3A_483 = arith.extui %sign3A_482 : i1 to i32
      %sign3A_484 = arith.constant 0 : i32
      %sign3A_485 = arith.cmpi slt, %jit3A_472, %sign3A_484 : i32
      %sign3A_486 = arith.extui %sign3A_485 : i1 to i32
      %sign3A_487 = arith.subi %sign3A_483, %sign3A_486 : i32
      %ne3A_488 = arith.cmpi ne, %sign3A_480, %sign3A_487 : i32
      %rem3A_489 = arith.remsi %scan3A_471, %jit3A_472 : i32
      %ne3A_490 = arith.constant 0 : i32
      %ne3A_491 = arith.cmpi ne, %rem3A_489, %ne3A_490 : i32
      %and3A_492 = arith.andi %ne3A_488, %ne3A_491 : i1
      %sub3A_493 = arith.constant 1 : i32
      %sub3A_494 = arith.subi %div3A_473, %sub3A_493 : i32
      %select_n3A_495 = arith.select %and3A_492, %sub3A_494, %div3A_473 : i32
      %jit3A_496 = arith.constant 8 : i32
      %eq3A_497 = arith.constant 0 : i32
      %eq3A_498 = arith.cmpi eq, %jit3A_496, %eq3A_497 : i32
      %jit3A_499 = arith.constant 1 : i32
      %select_n3A_500 = arith.select %eq3A_498, %jit3A_499, %jit3A_496 : i32
      %rem3A_501 = arith.remsi %scan3A_471, %select_n3A_500 : i32
      %ne3A_502 = arith.constant 0 : i32
      %ne3A_503 = arith.cmpi ne, %rem3A_501, %ne3A_502 : i32
      %lt3A_504 = arith.constant 0 : i32
      %lt3A_505 = arith.cmpi slt, %rem3A_501, %lt3A_504 : i32
      %lt3A_506 = arith.constant 0 : i32
      %lt3A_507 = arith.cmpi slt, %select_n3A_500, %lt3A_506 : i32
      %ne3A_508 = arith.xori %lt3A_505, %lt3A_507 : i1
      %and3A_509 = arith.andi %ne3A_508, %ne3A_503 : i1
      %add3A_510 = arith.addi %rem3A_501, %select_n3A_500 : i32
      %select_n3A_511 = arith.select %and3A_509, %add3A_510, %rem3A_501 : i32
      %mul3A_512 = arith.constant 16 : i32
      %mul3A_513 = arith.muli %select_n3A_511, %mul3A_512 : i32
      %get3A_514 = arith.index_cast %select_n3A_495 : i32 to index
      %get3A_515 = arith.index_cast %mul3A_513 : i32 to index
      %get3A_516 = tpu.vector_load %arg7[%get3A_514, %get3A_515] {strides = array<i32>} : memref<25x128xi32, #tpu.memory_space<vmem>>, vector<16xi32>,
      %shift_right_arithmetic3A_517 = arith.constant 2 : i32
      %shift_right_arithmetic3A_518 = vector.broadcast %shift_right_arithmetic3A_517 : i32 to vector<16xi32>
      %shift_right_arithmetic3A_519 = arith.shrsi %get3A_516, %shift_right_arithmetic3A_518 : vector<16xi32>
      %mul3A_520 = arith.constant 16 : i32
      %mul3A_521 = arith.muli %select_n3A_511, %mul3A_520 : i32
      %swap3A_522 = arith.index_cast %select_n3A_495 : i32 to index
      %swap3A_523 = arith.index_cast %mul3A_521 : i32 to index
      %swap3A_524 = tpu.vector_load %arg7[%swap3A_522, %swap3A_523] {strides = array<i32>} : memref<25x128xi32, #tpu.memory_space<vmem>>, vector<16xi32>,
      tpu.vector_store %arg7[%swap3A_522, %swap3A_523], %shift_right_arithmetic3A_519 {strides = array<i32>} : memref<25x128xi32, #tpu.memory_space<vmem>>, vector<16xi32>,
      %and3A_525 = arith.constant 3 : i32
      %and3A_526 = vector.broadcast %and3A_525 : i32 to vector<16xi32>
      %and3A_527 = arith.andi %get3A_516, %and3A_526 : vector<16xi32>
      %shift_left3A_528 = arith.constant 2 : i32
      %shift_left3A_529 = vector.broadcast %shift_left3A_528 : i32 to vector<16xi32>
      %shift_left3A_530 = arith.shli %and3A_527, %shift_left3A_529 : vector<16xi32>
      %mul3A_531 = arith.constant 128 : i32
      %mul3A_532 = arith.muli %select_n3A_495, %mul3A_531 : i32
      %mul3A_533 = arith.constant 16 : i32
      %mul3A_534 = arith.muli %select_n3A_511, %mul3A_533 : i32
      %add3A_535 = arith.addi %mul3A_532, %mul3A_534 : i32
      %swap3A_536 = arith.index_cast %add3A_535 : i32 to index
      %swap3A_537 = tpu.vector_load %arg11[%swap3A_536] {strides = array<i32>} : memref<3200xi32, #tpu.memory_space<vmem>>, vector<16xi32>,
      tpu.vector_store %arg11[%swap3A_536], %shift_left3A_530 {strides = array<i32>} : memref<3200xi32, #tpu.memory_space<vmem>>, vector<16xi32>,
      %scan3A_538 = arith.constant 0 : i32
      %scan3A_539 = arith.constant 3 : i32
      %scan3A_540 = arith.addi %scan3A_337, %scan3A_539 : i32
      %jit3A_541 = arith.constant 8 : i32
      %div3A_542 = arith.divsi %scan3A_540, %jit3A_541 : i32
      %sign3A_543 = arith.constant 0 : i32
      %sign3A_544 = arith.cmpi sgt, %scan3A_540, %sign3A_543 : i32
      %sign3A_545 = arith.extui %sign3A_544 : i1 to i32
      %sign3A_546 = arith.constant 0 : i32
      %sign3A_547 = arith.cmpi slt, %scan3A_540, %sign3A_546 : i32
      %sign3A_548 = arith.extui %sign3A_547 : i1 to i32
      %sign3A_549 = arith.subi %sign3A_545, %sign3A_548 : i32
      %sign3A_550 = arith.constant 0 : i32
      %sign3A_551 = arith.cmpi sgt, %jit3A_541, %sign3A_550 : i32
      %sign3A_552 = arith.extui %sign3A_551 : i1 to i32
      %sign3A_553 = arith.constant 0 : i32
      %sign3A_554 = arith.cmpi slt, %jit3A_541, %sign3A_553 : i32
      %sign3A_555 = arith.extui %sign3A_554 : i1 to i32
      %sign3A_556 = arith.subi %sign3A_552, %sign3A_555 : i32
      %ne3A_557 = arith.cmpi ne, %sign3A_549, %sign3A_556 : i32
      %rem3A_558 = arith.remsi %scan3A_540, %jit3A_541 : i32
      %ne3A_559 = arith.constant 0 : i32
      %ne3A_560 = arith.cmpi ne, %rem3A_558, %ne3A_559 : i32
      %and3A_561 = arith.andi %ne3A_557, %ne3A_560 : i1
      %sub3A_562 = arith.constant 1 : i32
      %sub3A_563 = arith.subi %div3A_542, %sub3A_562 : i32
      %select_n3A_564 = arith.select %and3A_561, %sub3A_563, %div3A_542 : i32
      %jit3A_565 = arith.constant 8 : i32
      %eq3A_566 = arith.constant 0 : i32
      %eq3A_567 = arith.cmpi eq, %jit3A_565, %eq3A_566 : i32
      %jit3A_568 = arith.constant 1 : i32
      %select_n3A_569 = arith.select %eq3A_567, %jit3A_568, %jit3A_565 : i32
      %rem3A_570 = arith.remsi %scan3A_540, %select_n3A_569 : i32
      %ne3A_571 = arith.constant 0 : i32
      %ne3A_572 = arith.cmpi ne, %rem3A_570, %ne3A_571 : i32
      %lt3A_573 = arith.constant 0 : i32
      %lt3A_574 = arith.cmpi slt, %rem3A_570, %lt3A_573 : i32
      %lt3A_575 = arith.constant 0 : i32
      %lt3A_576 = arith.cmpi slt, %select_n3A_569, %lt3A_575 : i32
      %ne3A_577 = arith.xori %lt3A_574, %lt3A_576 : i1
      %and3A_578 = arith.andi %ne3A_577, %ne3A_572 : i1
      %add3A_579 = arith.addi %rem3A_570, %select_n3A_569 : i32
      %select_n3A_580 = arith.select %and3A_578, %add3A_579, %rem3A_570 : i32
      %mul3A_581 = arith.constant 16 : i32
      %mul3A_582 = arith.muli %select_n3A_580, %mul3A_581 : i32
      %get3A_583 = arith.index_cast %select_n3A_564 : i32 to index
      %get3A_584 = arith.index_cast %mul3A_582 : i32 to index
      %get3A_585 = tpu.vector_load %arg7[%get3A_583, %get3A_584] {strides = array<i32>} : memref<25x128xi32, #tpu.memory_space<vmem>>, vector<16xi32>,
      %shift_right_arithmetic3A_586 = arith.constant 2 : i32
      %shift_right_arithmetic3A_587 = vector.broadcast %shift_right_arithmetic3A_586 : i32 to vector<16xi32>
      %shift_right_arithmetic3A_588 = arith.shrsi %get3A_585, %shift_right_arithmetic3A_587 : vector<16xi32>
      %mul3A_589 = arith.constant 16 : i32
      %mul3A_590 = arith.muli %select_n3A_580, %mul3A_589 : i32
      %swap3A_591 = arith.index_cast %select_n3A_564 : i32 to index
      %swap3A_592 = arith.index_cast %mul3A_590 : i32 to index
      %swap3A_593 = tpu.vector_load %arg7[%swap3A_591, %swap3A_592] {strides = array<i32>} : memref<25x128xi32, #tpu.memory_space<vmem>>, vector<16xi32>,
      tpu.vector_store %arg7[%swap3A_591, %swap3A_592], %shift_right_arithmetic3A_588 {strides = array<i32>} : memref<25x128xi32, #tpu.memory_space<vmem>>, vector<16xi32>,
      %and3A_594 = arith.constant 3 : i32
      %and3A_595 = vector.broadcast %and3A_594 : i32 to vector<16xi32>
      %and3A_596 = arith.andi %get3A_585, %and3A_595 : vector<16xi32>
      %shift_left3A_597 = arith.constant 2 : i32
      %shift_left3A_598 = vector.broadcast %shift_left3A_597 : i32 to vector<16xi32>
      %shift_left3A_599 = arith.shli %and3A_596, %shift_left3A_598 : vector<16xi32>
      %mul3A_600 = arith.constant 128 : i32
      %mul3A_601 = arith.muli %select_n3A_564, %mul3A_600 : i32
      %mul3A_602 = arith.constant 16 : i32
      %mul3A_603 = arith.muli %select_n3A_580, %mul3A_602 : i32
      %add3A_604 = arith.addi %mul3A_601, %mul3A_603 : i32
      %swap3A_605 = arith.index_cast %add3A_604 : i32 to index
      %swap3A_606 = tpu.vector_load %arg11[%swap3A_605] {strides = array<i32>} : memref<3200xi32, #tpu.memory_space<vmem>>, vector<16xi32>,
      tpu.vector_store %arg11[%swap3A_605], %shift_left3A_599 {strides = array<i32>} : memref<3200xi32, #tpu.memory_space<vmem>>, vector<16xi32>,
      %scan3A_607 = arith.constant 0 : i32
      %scan3A_608 = arith.constant 4 : i32
      %scan3A_609 = arith.addi %scan3A_337, %scan3A_608 : i32
      %jit3A_610 = arith.constant 8 : i32
      %div3A_611 = arith.divsi %scan3A_609, %jit3A_610 : i32
      %sign3A_612 = arith.constant 0 : i32
      %sign3A_613 = arith.cmpi sgt, %scan3A_609, %sign3A_612 : i32
      %sign3A_614 = arith.extui %sign3A_613 : i1 to i32
      %sign3A_615 = arith.constant 0 : i32
      %sign3A_616 = arith.cmpi slt, %scan3A_609, %sign3A_615 : i32
      %sign3A_617 = arith.extui %sign3A_616 : i1 to i32
      %sign3A_618 = arith.subi %sign3A_614, %sign3A_617 : i32
      %sign3A_619 = arith.constant 0 : i32
      %sign3A_620 = arith.cmpi sgt, %jit3A_610, %sign3A_619 : i32
      %sign3A_621 = arith.extui %sign3A_620 : i1 to i32
      %sign3A_622 = arith.constant 0 : i32
      %sign3A_623 = arith.cmpi slt, %jit3A_610, %sign3A_622 : i32
      %sign3A_624 = arith.extui %sign3A_623 : i1 to i32
      %sign3A_625 = arith.subi %sign3A_621, %sign3A_624 : i32
      %ne3A_626 = arith.cmpi ne, %sign3A_618, %sign3A_625 : i32
      %rem3A_627 = arith.remsi %scan3A_609, %jit3A_610 : i32
      %ne3A_628 = arith.constant 0 : i32
      %ne3A_629 = arith.cmpi ne, %rem3A_627, %ne3A_628 : i32
      %and3A_630 = arith.andi %ne3A_626, %ne3A_629 : i1
      %sub3A_631 = arith.constant 1 : i32
      %sub3A_632 = arith.subi %div3A_611, %sub3A_631 : i32
      %select_n3A_633 = arith.select %and3A_630, %sub3A_632, %div3A_611 : i32
      %jit3A_634 = arith.constant 8 : i32
      %eq3A_635 = arith.constant 0 : i32
      %eq3A_636 = arith.cmpi eq, %jit3A_634, %eq3A_635 : i32
      %jit3A_637 = arith.constant 1 : i32
      %select_n3A_638 = arith.select %eq3A_636, %jit3A_637, %jit3A_634 : i32
      %rem3A_639 = arith.remsi %scan3A_609, %select_n3A_638 : i32
      %ne3A_640 = arith.constant 0 : i32
      %ne3A_641 = arith.cmpi ne, %rem3A_639, %ne3A_640 : i32
      %lt3A_642 = arith.constant 0 : i32
      %lt3A_643 = arith.cmpi slt, %rem3A_639, %lt3A_642 : i32
      %lt3A_644 = arith.constant 0 : i32
      %lt3A_645 = arith.cmpi slt, %select_n3A_638, %lt3A_644 : i32
      %ne3A_646 = arith.xori %lt3A_643, %lt3A_645 : i1
      %and3A_647 = arith.andi %ne3A_646, %ne3A_641 : i1
      %add3A_648 = arith.addi %rem3A_639, %select_n3A_638 : i32
      %select_n3A_649 = arith.select %and3A_647, %add3A_648, %rem3A_639 : i32
      %mul3A_650 = arith.constant 16 : i32
      %mul3A_651 = arith.muli %select_n3A_649, %mul3A_650 : i32
      %get3A_652 = arith.index_cast %select_n3A_633 : i32 to index
      %get3A_653 = arith.index_cast %mul3A_651 : i32 to index
      %get3A_654 = tpu.vector_load %arg7[%get3A_652, %get3A_653] {strides = array<i32>} : memref<25x128xi32, #tpu.memory_space<vmem>>, vector<16xi32>,
      %shift_right_arithmetic3A_655 = arith.constant 2 : i32
      %shift_right_arithmetic3A_656 = vector.broadcast %shift_right_arithmetic3A_655 : i32 to vector<16xi32>
      %shift_right_arithmetic3A_657 = arith.shrsi %get3A_654, %shift_right_arithmetic3A_656 : vector<16xi32>
      %mul3A_658 = arith.constant 16 : i32
      %mul3A_659 = arith.muli %select_n3A_649, %mul3A_658 : i32
      %swap3A_660 = arith.index_cast %select_n3A_633 : i32 to index
      %swap3A_661 = arith.index_cast %mul3A_659 : i32 to index
      %swap3A_662 = tpu.vector_load %arg7[%swap3A_660, %swap3A_661] {strides = array<i32>} : memref<25x128xi32, #tpu.memory_space<vmem>>, vector<16xi32>,
      tpu.vector_store %arg7[%swap3A_660, %swap3A_661], %shift_right_arithmetic3A_657 {strides = array<i32>} : memref<25x128xi32, #tpu.memory_space<vmem>>, vector<16xi32>,
      %and3A_663 = arith.constant 3 : i32
      %and3A_664 = vector.broadcast %and3A_663 : i32 to vector<16xi32>
      %and3A_665 = arith.andi %get3A_654, %and3A_664 : vector<16xi32>
      %shift_left3A_666 = arith.constant 2 : i32
      %shift_left3A_667 = vector.broadcast %shift_left3A_666 : i32 to vector<16xi32>
      %shift_left3A_668 = arith.shli %and3A_665, %shift_left3A_667 : vector<16xi32>
      %mul3A_669 = arith.constant 128 : i32
      %mul3A_670 = arith.muli %select_n3A_633, %mul3A_669 : i32
      %mul3A_671 = arith.constant 16 : i32
      %mul3A_672 = arith.muli %select_n3A_649, %mul3A_671 : i32
      %add3A_673 = arith.addi %mul3A_670, %mul3A_672 : i32
      %swap3A_674 = arith.index_cast %add3A_673 : i32 to index
      %swap3A_675 = tpu.vector_load %arg11[%swap3A_674] {strides = array<i32>} : memref<3200xi32, #tpu.memory_space<vmem>>, vector<16xi32>,
      tpu.vector_store %arg11[%swap3A_674], %shift_left3A_668 {strides = array<i32>} : memref<3200xi32, #tpu.memory_space<vmem>>, vector<16xi32>,
      %scan3A_676 = arith.constant 0 : i32
      %scan3A_677 = arith.constant 5 : i32
      %scan3A_678 = arith.addi %scan3A_337, %scan3A_677 : i32
      %jit3A_679 = arith.constant 8 : i32
      %div3A_680 = arith.divsi %scan3A_678, %jit3A_679 : i32
      %sign3A_681 = arith.constant 0 : i32
      %sign3A_682 = arith.cmpi sgt, %scan3A_678, %sign3A_681 : i32
      %sign3A_683 = arith.extui %sign3A_682 : i1 to i32
      %sign3A_684 = arith.constant 0 : i32
      %sign3A_685 = arith.cmpi slt, %scan3A_678, %sign3A_684 : i32
      %sign3A_686 = arith.extui %sign3A_685 : i1 to i32
      %sign3A_687 = arith.subi %sign3A_683, %sign3A_686 : i32
      %sign3A_688 = arith.constant 0 : i32
      %sign3A_689 = arith.cmpi sgt, %jit3A_679, %sign3A_688 : i32
      %sign3A_690 = arith.extui %sign3A_689 : i1 to i32
      %sign3A_691 = arith.constant 0 : i32
      %sign3A_692 = arith.cmpi slt, %jit3A_679, %sign3A_691 : i32
      %sign3A_693 = arith.extui %sign3A_692 : i1 to i32
      %sign3A_694 = arith.subi %sign3A_690, %sign3A_693 : i32
      %ne3A_695 = arith.cmpi ne, %sign3A_687, %sign3A_694 : i32
      %rem3A_696 = arith.remsi %scan3A_678, %jit3A_679 : i32
      %ne3A_697 = arith.constant 0 : i32
      %ne3A_698 = arith.cmpi ne, %rem3A_696, %ne3A_697 : i32
      %and3A_699 = arith.andi %ne3A_695, %ne3A_698 : i1
      %sub3A_700 = arith.constant 1 : i32
      %sub3A_701 = arith.subi %div3A_680, %sub3A_700 : i32
      %select_n3A_702 = arith.select %and3A_699, %sub3A_701, %div3A_680 : i32
      %jit3A_703 = arith.constant 8 : i32
      %eq3A_704 = arith.constant 0 : i32
      %eq3A_705 = arith.cmpi eq, %jit3A_703, %eq3A_704 : i32
      %jit3A_706 = arith.constant 1 : i32
      %select_n3A_707 = arith.select %eq3A_705, %jit3A_706, %jit3A_703 : i32
      %rem3A_708 = arith.remsi %scan3A_678, %select_n3A_707 : i32
      %ne3A_709 = arith.constant 0 : i32
      %ne3A_710 = arith.cmpi ne, %rem3A_708, %ne3A_709 : i32
      %lt3A_711 = arith.constant 0 : i32
      %lt3A_712 = arith.cmpi slt, %rem3A_708, %lt3A_711 : i32
      %lt3A_713 = arith.constant 0 : i32
      %lt3A_714 = arith.cmpi slt, %select_n3A_707, %lt3A_713 : i32
      %ne3A_715 = arith.xori %lt3A_712, %lt3A_714 : i1
      %and3A_716 = arith.andi %ne3A_715, %ne3A_710 : i1
      %add3A_717 = arith.addi %rem3A_708, %select_n3A_707 : i32
      %select_n3A_718 = arith.select %and3A_716, %add3A_717, %rem3A_708 : i32
      %mul3A_719 = arith.constant 16 : i32
      %mul3A_720 = arith.muli %select_n3A_718, %mul3A_719 : i32
      %get3A_721 = arith.index_cast %select_n3A_702 : i32 to index
      %get3A_722 = arith.index_cast %mul3A_720 : i32 to index
      %get3A_723 = tpu.vector_load %arg7[%get3A_721, %get3A_722] {strides = array<i32>} : memref<25x128xi32, #tpu.memory_space<vmem>>, vector<16xi32>,
      %shift_right_arithmetic3A_724 = arith.constant 2 : i32
      %shift_right_arithmetic3A_725 = vector.broadcast %shift_right_arithmetic3A_724 : i32 to vector<16xi32>
      %shift_right_arithmetic3A_726 = arith.shrsi %get3A_723, %shift_right_arithmetic3A_725 : vector<16xi32>
      %mul3A_727 = arith.constant 16 : i32
      %mul3A_728 = arith.muli %select_n3A_718, %mul3A_727 : i32
      %swap3A_729 = arith.index_cast %select_n3A_702 : i32 to index
      %swap3A_730 = arith.index_cast %mul3A_728 : i32 to index
      %swap3A_731 = tpu.vector_load %arg7[%swap3A_729, %swap3A_730] {strides = array<i32>} : memref<25x128xi32, #tpu.memory_space<vmem>>, vector<16xi32>,
      tpu.vector_store %arg7[%swap3A_729, %swap3A_730], %shift_right_arithmetic3A_726 {strides = array<i32>} : memref<25x128xi32, #tpu.memory_space<vmem>>, vector<16xi32>,
      %and3A_732 = arith.constant 3 : i32
      %and3A_733 = vector.broadcast %and3A_732 : i32 to vector<16xi32>
      %and3A_734 = arith.andi %get3A_723, %and3A_733 : vector<16xi32>
      %shift_left3A_735 = arith.constant 2 : i32
      %shift_left3A_736 = vector.broadcast %shift_left3A_735 : i32 to vector<16xi32>
      %shift_left3A_737 = arith.shli %and3A_734, %shift_left3A_736 : vector<16xi32>
      %mul3A_738 = arith.constant 128 : i32
      %mul3A_739 = arith.muli %select_n3A_702, %mul3A_738 : i32
      %mul3A_740 = arith.constant 16 : i32
      %mul3A_741 = arith.muli %select_n3A_718, %mul3A_740 : i32
      %add3A_742 = arith.addi %mul3A_739, %mul3A_741 : i32
      %swap3A_743 = arith.index_cast %add3A_742 : i32 to index
      %swap3A_744 = tpu.vector_load %arg11[%swap3A_743] {strides = array<i32>} : memref<3200xi32, #tpu.memory_space<vmem>>, vector<16xi32>,
      tpu.vector_store %arg11[%swap3A_743], %shift_left3A_737 {strides = array<i32>} : memref<3200xi32, #tpu.memory_space<vmem>>, vector<16xi32>,
      %scan3A_745 = arith.constant 0 : i32
      %scan3A_746 = arith.constant 6 : i32
      %scan3A_747 = arith.addi %scan3A_337, %scan3A_746 : i32
      %jit3A_748 = arith.constant 8 : i32
      %div3A_749 = arith.divsi %scan3A_747, %jit3A_748 : i32
      %sign3A_750 = arith.constant 0 : i32
      %sign3A_751 = arith.cmpi sgt, %scan3A_747, %sign3A_750 : i32
      %sign3A_752 = arith.extui %sign3A_751 : i1 to i32
      %sign3A_753 = arith.constant 0 : i32
      %sign3A_754 = arith.cmpi slt, %scan3A_747, %sign3A_753 : i32
      %sign3A_755 = arith.extui %sign3A_754 : i1 to i32
      %sign3A_756 = arith.subi %sign3A_752, %sign3A_755 : i32
      %sign3A_757 = arith.constant 0 : i32
      %sign3A_758 = arith.cmpi sgt, %jit3A_748, %sign3A_757 : i32
      %sign3A_759 = arith.extui %sign3A_758 : i1 to i32
      %sign3A_760 = arith.constant 0 : i32
      %sign3A_761 = arith.cmpi slt, %jit3A_748, %sign3A_760 : i32
      %sign3A_762 = arith.extui %sign3A_761 : i1 to i32
      %sign3A_763 = arith.subi %sign3A_759, %sign3A_762 : i32
      %ne3A_764 = arith.cmpi ne, %sign3A_756, %sign3A_763 : i32
      %rem3A_765 = arith.remsi %scan3A_747, %jit3A_748 : i32
      %ne3A_766 = arith.constant 0 : i32
      %ne3A_767 = arith.cmpi ne, %rem3A_765, %ne3A_766 : i32
      %and3A_768 = arith.andi %ne3A_764, %ne3A_767 : i1
      %sub3A_769 = arith.constant 1 : i32
      %sub3A_770 = arith.subi %div3A_749, %sub3A_769 : i32
      %select_n3A_771 = arith.select %and3A_768, %sub3A_770, %div3A_749 : i32
      %jit3A_772 = arith.constant 8 : i32
      %eq3A_773 = arith.constant 0 : i32
      %eq3A_774 = arith.cmpi eq, %jit3A_772, %eq3A_773 : i32
      %jit3A_775 = arith.constant 1 : i32
      %select_n3A_776 = arith.select %eq3A_774, %jit3A_775, %jit3A_772 : i32
      %rem3A_777 = arith.remsi %scan3A_747, %select_n3A_776 : i32
      %ne3A_778 = arith.constant 0 : i32
      %ne3A_779 = arith.cmpi ne, %rem3A_777, %ne3A_778 : i32
      %lt3A_780 = arith.constant 0 : i32
      %lt3A_781 = arith.cmpi slt, %rem3A_777, %lt3A_780 : i32
      %lt3A_782 = arith.constant 0 : i32
      %lt3A_783 = arith.cmpi slt, %select_n3A_776, %lt3A_782 : i32
      %ne3A_784 = arith.xori %lt3A_781, %lt3A_783 : i1
      %and3A_785 = arith.andi %ne3A_784, %ne3A_779 : i1
      %add3A_786 = arith.addi %rem3A_777, %select_n3A_776 : i32
      %select_n3A_787 = arith.select %and3A_785, %add3A_786, %rem3A_777 : i32
      %mul3A_788 = arith.constant 16 : i32
      %mul3A_789 = arith.muli %select_n3A_787, %mul3A_788 : i32
      %get3A_790 = arith.index_cast %select_n3A_771 : i32 to index
      %get3A_791 = arith.index_cast %mul3A_789 : i32 to index
      %get3A_792 = tpu.vector_load %arg7[%get3A_790, %get3A_791] {strides = array<i32>} : memref<25x128xi32, #tpu.memory_space<vmem>>, vector<16xi32>,
      %shift_right_arithmetic3A_793 = arith.constant 2 : i32
      %shift_right_arithmetic3A_794 = vector.broadcast %shift_right_arithmetic3A_793 : i32 to vector<16xi32>
      %shift_right_arithmetic3A_795 = arith.shrsi %get3A_792, %shift_right_arithmetic3A_794 : vector<16xi32>
      %mul3A_796 = arith.constant 16 : i32
      %mul3A_797 = arith.muli %select_n3A_787, %mul3A_796 : i32
      %swap3A_798 = arith.index_cast %select_n3A_771 : i32 to index
      %swap3A_799 = arith.index_cast %mul3A_797 : i32 to index
      %swap3A_800 = tpu.vector_load %arg7[%swap3A_798, %swap3A_799] {strides = array<i32>} : memref<25x128xi32, #tpu.memory_space<vmem>>, vector<16xi32>,
      tpu.vector_store %arg7[%swap3A_798, %swap3A_799], %shift_right_arithmetic3A_795 {strides = array<i32>} : memref<25x128xi32, #tpu.memory_space<vmem>>, vector<16xi32>,
      %and3A_801 = arith.constant 3 : i32
      %and3A_802 = vector.broadcast %and3A_801 : i32 to vector<16xi32>
      %and3A_803 = arith.andi %get3A_792, %and3A_802 : vector<16xi32>
      %shift_left3A_804 = arith.constant 2 : i32
      %shift_left3A_805 = vector.broadcast %shift_left3A_804 : i32 to vector<16xi32>
      %shift_left3A_806 = arith.shli %and3A_803, %shift_left3A_805 : vector<16xi32>
      %mul3A_807 = arith.constant 128 : i32
      %mul3A_808 = arith.muli %select_n3A_771, %mul3A_807 : i32
      %mul3A_809 = arith.constant 16 : i32
      %mul3A_810 = arith.muli %select_n3A_787, %mul3A_809 : i32
      %add3A_811 = arith.addi %mul3A_808, %mul3A_810 : i32
      %swap3A_812 = arith.index_cast %add3A_811 : i32 to index
      %swap3A_813 = tpu.vector_load %arg11[%swap3A_812] {strides = array<i32>} : memref<3200xi32, #tpu.memory_space<vmem>>, vector<16xi32>,
      tpu.vector_store %arg11[%swap3A_812], %shift_left3A_806 {strides = array<i32>} : memref<3200xi32, #tpu.memory_space<vmem>>, vector<16xi32>,
      %scan3A_814 = arith.constant 0 : i32
      %scan3A_815 = arith.constant 7 : i32
      %scan3A_816 = arith.addi %scan3A_337, %scan3A_815 : i32
      %jit3A_817 = arith.constant 8 : i32
      %div3A_818 = arith.divsi %scan3A_816, %jit3A_817 : i32
      %sign3A_819 = arith.constant 0 : i32
      %sign3A_820 = arith.cmpi sgt, %scan3A_816, %sign3A_819 : i32
      %sign3A_821 = arith.extui %sign3A_820 : i1 to i32
      %sign3A_822 = arith.constant 0 : i32
      %sign3A_823 = arith.cmpi slt, %scan3A_816, %sign3A_822 : i32
      %sign3A_824 = arith.extui %sign3A_823 : i1 to i32
      %sign3A_825 = arith.subi %sign3A_821, %sign3A_824 : i32
      %sign3A_826 = arith.constant 0 : i32
      %sign3A_827 = arith.cmpi sgt, %jit3A_817, %sign3A_826 : i32
      %sign3A_828 = arith.extui %sign3A_827 : i1 to i32
      %sign3A_829 = arith.constant 0 : i32
      %sign3A_830 = arith.cmpi slt, %jit3A_817, %sign3A_829 : i32
      %sign3A_831 = arith.extui %sign3A_830 : i1 to i32
      %sign3A_832 = arith.subi %sign3A_828, %sign3A_831 : i32
      %ne3A_833 = arith.cmpi ne, %sign3A_825, %sign3A_832 : i32
      %rem3A_834 = arith.remsi %scan3A_816, %jit3A_817 : i32
      %ne3A_835 = arith.constant 0 : i32
      %ne3A_836 = arith.cmpi ne, %rem3A_834, %ne3A_835 : i32
      %and3A_837 = arith.andi %ne3A_833, %ne3A_836 : i1
      %sub3A_838 = arith.constant 1 : i32
      %sub3A_839 = arith.subi %div3A_818, %sub3A_838 : i32
      %select_n3A_840 = arith.select %and3A_837, %sub3A_839, %div3A_818 : i32
      %jit3A_841 = arith.constant 8 : i32
      %eq3A_842 = arith.constant 0 : i32
      %eq3A_843 = arith.cmpi eq, %jit3A_841, %eq3A_842 : i32
      %jit3A_844 = arith.constant 1 : i32
      %select_n3A_845 = arith.select %eq3A_843, %jit3A_844, %jit3A_841 : i32
      %rem3A_846 = arith.remsi %scan3A_816, %select_n3A_845 : i32
      %ne3A_847 = arith.constant 0 : i32
      %ne3A_848 = arith.cmpi ne, %rem3A_846, %ne3A_847 : i32
      %lt3A_849 = arith.constant 0 : i32
      %lt3A_850 = arith.cmpi slt, %rem3A_846, %lt3A_849 : i32
      %lt3A_851 = arith.constant 0 : i32
      %lt3A_852 = arith.cmpi slt, %select_n3A_845, %lt3A_851 : i32
      %ne3A_853 = arith.xori %lt3A_850, %lt3A_852 : i1
      %and3A_854 = arith.andi %ne3A_853, %ne3A_848 : i1
      %add3A_855 = arith.addi %rem3A_846, %select_n3A_845 : i32
      %select_n3A_856 = arith.select %and3A_854, %add3A_855, %rem3A_846 : i32
      %mul3A_857 = arith.constant 16 : i32
      %mul3A_858 = arith.muli %select_n3A_856, %mul3A_857 : i32
      %get3A_859 = arith.index_cast %select_n3A_840 : i32 to index
      %get3A_860 = arith.index_cast %mul3A_858 : i32 to index
      %get3A_861 = tpu.vector_load %arg7[%get3A_859, %get3A_860] {strides = array<i32>} : memref<25x128xi32, #tpu.memory_space<vmem>>, vector<16xi32>,
      %shift_right_arithmetic3A_862 = arith.constant 2 : i32
      %shift_right_arithmetic3A_863 = vector.broadcast %shift_right_arithmetic3A_862 : i32 to vector<16xi32>
      %shift_right_arithmetic3A_864 = arith.shrsi %get3A_861, %shift_right_arithmetic3A_863 : vector<16xi32>
      %mul3A_865 = arith.constant 16 : i32
      %mul3A_866 = arith.muli %select_n3A_856, %mul3A_865 : i32
      %swap3A_867 = arith.index_cast %select_n3A_840 : i32 to index
      %swap3A_868 = arith.index_cast %mul3A_866 : i32 to index
      %swap3A_869 = tpu.vector_load %arg7[%swap3A_867, %swap3A_868] {strides = array<i32>} : memref<25x128xi32, #tpu.memory_space<vmem>>, vector<16xi32>,
      tpu.vector_store %arg7[%swap3A_867, %swap3A_868], %shift_right_arithmetic3A_864 {strides = array<i32>} : memref<25x128xi32, #tpu.memory_space<vmem>>, vector<16xi32>,
      %and3A_870 = arith.constant 3 : i32
      %and3A_871 = vector.broadcast %and3A_870 : i32 to vector<16xi32>
      %and3A_872 = arith.andi %get3A_861, %and3A_871 : vector<16xi32>
      %shift_left3A_873 = arith.constant 2 : i32
      %shift_left3A_874 = vector.broadcast %shift_left3A_873 : i32 to vector<16xi32>
      %shift_left3A_875 = arith.shli %and3A_872, %shift_left3A_874 : vector<16xi32>
      %mul3A_876 = arith.constant 128 : i32
      %mul3A_877 = arith.muli %select_n3A_840, %mul3A_876 : i32
      %mul3A_878 = arith.constant 16 : i32
      %mul3A_879 = arith.muli %select_n3A_856, %mul3A_878 : i32
      %add3A_880 = arith.addi %mul3A_877, %mul3A_879 : i32
      %swap3A_881 = arith.index_cast %add3A_880 : i32 to index
      %swap3A_882 = tpu.vector_load %arg11[%swap3A_881] {strides = array<i32>} : memref<3200xi32, #tpu.memory_space<vmem>>, vector<16xi32>,
      tpu.vector_store %arg11[%swap3A_881], %shift_left3A_875 {strides = array<i32>} : memref<3200xi32, #tpu.memory_space<vmem>>, vector<16xi32>,
      %scan3A_883 = arith.constant 0 : i32
      scf.yield %scan3A_883 : i32
    }
    %scan3A_71 = arith.constant 200 : i32
    %dma_start3A = arith.constant 0 : i32
    %dma_start3A_72 = arith.constant 0 : i32
    %dma_start3A_73 = arith.constant 0 : i32
    %dma_start3A_74 = tpu.memref_slice %arg9[%dma_start3A_72, %dma_start3A_73] : memref<3200x16xf32, #tpu.memory_space<vmem>> -> memref<128x16xf32, #tpu.memory_space<vmem>>
    %dma_start3A_75 = arith.constant 0 : i32
    %dma_start3A_76 = tpu.memref_slice %arg7[%dma_start3A, %dma_start3A_75] : memref<25x128xi32, #tpu.memory_space<vmem>> -> memref<1x128xi32, #tpu.memory_space<vmem>>
    %dma_start3A_77 = tpu.memref_squeeze %dma_start3A_76 : memref<1x128xi32, #tpu.memory_space<vmem>> -> memref<128xi32, #tpu.memory_space<vmem>>
    %dma_start3A_78 = arith.constant 0 : i32
    %dma_start3A_79 = arith.constant 0 : i32
    %dma_start3A_80 = tpu.memref_slice %arg3[%dma_start3A_78, %dma_start3A_79] : memref<250000x16xf32, #tpu.memory_space<hbm>> -> memref<250000x16xf32, #tpu.memory_space<hbm>>
    tpu.enqueue_indirect_dma source(%dma_start3A_80 : memref<250000x16xf32, #tpu.memory_space<hbm>>) target(%dma_start3A_74 : memref<128x16xf32, #tpu.memory_space<vmem>>) offsets(%dma_start3A_77 : memref<128xi32, #tpu.memory_space<vmem>>) semaphore(%arg17 : memref<!tpu.dma_semaphore, #tpu.memory_space<semaphore_mem>>)
    %dma_start3A_81 = arith.constant 1 : i32
    %dma_start3A_82 = arith.constant 128 : i32
    %dma_start3A_83 = arith.constant 0 : i32
    %dma_start3A_84 = tpu.memref_slice %arg9[%dma_start3A_82, %dma_start3A_83] : memref<3200x16xf32, #tpu.memory_space<vmem>> -> memref<128x16xf32, #tpu.memory_space<vmem>>
    %dma_start3A_85 = arith.constant 0 : i32
    %dma_start3A_86 = tpu.memref_slice %arg7[%dma_start3A_81, %dma_start3A_85] : memref<25x128xi32, #tpu.memory_space<vmem>> -> memref<1x128xi32, #tpu.memory_space<vmem>>
    %dma_start3A_87 = tpu.memref_squeeze %dma_start3A_86 : memref<1x128xi32, #tpu.memory_space<vmem>> -> memref<128xi32, #tpu.memory_space<vmem>>
    %dma_start3A_88 = arith.constant 0 : i32
    %dma_start3A_89 = arith.constant 0 : i32
    %dma_start3A_90 = tpu.memref_slice %arg3[%dma_start3A_88, %dma_start3A_89] : memref<250000x16xf32, #tpu.memory_space<hbm>> -> memref<250000x16xf32, #tpu.memory_space<hbm>>
    tpu.enqueue_indirect_dma source(%dma_start3A_90 : memref<250000x16xf32, #tpu.memory_space<hbm>>) target(%dma_start3A_84 : memref<128x16xf32, #tpu.memory_space<vmem>>) offsets(%dma_start3A_87 : memref<128xi32, #tpu.memory_space<vmem>>) semaphore(%arg17 : memref<!tpu.dma_semaphore, #tpu.memory_space<semaphore_mem>>)
    %dma_start3A_91 = arith.constant 2 : i32
    %dma_start3A_92 = arith.constant 256 : i32
    %dma_start3A_93 = arith.constant 0 : i32
    %dma_start3A_94 = tpu.memref_slice %arg9[%dma_start3A_92, %dma_start3A_93] : memref<3200x16xf32, #tpu.memory_space<vmem>> -> memref<128x16xf32, #tpu.memory_space<vmem>>
    %dma_start3A_95 = arith.constant 0 : i32
    %dma_start3A_96 = tpu.memref_slice %arg7[%dma_start3A_91, %dma_start3A_95] : memref<25x128xi32, #tpu.memory_space<vmem>> -> memref<1x128xi32, #tpu.memory_space<vmem>>
    %dma_start3A_97 = tpu.memref_squeeze %dma_start3A_96 : memref<1x128xi32, #tpu.memory_space<vmem>> -> memref<128xi32, #tpu.memory_space<vmem>>
    %dma_start3A_98 = arith.constant 0 : i32
    %dma_start3A_99 = arith.constant 0 : i32
    %dma_start3A_100 = tpu.memref_slice %arg3[%dma_start3A_98, %dma_start3A_99] : memref<250000x16xf32, #tpu.memory_space<hbm>> -> memref<250000x16xf32, #tpu.memory_space<hbm>>
    tpu.enqueue_indirect_dma source(%dma_start3A_100 : memref<250000x16xf32, #tpu.memory_space<hbm>>) target(%dma_start3A_94 : memref<128x16xf32, #tpu.memory_space<vmem>>) offsets(%dma_start3A_97 : memref<128xi32, #tpu.memory_space<vmem>>) semaphore(%arg17 : memref<!tpu.dma_semaphore, #tpu.memory_space<semaphore_mem>>)
    %dma_start3A_101 = arith.constant 3 : i32
    %dma_start3A_102 = arith.constant 384 : i32
    %dma_start3A_103 = arith.constant 0 : i32
    %dma_start3A_104 = tpu.memref_slice %arg9[%dma_start3A_102, %dma_start3A_103] : memref<3200x16xf32, #tpu.memory_space<vmem>> -> memref<128x16xf32, #tpu.memory_space<vmem>>
    %dma_start3A_105 = arith.constant 0 : i32
    %dma_start3A_106 = tpu.memref_slice %arg7[%dma_start3A_101, %dma_start3A_105] : memref<25x128xi32, #tpu.memory_space<vmem>> -> memref<1x128xi32, #tpu.memory_space<vmem>>
    %dma_start3A_107 = tpu.memref_squeeze %dma_start3A_106 : memref<1x128xi32, #tpu.memory_space<vmem>> -> memref<128xi32, #tpu.memory_space<vmem>>
    %dma_start3A_108 = arith.constant 0 : i32
    %dma_start3A_109 = arith.constant 0 : i32
    %dma_start3A_110 = tpu.memref_slice %arg3[%dma_start3A_108, %dma_start3A_109] : memref<250000x16xf32, #tpu.memory_space<hbm>> -> memref<250000x16xf32, #tpu.memory_space<hbm>>
    tpu.enqueue_indirect_dma source(%dma_start3A_110 : memref<250000x16xf32, #tpu.memory_space<hbm>>) target(%dma_start3A_104 : memref<128x16xf32, #tpu.memory_space<vmem>>) offsets(%dma_start3A_107 : memref<128xi32, #tpu.memory_space<vmem>>) semaphore(%arg17 : memref<!tpu.dma_semaphore, #tpu.memory_space<semaphore_mem>>)
    %dma_start3A_111 = arith.constant 4 : i32
    %dma_start3A_112 = arith.constant 512 : i32
    %dma_start3A_113 = arith.constant 0 : i32
    %dma_start3A_114 = tpu.memref_slice %arg9[%dma_start3A_112, %dma_start3A_113] : memref<3200x16xf32, #tpu.memory_space<vmem>> -> memref<128x16xf32, #tpu.memory_space<vmem>>
    %dma_start3A_115 = arith.constant 0 : i32
    %dma_start3A_116 = tpu.memref_slice %arg7[%dma_start3A_111, %dma_start3A_115] : memref<25x128xi32, #tpu.memory_space<vmem>> -> memref<1x128xi32, #tpu.memory_space<vmem>>
    %dma_start3A_117 = tpu.memref_squeeze %dma_start3A_116 : memref<1x128xi32, #tpu.memory_space<vmem>> -> memref<128xi32, #tpu.memory_space<vmem>>
    %dma_start3A_118 = arith.constant 0 : i32
    %dma_start3A_119 = arith.constant 0 : i32
    %dma_start3A_120 = tpu.memref_slice %arg3[%dma_start3A_118, %dma_start3A_119] : memref<250000x16xf32, #tpu.memory_space<hbm>> -> memref<250000x16xf32, #tpu.memory_space<hbm>>
    tpu.enqueue_indirect_dma source(%dma_start3A_120 : memref<250000x16xf32, #tpu.memory_space<hbm>>) target(%dma_start3A_114 : memref<128x16xf32, #tpu.memory_space<vmem>>) offsets(%dma_start3A_117 : memref<128xi32, #tpu.memory_space<vmem>>) semaphore(%arg17 : memref<!tpu.dma_semaphore, #tpu.memory_space<semaphore_mem>>)
    %dma_start3A_121 = arith.constant 5 : i32
    %dma_start3A_122 = arith.constant 640 : i32
    %dma_start3A_123 = arith.constant 0 : i32
    %dma_start3A_124 = tpu.memref_slice %arg9[%dma_start3A_122, %dma_start3A_123] : memref<3200x16xf32, #tpu.memory_space<vmem>> -> memref<128x16xf32, #tpu.memory_space<vmem>>
    %dma_start3A_125 = arith.constant 0 : i32
    %dma_start3A_126 = tpu.memref_slice %arg7[%dma_start3A_121, %dma_start3A_125] : memref<25x128xi32, #tpu.memory_space<vmem>> -> memref<1x128xi32, #tpu.memory_space<vmem>>
    %dma_start3A_127 = tpu.memref_squeeze %dma_start3A_126 : memref<1x128xi32, #tpu.memory_space<vmem>> -> memref<128xi32, #tpu.memory_space<vmem>>
    %dma_start3A_128 = arith.constant 0 : i32
    %dma_start3A_129 = arith.constant 0 : i32
    %dma_start3A_130 = tpu.memref_slice %arg3[%dma_start3A_128, %dma_start3A_129] : memref<250000x16xf32, #tpu.memory_space<hbm>> -> memref<250000x16xf32, #tpu.memory_space<hbm>>
    tpu.enqueue_indirect_dma source(%dma_start3A_130 : memref<250000x16xf32, #tpu.memory_space<hbm>>) target(%dma_start3A_124 : memref<128x16xf32, #tpu.memory_space<vmem>>) offsets(%dma_start3A_127 : memref<128xi32, #tpu.memory_space<vmem>>) semaphore(%arg17 : memref<!tpu.dma_semaphore, #tpu.memory_space<semaphore_mem>>)
    %dma_start3A_131 = arith.constant 6 : i32
    %dma_start3A_132 = arith.constant 768 : i32
    %dma_start3A_133 = arith.constant 0 : i32
    %dma_start3A_134 = tpu.memref_slice %arg9[%dma_start3A_132, %dma_start3A_133] : memref<3200x16xf32, #tpu.memory_space<vmem>> -> memref<128x16xf32, #tpu.memory_space<vmem>>
    %dma_start3A_135 = arith.constant 0 : i32
    %dma_start3A_136 = tpu.memref_slice %arg7[%dma_start3A_131, %dma_start3A_135] : memref<25x128xi32, #tpu.memory_space<vmem>> -> memref<1x128xi32, #tpu.memory_space<vmem>>
    %dma_start3A_137 = tpu.memref_squeeze %dma_start3A_136 : memref<1x128xi32, #tpu.memory_space<vmem>> -> memref<128xi32, #tpu.memory_space<vmem>>
    %dma_start3A_138 = arith.constant 0 : i32
    %dma_start3A_139 = arith.constant 0 : i32
    %dma_start3A_140 = tpu.memref_slice %arg3[%dma_start3A_138, %dma_start3A_139] : memref<250000x16xf32, #tpu.memory_space<hbm>> -> memref<250000x16xf32, #tpu.memory_space<hbm>>
    tpu.enqueue_indirect_dma source(%dma_start3A_140 : memref<250000x16xf32, #tpu.memory_space<hbm>>) target(%dma_start3A_134 : memref<128x16xf32, #tpu.memory_space<vmem>>) offsets(%dma_start3A_137 : memref<128xi32, #tpu.memory_space<vmem>>) semaphore(%arg17 : memref<!tpu.dma_semaphore, #tpu.memory_space<semaphore_mem>>)
    %dma_start3A_141 = arith.constant 7 : i32
    %dma_start3A_142 = arith.constant 896 : i32
    %dma_start3A_143 = arith.constant 0 : i32
    %dma_start3A_144 = tpu.memref_slice %arg9[%dma_start3A_142, %dma_start3A_143] : memref<3200x16xf32, #tpu.memory_space<vmem>> -> memref<128x16xf32, #tpu.memory_space<vmem>>
    %dma_start3A_145 = arith.constant 0 : i32
    %dma_start3A_146 = tpu.memref_slice %arg7[%dma_start3A_141, %dma_start3A_145] : memref<25x128xi32, #tpu.memory_space<vmem>> -> memref<1x128xi32, #tpu.memory_space<vmem>>
    %dma_start3A_147 = tpu.memref_squeeze %dma_start3A_146 : memref<1x128xi32, #tpu.memory_space<vmem>> -> memref<128xi32, #tpu.memory_space<vmem>>
    %dma_start3A_148 = arith.constant 0 : i32
    %dma_start3A_149 = arith.constant 0 : i32
    %dma_start3A_150 = tpu.memref_slice %arg3[%dma_start3A_148, %dma_start3A_149] : memref<250000x16xf32, #tpu.memory_space<hbm>> -> memref<250000x16xf32, #tpu.memory_space<hbm>>
    tpu.enqueue_indirect_dma source(%dma_start3A_150 : memref<250000x16xf32, #tpu.memory_space<hbm>>) target(%dma_start3A_144 : memref<128x16xf32, #tpu.memory_space<vmem>>) offsets(%dma_start3A_147 : memref<128xi32, #tpu.memory_space<vmem>>) semaphore(%arg17 : memref<!tpu.dma_semaphore, #tpu.memory_space<semaphore_mem>>)
    %dma_start3A_151 = arith.constant 8 : i32
    %dma_start3A_152 = arith.constant 1024 : i32
    %dma_start3A_153 = arith.constant 0 : i32
    %dma_start3A_154 = tpu.memref_slice %arg9[%dma_start3A_152, %dma_start3A_153] : memref<3200x16xf32, #tpu.memory_space<vmem>> -> memref<128x16xf32, #tpu.memory_space<vmem>>
    %dma_start3A_155 = arith.constant 0 : i32
    %dma_start3A_156 = tpu.memref_slice %arg7[%dma_start3A_151, %dma_start3A_155] : memref<25x128xi32, #tpu.memory_space<vmem>> -> memref<1x128xi32, #tpu.memory_space<vmem>>
    %dma_start3A_157 = tpu.memref_squeeze %dma_start3A_156 : memref<1x128xi32, #tpu.memory_space<vmem>> -> memref<128xi32, #tpu.memory_space<vmem>>
    %dma_start3A_158 = arith.constant 0 : i32
    %dma_start3A_159 = arith.constant 0 : i32
    %dma_start3A_160 = tpu.memref_slice %arg3[%dma_start3A_158, %dma_start3A_159] : memref<250000x16xf32, #tpu.memory_space<hbm>> -> memref<250000x16xf32, #tpu.memory_space<hbm>>
    tpu.enqueue_indirect_dma source(%dma_start3A_160 : memref<250000x16xf32, #tpu.memory_space<hbm>>) target(%dma_start3A_154 : memref<128x16xf32, #tpu.memory_space<vmem>>) offsets(%dma_start3A_157 : memref<128xi32, #tpu.memory_space<vmem>>) semaphore(%arg17 : memref<!tpu.dma_semaphore, #tpu.memory_space<semaphore_mem>>)
    %dma_start3A_161 = arith.constant 9 : i32
    %dma_start3A_162 = arith.constant 1152 : i32
    %dma_start3A_163 = arith.constant 0 : i32
    %dma_start3A_164 = tpu.memref_slice %arg9[%dma_start3A_162, %dma_start3A_163] : memref<3200x16xf32, #tpu.memory_space<vmem>> -> memref<128x16xf32, #tpu.memory_space<vmem>>
    %dma_start3A_165 = arith.constant 0 : i32
    %dma_start3A_166 = tpu.memref_slice %arg7[%dma_start3A_161, %dma_start3A_165] : memref<25x128xi32, #tpu.memory_space<vmem>> -> memref<1x128xi32, #tpu.memory_space<vmem>>
    %dma_start3A_167 = tpu.memref_squeeze %dma_start3A_166 : memref<1x128xi32, #tpu.memory_space<vmem>> -> memref<128xi32, #tpu.memory_space<vmem>>
    %dma_start3A_168 = arith.constant 0 : i32
    %dma_start3A_169 = arith.constant 0 : i32
    %dma_start3A_170 = tpu.memref_slice %arg3[%dma_start3A_168, %dma_start3A_169] : memref<250000x16xf32, #tpu.memory_space<hbm>> -> memref<250000x16xf32, #tpu.memory_space<hbm>>
    tpu.enqueue_indirect_dma source(%dma_start3A_170 : memref<250000x16xf32, #tpu.memory_space<hbm>>) target(%dma_start3A_164 : memref<128x16xf32, #tpu.memory_space<vmem>>) offsets(%dma_start3A_167 : memref<128xi32, #tpu.memory_space<vmem>>) semaphore(%arg17 : memref<!tpu.dma_semaphore, #tpu.memory_space<semaphore_mem>>)
    %dma_start3A_171 = arith.constant 10 : i32
    %dma_start3A_172 = arith.constant 1280 : i32
    %dma_start3A_173 = arith.constant 0 : i32
    %dma_start3A_174 = tpu.memref_slice %arg9[%dma_start3A_172, %dma_start3A_173] : memref<3200x16xf32, #tpu.memory_space<vmem>> -> memref<128x16xf32, #tpu.memory_space<vmem>>
    %dma_start3A_175 = arith.constant 0 : i32
    %dma_start3A_176 = tpu.memref_slice %arg7[%dma_start3A_171, %dma_start3A_175] : memref<25x128xi32, #tpu.memory_space<vmem>> -> memref<1x128xi32, #tpu.memory_space<vmem>>
    %dma_start3A_177 = tpu.memref_squeeze %dma_start3A_176 : memref<1x128xi32, #tpu.memory_space<vmem>> -> memref<128xi32, #tpu.memory_space<vmem>>
    %dma_start3A_178 = arith.constant 0 : i32
    %dma_start3A_179 = arith.constant 0 : i32
    %dma_start3A_180 = tpu.memref_slice %arg3[%dma_start3A_178, %dma_start3A_179] : memref<250000x16xf32, #tpu.memory_space<hbm>> -> memref<250000x16xf32, #tpu.memory_space<hbm>>
    tpu.enqueue_indirect_dma source(%dma_start3A_180 : memref<250000x16xf32, #tpu.memory_space<hbm>>) target(%dma_start3A_174 : memref<128x16xf32, #tpu.memory_space<vmem>>) offsets(%dma_start3A_177 : memref<128xi32, #tpu.memory_space<vmem>>) semaphore(%arg17 : memref<!tpu.dma_semaphore, #tpu.memory_space<semaphore_mem>>)
    %dma_start3A_181 = arith.constant 11 : i32
    %dma_start3A_182 = arith.constant 1408 : i32
    %dma_start3A_183 = arith.constant 0 : i32
    %dma_start3A_184 = tpu.memref_slice %arg9[%dma_start3A_182, %dma_start3A_183] : memref<3200x16xf32, #tpu.memory_space<vmem>> -> memref<128x16xf32, #tpu.memory_space<vmem>>
    %dma_start3A_185 = arith.constant 0 : i32
    %dma_start3A_186 = tpu.memref_slice %arg7[%dma_start3A_181, %dma_start3A_185] : memref<25x128xi32, #tpu.memory_space<vmem>> -> memref<1x128xi32, #tpu.memory_space<vmem>>
    %dma_start3A_187 = tpu.memref_squeeze %dma_start3A_186 : memref<1x128xi32, #tpu.memory_space<vmem>> -> memref<128xi32, #tpu.memory_space<vmem>>
    %dma_start3A_188 = arith.constant 0 : i32
    %dma_start3A_189 = arith.constant 0 : i32
    %dma_start3A_190 = tpu.memref_slice %arg3[%dma_start3A_188, %dma_start3A_189] : memref<250000x16xf32, #tpu.memory_space<hbm>> -> memref<250000x16xf32, #tpu.memory_space<hbm>>
    tpu.enqueue_indirect_dma source(%dma_start3A_190 : memref<250000x16xf32, #tpu.memory_space<hbm>>) target(%dma_start3A_184 : memref<128x16xf32, #tpu.memory_space<vmem>>) offsets(%dma_start3A_187 : memref<128xi32, #tpu.memory_space<vmem>>) semaphore(%arg17 : memref<!tpu.dma_semaphore, #tpu.memory_space<semaphore_mem>>)
    %dma_start3A_191 = arith.constant 12 : i32
    %dma_start3A_192 = arith.constant 1536 : i32
    %dma_start3A_193 = arith.constant 0 : i32
    %dma_start3A_194 = tpu.memref_slice %arg9[%dma_start3A_192, %dma_start3A_193] : memref<3200x16xf32, #tpu.memory_space<vmem>> -> memref<128x16xf32, #tpu.memory_space<vmem>>
    %dma_start3A_195 = arith.constant 0 : i32
    %dma_start3A_196 = tpu.memref_slice %arg7[%dma_start3A_191, %dma_start3A_195] : memref<25x128xi32, #tpu.memory_space<vmem>> -> memref<1x128xi32, #tpu.memory_space<vmem>>
    %dma_start3A_197 = tpu.memref_squeeze %dma_start3A_196 : memref<1x128xi32, #tpu.memory_space<vmem>> -> memref<128xi32, #tpu.memory_space<vmem>>
    %dma_start3A_198 = arith.constant 0 : i32
    %dma_start3A_199 = arith.constant 0 : i32
    %dma_start3A_200 = tpu.memref_slice %arg3[%dma_start3A_198, %dma_start3A_199] : memref<250000x16xf32, #tpu.memory_space<hbm>> -> memref<250000x16xf32, #tpu.memory_space<hbm>>
    tpu.enqueue_indirect_dma source(%dma_start3A_200 : memref<250000x16xf32, #tpu.memory_space<hbm>>) target(%dma_start3A_194 : memref<128x16xf32, #tpu.memory_space<vmem>>) offsets(%dma_start3A_197 : memref<128xi32, #tpu.memory_space<vmem>>) semaphore(%arg17 : memref<!tpu.dma_semaphore, #tpu.memory_space<semaphore_mem>>)
    %dma_start3A_201 = arith.constant 13 : i32
    %dma_start3A_202 = arith.constant 1664 : i32
    %dma_start3A_203 = arith.constant 0 : i32
    %dma_start3A_204 = tpu.memref_slice %arg9[%dma_start3A_202, %dma_start3A_203] : memref<3200x16xf32, #tpu.memory_space<vmem>> -> memref<128x16xf32, #tpu.memory_space<vmem>>
    %dma_start3A_205 = arith.constant 0 : i32
    %dma_start3A_206 = tpu.memref_slice %arg7[%dma_start3A_201, %dma_start3A_205] : memref<25x128xi32, #tpu.memory_space<vmem>> -> memref<1x128xi32, #tpu.memory_space<vmem>>
    %dma_start3A_207 = tpu.memref_squeeze %dma_start3A_206 : memref<1x128xi32, #tpu.memory_space<vmem>> -> memref<128xi32, #tpu.memory_space<vmem>>
    %dma_start3A_208 = arith.constant 0 : i32
    %dma_start3A_209 = arith.constant 0 : i32
    %dma_start3A_210 = tpu.memref_slice %arg3[%dma_start3A_208, %dma_start3A_209] : memref<250000x16xf32, #tpu.memory_space<hbm>> -> memref<250000x16xf32, #tpu.memory_space<hbm>>
    tpu.enqueue_indirect_dma source(%dma_start3A_210 : memref<250000x16xf32, #tpu.memory_space<hbm>>) target(%dma_start3A_204 : memref<128x16xf32, #tpu.memory_space<vmem>>) offsets(%dma_start3A_207 : memref<128xi32, #tpu.memory_space<vmem>>) semaphore(%arg17 : memref<!tpu.dma_semaphore, #tpu.memory_space<semaphore_mem>>)
    %dma_start3A_211 = arith.constant 14 : i32
    %dma_start3A_212 = arith.constant 1792 : i32
    %dma_start3A_213 = arith.constant 0 : i32
    %dma_start3A_214 = tpu.memref_slice %arg9[%dma_start3A_212, %dma_start3A_213] : memref<3200x16xf32, #tpu.memory_space<vmem>> -> memref<128x16xf32, #tpu.memory_space<vmem>>
    %dma_start3A_215 = arith.constant 0 : i32
    %dma_start3A_216 = tpu.memref_slice %arg7[%dma_start3A_211, %dma_start3A_215] : memref<25x128xi32, #tpu.memory_space<vmem>> -> memref<1x128xi32, #tpu.memory_space<vmem>>
    %dma_start3A_217 = tpu.memref_squeeze %dma_start3A_216 : memref<1x128xi32, #tpu.memory_space<vmem>> -> memref<128xi32, #tpu.memory_space<vmem>>
    %dma_start3A_218 = arith.constant 0 : i32
    %dma_start3A_219 = arith.constant 0 : i32
    %dma_start3A_220 = tpu.memref_slice %arg3[%dma_start3A_218, %dma_start3A_219] : memref<250000x16xf32, #tpu.memory_space<hbm>> -> memref<250000x16xf32, #tpu.memory_space<hbm>>
    tpu.enqueue_indirect_dma source(%dma_start3A_220 : memref<250000x16xf32, #tpu.memory_space<hbm>>) target(%dma_start3A_214 : memref<128x16xf32, #tpu.memory_space<vmem>>) offsets(%dma_start3A_217 : memref<128xi32, #tpu.memory_space<vmem>>) semaphore(%arg17 : memref<!tpu.dma_semaphore, #tpu.memory_space<semaphore_mem>>)
    %dma_start3A_221 = arith.constant 15 : i32
    %dma_start3A_222 = arith.constant 1920 : i32
    %dma_start3A_223 = arith.constant 0 : i32
    %dma_start3A_224 = tpu.memref_slice %arg9[%dma_start3A_222, %dma_start3A_223] : memref<3200x16xf32, #tpu.memory_space<vmem>> -> memref<128x16xf32, #tpu.memory_space<vmem>>
    %dma_start3A_225 = arith.constant 0 : i32
    %dma_start3A_226 = tpu.memref_slice %arg7[%dma_start3A_221, %dma_start3A_225] : memref<25x128xi32, #tpu.memory_space<vmem>> -> memref<1x128xi32, #tpu.memory_space<vmem>>
    %dma_start3A_227 = tpu.memref_squeeze %dma_start3A_226 : memref<1x128xi32, #tpu.memory_space<vmem>> -> memref<128xi32, #tpu.memory_space<vmem>>
    %dma_start3A_228 = arith.constant 0 : i32
    %dma_start3A_229 = arith.constant 0 : i32
    %dma_start3A_230 = tpu.memref_slice %arg3[%dma_start3A_228, %dma_start3A_229] : memref<250000x16xf32, #tpu.memory_space<hbm>> -> memref<250000x16xf32, #tpu.memory_space<hbm>>
    tpu.enqueue_indirect_dma source(%dma_start3A_230 : memref<250000x16xf32, #tpu.memory_space<hbm>>) target(%dma_start3A_224 : memref<128x16xf32, #tpu.memory_space<vmem>>) offsets(%dma_start3A_227 : memref<128xi32, #tpu.memory_space<vmem>>) semaphore(%arg17 : memref<!tpu.dma_semaphore, #tpu.memory_space<semaphore_mem>>)
    %dma_start3A_231 = arith.constant 16 : i32
    %dma_start3A_232 = arith.constant 2048 : i32
    %dma_start3A_233 = arith.constant 0 : i32
    %dma_start3A_234 = tpu.memref_slice %arg9[%dma_start3A_232, %dma_start3A_233] : memref<3200x16xf32, #tpu.memory_space<vmem>> -> memref<128x16xf32, #tpu.memory_space<vmem>>
    %dma_start3A_235 = arith.constant 0 : i32
    %dma_start3A_236 = tpu.memref_slice %arg7[%dma_start3A_231, %dma_start3A_235] : memref<25x128xi32, #tpu.memory_space<vmem>> -> memref<1x128xi32, #tpu.memory_space<vmem>>
    %dma_start3A_237 = tpu.memref_squeeze %dma_start3A_236 : memref<1x128xi32, #tpu.memory_space<vmem>> -> memref<128xi32, #tpu.memory_space<vmem>>
    %dma_start3A_238 = arith.constant 0 : i32
    %dma_start3A_239 = arith.constant 0 : i32
    %dma_start3A_240 = tpu.memref_slice %arg3[%dma_start3A_238, %dma_start3A_239] : memref<250000x16xf32, #tpu.memory_space<hbm>> -> memref<250000x16xf32, #tpu.memory_space<hbm>>
    tpu.enqueue_indirect_dma source(%dma_start3A_240 : memref<250000x16xf32, #tpu.memory_space<hbm>>) target(%dma_start3A_234 : memref<128x16xf32, #tpu.memory_space<vmem>>) offsets(%dma_start3A_237 : memref<128xi32, #tpu.memory_space<vmem>>) semaphore(%arg17 : memref<!tpu.dma_semaphore, #tpu.memory_space<semaphore_mem>>)
    %dma_start3A_241 = arith.constant 17 : i32
    %dma_start3A_242 = arith.constant 2176 : i32
    %dma_start3A_243 = arith.constant 0 : i32
    %dma_start3A_244 = tpu.memref_slice %arg9[%dma_start3A_242, %dma_start3A_243] : memref<3200x16xf32, #tpu.memory_space<vmem>> -> memref<128x16xf32, #tpu.memory_space<vmem>>
    %dma_start3A_245 = arith.constant 0 : i32
    %dma_start3A_246 = tpu.memref_slice %arg7[%dma_start3A_241, %dma_start3A_245] : memref<25x128xi32, #tpu.memory_space<vmem>> -> memref<1x128xi32, #tpu.memory_space<vmem>>
    %dma_start3A_247 = tpu.memref_squeeze %dma_start3A_246 : memref<1x128xi32, #tpu.memory_space<vmem>> -> memref<128xi32, #tpu.memory_space<vmem>>
    %dma_start3A_248 = arith.constant 0 : i32
    %dma_start3A_249 = arith.constant 0 : i32
    %dma_start3A_250 = tpu.memref_slice %arg3[%dma_start3A_248, %dma_start3A_249] : memref<250000x16xf32, #tpu.memory_space<hbm>> -> memref<250000x16xf32, #tpu.memory_space<hbm>>
    tpu.enqueue_indirect_dma source(%dma_start3A_250 : memref<250000x16xf32, #tpu.memory_space<hbm>>) target(%dma_start3A_244 : memref<128x16xf32, #tpu.memory_space<vmem>>) offsets(%dma_start3A_247 : memref<128xi32, #tpu.memory_space<vmem>>) semaphore(%arg17 : memref<!tpu.dma_semaphore, #tpu.memory_space<semaphore_mem>>)
    %dma_start3A_251 = arith.constant 18 : i32
    %dma_start3A_252 = arith.constant 2304 : i32
    %dma_start3A_253 = arith.constant 0 : i32
    %dma_start3A_254 = tpu.memref_slice %arg9[%dma_start3A_252, %dma_start3A_253] : memref<3200x16xf32, #tpu.memory_space<vmem>> -> memref<128x16xf32, #tpu.memory_space<vmem>>
    %dma_start3A_255 = arith.constant 0 : i32
    %dma_start3A_256 = tpu.memref_slice %arg7[%dma_start3A_251, %dma_start3A_255] : memref<25x128xi32, #tpu.memory_space<vmem>> -> memref<1x128xi32, #tpu.memory_space<vmem>>
    %dma_start3A_257 = tpu.memref_squeeze %dma_start3A_256 : memref<1x128xi32, #tpu.memory_space<vmem>> -> memref<128xi32, #tpu.memory_space<vmem>>
    %dma_start3A_258 = arith.constant 0 : i32
    %dma_start3A_259 = arith.constant 0 : i32
    %dma_start3A_260 = tpu.memref_slice %arg3[%dma_start3A_258, %dma_start3A_259] : memref<250000x16xf32, #tpu.memory_space<hbm>> -> memref<250000x16xf32, #tpu.memory_space<hbm>>
    tpu.enqueue_indirect_dma source(%dma_start3A_260 : memref<250000x16xf32, #tpu.memory_space<hbm>>) target(%dma_start3A_254 : memref<128x16xf32, #tpu.memory_space<vmem>>) offsets(%dma_start3A_257 : memref<128xi32, #tpu.memory_space<vmem>>) semaphore(%arg17 : memref<!tpu.dma_semaphore, #tpu.memory_space<semaphore_mem>>)
    %dma_start3A_261 = arith.constant 19 : i32
    %dma_start3A_262 = arith.constant 2432 : i32
    %dma_start3A_263 = arith.constant 0 : i32
    %dma_start3A_264 = tpu.memref_slice %arg9[%dma_start3A_262, %dma_start3A_263] : memref<3200x16xf32, #tpu.memory_space<vmem>> -> memref<128x16xf32, #tpu.memory_space<vmem>>
    %dma_start3A_265 = arith.constant 0 : i32
    %dma_start3A_266 = tpu.memref_slice %arg7[%dma_start3A_261, %dma_start3A_265] : memref<25x128xi32, #tpu.memory_space<vmem>> -> memref<1x128xi32, #tpu.memory_space<vmem>>
    %dma_start3A_267 = tpu.memref_squeeze %dma_start3A_266 : memref<1x128xi32, #tpu.memory_space<vmem>> -> memref<128xi32, #tpu.memory_space<vmem>>
    %dma_start3A_268 = arith.constant 0 : i32
    %dma_start3A_269 = arith.constant 0 : i32
    %dma_start3A_270 = tpu.memref_slice %arg3[%dma_start3A_268, %dma_start3A_269] : memref<250000x16xf32, #tpu.memory_space<hbm>> -> memref<250000x16xf32, #tpu.memory_space<hbm>>
    tpu.enqueue_indirect_dma source(%dma_start3A_270 : memref<250000x16xf32, #tpu.memory_space<hbm>>) target(%dma_start3A_264 : memref<128x16xf32, #tpu.memory_space<vmem>>) offsets(%dma_start3A_267 : memref<128xi32, #tpu.memory_space<vmem>>) semaphore(%arg17 : memref<!tpu.dma_semaphore, #tpu.memory_space<semaphore_mem>>)
    %dma_start3A_271 = arith.constant 20 : i32
    %dma_start3A_272 = arith.constant 2560 : i32
    %dma_start3A_273 = arith.constant 0 : i32
    %dma_start3A_274 = tpu.memref_slice %arg9[%dma_start3A_272, %dma_start3A_273] : memref<3200x16xf32, #tpu.memory_space<vmem>> -> memref<128x16xf32, #tpu.memory_space<vmem>>
    %dma_start3A_275 = arith.constant 0 : i32
    %dma_start3A_276 = tpu.memref_slice %arg7[%dma_start3A_271, %dma_start3A_275] : memref<25x128xi32, #tpu.memory_space<vmem>> -> memref<1x128xi32, #tpu.memory_space<vmem>>
    %dma_start3A_277 = tpu.memref_squeeze %dma_start3A_276 : memref<1x128xi32, #tpu.memory_space<vmem>> -> memref<128xi32, #tpu.memory_space<vmem>>
    %dma_start3A_278 = arith.constant 0 : i32
    %dma_start3A_279 = arith.constant 0 : i32
    %dma_start3A_280 = tpu.memref_slice %arg3[%dma_start3A_278, %dma_start3A_279] : memref<250000x16xf32, #tpu.memory_space<hbm>> -> memref<250000x16xf32, #tpu.memory_space<hbm>>
    tpu.enqueue_indirect_dma source(%dma_start3A_280 : memref<250000x16xf32, #tpu.memory_space<hbm>>) target(%dma_start3A_274 : memref<128x16xf32, #tpu.memory_space<vmem>>) offsets(%dma_start3A_277 : memref<128xi32, #tpu.memory_space<vmem>>) semaphore(%arg17 : memref<!tpu.dma_semaphore, #tpu.memory_space<semaphore_mem>>)
    %dma_start3A_281 = arith.constant 21 : i32
    %dma_start3A_282 = arith.constant 2688 : i32
    %dma_start3A_283 = arith.constant 0 : i32
    %dma_start3A_284 = tpu.memref_slice %arg9[%dma_start3A_282, %dma_start3A_283] : memref<3200x16xf32, #tpu.memory_space<vmem>> -> memref<128x16xf32, #tpu.memory_space<vmem>>
    %dma_start3A_285 = arith.constant 0 : i32
    %dma_start3A_286 = tpu.memref_slice %arg7[%dma_start3A_281, %dma_start3A_285] : memref<25x128xi32, #tpu.memory_space<vmem>> -> memref<1x128xi32, #tpu.memory_space<vmem>>
    %dma_start3A_287 = tpu.memref_squeeze %dma_start3A_286 : memref<1x128xi32, #tpu.memory_space<vmem>> -> memref<128xi32, #tpu.memory_space<vmem>>
    %dma_start3A_288 = arith.constant 0 : i32
    %dma_start3A_289 = arith.constant 0 : i32
    %dma_start3A_290 = tpu.memref_slice %arg3[%dma_start3A_288, %dma_start3A_289] : memref<250000x16xf32, #tpu.memory_space<hbm>> -> memref<250000x16xf32, #tpu.memory_space<hbm>>
    tpu.enqueue_indirect_dma source(%dma_start3A_290 : memref<250000x16xf32, #tpu.memory_space<hbm>>) target(%dma_start3A_284 : memref<128x16xf32, #tpu.memory_space<vmem>>) offsets(%dma_start3A_287 : memref<128xi32, #tpu.memory_space<vmem>>) semaphore(%arg17 : memref<!tpu.dma_semaphore, #tpu.memory_space<semaphore_mem>>)
    %dma_start3A_291 = arith.constant 22 : i32
    %dma_start3A_292 = arith.constant 2816 : i32
    %dma_start3A_293 = arith.constant 0 : i32
    %dma_start3A_294 = tpu.memref_slice %arg9[%dma_start3A_292, %dma_start3A_293] : memref<3200x16xf32, #tpu.memory_space<vmem>> -> memref<128x16xf32, #tpu.memory_space<vmem>>
    %dma_start3A_295 = arith.constant 0 : i32
    %dma_start3A_296 = tpu.memref_slice %arg7[%dma_start3A_291, %dma_start3A_295] : memref<25x128xi32, #tpu.memory_space<vmem>> -> memref<1x128xi32, #tpu.memory_space<vmem>>
    %dma_start3A_297 = tpu.memref_squeeze %dma_start3A_296 : memref<1x128xi32, #tpu.memory_space<vmem>> -> memref<128xi32, #tpu.memory_space<vmem>>
    %dma_start3A_298 = arith.constant 0 : i32
    %dma_start3A_299 = arith.constant 0 : i32
    %dma_start3A_300 = tpu.memref_slice %arg3[%dma_start3A_298, %dma_start3A_299] : memref<250000x16xf32, #tpu.memory_space<hbm>> -> memref<250000x16xf32, #tpu.memory_space<hbm>>
    tpu.enqueue_indirect_dma source(%dma_start3A_300 : memref<250000x16xf32, #tpu.memory_space<hbm>>) target(%dma_start3A_294 : memref<128x16xf32, #tpu.memory_space<vmem>>) offsets(%dma_start3A_297 : memref<128xi32, #tpu.memory_space<vmem>>) semaphore(%arg17 : memref<!tpu.dma_semaphore, #tpu.memory_space<semaphore_mem>>)
    %dma_start3A_301 = arith.constant 23 : i32
    %dma_start3A_302 = arith.constant 2944 : i32
    %dma_start3A_303 = arith.constant 0 : i32
    %dma_start3A_304 = tpu.memref_slice %arg9[%dma_start3A_302, %dma_start3A_303] : memref<3200x16xf32, #tpu.memory_space<vmem>> -> memref<128x16xf32, #tpu.memory_space<vmem>>
    %dma_start3A_305 = arith.constant 0 : i32
    %dma_start3A_306 = tpu.memref_slice %arg7[%dma_start3A_301, %dma_start3A_305] : memref<25x128xi32, #tpu.memory_space<vmem>> -> memref<1x128xi32, #tpu.memory_space<vmem>>
    %dma_start3A_307 = tpu.memref_squeeze %dma_start3A_306 : memref<1x128xi32, #tpu.memory_space<vmem>> -> memref<128xi32, #tpu.memory_space<vmem>>
    %dma_start3A_308 = arith.constant 0 : i32
    %dma_start3A_309 = arith.constant 0 : i32
    %dma_start3A_310 = tpu.memref_slice %arg3[%dma_start3A_308, %dma_start3A_309] : memref<250000x16xf32, #tpu.memory_space<hbm>> -> memref<250000x16xf32, #tpu.memory_space<hbm>>
    tpu.enqueue_indirect_dma source(%dma_start3A_310 : memref<250000x16xf32, #tpu.memory_space<hbm>>) target(%dma_start3A_304 : memref<128x16xf32, #tpu.memory_space<vmem>>) offsets(%dma_start3A_307 : memref<128xi32, #tpu.memory_space<vmem>>) semaphore(%arg17 : memref<!tpu.dma_semaphore, #tpu.memory_space<semaphore_mem>>)
    %dma_start3A_311 = arith.constant 24 : i32
    %dma_start3A_312 = arith.constant 3072 : i32
    %dma_start3A_313 = arith.constant 0 : i32
    %dma_start3A_314 = tpu.memref_slice %arg9[%dma_start3A_312, %dma_start3A_313] : memref<3200x16xf32, #tpu.memory_space<vmem>> -> memref<128x16xf32, #tpu.memory_space<vmem>>
    %dma_start3A_315 = arith.constant 0 : i32
    %dma_start3A_316 = tpu.memref_slice %arg7[%dma_start3A_311, %dma_start3A_315] : memref<25x128xi32, #tpu.memory_space<vmem>> -> memref<1x128xi32, #tpu.memory_space<vmem>>
    %dma_start3A_317 = tpu.memref_squeeze %dma_start3A_316 : memref<1x128xi32, #tpu.memory_space<vmem>> -> memref<128xi32, #tpu.memory_space<vmem>>
    %dma_start3A_318 = arith.constant 0 : i32
    %dma_start3A_319 = arith.constant 0 : i32
    %dma_start3A_320 = tpu.memref_slice %arg3[%dma_start3A_318, %dma_start3A_319] : memref<250000x16xf32, #tpu.memory_space<hbm>> -> memref<250000x16xf32, #tpu.memory_space<hbm>>
    tpu.enqueue_indirect_dma source(%dma_start3A_320 : memref<250000x16xf32, #tpu.memory_space<hbm>>) target(%dma_start3A_314 : memref<128x16xf32, #tpu.memory_space<vmem>>) offsets(%dma_start3A_317 : memref<128xi32, #tpu.memory_space<vmem>>) semaphore(%arg17 : memref<!tpu.dma_semaphore, #tpu.memory_space<semaphore_mem>>)
    %scan3A_321 = arith.constant 0 : i32
    %scan3A_322 = arith.constant 0 : i32
    %scan3A_323 = arith.constant 16 : i32
    %scan3A_324 = arith.addi %scan3A_322, %scan3A_323 : i32
    %scan3A_325 = arith.constant 1 : i32
    %scan3A_326 = scf.for %scan3A_337 = %scan3A_322 to %scan3A_324 step %scan3A_325 iter_args(%scan3A_338 = %scan3A_321) -> (i32)  : i32 {
      %mul3A_339 = arith.constant 2 : i32
      %mul3A_340 = arith.muli %scan3A_337, %mul3A_339 : i32
      %add3A_341 = arith.constant 1 : i32
      %add3A_342 = arith.addi %mul3A_340, %add3A_341 : i32
      %mul3A_343 = arith.constant 16 : i32
      %mul3A_344 = arith.muli %add3A_342, %mul3A_343 : i32
      %add3A_345 = arith.addi %mul3A_2, %mul3A_344 : i32
      %mul3A_346 = arith.constant 200 : i32
      %mul3A_347 = arith.muli %add3A_345, %mul3A_346 : i32
      %jit3A_348 = arith.constant 128 : i32
      %div3A_349 = arith.divsi %mul3A_347, %jit3A_348 : i32
      %sign3A_350 = arith.constant 0 : i32
      %sign3A_351 = arith.cmpi sgt, %mul3A_347, %sign3A_350 : i32
      %sign3A_352 = arith.extui %sign3A_351 : i1 to i32
      %sign3A_353 = arith.constant 0 : i32
      %sign3A_354 = arith.cmpi slt, %mul3A_347, %sign3A_353 : i32
      %sign3A_355 = arith.extui %sign3A_354 : i1 to i32
      %sign3A_356 = arith.subi %sign3A_352, %sign3A_355 : i32
      %sign3A_357 = arith.constant 0 : i32
      %sign3A_358 = arith.cmpi sgt, %jit3A_348, %sign3A_357 : i32
      %sign3A_359 = arith.extui %sign3A_358 : i1 to i32
      %sign3A_360 = arith.constant 0 : i32
      %sign3A_361 = arith.cmpi slt, %jit3A_348, %sign3A_360 : i32
      %sign3A_362 = arith.extui %sign3A_361 : i1 to i32
      %sign3A_363 = arith.subi %sign3A_359, %sign3A_362 : i32
      %ne3A_364 = arith.cmpi ne, %sign3A_356, %sign3A_363 : i32
      %rem3A_365 = arith.remsi %mul3A_347, %jit3A_348 : i32
      %ne3A_366 = arith.constant 0 : i32
      %ne3A_367 = arith.cmpi ne, %rem3A_365, %ne3A_366 : i32
      %and3A_368 = arith.andi %ne3A_364, %ne3A_367 : i1
      %sub3A_369 = arith.constant 1 : i32
      %sub3A_370 = arith.subi %div3A_349, %sub3A_369 : i32
      %select_n3A_371 = arith.select %and3A_368, %sub3A_370, %div3A_349 : i32
      "tpu.region"() ({
        %run_scoped3A = tpu.sem_alloc : memref<!tpu.dma_semaphore, #tpu.memory_space<semaphore_mem>>
        %dma_start3A_661 = arith.constant 0 : i32
        %dma_start3A_662 = tpu.memref_slice %arg2[%select_n3A_371, %dma_start3A_661] : memref<25600x128xi32, #tpu.memory_space<hbm>> -> memref<25x128xi32, #tpu.memory_space<hbm>>
        %dma_start3A_663 = arith.constant 0 : i32
        %dma_start3A_664 = tpu.memref_slice %arg2[%select_n3A_371, %dma_start3A_663] : memref<25600x128xi32, #tpu.memory_space<hbm>> -> memref<25x128xi32, #tpu.memory_space<hbm>>
        tpu.enqueue_dma source(%dma_start3A_664 : memref<25x128xi32, #tpu.memory_space<hbm>>) target(%arg8 : memref<25x128xi32, #tpu.memory_space<vmem>>) target_semaphore(%run_scoped3A : memref<!tpu.dma_semaphore, #tpu.memory_space<semaphore_mem>>)
        %dma_wait3A_665 = arith.constant 0 : i32
        %dma_wait3A_666 = tpu.memref_slice %arg2[%select_n3A_371, %dma_wait3A_665] : memref<25600x128xi32, #tpu.memory_space<hbm>> -> memref<25x128xi32, #tpu.memory_space<hbm>>
        %dma_wait3A_667 = arith.constant 0 : i32
        %dma_wait3A_668 = tpu.memref_slice %arg2[%select_n3A_371, %dma_wait3A_667] : memref<25600x128xi32, #tpu.memory_space<hbm>> -> memref<25x128xi32, #tpu.memory_space<hbm>>
        tpu.wait_dma2 semaphore(%run_scoped3A : memref<!tpu.dma_semaphore, #tpu.memory_space<semaphore_mem>>) src(%dma_wait3A_668 : memref<25x128xi32, #tpu.memory_space<hbm>>) dst(%arg8 : memref<25x128xi32, #tpu.memory_space<vmem>>)
        tpu.yield
      }) : () -> ()
      %scan3A_372 = arith.constant 0 : i32
      %scan3A_373 = arith.constant 0 : i32
      %scan3A_374 = arith.constant 200 : i32
      %scan3A_375 = arith.addi %scan3A_373, %scan3A_374 : i32
      %scan3A_376 = arith.constant 8 : i32
      %scan3A_377 = scf.for %scan3A_661 = %scan3A_373 to %scan3A_375 step %scan3A_376 iter_args(%scan3A_662 = %scan3A_372) -> (i32)  : i32 {
        %jit3A_663 = arith.constant 8 : i32
        %div3A_664 = arith.divsi %scan3A_661, %jit3A_663 : i32
        %sign3A_665 = arith.constant 0 : i32
        %sign3A_666 = arith.cmpi sgt, %scan3A_661, %sign3A_665 : i32
        %sign3A_667 = arith.extui %sign3A_666 : i1 to i32
        %sign3A_668 = arith.constant 0 : i32
        %sign3A_669 = arith.cmpi slt, %scan3A_661, %sign3A_668 : i32
        %sign3A_670 = arith.extui %sign3A_669 : i1 to i32
        %sign3A_671 = arith.subi %sign3A_667, %sign3A_670 : i32
        %sign3A_672 = arith.constant 0 : i32
        %sign3A_673 = arith.cmpi sgt, %jit3A_663, %sign3A_672 : i32
        %sign3A_674 = arith.extui %sign3A_673 : i1 to i32
        %sign3A_675 = arith.constant 0 : i32
        %sign3A_676 = arith.cmpi slt, %jit3A_663, %sign3A_675 : i32
        %sign3A_677 = arith.extui %sign3A_676 : i1 to i32
        %sign3A_678 = arith.subi %sign3A_674, %sign3A_677 : i32
        %ne3A_679 = arith.cmpi ne, %sign3A_671, %sign3A_678 : i32
        %rem3A_680 = arith.remsi %scan3A_661, %jit3A_663 : i32
        %ne3A_681 = arith.constant 0 : i32
        %ne3A_682 = arith.cmpi ne, %rem3A_680, %ne3A_681 : i32
        %and3A_683 = arith.andi %ne3A_679, %ne3A_682 : i1
        %sub3A_684 = arith.constant 1 : i32
        %sub3A_685 = arith.subi %div3A_664, %sub3A_684 : i32
        %select_n3A_686 = arith.select %and3A_683, %sub3A_685, %div3A_664 : i32
        %jit3A_687 = arith.constant 8 : i32
        %eq3A = arith.constant 0 : i32
        %eq3A_688 = arith.cmpi eq, %jit3A_687, %eq3A : i32
        %jit3A_689 = arith.constant 1 : i32
        %select_n3A_690 = arith.select %eq3A_688, %jit3A_689, %jit3A_687 : i32
        %rem3A_691 = arith.remsi %scan3A_661, %select_n3A_690 : i32
        %ne3A_692 = arith.constant 0 : i32
        %ne3A_693 = arith.cmpi ne, %rem3A_691, %ne3A_692 : i32
        %lt3A_694 = arith.constant 0 : i32
        %lt3A_695 = arith.cmpi slt, %rem3A_691, %lt3A_694 : i32
        %lt3A_696 = arith.constant 0 : i32
        %lt3A_697 = arith.cmpi slt, %select_n3A_690, %lt3A_696 : i32
        %ne3A_698 = arith.xori %lt3A_695, %lt3A_697 : i1
        %and3A_699 = arith.andi %ne3A_698, %ne3A_693 : i1
        %add3A_700 = arith.addi %rem3A_691, %select_n3A_690 : i32
        %select_n3A_701 = arith.select %and3A_699, %add3A_700, %rem3A_691 : i32
        %mul3A_702 = arith.constant 16 : i32
        %mul3A_703 = arith.muli %select_n3A_701, %mul3A_702 : i32
        %get3A = arith.index_cast %select_n3A_686 : i32 to index
        %get3A_704 = arith.index_cast %mul3A_703 : i32 to index
        %get3A_705 = tpu.vector_load %arg8[%get3A, %get3A_704] {strides = array<i32>} : memref<25x128xi32, #tpu.memory_space<vmem>>, vector<16xi32>,
        %shift_right_arithmetic3A_706 = arith.constant 2 : i32
        %shift_right_arithmetic3A_707 = vector.broadcast %shift_right_arithmetic3A_706 : i32 to vector<16xi32>
        %shift_right_arithmetic3A_708 = arith.shrsi %get3A_705, %shift_right_arithmetic3A_707 : vector<16xi32>
        %mul3A_709 = arith.constant 16 : i32
        %mul3A_710 = arith.muli %select_n3A_701, %mul3A_709 : i32
        %swap3A = arith.index_cast %select_n3A_686 : i32 to index
        %swap3A_711 = arith.index_cast %mul3A_710 : i32 to index
        %swap3A_712 = tpu.vector_load %arg8[%swap3A, %swap3A_711] {strides = array<i32>} : memref<25x128xi32, #tpu.memory_space<vmem>>, vector<16xi32>,
        tpu.vector_store %arg8[%swap3A, %swap3A_711], %shift_right_arithmetic3A_708 {strides = array<i32>} : memref<25x128xi32, #tpu.memory_space<vmem>>, vector<16xi32>,
        %and3A_713 = arith.constant 3 : i32
        %and3A_714 = vector.broadcast %and3A_713 : i32 to vector<16xi32>
        %and3A_715 = arith.andi %get3A_705, %and3A_714 : vector<16xi32>
        %shift_left3A = arith.constant 2 : i32
        %shift_left3A_716 = vector.broadcast %shift_left3A : i32 to vector<16xi32>
        %shift_left3A_717 = arith.shli %and3A_715, %shift_left3A_716 : vector<16xi32>
        %mul3A_718 = arith.constant 128 : i32
        %mul3A_719 = arith.muli %select_n3A_686, %mul3A_718 : i32
        %mul3A_720 = arith.constant 16 : i32
        %mul3A_721 = arith.muli %select_n3A_701, %mul3A_720 : i32
        %add3A_722 = arith.addi %mul3A_719, %mul3A_721 : i32
        %swap3A_723 = arith.index_cast %add3A_722 : i32 to index
        %swap3A_724 = tpu.vector_load %arg12[%swap3A_723] {strides = array<i32>} : memref<3200xi32, #tpu.memory_space<vmem>>, vector<16xi32>,
        tpu.vector_store %arg12[%swap3A_723], %shift_left3A_717 {strides = array<i32>} : memref<3200xi32, #tpu.memory_space<vmem>>, vector<16xi32>,
        %scan3A_725 = arith.constant 0 : i32
        %scan3A_726 = arith.constant 1 : i32
        %scan3A_727 = arith.addi %scan3A_661, %scan3A_726 : i32
        %jit3A_728 = arith.constant 8 : i32
        %div3A_729 = arith.divsi %scan3A_727, %jit3A_728 : i32
        %sign3A_730 = arith.constant 0 : i32
        %sign3A_731 = arith.cmpi sgt, %scan3A_727, %sign3A_730 : i32
        %sign3A_732 = arith.extui %sign3A_731 : i1 to i32
        %sign3A_733 = arith.constant 0 : i32
        %sign3A_734 = arith.cmpi slt, %scan3A_727, %sign3A_733 : i32
        %sign3A_735 = arith.extui %sign3A_734 : i1 to i32
        %sign3A_736 = arith.subi %sign3A_732, %sign3A_735 : i32
        %sign3A_737 = arith.constant 0 : i32
        %sign3A_738 = arith.cmpi sgt, %jit3A_728, %sign3A_737 : i32
        %sign3A_739 = arith.extui %sign3A_738 : i1 to i32
        %sign3A_740 = arith.constant 0 : i32
        %sign3A_741 = arith.cmpi slt, %jit3A_728, %sign3A_740 : i32
        %sign3A_742 = arith.extui %sign3A_741 : i1 to i32
        %sign3A_743 = arith.subi %sign3A_739, %sign3A_742 : i32
        %ne3A_744 = arith.cmpi ne, %sign3A_736, %sign3A_743 : i32
        %rem3A_745 = arith.remsi %scan3A_727, %jit3A_728 : i32
        %ne3A_746 = arith.constant 0 : i32
        %ne3A_747 = arith.cmpi ne, %rem3A_745, %ne3A_746 : i32
        %and3A_748 = arith.andi %ne3A_744, %ne3A_747 : i1
        %sub3A_749 = arith.constant 1 : i32
        %sub3A_750 = arith.subi %div3A_729, %sub3A_749 : i32
        %select_n3A_751 = arith.select %and3A_748, %sub3A_750, %div3A_729 : i32
        %jit3A_752 = arith.constant 8 : i32
        %eq3A_753 = arith.constant 0 : i32
        %eq3A_754 = arith.cmpi eq, %jit3A_752, %eq3A_753 : i32
        %jit3A_755 = arith.constant 1 : i32
        %select_n3A_756 = arith.select %eq3A_754, %jit3A_755, %jit3A_752 : i32
        %rem3A_757 = arith.remsi %scan3A_727, %select_n3A_756 : i32
        %ne3A_758 = arith.constant 0 : i32
        %ne3A_759 = arith.cmpi ne, %rem3A_757, %ne3A_758 : i32
        %lt3A_760 = arith.constant 0 : i32
        %lt3A_761 = arith.cmpi slt, %rem3A_757, %lt3A_760 : i32
        %lt3A_762 = arith.constant 0 : i32
        %lt3A_763 = arith.cmpi slt, %select_n3A_756, %lt3A_762 : i32
        %ne3A_764 = arith.xori %lt3A_761, %lt3A_763 : i1
        %and3A_765 = arith.andi %ne3A_764, %ne3A_759 : i1
        %add3A_766 = arith.addi %rem3A_757, %select_n3A_756 : i32
        %select_n3A_767 = arith.select %and3A_765, %add3A_766, %rem3A_757 : i32
        %mul3A_768 = arith.constant 16 : i32
        %mul3A_769 = arith.muli %select_n3A_767, %mul3A_768 : i32
        %get3A_770 = arith.index_cast %select_n3A_751 : i32 to index
        %get3A_771 = arith.index_cast %mul3A_769 : i32 to index
        %get3A_772 = tpu.vector_load %arg8[%get3A_770, %get3A_771] {strides = array<i32>} : memref<25x128xi32, #tpu.memory_space<vmem>>, vector<16xi32>,
        %shift_right_arithmetic3A_773 = arith.constant 2 : i32
        %shift_right_arithmetic3A_774 = vector.broadcast %shift_right_arithmetic3A_773 : i32 to vector<16xi32>
        %shift_right_arithmetic3A_775 = arith.shrsi %get3A_772, %shift_right_arithmetic3A_774 : vector<16xi32>
        %mul3A_776 = arith.constant 16 : i32
        %mul3A_777 = arith.muli %select_n3A_767, %mul3A_776 : i32
        %swap3A_778 = arith.index_cast %select_n3A_751 : i32 to index
        %swap3A_779 = arith.index_cast %mul3A_777 : i32 to index
        %swap3A_780 = tpu.vector_load %arg8[%swap3A_778, %swap3A_779] {strides = array<i32>} : memref<25x128xi32, #tpu.memory_space<vmem>>, vector<16xi32>,
        tpu.vector_store %arg8[%swap3A_778, %swap3A_779], %shift_right_arithmetic3A_775 {strides = array<i32>} : memref<25x128xi32, #tpu.memory_space<vmem>>, vector<16xi32>,
        %and3A_781 = arith.constant 3 : i32
        %and3A_782 = vector.broadcast %and3A_781 : i32 to vector<16xi32>
        %and3A_783 = arith.andi %get3A_772, %and3A_782 : vector<16xi32>
        %shift_left3A_784 = arith.constant 2 : i32
        %shift_left3A_785 = vector.broadcast %shift_left3A_784 : i32 to vector<16xi32>
        %shift_left3A_786 = arith.shli %and3A_783, %shift_left3A_785 : vector<16xi32>
        %mul3A_787 = arith.constant 128 : i32
        %mul3A_788 = arith.muli %select_n3A_751, %mul3A_787 : i32
        %mul3A_789 = arith.constant 16 : i32
        %mul3A_790 = arith.muli %select_n3A_767, %mul3A_789 : i32
        %add3A_791 = arith.addi %mul3A_788, %mul3A_790 : i32
        %swap3A_792 = arith.index_cast %add3A_791 : i32 to index
        %swap3A_793 = tpu.vector_load %arg12[%swap3A_792] {strides = array<i32>} : memref<3200xi32, #tpu.memory_space<vmem>>, vector<16xi32>,
        tpu.vector_store %arg12[%swap3A_792], %shift_left3A_786 {strides = array<i32>} : memref<3200xi32, #tpu.memory_space<vmem>>, vector<16xi32>,
        %scan3A_794 = arith.constant 0 : i32
        %scan3A_795 = arith.constant 2 : i32
        %scan3A_796 = arith.addi %scan3A_661, %scan3A_795 : i32
        %jit3A_797 = arith.constant 8 : i32
        %div3A_798 = arith.divsi %scan3A_796, %jit3A_797 : i32
        %sign3A_799 = arith.constant 0 : i32
        %sign3A_800 = arith.cmpi sgt, %scan3A_796, %sign3A_799 : i32
        %sign3A_801 = arith.extui %sign3A_800 : i1 to i32
        %sign3A_802 = arith.constant 0 : i32
        %sign3A_803 = arith.cmpi slt, %scan3A_796, %sign3A_802 : i32
        %sign3A_804 = arith.extui %sign3A_803 : i1 to i32
        %sign3A_805 = arith.subi %sign3A_801, %sign3A_804 : i32
        %sign3A_806 = arith.constant 0 : i32
        %sign3A_807 = arith.cmpi sgt, %jit3A_797, %sign3A_806 : i32
        %sign3A_808 = arith.extui %sign3A_807 : i1 to i32
        %sign3A_809 = arith.constant 0 : i32
        %sign3A_810 = arith.cmpi slt, %jit3A_797, %sign3A_809 : i32
        %sign3A_811 = arith.extui %sign3A_810 : i1 to i32
        %sign3A_812 = arith.subi %sign3A_808, %sign3A_811 : i32
        %ne3A_813 = arith.cmpi ne, %sign3A_805, %sign3A_812 : i32
        %rem3A_814 = arith.remsi %scan3A_796, %jit3A_797 : i32
        %ne3A_815 = arith.constant 0 : i32
        %ne3A_816 = arith.cmpi ne, %rem3A_814, %ne3A_815 : i32
        %and3A_817 = arith.andi %ne3A_813, %ne3A_816 : i1
        %sub3A_818 = arith.constant 1 : i32
        %sub3A_819 = arith.subi %div3A_798, %sub3A_818 : i32
        %select_n3A_820 = arith.select %and3A_817, %sub3A_819, %div3A_798 : i32
        %jit3A_821 = arith.constant 8 : i32
        %eq3A_822 = arith.constant 0 : i32
        %eq3A_823 = arith.cmpi eq, %jit3A_821, %eq3A_822 : i32
        %jit3A_824 = arith.constant 1 : i32
        %select_n3A_825 = arith.select %eq3A_823, %jit3A_824, %jit3A_821 : i32
        %rem3A_826 = arith.remsi %scan3A_796, %select_n3A_825 : i32
        %ne3A_827 = arith.constant 0 : i32
        %ne3A_828 = arith.cmpi ne, %rem3A_826, %ne3A_827 : i32
        %lt3A_829 = arith.constant 0 : i32
        %lt3A_830 = arith.cmpi slt, %rem3A_826, %lt3A_829 : i32
        %lt3A_831 = arith.constant 0 : i32
        %lt3A_832 = arith.cmpi slt, %select_n3A_825, %lt3A_831 : i32
        %ne3A_833 = arith.xori %lt3A_830, %lt3A_832 : i1
        %and3A_834 = arith.andi %ne3A_833, %ne3A_828 : i1
        %add3A_835 = arith.addi %rem3A_826, %select_n3A_825 : i32
        %select_n3A_836 = arith.select %and3A_834, %add3A_835, %rem3A_826 : i32
        %mul3A_837 = arith.constant 16 : i32
        %mul3A_838 = arith.muli %select_n3A_836, %mul3A_837 : i32
        %get3A_839 = arith.index_cast %select_n3A_820 : i32 to index
        %get3A_840 = arith.index_cast %mul3A_838 : i32 to index
        %get3A_841 = tpu.vector_load %arg8[%get3A_839, %get3A_840] {strides = array<i32>} : memref<25x128xi32, #tpu.memory_space<vmem>>, vector<16xi32>,
        %shift_right_arithmetic3A_842 = arith.constant 2 : i32
        %shift_right_arithmetic3A_843 = vector.broadcast %shift_right_arithmetic3A_842 : i32 to vector<16xi32>
        %shift_right_arithmetic3A_844 = arith.shrsi %get3A_841, %shift_right_arithmetic3A_843 : vector<16xi32>
        %mul3A_845 = arith.constant 16 : i32
        %mul3A_846 = arith.muli %select_n3A_836, %mul3A_845 : i32
        %swap3A_847 = arith.index_cast %select_n3A_820 : i32 to index
        %swap3A_848 = arith.index_cast %mul3A_846 : i32 to index
        %swap3A_849 = tpu.vector_load %arg8[%swap3A_847, %swap3A_848] {strides = array<i32>} : memref<25x128xi32, #tpu.memory_space<vmem>>, vector<16xi32>,
        tpu.vector_store %arg8[%swap3A_847, %swap3A_848], %shift_right_arithmetic3A_844 {strides = array<i32>} : memref<25x128xi32, #tpu.memory_space<vmem>>, vector<16xi32>,
        %and3A_850 = arith.constant 3 : i32
        %and3A_851 = vector.broadcast %and3A_850 : i32 to vector<16xi32>
        %and3A_852 = arith.andi %get3A_841, %and3A_851 : vector<16xi32>
        %shift_left3A_853 = arith.constant 2 : i32
        %shift_left3A_854 = vector.broadcast %shift_left3A_853 : i32 to vector<16xi32>
        %shift_left3A_855 = arith.shli %and3A_852, %shift_left3A_854 : vector<16xi32>
        %mul3A_856 = arith.constant 128 : i32
        %mul3A_857 = arith.muli %select_n3A_820, %mul3A_856 : i32
        %mul3A_858 = arith.constant 16 : i32
        %mul3A_859 = arith.muli %select_n3A_836, %mul3A_858 : i32
        %add3A_860 = arith.addi %mul3A_857, %mul3A_859 : i32
        %swap3A_861 = arith.index_cast %add3A_860 : i32 to index
        %swap3A_862 = tpu.vector_load %arg12[%swap3A_861] {strides = array<i32>} : memref<3200xi32, #tpu.memory_space<vmem>>, vector<16xi32>,
        tpu.vector_store %arg12[%swap3A_861], %shift_left3A_855 {strides = array<i32>} : memref<3200xi32, #tpu.memory_space<vmem>>, vector<16xi32>,
        %scan3A_863 = arith.constant 0 : i32
        %scan3A_864 = arith.constant 3 : i32
        %scan3A_865 = arith.addi %scan3A_661, %scan3A_864 : i32
        %jit3A_866 = arith.constant 8 : i32
        %div3A_867 = arith.divsi %scan3A_865, %jit3A_866 : i32
        %sign3A_868 = arith.constant 0 : i32
        %sign3A_869 = arith.cmpi sgt, %scan3A_865, %sign3A_868 : i32
        %sign3A_870 = arith.extui %sign3A_869 : i1 to i32
        %sign3A_871 = arith.constant 0 : i32
        %sign3A_872 = arith.cmpi slt, %scan3A_865, %sign3A_871 : i32
        %sign3A_873 = arith.extui %sign3A_872 : i1 to i32
        %sign3A_874 = arith.subi %sign3A_870, %sign3A_873 : i32
        %sign3A_875 = arith.constant 0 : i32
        %sign3A_876 = arith.cmpi sgt, %jit3A_866, %sign3A_875 : i32
        %sign3A_877 = arith.extui %sign3A_876 : i1 to i32
        %sign3A_878 = arith.constant 0 : i32
        %sign3A_879 = arith.cmpi slt, %jit3A_866, %sign3A_878 : i32
        %sign3A_880 = arith.extui %sign3A_879 : i1 to i32
        %sign3A_881 = arith.subi %sign3A_877, %sign3A_880 : i32
        %ne3A_882 = arith.cmpi ne, %sign3A_874, %sign3A_881 : i32
        %rem3A_883 = arith.remsi %scan3A_865, %jit3A_866 : i32
        %ne3A_884 = arith.constant 0 : i32
        %ne3A_885 = arith.cmpi ne, %rem3A_883, %ne3A_884 : i32
        %and3A_886 = arith.andi %ne3A_882, %ne3A_885 : i1
        %sub3A_887 = arith.constant 1 : i32
        %sub3A_888 = arith.subi %div3A_867, %sub3A_887 : i32
        %select_n3A_889 = arith.select %and3A_886, %sub3A_888, %div3A_867 : i32
        %jit3A_890 = arith.constant 8 : i32
        %eq3A_891 = arith.constant 0 : i32
        %eq3A_892 = arith.cmpi eq, %jit3A_890, %eq3A_891 : i32
        %jit3A_893 = arith.constant 1 : i32
        %select_n3A_894 = arith.select %eq3A_892, %jit3A_893, %jit3A_890 : i32
        %rem3A_895 = arith.remsi %scan3A_865, %select_n3A_894 : i32
        %ne3A_896 = arith.constant 0 : i32
        %ne3A_897 = arith.cmpi ne, %rem3A_895, %ne3A_896 : i32
        %lt3A_898 = arith.constant 0 : i32
        %lt3A_899 = arith.cmpi slt, %rem3A_895, %lt3A_898 : i32
        %lt3A_900 = arith.constant 0 : i32
        %lt3A_901 = arith.cmpi slt, %select_n3A_894, %lt3A_900 : i32
        %ne3A_902 = arith.xori %lt3A_899, %lt3A_901 : i1
        %and3A_903 = arith.andi %ne3A_902, %ne3A_897 : i1
        %add3A_904 = arith.addi %rem3A_895, %select_n3A_894 : i32
        %select_n3A_905 = arith.select %and3A_903, %add3A_904, %rem3A_895 : i32
        %mul3A_906 = arith.constant 16 : i32
        %mul3A_907 = arith.muli %select_n3A_905, %mul3A_906 : i32
        %get3A_908 = arith.index_cast %select_n3A_889 : i32 to index
        %get3A_909 = arith.index_cast %mul3A_907 : i32 to index
        %get3A_910 = tpu.vector_load %arg8[%get3A_908, %get3A_909] {strides = array<i32>} : memref<25x128xi32, #tpu.memory_space<vmem>>, vector<16xi32>,
        %shift_right_arithmetic3A_911 = arith.constant 2 : i32
        %shift_right_arithmetic3A_912 = vector.broadcast %shift_right_arithmetic3A_911 : i32 to vector<16xi32>
        %shift_right_arithmetic3A_913 = arith.shrsi %get3A_910, %shift_right_arithmetic3A_912 : vector<16xi32>
        %mul3A_914 = arith.constant 16 : i32
        %mul3A_915 = arith.muli %select_n3A_905, %mul3A_914 : i32
        %swap3A_916 = arith.index_cast %select_n3A_889 : i32 to index
        %swap3A_917 = arith.index_cast %mul3A_915 : i32 to index
        %swap3A_918 = tpu.vector_load %arg8[%swap3A_916, %swap3A_917] {strides = array<i32>} : memref<25x128xi32, #tpu.memory_space<vmem>>, vector<16xi32>,
        tpu.vector_store %arg8[%swap3A_916, %swap3A_917], %shift_right_arithmetic3A_913 {strides = array<i32>} : memref<25x128xi32, #tpu.memory_space<vmem>>, vector<16xi32>,
        %and3A_919 = arith.constant 3 : i32
        %and3A_920 = vector.broadcast %and3A_919 : i32 to vector<16xi32>
        %and3A_921 = arith.andi %get3A_910, %and3A_920 : vector<16xi32>
        %shift_left3A_922 = arith.constant 2 : i32
        %shift_left3A_923 = vector.broadcast %shift_left3A_922 : i32 to vector<16xi32>
        %shift_left3A_924 = arith.shli %and3A_921, %shift_left3A_923 : vector<16xi32>
        %mul3A_925 = arith.constant 128 : i32
        %mul3A_926 = arith.muli %select_n3A_889, %mul3A_925 : i32
        %mul3A_927 = arith.constant 16 : i32
        %mul3A_928 = arith.muli %select_n3A_905, %mul3A_927 : i32
        %add3A_929 = arith.addi %mul3A_926, %mul3A_928 : i32
        %swap3A_930 = arith.index_cast %add3A_929 : i32 to index
        %swap3A_931 = tpu.vector_load %arg12[%swap3A_930] {strides = array<i32>} : memref<3200xi32, #tpu.memory_space<vmem>>, vector<16xi32>,
        tpu.vector_store %arg12[%swap3A_930], %shift_left3A_924 {strides = array<i32>} : memref<3200xi32, #tpu.memory_space<vmem>>, vector<16xi32>,
        %scan3A_932 = arith.constant 0 : i32
        %scan3A_933 = arith.constant 4 : i32
        %scan3A_934 = arith.addi %scan3A_661, %scan3A_933 : i32
        %jit3A_935 = arith.constant 8 : i32
        %div3A_936 = arith.divsi %scan3A_934, %jit3A_935 : i32
        %sign3A_937 = arith.constant 0 : i32
        %sign3A_938 = arith.cmpi sgt, %scan3A_934, %sign3A_937 : i32
        %sign3A_939 = arith.extui %sign3A_938 : i1 to i32
        %sign3A_940 = arith.constant 0 : i32
        %sign3A_941 = arith.cmpi slt, %scan3A_934, %sign3A_940 : i32
        %sign3A_942 = arith.extui %sign3A_941 : i1 to i32
        %sign3A_943 = arith.subi %sign3A_939, %sign3A_942 : i32
        %sign3A_944 = arith.constant 0 : i32
        %sign3A_945 = arith.cmpi sgt, %jit3A_935, %sign3A_944 : i32
        %sign3A_946 = arith.extui %sign3A_945 : i1 to i32
        %sign3A_947 = arith.constant 0 : i32
        %sign3A_948 = arith.cmpi slt, %jit3A_935, %sign3A_947 : i32
        %sign3A_949 = arith.extui %sign3A_948 : i1 to i32
        %sign3A_950 = arith.subi %sign3A_946, %sign3A_949 : i32
        %ne3A_951 = arith.cmpi ne, %sign3A_943, %sign3A_950 : i32
        %rem3A_952 = arith.remsi %scan3A_934, %jit3A_935 : i32
        %ne3A_953 = arith.constant 0 : i32
        %ne3A_954 = arith.cmpi ne, %rem3A_952, %ne3A_953 : i32
        %and3A_955 = arith.andi %ne3A_951, %ne3A_954 : i1
        %sub3A_956 = arith.constant 1 : i32
        %sub3A_957 = arith.subi %div3A_936, %sub3A_956 : i32
        %select_n3A_958 = arith.select %and3A_955, %sub3A_957, %div3A_936 : i32
        %jit3A_959 = arith.constant 8 : i32
        %eq3A_960 = arith.constant 0 : i32
        %eq3A_961 = arith.cmpi eq, %jit3A_959, %eq3A_960 : i32
        %jit3A_962 = arith.constant 1 : i32
        %select_n3A_963 = arith.select %eq3A_961, %jit3A_962, %jit3A_959 : i32
        %rem3A_964 = arith.remsi %scan3A_934, %select_n3A_963 : i32
        %ne3A_965 = arith.constant 0 : i32
        %ne3A_966 = arith.cmpi ne, %rem3A_964, %ne3A_965 : i32
        %lt3A_967 = arith.constant 0 : i32
        %lt3A_968 = arith.cmpi slt, %rem3A_964, %lt3A_967 : i32
        %lt3A_969 = arith.constant 0 : i32
        %lt3A_970 = arith.cmpi slt, %select_n3A_963, %lt3A_969 : i32
        %ne3A_971 = arith.xori %lt3A_968, %lt3A_970 : i1
        %and3A_972 = arith.andi %ne3A_971, %ne3A_966 : i1
        %add3A_973 = arith.addi %rem3A_964, %select_n3A_963 : i32
        %select_n3A_974 = arith.select %and3A_972, %add3A_973, %rem3A_964 : i32
        %mul3A_975 = arith.constant 16 : i32
        %mul3A_976 = arith.muli %select_n3A_974, %mul3A_975 : i32
        %get3A_977 = arith.index_cast %select_n3A_958 : i32 to index
        %get3A_978 = arith.index_cast %mul3A_976 : i32 to index
        %get3A_979 = tpu.vector_load %arg8[%get3A_977, %get3A_978] {strides = array<i32>} : memref<25x128xi32, #tpu.memory_space<vmem>>, vector<16xi32>,
        %shift_right_arithmetic3A_980 = arith.constant 2 : i32
        %shift_right_arithmetic3A_981 = vector.broadcast %shift_right_arithmetic3A_980 : i32 to vector<16xi32>
        %shift_right_arithmetic3A_982 = arith.shrsi %get3A_979, %shift_right_arithmetic3A_981 : vector<16xi32>
        %mul3A_983 = arith.constant 16 : i32
        %mul3A_984 = arith.muli %select_n3A_974, %mul3A_983 : i32
        %swap3A_985 = arith.index_cast %select_n3A_958 : i32 to index
        %swap3A_986 = arith.index_cast %mul3A_984 : i32 to index
        %swap3A_987 = tpu.vector_load %arg8[%swap3A_985, %swap3A_986] {strides = array<i32>} : memref<25x128xi32, #tpu.memory_space<vmem>>, vector<16xi32>,
        tpu.vector_store %arg8[%swap3A_985, %swap3A_986], %shift_right_arithmetic3A_982 {strides = array<i32>} : memref<25x128xi32, #tpu.memory_space<vmem>>, vector<16xi32>,
        %and3A_988 = arith.constant 3 : i32
        %and3A_989 = vector.broadcast %and3A_988 : i32 to vector<16xi32>
        %and3A_990 = arith.andi %get3A_979, %and3A_989 : vector<16xi32>
        %shift_left3A_991 = arith.constant 2 : i32
        %shift_left3A_992 = vector.broadcast %shift_left3A_991 : i32 to vector<16xi32>
        %shift_left3A_993 = arith.shli %and3A_990, %shift_left3A_992 : vector<16xi32>
        %mul3A_994 = arith.constant 128 : i32
        %mul3A_995 = arith.muli %select_n3A_958, %mul3A_994 : i32
        %mul3A_996 = arith.constant 16 : i32
        %mul3A_997 = arith.muli %select_n3A_974, %mul3A_996 : i32
        %add3A_998 = arith.addi %mul3A_995, %mul3A_997 : i32
        %swap3A_999 = arith.index_cast %add3A_998 : i32 to index
        %swap3A_1000 = tpu.vector_load %arg12[%swap3A_999] {strides = array<i32>} : memref<3200xi32, #tpu.memory_space<vmem>>, vector<16xi32>,
        tpu.vector_store %arg12[%swap3A_999], %shift_left3A_993 {strides = array<i32>} : memref<3200xi32, #tpu.memory_space<vmem>>, vector<16xi32>,
        %scan3A_1001 = arith.constant 0 : i32
        %scan3A_1002 = arith.constant 5 : i32
        %scan3A_1003 = arith.addi %scan3A_661, %scan3A_1002 : i32
        %jit3A_1004 = arith.constant 8 : i32
        %div3A_1005 = arith.divsi %scan3A_1003, %jit3A_1004 : i32
        %sign3A_1006 = arith.constant 0 : i32
        %sign3A_1007 = arith.cmpi sgt, %scan3A_1003, %sign3A_1006 : i32
        %sign3A_1008 = arith.extui %sign3A_1007 : i1 to i32
        %sign3A_1009 = arith.constant 0 : i32
        %sign3A_1010 = arith.cmpi slt, %scan3A_1003, %sign3A_1009 : i32
        %sign3A_1011 = arith.extui %sign3A_1010 : i1 to i32
        %sign3A_1012 = arith.subi %sign3A_1008, %sign3A_1011 : i32
        %sign3A_1013 = arith.constant 0 : i32
        %sign3A_1014 = arith.cmpi sgt, %jit3A_1004, %sign3A_1013 : i32
        %sign3A_1015 = arith.extui %sign3A_1014 : i1 to i32
        %sign3A_1016 = arith.constant 0 : i32
        %sign3A_1017 = arith.cmpi slt, %jit3A_1004, %sign3A_1016 : i32
        %sign3A_1018 = arith.extui %sign3A_1017 : i1 to i32
        %sign3A_1019 = arith.subi %sign3A_1015, %sign3A_1018 : i32
        %ne3A_1020 = arith.cmpi ne, %sign3A_1012, %sign3A_1019 : i32
        %rem3A_1021 = arith.remsi %scan3A_1003, %jit3A_1004 : i32
        %ne3A_1022 = arith.constant 0 : i32
        %ne3A_1023 = arith.cmpi ne, %rem3A_1021, %ne3A_1022 : i32
        %and3A_1024 = arith.andi %ne3A_1020, %ne3A_1023 : i1
        %sub3A_1025 = arith.constant 1 : i32
        %sub3A_1026 = arith.subi %div3A_1005, %sub3A_1025 : i32
        %select_n3A_1027 = arith.select %and3A_1024, %sub3A_1026, %div3A_1005 : i32
        %jit3A_1028 = arith.constant 8 : i32
        %eq3A_1029 = arith.constant 0 : i32
        %eq3A_1030 = arith.cmpi eq, %jit3A_1028, %eq3A_1029 : i32
        %jit3A_1031 = arith.constant 1 : i32
        %select_n3A_1032 = arith.select %eq3A_1030, %jit3A_1031, %jit3A_1028 : i32
        %rem3A_1033 = arith.remsi %scan3A_1003, %select_n3A_1032 : i32
        %ne3A_1034 = arith.constant 0 : i32
        %ne3A_1035 = arith.cmpi ne, %rem3A_1033, %ne3A_1034 : i32
        %lt3A_1036 = arith.constant 0 : i32
        %lt3A_1037 = arith.cmpi slt, %rem3A_1033, %lt3A_1036 : i32
        %lt3A_1038 = arith.constant 0 : i32
        %lt3A_1039 = arith.cmpi slt, %select_n3A_1032, %lt3A_1038 : i32
        %ne3A_1040 = arith.xori %lt3A_1037, %lt3A_1039 : i1
        %and3A_1041 = arith.andi %ne3A_1040, %ne3A_1035 : i1
        %add3A_1042 = arith.addi %rem3A_1033, %select_n3A_1032 : i32
        %select_n3A_1043 = arith.select %and3A_1041, %add3A_1042, %rem3A_1033 : i32
        %mul3A_1044 = arith.constant 16 : i32
        %mul3A_1045 = arith.muli %select_n3A_1043, %mul3A_1044 : i32
        %get3A_1046 = arith.index_cast %select_n3A_1027 : i32 to index
        %get3A_1047 = arith.index_cast %mul3A_1045 : i32 to index
        %get3A_1048 = tpu.vector_load %arg8[%get3A_1046, %get3A_1047] {strides = array<i32>} : memref<25x128xi32, #tpu.memory_space<vmem>>, vector<16xi32>,
        %shift_right_arithmetic3A_1049 = arith.constant 2 : i32
        %shift_right_arithmetic3A_1050 = vector.broadcast %shift_right_arithmetic3A_1049 : i32 to vector<16xi32>
        %shift_right_arithmetic3A_1051 = arith.shrsi %get3A_1048, %shift_right_arithmetic3A_1050 : vector<16xi32>
        %mul3A_1052 = arith.constant 16 : i32
        %mul3A_1053 = arith.muli %select_n3A_1043, %mul3A_1052 : i32
        %swap3A_1054 = arith.index_cast %select_n3A_1027 : i32 to index
        %swap3A_1055 = arith.index_cast %mul3A_1053 : i32 to index
        %swap3A_1056 = tpu.vector_load %arg8[%swap3A_1054, %swap3A_1055] {strides = array<i32>} : memref<25x128xi32, #tpu.memory_space<vmem>>, vector<16xi32>,
        tpu.vector_store %arg8[%swap3A_1054, %swap3A_1055], %shift_right_arithmetic3A_1051 {strides = array<i32>} : memref<25x128xi32, #tpu.memory_space<vmem>>, vector<16xi32>,
        %and3A_1057 = arith.constant 3 : i32
        %and3A_1058 = vector.broadcast %and3A_1057 : i32 to vector<16xi32>
        %and3A_1059 = arith.andi %get3A_1048, %and3A_1058 : vector<16xi32>
        %shift_left3A_1060 = arith.constant 2 : i32
        %shift_left3A_1061 = vector.broadcast %shift_left3A_1060 : i32 to vector<16xi32>
        %shift_left3A_1062 = arith.shli %and3A_1059, %shift_left3A_1061 : vector<16xi32>
        %mul3A_1063 = arith.constant 128 : i32
        %mul3A_1064 = arith.muli %select_n3A_1027, %mul3A_1063 : i32
        %mul3A_1065 = arith.constant 16 : i32
        %mul3A_1066 = arith.muli %select_n3A_1043, %mul3A_1065 : i32
        %add3A_1067 = arith.addi %mul3A_1064, %mul3A_1066 : i32
        %swap3A_1068 = arith.index_cast %add3A_1067 : i32 to index
        %swap3A_1069 = tpu.vector_load %arg12[%swap3A_1068] {strides = array<i32>} : memref<3200xi32, #tpu.memory_space<vmem>>, vector<16xi32>,
        tpu.vector_store %arg12[%swap3A_1068], %shift_left3A_1062 {strides = array<i32>} : memref<3200xi32, #tpu.memory_space<vmem>>, vector<16xi32>,
        %scan3A_1070 = arith.constant 0 : i32
        %scan3A_1071 = arith.constant 6 : i32
        %scan3A_1072 = arith.addi %scan3A_661, %scan3A_1071 : i32
        %jit3A_1073 = arith.constant 8 : i32
        %div3A_1074 = arith.divsi %scan3A_1072, %jit3A_1073 : i32
        %sign3A_1075 = arith.constant 0 : i32
        %sign3A_1076 = arith.cmpi sgt, %scan3A_1072, %sign3A_1075 : i32
        %sign3A_1077 = arith.extui %sign3A_1076 : i1 to i32
        %sign3A_1078 = arith.constant 0 : i32
        %sign3A_1079 = arith.cmpi slt, %scan3A_1072, %sign3A_1078 : i32
        %sign3A_1080 = arith.extui %sign3A_1079 : i1 to i32
        %sign3A_1081 = arith.subi %sign3A_1077, %sign3A_1080 : i32
        %sign3A_1082 = arith.constant 0 : i32
        %sign3A_1083 = arith.cmpi sgt, %jit3A_1073, %sign3A_1082 : i32
        %sign3A_1084 = arith.extui %sign3A_1083 : i1 to i32
        %sign3A_1085 = arith.constant 0 : i32
        %sign3A_1086 = arith.cmpi slt, %jit3A_1073, %sign3A_1085 : i32
        %sign3A_1087 = arith.extui %sign3A_1086 : i1 to i32
        %sign3A_1088 = arith.subi %sign3A_1084, %sign3A_1087 : i32
        %ne3A_1089 = arith.cmpi ne, %sign3A_1081, %sign3A_1088 : i32
        %rem3A_1090 = arith.remsi %scan3A_1072, %jit3A_1073 : i32
        %ne3A_1091 = arith.constant 0 : i32
        %ne3A_1092 = arith.cmpi ne, %rem3A_1090, %ne3A_1091 : i32
        %and3A_1093 = arith.andi %ne3A_1089, %ne3A_1092 : i1
        %sub3A_1094 = arith.constant 1 : i32
        %sub3A_1095 = arith.subi %div3A_1074, %sub3A_1094 : i32
        %select_n3A_1096 = arith.select %and3A_1093, %sub3A_1095, %div3A_1074 : i32
        %jit3A_1097 = arith.constant 8 : i32
        %eq3A_1098 = arith.constant 0 : i32
        %eq3A_1099 = arith.cmpi eq, %jit3A_1097, %eq3A_1098 : i32
        %jit3A_1100 = arith.constant 1 : i32
        %select_n3A_1101 = arith.select %eq3A_1099, %jit3A_1100, %jit3A_1097 : i32
        %rem3A_1102 = arith.remsi %scan3A_1072, %select_n3A_1101 : i32
        %ne3A_1103 = arith.constant 0 : i32
        %ne3A_1104 = arith.cmpi ne, %rem3A_1102, %ne3A_1103 : i32
        %lt3A_1105 = arith.constant 0 : i32
        %lt3A_1106 = arith.cmpi slt, %rem3A_1102, %lt3A_1105 : i32
        %lt3A_1107 = arith.constant 0 : i32
        %lt3A_1108 = arith.cmpi slt, %select_n3A_1101, %lt3A_1107 : i32
        %ne3A_1109 = arith.xori %lt3A_1106, %lt3A_1108 : i1
        %and3A_1110 = arith.andi %ne3A_1109, %ne3A_1104 : i1
        %add3A_1111 = arith.addi %rem3A_1102, %select_n3A_1101 : i32
        %select_n3A_1112 = arith.select %and3A_1110, %add3A_1111, %rem3A_1102 : i32
        %mul3A_1113 = arith.constant 16 : i32
        %mul3A_1114 = arith.muli %select_n3A_1112, %mul3A_1113 : i32
        %get3A_1115 = arith.index_cast %select_n3A_1096 : i32 to index
        %get3A_1116 = arith.index_cast %mul3A_1114 : i32 to index
        %get3A_1117 = tpu.vector_load %arg8[%get3A_1115, %get3A_1116] {strides = array<i32>} : memref<25x128xi32, #tpu.memory_space<vmem>>, vector<16xi32>,
        %shift_right_arithmetic3A_1118 = arith.constant 2 : i32
        %shift_right_arithmetic3A_1119 = vector.broadcast %shift_right_arithmetic3A_1118 : i32 to vector<16xi32>
        %shift_right_arithmetic3A_1120 = arith.shrsi %get3A_1117, %shift_right_arithmetic3A_1119 : vector<16xi32>
        %mul3A_1121 = arith.constant 16 : i32
        %mul3A_1122 = arith.muli %select_n3A_1112, %mul3A_1121 : i32
        %swap3A_1123 = arith.index_cast %select_n3A_1096 : i32 to index
        %swap3A_1124 = arith.index_cast %mul3A_1122 : i32 to index
        %swap3A_1125 = tpu.vector_load %arg8[%swap3A_1123, %swap3A_1124] {strides = array<i32>} : memref<25x128xi32, #tpu.memory_space<vmem>>, vector<16xi32>,
        tpu.vector_store %arg8[%swap3A_1123, %swap3A_1124], %shift_right_arithmetic3A_1120 {strides = array<i32>} : memref<25x128xi32, #tpu.memory_space<vmem>>, vector<16xi32>,
        %and3A_1126 = arith.constant 3 : i32
        %and3A_1127 = vector.broadcast %and3A_1126 : i32 to vector<16xi32>
        %and3A_1128 = arith.andi %get3A_1117, %and3A_1127 : vector<16xi32>
        %shift_left3A_1129 = arith.constant 2 : i32
        %shift_left3A_1130 = vector.broadcast %shift_left3A_1129 : i32 to vector<16xi32>
        %shift_left3A_1131 = arith.shli %and3A_1128, %shift_left3A_1130 : vector<16xi32>
        %mul3A_1132 = arith.constant 128 : i32
        %mul3A_1133 = arith.muli %select_n3A_1096, %mul3A_1132 : i32
        %mul3A_1134 = arith.constant 16 : i32
        %mul3A_1135 = arith.muli %select_n3A_1112, %mul3A_1134 : i32
        %add3A_1136 = arith.addi %mul3A_1133, %mul3A_1135 : i32
        %swap3A_1137 = arith.index_cast %add3A_1136 : i32 to index
        %swap3A_1138 = tpu.vector_load %arg12[%swap3A_1137] {strides = array<i32>} : memref<3200xi32, #tpu.memory_space<vmem>>, vector<16xi32>,
        tpu.vector_store %arg12[%swap3A_1137], %shift_left3A_1131 {strides = array<i32>} : memref<3200xi32, #tpu.memory_space<vmem>>, vector<16xi32>,
        %scan3A_1139 = arith.constant 0 : i32
        %scan3A_1140 = arith.constant 7 : i32
        %scan3A_1141 = arith.addi %scan3A_661, %scan3A_1140 : i32
        %jit3A_1142 = arith.constant 8 : i32
        %div3A_1143 = arith.divsi %scan3A_1141, %jit3A_1142 : i32
        %sign3A_1144 = arith.constant 0 : i32
        %sign3A_1145 = arith.cmpi sgt, %scan3A_1141, %sign3A_1144 : i32
        %sign3A_1146 = arith.extui %sign3A_1145 : i1 to i32
        %sign3A_1147 = arith.constant 0 : i32
        %sign3A_1148 = arith.cmpi slt, %scan3A_1141, %sign3A_1147 : i32
        %sign3A_1149 = arith.extui %sign3A_1148 : i1 to i32
        %sign3A_1150 = arith.subi %sign3A_1146, %sign3A_1149 : i32
        %sign3A_1151 = arith.constant 0 : i32
        %sign3A_1152 = arith.cmpi sgt, %jit3A_1142, %sign3A_1151 : i32
        %sign3A_1153 = arith.extui %sign3A_1152 : i1 to i32
        %sign3A_1154 = arith.constant 0 : i32
        %sign3A_1155 = arith.cmpi slt, %jit3A_1142, %sign3A_1154 : i32
        %sign3A_1156 = arith.extui %sign3A_1155 : i1 to i32
        %sign3A_1157 = arith.subi %sign3A_1153, %sign3A_1156 : i32
        %ne3A_1158 = arith.cmpi ne, %sign3A_1150, %sign3A_1157 : i32
        %rem3A_1159 = arith.remsi %scan3A_1141, %jit3A_1142 : i32
        %ne3A_1160 = arith.constant 0 : i32
        %ne3A_1161 = arith.cmpi ne, %rem3A_1159, %ne3A_1160 : i32
        %and3A_1162 = arith.andi %ne3A_1158, %ne3A_1161 : i1
        %sub3A_1163 = arith.constant 1 : i32
        %sub3A_1164 = arith.subi %div3A_1143, %sub3A_1163 : i32
        %select_n3A_1165 = arith.select %and3A_1162, %sub3A_1164, %div3A_1143 : i32
        %jit3A_1166 = arith.constant 8 : i32
        %eq3A_1167 = arith.constant 0 : i32
        %eq3A_1168 = arith.cmpi eq, %jit3A_1166, %eq3A_1167 : i32
        %jit3A_1169 = arith.constant 1 : i32
        %select_n3A_1170 = arith.select %eq3A_1168, %jit3A_1169, %jit3A_1166 : i32
        %rem3A_1171 = arith.remsi %scan3A_1141, %select_n3A_1170 : i32
        %ne3A_1172 = arith.constant 0 : i32
        %ne3A_1173 = arith.cmpi ne, %rem3A_1171, %ne3A_1172 : i32
        %lt3A_1174 = arith.constant 0 : i32
        %lt3A_1175 = arith.cmpi slt, %rem3A_1171, %lt3A_1174 : i32
        %lt3A_1176 = arith.constant 0 : i32
        %lt3A_1177 = arith.cmpi slt, %select_n3A_1170, %lt3A_1176 : i32
        %ne3A_1178 = arith.xori %lt3A_1175, %lt3A_1177 : i1
        %and3A_1179 = arith.andi %ne3A_1178, %ne3A_1173 : i1
        %add3A_1180 = arith.addi %rem3A_1171, %select_n3A_1170 : i32
        %select_n3A_1181 = arith.select %and3A_1179, %add3A_1180, %rem3A_1171 : i32
        %mul3A_1182 = arith.constant 16 : i32
        %mul3A_1183 = arith.muli %select_n3A_1181, %mul3A_1182 : i32
        %get3A_1184 = arith.index_cast %select_n3A_1165 : i32 to index
        %get3A_1185 = arith.index_cast %mul3A_1183 : i32 to index
        %get3A_1186 = tpu.vector_load %arg8[%get3A_1184, %get3A_1185] {strides = array<i32>} : memref<25x128xi32, #tpu.memory_space<vmem>>, vector<16xi32>,
        %shift_right_arithmetic3A_1187 = arith.constant 2 : i32
        %shift_right_arithmetic3A_1188 = vector.broadcast %shift_right_arithmetic3A_1187 : i32 to vector<16xi32>
        %shift_right_arithmetic3A_1189 = arith.shrsi %get3A_1186, %shift_right_arithmetic3A_1188 : vector<16xi32>
        %mul3A_1190 = arith.constant 16 : i32
        %mul3A_1191 = arith.muli %select_n3A_1181, %mul3A_1190 : i32
        %swap3A_1192 = arith.index_cast %select_n3A_1165 : i32 to index
        %swap3A_1193 = arith.index_cast %mul3A_1191 : i32 to index
        %swap3A_1194 = tpu.vector_load %arg8[%swap3A_1192, %swap3A_1193] {strides = array<i32>} : memref<25x128xi32, #tpu.memory_space<vmem>>, vector<16xi32>,
        tpu.vector_store %arg8[%swap3A_1192, %swap3A_1193], %shift_right_arithmetic3A_1189 {strides = array<i32>} : memref<25x128xi32, #tpu.memory_space<vmem>>, vector<16xi32>,
        %and3A_1195 = arith.constant 3 : i32
        %and3A_1196 = vector.broadcast %and3A_1195 : i32 to vector<16xi32>
        %and3A_1197 = arith.andi %get3A_1186, %and3A_1196 : vector<16xi32>
        %shift_left3A_1198 = arith.constant 2 : i32
        %shift_left3A_1199 = vector.broadcast %shift_left3A_1198 : i32 to vector<16xi32>
        %shift_left3A_1200 = arith.shli %and3A_1197, %shift_left3A_1199 : vector<16xi32>
        %mul3A_1201 = arith.constant 128 : i32
        %mul3A_1202 = arith.muli %select_n3A_1165, %mul3A_1201 : i32
        %mul3A_1203 = arith.constant 16 : i32
        %mul3A_1204 = arith.muli %select_n3A_1181, %mul3A_1203 : i32
        %add3A_1205 = arith.addi %mul3A_1202, %mul3A_1204 : i32
        %swap3A_1206 = arith.index_cast %add3A_1205 : i32 to index
        %swap3A_1207 = tpu.vector_load %arg12[%swap3A_1206] {strides = array<i32>} : memref<3200xi32, #tpu.memory_space<vmem>>, vector<16xi32>,
        tpu.vector_store %arg12[%swap3A_1206], %shift_left3A_1200 {strides = array<i32>} : memref<3200xi32, #tpu.memory_space<vmem>>, vector<16xi32>,
        %scan3A_1208 = arith.constant 0 : i32
        scf.yield %scan3A_1208 : i32
      }
      %scan3A_378 = arith.constant 200 : i32
      %dma_start3A_379 = arith.constant 0 : i32
      %dma_start3A_380 = arith.constant 0 : i32
      %dma_start3A_381 = arith.constant 0 : i32
      %dma_start3A_382 = tpu.memref_slice %arg10[%dma_start3A_380, %dma_start3A_381] : memref<3200x16xf32, #tpu.memory_space<vmem>> -> memref<128x16xf32, #tpu.memory_space<vmem>>
      %dma_start3A_383 = arith.constant 0 : i32
      %dma_start3A_384 = tpu.memref_slice %arg8[%dma_start3A_379, %dma_start3A_383] : memref<25x128xi32, #tpu.memory_space<vmem>> -> memref<1x128xi32, #tpu.memory_space<vmem>>
      %dma_start3A_385 = tpu.memref_squeeze %dma_start3A_384 : memref<1x128xi32, #tpu.memory_space<vmem>> -> memref<128xi32, #tpu.memory_space<vmem>>
      %dma_start3A_386 = arith.constant 0 : i32
      %dma_start3A_387 = arith.constant 0 : i32
      %dma_start3A_388 = tpu.memref_slice %arg3[%dma_start3A_386, %dma_start3A_387] : memref<250000x16xf32, #tpu.memory_space<hbm>> -> memref<250000x16xf32, #tpu.memory_space<hbm>>
      tpu.enqueue_indirect_dma source(%dma_start3A_388 : memref<250000x16xf32, #tpu.memory_space<hbm>>) target(%dma_start3A_382 : memref<128x16xf32, #tpu.memory_space<vmem>>) offsets(%dma_start3A_385 : memref<128xi32, #tpu.memory_space<vmem>>) semaphore(%arg18 : memref<!tpu.dma_semaphore, #tpu.memory_space<semaphore_mem>>)
      %dma_start3A_389 = arith.constant 1 : i32
      %dma_start3A_390 = arith.constant 128 : i32
      %dma_start3A_391 = arith.constant 0 : i32
      %dma_start3A_392 = tpu.memref_slice %arg10[%dma_start3A_390, %dma_start3A_391] : memref<3200x16xf32, #tpu.memory_space<vmem>> -> memref<128x16xf32, #tpu.memory_space<vmem>>
      %dma_start3A_393 = arith.constant 0 : i32
      %dma_start3A_394 = tpu.memref_slice %arg8[%dma_start3A_389, %dma_start3A_393] : memref<25x128xi32, #tpu.memory_space<vmem>> -> memref<1x128xi32, #tpu.memory_space<vmem>>
      %dma_start3A_395 = tpu.memref_squeeze %dma_start3A_394 : memref<1x128xi32, #tpu.memory_space<vmem>> -> memref<128xi32, #tpu.memory_space<vmem>>
      %dma_start3A_396 = arith.constant 0 : i32
      %dma_start3A_397 = arith.constant 0 : i32
      %dma_start3A_398 = tpu.memref_slice %arg3[%dma_start3A_396, %dma_start3A_397] : memref<250000x16xf32, #tpu.memory_space<hbm>> -> memref<250000x16xf32, #tpu.memory_space<hbm>>
      tpu.enqueue_indirect_dma source(%dma_start3A_398 : memref<250000x16xf32, #tpu.memory_space<hbm>>) target(%dma_start3A_392 : memref<128x16xf32, #tpu.memory_space<vmem>>) offsets(%dma_start3A_395 : memref<128xi32, #tpu.memory_space<vmem>>) semaphore(%arg18 : memref<!tpu.dma_semaphore, #tpu.memory_space<semaphore_mem>>)
      %dma_start3A_399 = arith.constant 2 : i32
      %dma_start3A_400 = arith.constant 256 : i32
      %dma_start3A_401 = arith.constant 0 : i32
      %dma_start3A_402 = tpu.memref_slice %arg10[%dma_start3A_400, %dma_start3A_401] : memref<3200x16xf32, #tpu.memory_space<vmem>> -> memref<128x16xf32, #tpu.memory_space<vmem>>
      %dma_start3A_403 = arith.constant 0 : i32
      %dma_start3A_404 = tpu.memref_slice %arg8[%dma_start3A_399, %dma_start3A_403] : memref<25x128xi32, #tpu.memory_space<vmem>> -> memref<1x128xi32, #tpu.memory_space<vmem>>
      %dma_start3A_405 = tpu.memref_squeeze %dma_start3A_404 : memref<1x128xi32, #tpu.memory_space<vmem>> -> memref<128xi32, #tpu.memory_space<vmem>>
      %dma_start3A_406 = arith.constant 0 : i32
      %dma_start3A_407 = arith.constant 0 : i32
      %dma_start3A_408 = tpu.memref_slice %arg3[%dma_start3A_406, %dma_start3A_407] : memref<250000x16xf32, #tpu.memory_space<hbm>> -> memref<250000x16xf32, #tpu.memory_space<hbm>>
      tpu.enqueue_indirect_dma source(%dma_start3A_408 : memref<250000x16xf32, #tpu.memory_space<hbm>>) target(%dma_start3A_402 : memref<128x16xf32, #tpu.memory_space<vmem>>) offsets(%dma_start3A_405 : memref<128xi32, #tpu.memory_space<vmem>>) semaphore(%arg18 : memref<!tpu.dma_semaphore, #tpu.memory_space<semaphore_mem>>)
      %dma_start3A_409 = arith.constant 3 : i32
      %dma_start3A_410 = arith.constant 384 : i32
      %dma_start3A_411 = arith.constant 0 : i32
      %dma_start3A_412 = tpu.memref_slice %arg10[%dma_start3A_410, %dma_start3A_411] : memref<3200x16xf32, #tpu.memory_space<vmem>> -> memref<128x16xf32, #tpu.memory_space<vmem>>
      %dma_start3A_413 = arith.constant 0 : i32
      %dma_start3A_414 = tpu.memref_slice %arg8[%dma_start3A_409, %dma_start3A_413] : memref<25x128xi32, #tpu.memory_space<vmem>> -> memref<1x128xi32, #tpu.memory_space<vmem>>
      %dma_start3A_415 = tpu.memref_squeeze %dma_start3A_414 : memref<1x128xi32, #tpu.memory_space<vmem>> -> memref<128xi32, #tpu.memory_space<vmem>>
      %dma_start3A_416 = arith.constant 0 : i32
      %dma_start3A_417 = arith.constant 0 : i32
      %dma_start3A_418 = tpu.memref_slice %arg3[%dma_start3A_416, %dma_start3A_417] : memref<250000x16xf32, #tpu.memory_space<hbm>> -> memref<250000x16xf32, #tpu.memory_space<hbm>>
      tpu.enqueue_indirect_dma source(%dma_start3A_418 : memref<250000x16xf32, #tpu.memory_space<hbm>>) target(%dma_start3A_412 : memref<128x16xf32, #tpu.memory_space<vmem>>) offsets(%dma_start3A_415 : memref<128xi32, #tpu.memory_space<vmem>>) semaphore(%arg18 : memref<!tpu.dma_semaphore, #tpu.memory_space<semaphore_mem>>)
      %dma_start3A_419 = arith.constant 4 : i32
      %dma_start3A_420 = arith.constant 512 : i32
      %dma_start3A_421 = arith.constant 0 : i32
      %dma_start3A_422 = tpu.memref_slice %arg10[%dma_start3A_420, %dma_start3A_421] : memref<3200x16xf32, #tpu.memory_space<vmem>> -> memref<128x16xf32, #tpu.memory_space<vmem>>
      %dma_start3A_423 = arith.constant 0 : i32
      %dma_start3A_424 = tpu.memref_slice %arg8[%dma_start3A_419, %dma_start3A_423] : memref<25x128xi32, #tpu.memory_space<vmem>> -> memref<1x128xi32, #tpu.memory_space<vmem>>
      %dma_start3A_425 = tpu.memref_squeeze %dma_start3A_424 : memref<1x128xi32, #tpu.memory_space<vmem>> -> memref<128xi32, #tpu.memory_space<vmem>>
      %dma_start3A_426 = arith.constant 0 : i32
      %dma_start3A_427 = arith.constant 0 : i32
      %dma_start3A_428 = tpu.memref_slice %arg3[%dma_start3A_426, %dma_start3A_427] : memref<250000x16xf32, #tpu.memory_space<hbm>> -> memref<250000x16xf32, #tpu.memory_space<hbm>>
      tpu.enqueue_indirect_dma source(%dma_start3A_428 : memref<250000x16xf32, #tpu.memory_space<hbm>>) target(%dma_start3A_422 : memref<128x16xf32, #tpu.memory_space<vmem>>) offsets(%dma_start3A_425 : memref<128xi32, #tpu.memory_space<vmem>>) semaphore(%arg18 : memref<!tpu.dma_semaphore, #tpu.memory_space<semaphore_mem>>)
      %dma_start3A_429 = arith.constant 5 : i32
      %dma_start3A_430 = arith.constant 640 : i32
      %dma_start3A_431 = arith.constant 0 : i32
      %dma_start3A_432 = tpu.memref_slice %arg10[%dma_start3A_430, %dma_start3A_431] : memref<3200x16xf32, #tpu.memory_space<vmem>> -> memref<128x16xf32, #tpu.memory_space<vmem>>
      %dma_start3A_433 = arith.constant 0 : i32
      %dma_start3A_434 = tpu.memref_slice %arg8[%dma_start3A_429, %dma_start3A_433] : memref<25x128xi32, #tpu.memory_space<vmem>> -> memref<1x128xi32, #tpu.memory_space<vmem>>
      %dma_start3A_435 = tpu.memref_squeeze %dma_start3A_434 : memref<1x128xi32, #tpu.memory_space<vmem>> -> memref<128xi32, #tpu.memory_space<vmem>>
      %dma_start3A_436 = arith.constant 0 : i32
      %dma_start3A_437 = arith.constant 0 : i32
      %dma_start3A_438 = tpu.memref_slice %arg3[%dma_start3A_436, %dma_start3A_437] : memref<250000x16xf32, #tpu.memory_space<hbm>> -> memref<250000x16xf32, #tpu.memory_space<hbm>>
      tpu.enqueue_indirect_dma source(%dma_start3A_438 : memref<250000x16xf32, #tpu.memory_space<hbm>>) target(%dma_start3A_432 : memref<128x16xf32, #tpu.memory_space<vmem>>) offsets(%dma_start3A_435 : memref<128xi32, #tpu.memory_space<vmem>>) semaphore(%arg18 : memref<!tpu.dma_semaphore, #tpu.memory_space<semaphore_mem>>)
      %dma_start3A_439 = arith.constant 6 : i32
      %dma_start3A_440 = arith.constant 768 : i32
      %dma_start3A_441 = arith.constant 0 : i32
      %dma_start3A_442 = tpu.memref_slice %arg10[%dma_start3A_440, %dma_start3A_441] : memref<3200x16xf32, #tpu.memory_space<vmem>> -> memref<128x16xf32, #tpu.memory_space<vmem>>
      %dma_start3A_443 = arith.constant 0 : i32
      %dma_start3A_444 = tpu.memref_slice %arg8[%dma_start3A_439, %dma_start3A_443] : memref<25x128xi32, #tpu.memory_space<vmem>> -> memref<1x128xi32, #tpu.memory_space<vmem>>
      %dma_start3A_445 = tpu.memref_squeeze %dma_start3A_444 : memref<1x128xi32, #tpu.memory_space<vmem>> -> memref<128xi32, #tpu.memory_space<vmem>>
      %dma_start3A_446 = arith.constant 0 : i32
      %dma_start3A_447 = arith.constant 0 : i32
      %dma_start3A_448 = tpu.memref_slice %arg3[%dma_start3A_446, %dma_start3A_447] : memref<250000x16xf32, #tpu.memory_space<hbm>> -> memref<250000x16xf32, #tpu.memory_space<hbm>>
      tpu.enqueue_indirect_dma source(%dma_start3A_448 : memref<250000x16xf32, #tpu.memory_space<hbm>>) target(%dma_start3A_442 : memref<128x16xf32, #tpu.memory_space<vmem>>) offsets(%dma_start3A_445 : memref<128xi32, #tpu.memory_space<vmem>>) semaphore(%arg18 : memref<!tpu.dma_semaphore, #tpu.memory_space<semaphore_mem>>)
      %dma_start3A_449 = arith.constant 7 : i32
      %dma_start3A_450 = arith.constant 896 : i32
      %dma_start3A_451 = arith.constant 0 : i32
      %dma_start3A_452 = tpu.memref_slice %arg10[%dma_start3A_450, %dma_start3A_451] : memref<3200x16xf32, #tpu.memory_space<vmem>> -> memref<128x16xf32, #tpu.memory_space<vmem>>
      %dma_start3A_453 = arith.constant 0 : i32
      %dma_start3A_454 = tpu.memref_slice %arg8[%dma_start3A_449, %dma_start3A_453] : memref<25x128xi32, #tpu.memory_space<vmem>> -> memref<1x128xi32, #tpu.memory_space<vmem>>
      %dma_start3A_455 = tpu.memref_squeeze %dma_start3A_454 : memref<1x128xi32, #tpu.memory_space<vmem>> -> memref<128xi32, #tpu.memory_space<vmem>>
      %dma_start3A_456 = arith.constant 0 : i32
      %dma_start3A_457 = arith.constant 0 : i32
      %dma_start3A_458 = tpu.memref_slice %arg3[%dma_start3A_456, %dma_start3A_457] : memref<250000x16xf32, #tpu.memory_space<hbm>> -> memref<250000x16xf32, #tpu.memory_space<hbm>>
      tpu.enqueue_indirect_dma source(%dma_start3A_458 : memref<250000x16xf32, #tpu.memory_space<hbm>>) target(%dma_start3A_452 : memref<128x16xf32, #tpu.memory_space<vmem>>) offsets(%dma_start3A_455 : memref<128xi32, #tpu.memory_space<vmem>>) semaphore(%arg18 : memref<!tpu.dma_semaphore, #tpu.memory_space<semaphore_mem>>)
      %dma_start3A_459 = arith.constant 8 : i32
      %dma_start3A_460 = arith.constant 1024 : i32
      %dma_start3A_461 = arith.constant 0 : i32
      %dma_start3A_462 = tpu.memref_slice %arg10[%dma_start3A_460, %dma_start3A_461] : memref<3200x16xf32, #tpu.memory_space<vmem>> -> memref<128x16xf32, #tpu.memory_space<vmem>>
      %dma_start3A_463 = arith.constant 0 : i32
      %dma_start3A_464 = tpu.memref_slice %arg8[%dma_start3A_459, %dma_start3A_463] : memref<25x128xi32, #tpu.memory_space<vmem>> -> memref<1x128xi32, #tpu.memory_space<vmem>>
      %dma_start3A_465 = tpu.memref_squeeze %dma_start3A_464 : memref<1x128xi32, #tpu.memory_space<vmem>> -> memref<128xi32, #tpu.memory_space<vmem>>
      %dma_start3A_466 = arith.constant 0 : i32
      %dma_start3A_467 = arith.constant 0 : i32
      %dma_start3A_468 = tpu.memref_slice %arg3[%dma_start3A_466, %dma_start3A_467] : memref<250000x16xf32, #tpu.memory_space<hbm>> -> memref<250000x16xf32, #tpu.memory_space<hbm>>
      tpu.enqueue_indirect_dma source(%dma_start3A_468 : memref<250000x16xf32, #tpu.memory_space<hbm>>) target(%dma_start3A_462 : memref<128x16xf32, #tpu.memory_space<vmem>>) offsets(%dma_start3A_465 : memref<128xi32, #tpu.memory_space<vmem>>) semaphore(%arg18 : memref<!tpu.dma_semaphore, #tpu.memory_space<semaphore_mem>>)
      %dma_start3A_469 = arith.constant 9 : i32
      %dma_start3A_470 = arith.constant 1152 : i32
      %dma_start3A_471 = arith.constant 0 : i32
      %dma_start3A_472 = tpu.memref_slice %arg10[%dma_start3A_470, %dma_start3A_471] : memref<3200x16xf32, #tpu.memory_space<vmem>> -> memref<128x16xf32, #tpu.memory_space<vmem>>
      %dma_start3A_473 = arith.constant 0 : i32
      %dma_start3A_474 = tpu.memref_slice %arg8[%dma_start3A_469, %dma_start3A_473] : memref<25x128xi32, #tpu.memory_space<vmem>> -> memref<1x128xi32, #tpu.memory_space<vmem>>
      %dma_start3A_475 = tpu.memref_squeeze %dma_start3A_474 : memref<1x128xi32, #tpu.memory_space<vmem>> -> memref<128xi32, #tpu.memory_space<vmem>>
      %dma_start3A_476 = arith.constant 0 : i32
      %dma_start3A_477 = arith.constant 0 : i32
      %dma_start3A_478 = tpu.memref_slice %arg3[%dma_start3A_476, %dma_start3A_477] : memref<250000x16xf32, #tpu.memory_space<hbm>> -> memref<250000x16xf32, #tpu.memory_space<hbm>>
      tpu.enqueue_indirect_dma source(%dma_start3A_478 : memref<250000x16xf32, #tpu.memory_space<hbm>>) target(%dma_start3A_472 : memref<128x16xf32, #tpu.memory_space<vmem>>) offsets(%dma_start3A_475 : memref<128xi32, #tpu.memory_space<vmem>>) semaphore(%arg18 : memref<!tpu.dma_semaphore, #tpu.memory_space<semaphore_mem>>)
      %dma_start3A_479 = arith.constant 10 : i32
      %dma_start3A_480 = arith.constant 1280 : i32
      %dma_start3A_481 = arith.constant 0 : i32
      %dma_start3A_482 = tpu.memref_slice %arg10[%dma_start3A_480, %dma_start3A_481] : memref<3200x16xf32, #tpu.memory_space<vmem>> -> memref<128x16xf32, #tpu.memory_space<vmem>>
      %dma_start3A_483 = arith.constant 0 : i32
      %dma_start3A_484 = tpu.memref_slice %arg8[%dma_start3A_479, %dma_start3A_483] : memref<25x128xi32, #tpu.memory_space<vmem>> -> memref<1x128xi32, #tpu.memory_space<vmem>>
      %dma_start3A_485 = tpu.memref_squeeze %dma_start3A_484 : memref<1x128xi32, #tpu.memory_space<vmem>> -> memref<128xi32, #tpu.memory_space<vmem>>
      %dma_start3A_486 = arith.constant 0 : i32
      %dma_start3A_487 = arith.constant 0 : i32
      %dma_start3A_488 = tpu.memref_slice %arg3[%dma_start3A_486, %dma_start3A_487] : memref<250000x16xf32, #tpu.memory_space<hbm>> -> memref<250000x16xf32, #tpu.memory_space<hbm>>
      tpu.enqueue_indirect_dma source(%dma_start3A_488 : memref<250000x16xf32, #tpu.memory_space<hbm>>) target(%dma_start3A_482 : memref<128x16xf32, #tpu.memory_space<vmem>>) offsets(%dma_start3A_485 : memref<128xi32, #tpu.memory_space<vmem>>) semaphore(%arg18 : memref<!tpu.dma_semaphore, #tpu.memory_space<semaphore_mem>>)
      %dma_start3A_489 = arith.constant 11 : i32
      %dma_start3A_490 = arith.constant 1408 : i32
      %dma_start3A_491 = arith.constant 0 : i32
      %dma_start3A_492 = tpu.memref_slice %arg10[%dma_start3A_490, %dma_start3A_491] : memref<3200x16xf32, #tpu.memory_space<vmem>> -> memref<128x16xf32, #tpu.memory_space<vmem>>
      %dma_start3A_493 = arith.constant 0 : i32
      %dma_start3A_494 = tpu.memref_slice %arg8[%dma_start3A_489, %dma_start3A_493] : memref<25x128xi32, #tpu.memory_space<vmem>> -> memref<1x128xi32, #tpu.memory_space<vmem>>
      %dma_start3A_495 = tpu.memref_squeeze %dma_start3A_494 : memref<1x128xi32, #tpu.memory_space<vmem>> -> memref<128xi32, #tpu.memory_space<vmem>>
      %dma_start3A_496 = arith.constant 0 : i32
      %dma_start3A_497 = arith.constant 0 : i32
      %dma_start3A_498 = tpu.memref_slice %arg3[%dma_start3A_496, %dma_start3A_497] : memref<250000x16xf32, #tpu.memory_space<hbm>> -> memref<250000x16xf32, #tpu.memory_space<hbm>>
      tpu.enqueue_indirect_dma source(%dma_start3A_498 : memref<250000x16xf32, #tpu.memory_space<hbm>>) target(%dma_start3A_492 : memref<128x16xf32, #tpu.memory_space<vmem>>) offsets(%dma_start3A_495 : memref<128xi32, #tpu.memory_space<vmem>>) semaphore(%arg18 : memref<!tpu.dma_semaphore, #tpu.memory_space<semaphore_mem>>)
      %dma_start3A_499 = arith.constant 12 : i32
      %dma_start3A_500 = arith.constant 1536 : i32
      %dma_start3A_501 = arith.constant 0 : i32
      %dma_start3A_502 = tpu.memref_slice %arg10[%dma_start3A_500, %dma_start3A_501] : memref<3200x16xf32, #tpu.memory_space<vmem>> -> memref<128x16xf32, #tpu.memory_space<vmem>>
      %dma_start3A_503 = arith.constant 0 : i32
      %dma_start3A_504 = tpu.memref_slice %arg8[%dma_start3A_499, %dma_start3A_503] : memref<25x128xi32, #tpu.memory_space<vmem>> -> memref<1x128xi32, #tpu.memory_space<vmem>>
      %dma_start3A_505 = tpu.memref_squeeze %dma_start3A_504 : memref<1x128xi32, #tpu.memory_space<vmem>> -> memref<128xi32, #tpu.memory_space<vmem>>
      %dma_start3A_506 = arith.constant 0 : i32
      %dma_start3A_507 = arith.constant 0 : i32
      %dma_start3A_508 = tpu.memref_slice %arg3[%dma_start3A_506, %dma_start3A_507] : memref<250000x16xf32, #tpu.memory_space<hbm>> -> memref<250000x16xf32, #tpu.memory_space<hbm>>
      tpu.enqueue_indirect_dma source(%dma_start3A_508 : memref<250000x16xf32, #tpu.memory_space<hbm>>) target(%dma_start3A_502 : memref<128x16xf32, #tpu.memory_space<vmem>>) offsets(%dma_start3A_505 : memref<128xi32, #tpu.memory_space<vmem>>) semaphore(%arg18 : memref<!tpu.dma_semaphore, #tpu.memory_space<semaphore_mem>>)
      %dma_start3A_509 = arith.constant 13 : i32
      %dma_start3A_510 = arith.constant 1664 : i32
      %dma_start3A_511 = arith.constant 0 : i32
      %dma_start3A_512 = tpu.memref_slice %arg10[%dma_start3A_510, %dma_start3A_511] : memref<3200x16xf32, #tpu.memory_space<vmem>> -> memref<128x16xf32, #tpu.memory_space<vmem>>
      %dma_start3A_513 = arith.constant 0 : i32
      %dma_start3A_514 = tpu.memref_slice %arg8[%dma_start3A_509, %dma_start3A_513] : memref<25x128xi32, #tpu.memory_space<vmem>> -> memref<1x128xi32, #tpu.memory_space<vmem>>
      %dma_start3A_515 = tpu.memref_squeeze %dma_start3A_514 : memref<1x128xi32, #tpu.memory_space<vmem>> -> memref<128xi32, #tpu.memory_space<vmem>>
      %dma_start3A_516 = arith.constant 0 : i32
      %dma_start3A_517 = arith.constant 0 : i32
      %dma_start3A_518 = tpu.memref_slice %arg3[%dma_start3A_516, %dma_start3A_517] : memref<250000x16xf32, #tpu.memory_space<hbm>> -> memref<250000x16xf32, #tpu.memory_space<hbm>>
      tpu.enqueue_indirect_dma source(%dma_start3A_518 : memref<250000x16xf32, #tpu.memory_space<hbm>>) target(%dma_start3A_512 : memref<128x16xf32, #tpu.memory_space<vmem>>) offsets(%dma_start3A_515 : memref<128xi32, #tpu.memory_space<vmem>>) semaphore(%arg18 : memref<!tpu.dma_semaphore, #tpu.memory_space<semaphore_mem>>)
      %dma_start3A_519 = arith.constant 14 : i32
      %dma_start3A_520 = arith.constant 1792 : i32
      %dma_start3A_521 = arith.constant 0 : i32
      %dma_start3A_522 = tpu.memref_slice %arg10[%dma_start3A_520, %dma_start3A_521] : memref<3200x16xf32, #tpu.memory_space<vmem>> -> memref<128x16xf32, #tpu.memory_space<vmem>>
      %dma_start3A_523 = arith.constant 0 : i32
      %dma_start3A_524 = tpu.memref_slice %arg8[%dma_start3A_519, %dma_start3A_523] : memref<25x128xi32, #tpu.memory_space<vmem>> -> memref<1x128xi32, #tpu.memory_space<vmem>>
      %dma_start3A_525 = tpu.memref_squeeze %dma_start3A_524 : memref<1x128xi32, #tpu.memory_space<vmem>> -> memref<128xi32, #tpu.memory_space<vmem>>
      %dma_start3A_526 = arith.constant 0 : i32
      %dma_start3A_527 = arith.constant 0 : i32
      %dma_start3A_528 = tpu.memref_slice %arg3[%dma_start3A_526, %dma_start3A_527] : memref<250000x16xf32, #tpu.memory_space<hbm>> -> memref<250000x16xf32, #tpu.memory_space<hbm>>
      tpu.enqueue_indirect_dma source(%dma_start3A_528 : memref<250000x16xf32, #tpu.memory_space<hbm>>) target(%dma_start3A_522 : memref<128x16xf32, #tpu.memory_space<vmem>>) offsets(%dma_start3A_525 : memref<128xi32, #tpu.memory_space<vmem>>) semaphore(%arg18 : memref<!tpu.dma_semaphore, #tpu.memory_space<semaphore_mem>>)
      %dma_start3A_529 = arith.constant 15 : i32
      %dma_start3A_530 = arith.constant 1920 : i32
      %dma_start3A_531 = arith.constant 0 : i32
      %dma_start3A_532 = tpu.memref_slice %arg10[%dma_start3A_530, %dma_start3A_531] : memref<3200x16xf32, #tpu.memory_space<vmem>> -> memref<128x16xf32, #tpu.memory_space<vmem>>
      %dma_start3A_533 = arith.constant 0 : i32
      %dma_start3A_534 = tpu.memref_slice %arg8[%dma_start3A_529, %dma_start3A_533] : memref<25x128xi32, #tpu.memory_space<vmem>> -> memref<1x128xi32, #tpu.memory_space<vmem>>
      %dma_start3A_535 = tpu.memref_squeeze %dma_start3A_534 : memref<1x128xi32, #tpu.memory_space<vmem>> -> memref<128xi32, #tpu.memory_space<vmem>>
      %dma_start3A_536 = arith.constant 0 : i32
      %dma_start3A_537 = arith.constant 0 : i32
      %dma_start3A_538 = tpu.memref_slice %arg3[%dma_start3A_536, %dma_start3A_537] : memref<250000x16xf32, #tpu.memory_space<hbm>> -> memref<250000x16xf32, #tpu.memory_space<hbm>>
      tpu.enqueue_indirect_dma source(%dma_start3A_538 : memref<250000x16xf32, #tpu.memory_space<hbm>>) target(%dma_start3A_532 : memref<128x16xf32, #tpu.memory_space<vmem>>) offsets(%dma_start3A_535 : memref<128xi32, #tpu.memory_space<vmem>>) semaphore(%arg18 : memref<!tpu.dma_semaphore, #tpu.memory_space<semaphore_mem>>)
      %dma_start3A_539 = arith.constant 16 : i32
      %dma_start3A_540 = arith.constant 2048 : i32
      %dma_start3A_541 = arith.constant 0 : i32
      %dma_start3A_542 = tpu.memref_slice %arg10[%dma_start3A_540, %dma_start3A_541] : memref<3200x16xf32, #tpu.memory_space<vmem>> -> memref<128x16xf32, #tpu.memory_space<vmem>>
      %dma_start3A_543 = arith.constant 0 : i32
      %dma_start3A_544 = tpu.memref_slice %arg8[%dma_start3A_539, %dma_start3A_543] : memref<25x128xi32, #tpu.memory_space<vmem>> -> memref<1x128xi32, #tpu.memory_space<vmem>>
      %dma_start3A_545 = tpu.memref_squeeze %dma_start3A_544 : memref<1x128xi32, #tpu.memory_space<vmem>> -> memref<128xi32, #tpu.memory_space<vmem>>
      %dma_start3A_546 = arith.constant 0 : i32
      %dma_start3A_547 = arith.constant 0 : i32
      %dma_start3A_548 = tpu.memref_slice %arg3[%dma_start3A_546, %dma_start3A_547] : memref<250000x16xf32, #tpu.memory_space<hbm>> -> memref<250000x16xf32, #tpu.memory_space<hbm>>
      tpu.enqueue_indirect_dma source(%dma_start3A_548 : memref<250000x16xf32, #tpu.memory_space<hbm>>) target(%dma_start3A_542 : memref<128x16xf32, #tpu.memory_space<vmem>>) offsets(%dma_start3A_545 : memref<128xi32, #tpu.memory_space<vmem>>) semaphore(%arg18 : memref<!tpu.dma_semaphore, #tpu.memory_space<semaphore_mem>>)
      %dma_start3A_549 = arith.constant 17 : i32
      %dma_start3A_550 = arith.constant 2176 : i32
      %dma_start3A_551 = arith.constant 0 : i32
      %dma_start3A_552 = tpu.memref_slice %arg10[%dma_start3A_550, %dma_start3A_551] : memref<3200x16xf32, #tpu.memory_space<vmem>> -> memref<128x16xf32, #tpu.memory_space<vmem>>
      %dma_start3A_553 = arith.constant 0 : i32
      %dma_start3A_554 = tpu.memref_slice %arg8[%dma_start3A_549, %dma_start3A_553] : memref<25x128xi32, #tpu.memory_space<vmem>> -> memref<1x128xi32, #tpu.memory_space<vmem>>
      %dma_start3A_555 = tpu.memref_squeeze %dma_start3A_554 : memref<1x128xi32, #tpu.memory_space<vmem>> -> memref<128xi32, #tpu.memory_space<vmem>>
      %dma_start3A_556 = arith.constant 0 : i32
      %dma_start3A_557 = arith.constant 0 : i32
      %dma_start3A_558 = tpu.memref_slice %arg3[%dma_start3A_556, %dma_start3A_557] : memref<250000x16xf32, #tpu.memory_space<hbm>> -> memref<250000x16xf32, #tpu.memory_space<hbm>>
      tpu.enqueue_indirect_dma source(%dma_start3A_558 : memref<250000x16xf32, #tpu.memory_space<hbm>>) target(%dma_start3A_552 : memref<128x16xf32, #tpu.memory_space<vmem>>) offsets(%dma_start3A_555 : memref<128xi32, #tpu.memory_space<vmem>>) semaphore(%arg18 : memref<!tpu.dma_semaphore, #tpu.memory_space<semaphore_mem>>)
      %dma_start3A_559 = arith.constant 18 : i32
      %dma_start3A_560 = arith.constant 2304 : i32
      %dma_start3A_561 = arith.constant 0 : i32
      %dma_start3A_562 = tpu.memref_slice %arg10[%dma_start3A_560, %dma_start3A_561] : memref<3200x16xf32, #tpu.memory_space<vmem>> -> memref<128x16xf32, #tpu.memory_space<vmem>>
      %dma_start3A_563 = arith.constant 0 : i32
      %dma_start3A_564 = tpu.memref_slice %arg8[%dma_start3A_559, %dma_start3A_563] : memref<25x128xi32, #tpu.memory_space<vmem>> -> memref<1x128xi32, #tpu.memory_space<vmem>>
      %dma_start3A_565 = tpu.memref_squeeze %dma_start3A_564 : memref<1x128xi32, #tpu.memory_space<vmem>> -> memref<128xi32, #tpu.memory_space<vmem>>
      %dma_start3A_566 = arith.constant 0 : i32
      %dma_start3A_567 = arith.constant 0 : i32
      %dma_start3A_568 = tpu.memref_slice %arg3[%dma_start3A_566, %dma_start3A_567] : memref<250000x16xf32, #tpu.memory_space<hbm>> -> memref<250000x16xf32, #tpu.memory_space<hbm>>
      tpu.enqueue_indirect_dma source(%dma_start3A_568 : memref<250000x16xf32, #tpu.memory_space<hbm>>) target(%dma_start3A_562 : memref<128x16xf32, #tpu.memory_space<vmem>>) offsets(%dma_start3A_565 : memref<128xi32, #tpu.memory_space<vmem>>) semaphore(%arg18 : memref<!tpu.dma_semaphore, #tpu.memory_space<semaphore_mem>>)
      %dma_start3A_569 = arith.constant 19 : i32
      %dma_start3A_570 = arith.constant 2432 : i32
      %dma_start3A_571 = arith.constant 0 : i32
      %dma_start3A_572 = tpu.memref_slice %arg10[%dma_start3A_570, %dma_start3A_571] : memref<3200x16xf32, #tpu.memory_space<vmem>> -> memref<128x16xf32, #tpu.memory_space<vmem>>
      %dma_start3A_573 = arith.constant 0 : i32
      %dma_start3A_574 = tpu.memref_slice %arg8[%dma_start3A_569, %dma_start3A_573] : memref<25x128xi32, #tpu.memory_space<vmem>> -> memref<1x128xi32, #tpu.memory_space<vmem>>
      %dma_start3A_575 = tpu.memref_squeeze %dma_start3A_574 : memref<1x128xi32, #tpu.memory_space<vmem>> -> memref<128xi32, #tpu.memory_space<vmem>>
      %dma_start3A_576 = arith.constant 0 : i32
      %dma_start3A_577 = arith.constant 0 : i32
      %dma_start3A_578 = tpu.memref_slice %arg3[%dma_start3A_576, %dma_start3A_577] : memref<250000x16xf32, #tpu.memory_space<hbm>> -> memref<250000x16xf32, #tpu.memory_space<hbm>>
      tpu.enqueue_indirect_dma source(%dma_start3A_578 : memref<250000x16xf32, #tpu.memory_space<hbm>>) target(%dma_start3A_572 : memref<128x16xf32, #tpu.memory_space<vmem>>) offsets(%dma_start3A_575 : memref<128xi32, #tpu.memory_space<vmem>>) semaphore(%arg18 : memref<!tpu.dma_semaphore, #tpu.memory_space<semaphore_mem>>)
      %dma_start3A_579 = arith.constant 20 : i32
      %dma_start3A_580 = arith.constant 2560 : i32
      %dma_start3A_581 = arith.constant 0 : i32
      %dma_start3A_582 = tpu.memref_slice %arg10[%dma_start3A_580, %dma_start3A_581] : memref<3200x16xf32, #tpu.memory_space<vmem>> -> memref<128x16xf32, #tpu.memory_space<vmem>>
      %dma_start3A_583 = arith.constant 0 : i32
      %dma_start3A_584 = tpu.memref_slice %arg8[%dma_start3A_579, %dma_start3A_583] : memref<25x128xi32, #tpu.memory_space<vmem>> -> memref<1x128xi32, #tpu.memory_space<vmem>>
      %dma_start3A_585 = tpu.memref_squeeze %dma_start3A_584 : memref<1x128xi32, #tpu.memory_space<vmem>> -> memref<128xi32, #tpu.memory_space<vmem>>
      %dma_start3A_586 = arith.constant 0 : i32
      %dma_start3A_587 = arith.constant 0 : i32
      %dma_start3A_588 = tpu.memref_slice %arg3[%dma_start3A_586, %dma_start3A_587] : memref<250000x16xf32, #tpu.memory_space<hbm>> -> memref<250000x16xf32, #tpu.memory_space<hbm>>
      tpu.enqueue_indirect_dma source(%dma_start3A_588 : memref<250000x16xf32, #tpu.memory_space<hbm>>) target(%dma_start3A_582 : memref<128x16xf32, #tpu.memory_space<vmem>>) offsets(%dma_start3A_585 : memref<128xi32, #tpu.memory_space<vmem>>) semaphore(%arg18 : memref<!tpu.dma_semaphore, #tpu.memory_space<semaphore_mem>>)
      %dma_start3A_589 = arith.constant 21 : i32
      %dma_start3A_590 = arith.constant 2688 : i32
      %dma_start3A_591 = arith.constant 0 : i32
      %dma_start3A_592 = tpu.memref_slice %arg10[%dma_start3A_590, %dma_start3A_591] : memref<3200x16xf32, #tpu.memory_space<vmem>> -> memref<128x16xf32, #tpu.memory_space<vmem>>
      %dma_start3A_593 = arith.constant 0 : i32
      %dma_start3A_594 = tpu.memref_slice %arg8[%dma_start3A_589, %dma_start3A_593] : memref<25x128xi32, #tpu.memory_space<vmem>> -> memref<1x128xi32, #tpu.memory_space<vmem>>
      %dma_start3A_595 = tpu.memref_squeeze %dma_start3A_594 : memref<1x128xi32, #tpu.memory_space<vmem>> -> memref<128xi32, #tpu.memory_space<vmem>>
      %dma_start3A_596 = arith.constant 0 : i32
      %dma_start3A_597 = arith.constant 0 : i32
      %dma_start3A_598 = tpu.memref_slice %arg3[%dma_start3A_596, %dma_start3A_597] : memref<250000x16xf32, #tpu.memory_space<hbm>> -> memref<250000x16xf32, #tpu.memory_space<hbm>>
      tpu.enqueue_indirect_dma source(%dma_start3A_598 : memref<250000x16xf32, #tpu.memory_space<hbm>>) target(%dma_start3A_592 : memref<128x16xf32, #tpu.memory_space<vmem>>) offsets(%dma_start3A_595 : memref<128xi32, #tpu.memory_space<vmem>>) semaphore(%arg18 : memref<!tpu.dma_semaphore, #tpu.memory_space<semaphore_mem>>)
      %dma_start3A_599 = arith.constant 22 : i32
      %dma_start3A_600 = arith.constant 2816 : i32
      %dma_start3A_601 = arith.constant 0 : i32
      %dma_start3A_602 = tpu.memref_slice %arg10[%dma_start3A_600, %dma_start3A_601] : memref<3200x16xf32, #tpu.memory_space<vmem>> -> memref<128x16xf32, #tpu.memory_space<vmem>>
      %dma_start3A_603 = arith.constant 0 : i32
      %dma_start3A_604 = tpu.memref_slice %arg8[%dma_start3A_599, %dma_start3A_603] : memref<25x128xi32, #tpu.memory_space<vmem>> -> memref<1x128xi32, #tpu.memory_space<vmem>>
      %dma_start3A_605 = tpu.memref_squeeze %dma_start3A_604 : memref<1x128xi32, #tpu.memory_space<vmem>> -> memref<128xi32, #tpu.memory_space<vmem>>
      %dma_start3A_606 = arith.constant 0 : i32
      %dma_start3A_607 = arith.constant 0 : i32
      %dma_start3A_608 = tpu.memref_slice %arg3[%dma_start3A_606, %dma_start3A_607] : memref<250000x16xf32, #tpu.memory_space<hbm>> -> memref<250000x16xf32, #tpu.memory_space<hbm>>
      tpu.enqueue_indirect_dma source(%dma_start3A_608 : memref<250000x16xf32, #tpu.memory_space<hbm>>) target(%dma_start3A_602 : memref<128x16xf32, #tpu.memory_space<vmem>>) offsets(%dma_start3A_605 : memref<128xi32, #tpu.memory_space<vmem>>) semaphore(%arg18 : memref<!tpu.dma_semaphore, #tpu.memory_space<semaphore_mem>>)
      %dma_start3A_609 = arith.constant 23 : i32
      %dma_start3A_610 = arith.constant 2944 : i32
      %dma_start3A_611 = arith.constant 0 : i32
      %dma_start3A_612 = tpu.memref_slice %arg10[%dma_start3A_610, %dma_start3A_611] : memref<3200x16xf32, #tpu.memory_space<vmem>> -> memref<128x16xf32, #tpu.memory_space<vmem>>
      %dma_start3A_613 = arith.constant 0 : i32
      %dma_start3A_614 = tpu.memref_slice %arg8[%dma_start3A_609, %dma_start3A_613] : memref<25x128xi32, #tpu.memory_space<vmem>> -> memref<1x128xi32, #tpu.memory_space<vmem>>
      %dma_start3A_615 = tpu.memref_squeeze %dma_start3A_614 : memref<1x128xi32, #tpu.memory_space<vmem>> -> memref<128xi32, #tpu.memory_space<vmem>>
      %dma_start3A_616 = arith.constant 0 : i32
      %dma_start3A_617 = arith.constant 0 : i32
      %dma_start3A_618 = tpu.memref_slice %arg3[%dma_start3A_616, %dma_start3A_617] : memref<250000x16xf32, #tpu.memory_space<hbm>> -> memref<250000x16xf32, #tpu.memory_space<hbm>>
      tpu.enqueue_indirect_dma source(%dma_start3A_618 : memref<250000x16xf32, #tpu.memory_space<hbm>>) target(%dma_start3A_612 : memref<128x16xf32, #tpu.memory_space<vmem>>) offsets(%dma_start3A_615 : memref<128xi32, #tpu.memory_space<vmem>>) semaphore(%arg18 : memref<!tpu.dma_semaphore, #tpu.memory_space<semaphore_mem>>)
      %dma_start3A_619 = arith.constant 24 : i32
      %dma_start3A_620 = arith.constant 3072 : i32
      %dma_start3A_621 = arith.constant 0 : i32
      %dma_start3A_622 = tpu.memref_slice %arg10[%dma_start3A_620, %dma_start3A_621] : memref<3200x16xf32, #tpu.memory_space<vmem>> -> memref<128x16xf32, #tpu.memory_space<vmem>>
      %dma_start3A_623 = arith.constant 0 : i32
      %dma_start3A_624 = tpu.memref_slice %arg8[%dma_start3A_619, %dma_start3A_623] : memref<25x128xi32, #tpu.memory_space<vmem>> -> memref<1x128xi32, #tpu.memory_space<vmem>>
      %dma_start3A_625 = tpu.memref_squeeze %dma_start3A_624 : memref<1x128xi32, #tpu.memory_space<vmem>> -> memref<128xi32, #tpu.memory_space<vmem>>
      %dma_start3A_626 = arith.constant 0 : i32
      %dma_start3A_627 = arith.constant 0 : i32
      %dma_start3A_628 = tpu.memref_slice %arg3[%dma_start3A_626, %dma_start3A_627] : memref<250000x16xf32, #tpu.memory_space<hbm>> -> memref<250000x16xf32, #tpu.memory_space<hbm>>
      tpu.enqueue_indirect_dma source(%dma_start3A_628 : memref<250000x16xf32, #tpu.memory_space<hbm>>) target(%dma_start3A_622 : memref<128x16xf32, #tpu.memory_space<vmem>>) offsets(%dma_start3A_625 : memref<128xi32, #tpu.memory_space<vmem>>) semaphore(%arg18 : memref<!tpu.dma_semaphore, #tpu.memory_space<semaphore_mem>>)
      %dma_wait3A = arith.constant 0 : i32
      %dma_wait3A_629 = arith.constant 0 : i32
      %dma_wait3A_630 = tpu.memref_slice %arg3[%dma_wait3A, %dma_wait3A_629] : memref<250000x16xf32, #tpu.memory_space<hbm>> -> memref<3200x16xf32, #tpu.memory_space<hbm>>
      %dma_wait3A_631 = arith.constant 0 : i32
      %dma_wait3A_632 = arith.constant 0 : i32
      %dma_wait3A_633 = tpu.memref_slice %arg3[%dma_wait3A_631, %dma_wait3A_632] : memref<250000x16xf32, #tpu.memory_space<hbm>> -> memref<3200x16xf32, #tpu.memory_space<hbm>>
      tpu.wait_dma2 semaphore(%arg17 : memref<!tpu.dma_semaphore, #tpu.memory_space<semaphore_mem>>) src(%dma_wait3A_633 : memref<3200x16xf32, #tpu.memory_space<hbm>>) dst(%arg9 : memref<3200x16xf32, #tpu.memory_space<vmem>>)
      %scan3A_634 = arith.constant 0 : i32
      %scan3A_635 = arith.constant 0 : i32
      %scan3A_636 = arith.constant 4 : i32
      %scan3A_637 = arith.addi %scan3A_635, %scan3A_636 : i32
      %scan3A_638 = arith.constant 1 : i32
      %scan3A_639 = scf.for %scan3A_661 = %scan3A_635 to %scan3A_637 step %scan3A_638 iter_args(%scan3A_662 = %scan3A_634) -> (i32)  : i32 {
        %mul3A_663 = arith.constant 800 : i32
        %mul3A_664 = arith.muli %scan3A_661, %mul3A_663 : i32
        %add3A_665 = vector.broadcast %mul3A_664 : i32 to vector<16xi32>
        %add3A_666 = arith.addi %mul3A_9, %add3A_665 : vector<16xi32>
        %scan3A_667 = arith.constant 0 : i32
        %scan3A_668 = arith.constant 200 : i32
        %scan3A_669 = arith.addi %scan3A_667, %scan3A_668 : i32
        %scan3A_670 = arith.constant 8 : i32
        %scan3A_671 = scf.for %scan3A_682 = %scan3A_667 to %scan3A_669 step %scan3A_670 iter_args(%scan3A_683 = %broadcast_in_dim3A_16) -> (vector<16xf32>)  : i32 {
          %add3A_684 = vector.broadcast %scan3A_682 : i32 to vector<16xi32>
          %add3A_685 = arith.addi %add3A_666, %add3A_684 : vector<16xi32>
          %gather3A_686 = tpu.vector_load_idx %arg11[%add3A_685] : memref<3200xi32, #tpu.memory_space<vmem>>[vector<16xi32>], vector<16xi32>,
          %add3A_687 = vector.broadcast %scan3A_682 : i32 to vector<16xi32>
          %add3A_688 = arith.addi %add3A_666, %add3A_687 : vector<16xi32>
          %add3A_689 = arith.addi %gather3A_686, %and3A_6 : vector<16xi32>
          %gather3A_690 = tpu.vector_load_idx %arg9[%add3A_688, %add3A_689] : memref<3200x16xf32, #tpu.memory_space<vmem>>[vector<16xi32>, vector<16xi32>], vector<16xf32>,
          %max3A = arith.maximumf %scan3A_683, %gather3A_690 : vector<16xf32>
          %scan3A_691 = arith.constant 1 : i32
          %scan3A_692 = arith.addi %scan3A_682, %scan3A_691 : i32
          %add3A_693 = vector.broadcast %scan3A_692 : i32 to vector<16xi32>
          %add3A_694 = arith.addi %add3A_666, %add3A_693 : vector<16xi32>
          %gather3A_695 = tpu.vector_load_idx %arg11[%add3A_694] : memref<3200xi32, #tpu.memory_space<vmem>>[vector<16xi32>], vector<16xi32>,
          %add3A_696 = vector.broadcast %scan3A_692 : i32 to vector<16xi32>
          %add3A_697 = arith.addi %add3A_666, %add3A_696 : vector<16xi32>
          %add3A_698 = arith.addi %gather3A_695, %and3A_6 : vector<16xi32>
          %gather3A_699 = tpu.vector_load_idx %arg9[%add3A_697, %add3A_698] : memref<3200x16xf32, #tpu.memory_space<vmem>>[vector<16xi32>, vector<16xi32>], vector<16xf32>,
          %max3A_700 = arith.maximumf %max3A, %gather3A_699 : vector<16xf32>
          %scan3A_701 = arith.constant 2 : i32
          %scan3A_702 = arith.addi %scan3A_682, %scan3A_701 : i32
          %add3A_703 = vector.broadcast %scan3A_702 : i32 to vector<16xi32>
          %add3A_704 = arith.addi %add3A_666, %add3A_703 : vector<16xi32>
          %gather3A_705 = tpu.vector_load_idx %arg11[%add3A_704] : memref<3200xi32, #tpu.memory_space<vmem>>[vector<16xi32>], vector<16xi32>,
          %add3A_706 = vector.broadcast %scan3A_702 : i32 to vector<16xi32>
          %add3A_707 = arith.addi %add3A_666, %add3A_706 : vector<16xi32>
          %add3A_708 = arith.addi %gather3A_705, %and3A_6 : vector<16xi32>
          %gather3A_709 = tpu.vector_load_idx %arg9[%add3A_707, %add3A_708] : memref<3200x16xf32, #tpu.memory_space<vmem>>[vector<16xi32>, vector<16xi32>], vector<16xf32>,
          %max3A_710 = arith.maximumf %max3A_700, %gather3A_709 : vector<16xf32>
          %scan3A_711 = arith.constant 3 : i32
          %scan3A_712 = arith.addi %scan3A_682, %scan3A_711 : i32
          %add3A_713 = vector.broadcast %scan3A_712 : i32 to vector<16xi32>
          %add3A_714 = arith.addi %add3A_666, %add3A_713 : vector<16xi32>
          %gather3A_715 = tpu.vector_load_idx %arg11[%add3A_714] : memref<3200xi32, #tpu.memory_space<vmem>>[vector<16xi32>], vector<16xi32>,
          %add3A_716 = vector.broadcast %scan3A_712 : i32 to vector<16xi32>
          %add3A_717 = arith.addi %add3A_666, %add3A_716 : vector<16xi32>
          %add3A_718 = arith.addi %gather3A_715, %and3A_6 : vector<16xi32>
          %gather3A_719 = tpu.vector_load_idx %arg9[%add3A_717, %add3A_718] : memref<3200x16xf32, #tpu.memory_space<vmem>>[vector<16xi32>, vector<16xi32>], vector<16xf32>,
          %max3A_720 = arith.maximumf %max3A_710, %gather3A_719 : vector<16xf32>
          %scan3A_721 = arith.constant 4 : i32
          %scan3A_722 = arith.addi %scan3A_682, %scan3A_721 : i32
          %add3A_723 = vector.broadcast %scan3A_722 : i32 to vector<16xi32>
          %add3A_724 = arith.addi %add3A_666, %add3A_723 : vector<16xi32>
          %gather3A_725 = tpu.vector_load_idx %arg11[%add3A_724] : memref<3200xi32, #tpu.memory_space<vmem>>[vector<16xi32>], vector<16xi32>,
          %add3A_726 = vector.broadcast %scan3A_722 : i32 to vector<16xi32>
          %add3A_727 = arith.addi %add3A_666, %add3A_726 : vector<16xi32>
          %add3A_728 = arith.addi %gather3A_725, %and3A_6 : vector<16xi32>
          %gather3A_729 = tpu.vector_load_idx %arg9[%add3A_727, %add3A_728] : memref<3200x16xf32, #tpu.memory_space<vmem>>[vector<16xi32>, vector<16xi32>], vector<16xf32>,
          %max3A_730 = arith.maximumf %max3A_720, %gather3A_729 : vector<16xf32>
          %scan3A_731 = arith.constant 5 : i32
          %scan3A_732 = arith.addi %scan3A_682, %scan3A_731 : i32
          %add3A_733 = vector.broadcast %scan3A_732 : i32 to vector<16xi32>
          %add3A_734 = arith.addi %add3A_666, %add3A_733 : vector<16xi32>
          %gather3A_735 = tpu.vector_load_idx %arg11[%add3A_734] : memref<3200xi32, #tpu.memory_space<vmem>>[vector<16xi32>], vector<16xi32>,
          %add3A_736 = vector.broadcast %scan3A_732 : i32 to vector<16xi32>
          %add3A_737 = arith.addi %add3A_666, %add3A_736 : vector<16xi32>
          %add3A_738 = arith.addi %gather3A_735, %and3A_6 : vector<16xi32>
          %gather3A_739 = tpu.vector_load_idx %arg9[%add3A_737, %add3A_738] : memref<3200x16xf32, #tpu.memory_space<vmem>>[vector<16xi32>, vector<16xi32>], vector<16xf32>,
          %max3A_740 = arith.maximumf %max3A_730, %gather3A_739 : vector<16xf32>
          %scan3A_741 = arith.constant 6 : i32
          %scan3A_742 = arith.addi %scan3A_682, %scan3A_741 : i32
          %add3A_743 = vector.broadcast %scan3A_742 : i32 to vector<16xi32>
          %add3A_744 = arith.addi %add3A_666, %add3A_743 : vector<16xi32>
          %gather3A_745 = tpu.vector_load_idx %arg11[%add3A_744] : memref<3200xi32, #tpu.memory_space<vmem>>[vector<16xi32>], vector<16xi32>,
          %add3A_746 = vector.broadcast %scan3A_742 : i32 to vector<16xi32>
          %add3A_747 = arith.addi %add3A_666, %add3A_746 : vector<16xi32>
          %add3A_748 = arith.addi %gather3A_745, %and3A_6 : vector<16xi32>
          %gather3A_749 = tpu.vector_load_idx %arg9[%add3A_747, %add3A_748] : memref<3200x16xf32, #tpu.memory_space<vmem>>[vector<16xi32>, vector<16xi32>], vector<16xf32>,
          %max3A_750 = arith.maximumf %max3A_740, %gather3A_749 : vector<16xf32>
          %scan3A_751 = arith.constant 7 : i32
          %scan3A_752 = arith.addi %scan3A_682, %scan3A_751 : i32
          %add3A_753 = vector.broadcast %scan3A_752 : i32 to vector<16xi32>
          %add3A_754 = arith.addi %add3A_666, %add3A_753 : vector<16xi32>
          %gather3A_755 = tpu.vector_load_idx %arg11[%add3A_754] : memref<3200xi32, #tpu.memory_space<vmem>>[vector<16xi32>], vector<16xi32>,
          %add3A_756 = vector.broadcast %scan3A_752 : i32 to vector<16xi32>
          %add3A_757 = arith.addi %add3A_666, %add3A_756 : vector<16xi32>
          %add3A_758 = arith.addi %gather3A_755, %and3A_6 : vector<16xi32>
          %gather3A_759 = tpu.vector_load_idx %arg9[%add3A_757, %add3A_758] : memref<3200x16xf32, #tpu.memory_space<vmem>>[vector<16xi32>, vector<16xi32>], vector<16xf32>,
          %max3A_760 = arith.maximumf %max3A_750, %gather3A_759 : vector<16xf32>
          scf.yield %max3A_760 : vector<16xf32>
        }
        %scan3A_672 = arith.constant 200 : i32
        %mul3A_673 = arith.constant 16 : i32
        %mul3A_674 = arith.muli %mul3A_340, %mul3A_673 : i32
        %mul3A_675 = arith.constant 4 : i32
        %mul3A_676 = arith.muli %scan3A_661, %mul3A_675 : i32
        %add3A_677 = arith.addi %mul3A_674, %mul3A_676 : i32
        %mul3A_678 = arith.constant 4 : i32
        %mul3A_679 = arith.muli %add3A_677, %mul3A_678 : i32
        %swap3A = arith.index_cast %mul3A_679 : i32 to index
        %swap3A_680 = tpu.vector_load %arg13[%swap3A] {strides = array<i32>} : memref<2048xf32, #tpu.memory_space<vmem>>, vector<16xf32>,
        tpu.vector_store %arg13[%swap3A], %scan3A_671 {strides = array<i32>} : memref<2048xf32, #tpu.memory_space<vmem>>, vector<16xf32>,
        %scan3A_681 = arith.constant 0 : i32
        scf.yield %scan3A_681 : i32
      }
      %scan3A_640 = arith.constant 4 : i32
      %add3A_641 = arith.constant 2 : i32
      %add3A_642 = arith.addi %mul3A_340, %add3A_641 : i32
      %lt3A = arith.constant 32 : i32
      %lt3A_643 = arith.cmpi slt, %add3A_642, %lt3A : i32
      %convert_element_type3A = arith.extui %lt3A_643 : i1 to i32
      %cond3A = arith.constant 0 : i32
      %cond3A_644 = arith.cmpi ne, %convert_element_type3A, %cond3A : i32
      scf.if %cond3A_644 {
        %add3A_661 = arith.constant 2 : i32
        %add3A_662 = arith.addi %mul3A_340, %add3A_661 : i32
        %mul3A_663 = arith.constant 16 : i32
        %mul3A_664 = arith.muli %add3A_662, %mul3A_663 : i32
        %add3A_665 = arith.addi %mul3A_2, %mul3A_664 : i32
        %mul3A_666 = arith.constant 200 : i32
        %mul3A_667 = arith.muli %add3A_665, %mul3A_666 : i32
        %jit3A_668 = arith.constant 128 : i32
        %div3A_669 = arith.divsi %mul3A_667, %jit3A_668 : i32
        %sign3A_670 = arith.constant 0 : i32
        %sign3A_671 = arith.cmpi sgt, %mul3A_667, %sign3A_670 : i32
        %sign3A_672 = arith.extui %sign3A_671 : i1 to i32
        %sign3A_673 = arith.constant 0 : i32
        %sign3A_674 = arith.cmpi slt, %mul3A_667, %sign3A_673 : i32
        %sign3A_675 = arith.extui %sign3A_674 : i1 to i32
        %sign3A_676 = arith.subi %sign3A_672, %sign3A_675 : i32
        %sign3A_677 = arith.constant 0 : i32
        %sign3A_678 = arith.cmpi sgt, %jit3A_668, %sign3A_677 : i32
        %sign3A_679 = arith.extui %sign3A_678 : i1 to i32
        %sign3A_680 = arith.constant 0 : i32
        %sign3A_681 = arith.cmpi slt, %jit3A_668, %sign3A_680 : i32
        %sign3A_682 = arith.extui %sign3A_681 : i1 to i32
        %sign3A_683 = arith.subi %sign3A_679, %sign3A_682 : i32
        %ne3A_684 = arith.cmpi ne, %sign3A_676, %sign3A_683 : i32
        %rem3A_685 = arith.remsi %mul3A_667, %jit3A_668 : i32
        %ne3A_686 = arith.constant 0 : i32
        %ne3A_687 = arith.cmpi ne, %rem3A_685, %ne3A_686 : i32
        %and3A_688 = arith.andi %ne3A_684, %ne3A_687 : i1
        %sub3A_689 = arith.constant 1 : i32
        %sub3A_690 = arith.subi %div3A_669, %sub3A_689 : i32
        %select_n3A_691 = arith.select %and3A_688, %sub3A_690, %div3A_669 : i32
        "tpu.region"() ({
          %run_scoped3A = tpu.sem_alloc : memref<!tpu.dma_semaphore, #tpu.memory_space<semaphore_mem>>
          %dma_start3A_949 = arith.constant 0 : i32
          %dma_start3A_950 = tpu.memref_slice %arg2[%select_n3A_691, %dma_start3A_949] : memref<25600x128xi32, #tpu.memory_space<hbm>> -> memref<25x128xi32, #tpu.memory_space<hbm>>
          %dma_start3A_951 = arith.constant 0 : i32
          %dma_start3A_952 = tpu.memref_slice %arg2[%select_n3A_691, %dma_start3A_951] : memref<25600x128xi32, #tpu.memory_space<hbm>> -> memref<25x128xi32, #tpu.memory_space<hbm>>
          tpu.enqueue_dma source(%dma_start3A_952 : memref<25x128xi32, #tpu.memory_space<hbm>>) target(%arg7 : memref<25x128xi32, #tpu.memory_space<vmem>>) target_semaphore(%run_scoped3A : memref<!tpu.dma_semaphore, #tpu.memory_space<semaphore_mem>>)
          %dma_wait3A_953 = arith.constant 0 : i32
          %dma_wait3A_954 = tpu.memref_slice %arg2[%select_n3A_691, %dma_wait3A_953] : memref<25600x128xi32, #tpu.memory_space<hbm>> -> memref<25x128xi32, #tpu.memory_space<hbm>>
          %dma_wait3A_955 = arith.constant 0 : i32
          %dma_wait3A_956 = tpu.memref_slice %arg2[%select_n3A_691, %dma_wait3A_955] : memref<25600x128xi32, #tpu.memory_space<hbm>> -> memref<25x128xi32, #tpu.memory_space<hbm>>
          tpu.wait_dma2 semaphore(%run_scoped3A : memref<!tpu.dma_semaphore, #tpu.memory_space<semaphore_mem>>) src(%dma_wait3A_956 : memref<25x128xi32, #tpu.memory_space<hbm>>) dst(%arg7 : memref<25x128xi32, #tpu.memory_space<vmem>>)
          tpu.yield
        }) : () -> ()
        %scan3A_692 = arith.constant 0 : i32
        %scan3A_693 = arith.constant 0 : i32
        %scan3A_694 = arith.constant 200 : i32
        %scan3A_695 = arith.addi %scan3A_693, %scan3A_694 : i32
        %scan3A_696 = arith.constant 8 : i32
        %scan3A_697 = scf.for %scan3A_949 = %scan3A_693 to %scan3A_695 step %scan3A_696 iter_args(%scan3A_950 = %scan3A_692) -> (i32)  : i32 {
          %jit3A_951 = arith.constant 8 : i32
          %div3A_952 = arith.divsi %scan3A_949, %jit3A_951 : i32
          %sign3A_953 = arith.constant 0 : i32
          %sign3A_954 = arith.cmpi sgt, %scan3A_949, %sign3A_953 : i32
          %sign3A_955 = arith.extui %sign3A_954 : i1 to i32
          %sign3A_956 = arith.constant 0 : i32
          %sign3A_957 = arith.cmpi slt, %scan3A_949, %sign3A_956 : i32
          %sign3A_958 = arith.extui %sign3A_957 : i1 to i32
          %sign3A_959 = arith.subi %sign3A_955, %sign3A_958 : i32
          %sign3A_960 = arith.constant 0 : i32
          %sign3A_961 = arith.cmpi sgt, %jit3A_951, %sign3A_960 : i32
          %sign3A_962 = arith.extui %sign3A_961 : i1 to i32
          %sign3A_963 = arith.constant 0 : i32
          %sign3A_964 = arith.cmpi slt, %jit3A_951, %sign3A_963 : i32
          %sign3A_965 = arith.extui %sign3A_964 : i1 to i32
          %sign3A_966 = arith.subi %sign3A_962, %sign3A_965 : i32
          %ne3A_967 = arith.cmpi ne, %sign3A_959, %sign3A_966 : i32
          %rem3A_968 = arith.remsi %scan3A_949, %jit3A_951 : i32
          %ne3A_969 = arith.constant 0 : i32
          %ne3A_970 = arith.cmpi ne, %rem3A_968, %ne3A_969 : i32
          %and3A_971 = arith.andi %ne3A_967, %ne3A_970 : i1
          %sub3A_972 = arith.constant 1 : i32
          %sub3A_973 = arith.subi %div3A_952, %sub3A_972 : i32
          %select_n3A_974 = arith.select %and3A_971, %sub3A_973, %div3A_952 : i32
          %jit3A_975 = arith.constant 8 : i32
          %eq3A = arith.constant 0 : i32
          %eq3A_976 = arith.cmpi eq, %jit3A_975, %eq3A : i32
          %jit3A_977 = arith.constant 1 : i32
          %select_n3A_978 = arith.select %eq3A_976, %jit3A_977, %jit3A_975 : i32
          %rem3A_979 = arith.remsi %scan3A_949, %select_n3A_978 : i32
          %ne3A_980 = arith.constant 0 : i32
          %ne3A_981 = arith.cmpi ne, %rem3A_979, %ne3A_980 : i32
          %lt3A_982 = arith.constant 0 : i32
          %lt3A_983 = arith.cmpi slt, %rem3A_979, %lt3A_982 : i32
          %lt3A_984 = arith.constant 0 : i32
          %lt3A_985 = arith.cmpi slt, %select_n3A_978, %lt3A_984 : i32
          %ne3A_986 = arith.xori %lt3A_983, %lt3A_985 : i1
          %and3A_987 = arith.andi %ne3A_986, %ne3A_981 : i1
          %add3A_988 = arith.addi %rem3A_979, %select_n3A_978 : i32
          %select_n3A_989 = arith.select %and3A_987, %add3A_988, %rem3A_979 : i32
          %mul3A_990 = arith.constant 16 : i32
          %mul3A_991 = arith.muli %select_n3A_989, %mul3A_990 : i32
          %get3A = arith.index_cast %select_n3A_974 : i32 to index
          %get3A_992 = arith.index_cast %mul3A_991 : i32 to index
          %get3A_993 = tpu.vector_load %arg7[%get3A, %get3A_992] {strides = array<i32>} : memref<25x128xi32, #tpu.memory_space<vmem>>, vector<16xi32>,
          %shift_right_arithmetic3A_994 = arith.constant 2 : i32
          %shift_right_arithmetic3A_995 = vector.broadcast %shift_right_arithmetic3A_994 : i32 to vector<16xi32>
          %shift_right_arithmetic3A_996 = arith.shrsi %get3A_993, %shift_right_arithmetic3A_995 : vector<16xi32>
          %mul3A_997 = arith.constant 16 : i32
          %mul3A_998 = arith.muli %select_n3A_989, %mul3A_997 : i32
          %swap3A = arith.index_cast %select_n3A_974 : i32 to index
          %swap3A_999 = arith.index_cast %mul3A_998 : i32 to index
          %swap3A_1000 = tpu.vector_load %arg7[%swap3A, %swap3A_999] {strides = array<i32>} : memref<25x128xi32, #tpu.memory_space<vmem>>, vector<16xi32>,
          tpu.vector_store %arg7[%swap3A, %swap3A_999], %shift_right_arithmetic3A_996 {strides = array<i32>} : memref<25x128xi32, #tpu.memory_space<vmem>>, vector<16xi32>,
          %and3A_1001 = arith.constant 3 : i32
          %and3A_1002 = vector.broadcast %and3A_1001 : i32 to vector<16xi32>
          %and3A_1003 = arith.andi %get3A_993, %and3A_1002 : vector<16xi32>
          %shift_left3A = arith.constant 2 : i32
          %shift_left3A_1004 = vector.broadcast %shift_left3A : i32 to vector<16xi32>
          %shift_left3A_1005 = arith.shli %and3A_1003, %shift_left3A_1004 : vector<16xi32>
          %mul3A_1006 = arith.constant 128 : i32
          %mul3A_1007 = arith.muli %select_n3A_974, %mul3A_1006 : i32
          %mul3A_1008 = arith.constant 16 : i32
          %mul3A_1009 = arith.muli %select_n3A_989, %mul3A_1008 : i32
          %add3A_1010 = arith.addi %mul3A_1007, %mul3A_1009 : i32
          %swap3A_1011 = arith.index_cast %add3A_1010 : i32 to index
          %swap3A_1012 = tpu.vector_load %arg11[%swap3A_1011] {strides = array<i32>} : memref<3200xi32, #tpu.memory_space<vmem>>, vector<16xi32>,
          tpu.vector_store %arg11[%swap3A_1011], %shift_left3A_1005 {strides = array<i32>} : memref<3200xi32, #tpu.memory_space<vmem>>, vector<16xi32>,
          %scan3A_1013 = arith.constant 0 : i32
          %scan3A_1014 = arith.constant 1 : i32
          %scan3A_1015 = arith.addi %scan3A_949, %scan3A_1014 : i32
          %jit3A_1016 = arith.constant 8 : i32
          %div3A_1017 = arith.divsi %scan3A_1015, %jit3A_1016 : i32
          %sign3A_1018 = arith.constant 0 : i32
          %sign3A_1019 = arith.cmpi sgt, %scan3A_1015, %sign3A_1018 : i32
          %sign3A_1020 = arith.extui %sign3A_1019 : i1 to i32
          %sign3A_1021 = arith.constant 0 : i32
          %sign3A_1022 = arith.cmpi slt, %scan3A_1015, %sign3A_1021 : i32
          %sign3A_1023 = arith.extui %sign3A_1022 : i1 to i32
          %sign3A_1024 = arith.subi %sign3A_1020, %sign3A_1023 : i32
          %sign3A_1025 = arith.constant 0 : i32
          %sign3A_1026 = arith.cmpi sgt, %jit3A_1016, %sign3A_1025 : i32
          %sign3A_1027 = arith.extui %sign3A_1026 : i1 to i32
          %sign3A_1028 = arith.constant 0 : i32
          %sign3A_1029 = arith.cmpi slt, %jit3A_1016, %sign3A_1028 : i32
          %sign3A_1030 = arith.extui %sign3A_1029 : i1 to i32
          %sign3A_1031 = arith.subi %sign3A_1027, %sign3A_1030 : i32
          %ne3A_1032 = arith.cmpi ne, %sign3A_1024, %sign3A_1031 : i32
          %rem3A_1033 = arith.remsi %scan3A_1015, %jit3A_1016 : i32
          %ne3A_1034 = arith.constant 0 : i32
          %ne3A_1035 = arith.cmpi ne, %rem3A_1033, %ne3A_1034 : i32
          %and3A_1036 = arith.andi %ne3A_1032, %ne3A_1035 : i1
          %sub3A_1037 = arith.constant 1 : i32
          %sub3A_1038 = arith.subi %div3A_1017, %sub3A_1037 : i32
          %select_n3A_1039 = arith.select %and3A_1036, %sub3A_1038, %div3A_1017 : i32
          %jit3A_1040 = arith.constant 8 : i32
          %eq3A_1041 = arith.constant 0 : i32
          %eq3A_1042 = arith.cmpi eq, %jit3A_1040, %eq3A_1041 : i32
          %jit3A_1043 = arith.constant 1 : i32
          %select_n3A_1044 = arith.select %eq3A_1042, %jit3A_1043, %jit3A_1040 : i32
          %rem3A_1045 = arith.remsi %scan3A_1015, %select_n3A_1044 : i32
          %ne3A_1046 = arith.constant 0 : i32
          %ne3A_1047 = arith.cmpi ne, %rem3A_1045, %ne3A_1046 : i32
          %lt3A_1048 = arith.constant 0 : i32
          %lt3A_1049 = arith.cmpi slt, %rem3A_1045, %lt3A_1048 : i32
          %lt3A_1050 = arith.constant 0 : i32
          %lt3A_1051 = arith.cmpi slt, %select_n3A_1044, %lt3A_1050 : i32
          %ne3A_1052 = arith.xori %lt3A_1049, %lt3A_1051 : i1
          %and3A_1053 = arith.andi %ne3A_1052, %ne3A_1047 : i1
          %add3A_1054 = arith.addi %rem3A_1045, %select_n3A_1044 : i32
          %select_n3A_1055 = arith.select %and3A_1053, %add3A_1054, %rem3A_1045 : i32
          %mul3A_1056 = arith.constant 16 : i32
          %mul3A_1057 = arith.muli %select_n3A_1055, %mul3A_1056 : i32
          %get3A_1058 = arith.index_cast %select_n3A_1039 : i32 to index
          %get3A_1059 = arith.index_cast %mul3A_1057 : i32 to index
          %get3A_1060 = tpu.vector_load %arg7[%get3A_1058, %get3A_1059] {strides = array<i32>} : memref<25x128xi32, #tpu.memory_space<vmem>>, vector<16xi32>,
          %shift_right_arithmetic3A_1061 = arith.constant 2 : i32
          %shift_right_arithmetic3A_1062 = vector.broadcast %shift_right_arithmetic3A_1061 : i32 to vector<16xi32>
          %shift_right_arithmetic3A_1063 = arith.shrsi %get3A_1060, %shift_right_arithmetic3A_1062 : vector<16xi32>
          %mul3A_1064 = arith.constant 16 : i32
          %mul3A_1065 = arith.muli %select_n3A_1055, %mul3A_1064 : i32
          %swap3A_1066 = arith.index_cast %select_n3A_1039 : i32 to index
          %swap3A_1067 = arith.index_cast %mul3A_1065 : i32 to index
          %swap3A_1068 = tpu.vector_load %arg7[%swap3A_1066, %swap3A_1067] {strides = array<i32>} : memref<25x128xi32, #tpu.memory_space<vmem>>, vector<16xi32>,
          tpu.vector_store %arg7[%swap3A_1066, %swap3A_1067], %shift_right_arithmetic3A_1063 {strides = array<i32>} : memref<25x128xi32, #tpu.memory_space<vmem>>, vector<16xi32>,
          %and3A_1069 = arith.constant 3 : i32
          %and3A_1070 = vector.broadcast %and3A_1069 : i32 to vector<16xi32>
          %and3A_1071 = arith.andi %get3A_1060, %and3A_1070 : vector<16xi32>
          %shift_left3A_1072 = arith.constant 2 : i32
          %shift_left3A_1073 = vector.broadcast %shift_left3A_1072 : i32 to vector<16xi32>
          %shift_left3A_1074 = arith.shli %and3A_1071, %shift_left3A_1073 : vector<16xi32>
          %mul3A_1075 = arith.constant 128 : i32
          %mul3A_1076 = arith.muli %select_n3A_1039, %mul3A_1075 : i32
          %mul3A_1077 = arith.constant 16 : i32
          %mul3A_1078 = arith.muli %select_n3A_1055, %mul3A_1077 : i32
          %add3A_1079 = arith.addi %mul3A_1076, %mul3A_1078 : i32
          %swap3A_1080 = arith.index_cast %add3A_1079 : i32 to index
          %swap3A_1081 = tpu.vector_load %arg11[%swap3A_1080] {strides = array<i32>} : memref<3200xi32, #tpu.memory_space<vmem>>, vector<16xi32>,
          tpu.vector_store %arg11[%swap3A_1080], %shift_left3A_1074 {strides = array<i32>} : memref<3200xi32, #tpu.memory_space<vmem>>, vector<16xi32>,
          %scan3A_1082 = arith.constant 0 : i32
          %scan3A_1083 = arith.constant 2 : i32
          %scan3A_1084 = arith.addi %scan3A_949, %scan3A_1083 : i32
          %jit3A_1085 = arith.constant 8 : i32
          %div3A_1086 = arith.divsi %scan3A_1084, %jit3A_1085 : i32
          %sign3A_1087 = arith.constant 0 : i32
          %sign3A_1088 = arith.cmpi sgt, %scan3A_1084, %sign3A_1087 : i32
          %sign3A_1089 = arith.extui %sign3A_1088 : i1 to i32
          %sign3A_1090 = arith.constant 0 : i32
          %sign3A_1091 = arith.cmpi slt, %scan3A_1084, %sign3A_1090 : i32
          %sign3A_1092 = arith.extui %sign3A_1091 : i1 to i32
          %sign3A_1093 = arith.subi %sign3A_1089, %sign3A_1092 : i32
          %sign3A_1094 = arith.constant 0 : i32
          %sign3A_1095 = arith.cmpi sgt, %jit3A_1085, %sign3A_1094 : i32
          %sign3A_1096 = arith.extui %sign3A_1095 : i1 to i32
          %sign3A_1097 = arith.constant 0 : i32
          %sign3A_1098 = arith.cmpi slt, %jit3A_1085, %sign3A_1097 : i32
          %sign3A_1099 = arith.extui %sign3A_1098 : i1 to i32
          %sign3A_1100 = arith.subi %sign3A_1096, %sign3A_1099 : i32
          %ne3A_1101 = arith.cmpi ne, %sign3A_1093, %sign3A_1100 : i32
          %rem3A_1102 = arith.remsi %scan3A_1084, %jit3A_1085 : i32
          %ne3A_1103 = arith.constant 0 : i32
          %ne3A_1104 = arith.cmpi ne, %rem3A_1102, %ne3A_1103 : i32
          %and3A_1105 = arith.andi %ne3A_1101, %ne3A_1104 : i1
          %sub3A_1106 = arith.constant 1 : i32
          %sub3A_1107 = arith.subi %div3A_1086, %sub3A_1106 : i32
          %select_n3A_1108 = arith.select %and3A_1105, %sub3A_1107, %div3A_1086 : i32
          %jit3A_1109 = arith.constant 8 : i32
          %eq3A_1110 = arith.constant 0 : i32
          %eq3A_1111 = arith.cmpi eq, %jit3A_1109, %eq3A_1110 : i32
          %jit3A_1112 = arith.constant 1 : i32
          %select_n3A_1113 = arith.select %eq3A_1111, %jit3A_1112, %jit3A_1109 : i32
          %rem3A_1114 = arith.remsi %scan3A_1084, %select_n3A_1113 : i32
          %ne3A_1115 = arith.constant 0 : i32
          %ne3A_1116 = arith.cmpi ne, %rem3A_1114, %ne3A_1115 : i32
          %lt3A_1117 = arith.constant 0 : i32
          %lt3A_1118 = arith.cmpi slt, %rem3A_1114, %lt3A_1117 : i32
          %lt3A_1119 = arith.constant 0 : i32
          %lt3A_1120 = arith.cmpi slt, %select_n3A_1113, %lt3A_1119 : i32
          %ne3A_1121 = arith.xori %lt3A_1118, %lt3A_1120 : i1
          %and3A_1122 = arith.andi %ne3A_1121, %ne3A_1116 : i1
          %add3A_1123 = arith.addi %rem3A_1114, %select_n3A_1113 : i32
          %select_n3A_1124 = arith.select %and3A_1122, %add3A_1123, %rem3A_1114 : i32
          %mul3A_1125 = arith.constant 16 : i32
          %mul3A_1126 = arith.muli %select_n3A_1124, %mul3A_1125 : i32
          %get3A_1127 = arith.index_cast %select_n3A_1108 : i32 to index
          %get3A_1128 = arith.index_cast %mul3A_1126 : i32 to index
          %get3A_1129 = tpu.vector_load %arg7[%get3A_1127, %get3A_1128] {strides = array<i32>} : memref<25x128xi32, #tpu.memory_space<vmem>>, vector<16xi32>,
          %shift_right_arithmetic3A_1130 = arith.constant 2 : i32
          %shift_right_arithmetic3A_1131 = vector.broadcast %shift_right_arithmetic3A_1130 : i32 to vector<16xi32>
          %shift_right_arithmetic3A_1132 = arith.shrsi %get3A_1129, %shift_right_arithmetic3A_1131 : vector<16xi32>
          %mul3A_1133 = arith.constant 16 : i32
          %mul3A_1134 = arith.muli %select_n3A_1124, %mul3A_1133 : i32
          %swap3A_1135 = arith.index_cast %select_n3A_1108 : i32 to index
          %swap3A_1136 = arith.index_cast %mul3A_1134 : i32 to index
          %swap3A_1137 = tpu.vector_load %arg7[%swap3A_1135, %swap3A_1136] {strides = array<i32>} : memref<25x128xi32, #tpu.memory_space<vmem>>, vector<16xi32>,
          tpu.vector_store %arg7[%swap3A_1135, %swap3A_1136], %shift_right_arithmetic3A_1132 {strides = array<i32>} : memref<25x128xi32, #tpu.memory_space<vmem>>, vector<16xi32>,
          %and3A_1138 = arith.constant 3 : i32
          %and3A_1139 = vector.broadcast %and3A_1138 : i32 to vector<16xi32>
          %and3A_1140 = arith.andi %get3A_1129, %and3A_1139 : vector<16xi32>
          %shift_left3A_1141 = arith.constant 2 : i32
          %shift_left3A_1142 = vector.broadcast %shift_left3A_1141 : i32 to vector<16xi32>
          %shift_left3A_1143 = arith.shli %and3A_1140, %shift_left3A_1142 : vector<16xi32>
          %mul3A_1144 = arith.constant 128 : i32
          %mul3A_1145 = arith.muli %select_n3A_1108, %mul3A_1144 : i32
          %mul3A_1146 = arith.constant 16 : i32
          %mul3A_1147 = arith.muli %select_n3A_1124, %mul3A_1146 : i32
          %add3A_1148 = arith.addi %mul3A_1145, %mul3A_1147 : i32
          %swap3A_1149 = arith.index_cast %add3A_1148 : i32 to index
          %swap3A_1150 = tpu.vector_load %arg11[%swap3A_1149] {strides = array<i32>} : memref<3200xi32, #tpu.memory_space<vmem>>, vector<16xi32>,
          tpu.vector_store %arg11[%swap3A_1149], %shift_left3A_1143 {strides = array<i32>} : memref<3200xi32, #tpu.memory_space<vmem>>, vector<16xi32>,
          %scan3A_1151 = arith.constant 0 : i32
          %scan3A_1152 = arith.constant 3 : i32
          %scan3A_1153 = arith.addi %scan3A_949, %scan3A_1152 : i32
          %jit3A_1154 = arith.constant 8 : i32
          %div3A_1155 = arith.divsi %scan3A_1153, %jit3A_1154 : i32
          %sign3A_1156 = arith.constant 0 : i32
          %sign3A_1157 = arith.cmpi sgt, %scan3A_1153, %sign3A_1156 : i32
          %sign3A_1158 = arith.extui %sign3A_1157 : i1 to i32
          %sign3A_1159 = arith.constant 0 : i32
          %sign3A_1160 = arith.cmpi slt, %scan3A_1153, %sign3A_1159 : i32
          %sign3A_1161 = arith.extui %sign3A_1160 : i1 to i32
          %sign3A_1162 = arith.subi %sign3A_1158, %sign3A_1161 : i32
          %sign3A_1163 = arith.constant 0 : i32
          %sign3A_1164 = arith.cmpi sgt, %jit3A_1154, %sign3A_1163 : i32
          %sign3A_1165 = arith.extui %sign3A_1164 : i1 to i32
          %sign3A_1166 = arith.constant 0 : i32
          %sign3A_1167 = arith.cmpi slt, %jit3A_1154, %sign3A_1166 : i32
          %sign3A_1168 = arith.extui %sign3A_1167 : i1 to i32
          %sign3A_1169 = arith.subi %sign3A_1165, %sign3A_1168 : i32
          %ne3A_1170 = arith.cmpi ne, %sign3A_1162, %sign3A_1169 : i32
          %rem3A_1171 = arith.remsi %scan3A_1153, %jit3A_1154 : i32
          %ne3A_1172 = arith.constant 0 : i32
          %ne3A_1173 = arith.cmpi ne, %rem3A_1171, %ne3A_1172 : i32
          %and3A_1174 = arith.andi %ne3A_1170, %ne3A_1173 : i1
          %sub3A_1175 = arith.constant 1 : i32
          %sub3A_1176 = arith.subi %div3A_1155, %sub3A_1175 : i32
          %select_n3A_1177 = arith.select %and3A_1174, %sub3A_1176, %div3A_1155 : i32
          %jit3A_1178 = arith.constant 8 : i32
          %eq3A_1179 = arith.constant 0 : i32
          %eq3A_1180 = arith.cmpi eq, %jit3A_1178, %eq3A_1179 : i32
          %jit3A_1181 = arith.constant 1 : i32
          %select_n3A_1182 = arith.select %eq3A_1180, %jit3A_1181, %jit3A_1178 : i32
          %rem3A_1183 = arith.remsi %scan3A_1153, %select_n3A_1182 : i32
          %ne3A_1184 = arith.constant 0 : i32
          %ne3A_1185 = arith.cmpi ne, %rem3A_1183, %ne3A_1184 : i32
          %lt3A_1186 = arith.constant 0 : i32
          %lt3A_1187 = arith.cmpi slt, %rem3A_1183, %lt3A_1186 : i32
          %lt3A_1188 = arith.constant 0 : i32
          %lt3A_1189 = arith.cmpi slt, %select_n3A_1182, %lt3A_1188 : i32
          %ne3A_1190 = arith.xori %lt3A_1187, %lt3A_1189 : i1
          %and3A_1191 = arith.andi %ne3A_1190, %ne3A_1185 : i1
          %add3A_1192 = arith.addi %rem3A_1183, %select_n3A_1182 : i32
          %select_n3A_1193 = arith.select %and3A_1191, %add3A_1192, %rem3A_1183 : i32
          %mul3A_1194 = arith.constant 16 : i32
          %mul3A_1195 = arith.muli %select_n3A_1193, %mul3A_1194 : i32
          %get3A_1196 = arith.index_cast %select_n3A_1177 : i32 to index
          %get3A_1197 = arith.index_cast %mul3A_1195 : i32 to index
          %get3A_1198 = tpu.vector_load %arg7[%get3A_1196, %get3A_1197] {strides = array<i32>} : memref<25x128xi32, #tpu.memory_space<vmem>>, vector<16xi32>,
          %shift_right_arithmetic3A_1199 = arith.constant 2 : i32
          %shift_right_arithmetic3A_1200 = vector.broadcast %shift_right_arithmetic3A_1199 : i32 to vector<16xi32>
          %shift_right_arithmetic3A_1201 = arith.shrsi %get3A_1198, %shift_right_arithmetic3A_1200 : vector<16xi32>
          %mul3A_1202 = arith.constant 16 : i32
          %mul3A_1203 = arith.muli %select_n3A_1193, %mul3A_1202 : i32
          %swap3A_1204 = arith.index_cast %select_n3A_1177 : i32 to index
          %swap3A_1205 = arith.index_cast %mul3A_1203 : i32 to index
          %swap3A_1206 = tpu.vector_load %arg7[%swap3A_1204, %swap3A_1205] {strides = array<i32>} : memref<25x128xi32, #tpu.memory_space<vmem>>, vector<16xi32>,
          tpu.vector_store %arg7[%swap3A_1204, %swap3A_1205], %shift_right_arithmetic3A_1201 {strides = array<i32>} : memref<25x128xi32, #tpu.memory_space<vmem>>, vector<16xi32>,
          %and3A_1207 = arith.constant 3 : i32
          %and3A_1208 = vector.broadcast %and3A_1207 : i32 to vector<16xi32>
          %and3A_1209 = arith.andi %get3A_1198, %and3A_1208 : vector<16xi32>
          %shift_left3A_1210 = arith.constant 2 : i32
          %shift_left3A_1211 = vector.broadcast %shift_left3A_1210 : i32 to vector<16xi32>
          %shift_left3A_1212 = arith.shli %and3A_1209, %shift_left3A_1211 : vector<16xi32>
          %mul3A_1213 = arith.constant 128 : i32
          %mul3A_1214 = arith.muli %select_n3A_1177, %mul3A_1213 : i32
          %mul3A_1215 = arith.constant 16 : i32
          %mul3A_1216 = arith.muli %select_n3A_1193, %mul3A_1215 : i32
          %add3A_1217 = arith.addi %mul3A_1214, %mul3A_1216 : i32
          %swap3A_1218 = arith.index_cast %add3A_1217 : i32 to index
          %swap3A_1219 = tpu.vector_load %arg11[%swap3A_1218] {strides = array<i32>} : memref<3200xi32, #tpu.memory_space<vmem>>, vector<16xi32>,
          tpu.vector_store %arg11[%swap3A_1218], %shift_left3A_1212 {strides = array<i32>} : memref<3200xi32, #tpu.memory_space<vmem>>, vector<16xi32>,
          %scan3A_1220 = arith.constant 0 : i32
          %scan3A_1221 = arith.constant 4 : i32
          %scan3A_1222 = arith.addi %scan3A_949, %scan3A_1221 : i32
          %jit3A_1223 = arith.constant 8 : i32
          %div3A_1224 = arith.divsi %scan3A_1222, %jit3A_1223 : i32
          %sign3A_1225 = arith.constant 0 : i32
          %sign3A_1226 = arith.cmpi sgt, %scan3A_1222, %sign3A_1225 : i32
          %sign3A_1227 = arith.extui %sign3A_1226 : i1 to i32
          %sign3A_1228 = arith.constant 0 : i32
          %sign3A_1229 = arith.cmpi slt, %scan3A_1222, %sign3A_1228 : i32
          %sign3A_1230 = arith.extui %sign3A_1229 : i1 to i32
          %sign3A_1231 = arith.subi %sign3A_1227, %sign3A_1230 : i32
          %sign3A_1232 = arith.constant 0 : i32
          %sign3A_1233 = arith.cmpi sgt, %jit3A_1223, %sign3A_1232 : i32
          %sign3A_1234 = arith.extui %sign3A_1233 : i1 to i32
          %sign3A_1235 = arith.constant 0 : i32
          %sign3A_1236 = arith.cmpi slt, %jit3A_1223, %sign3A_1235 : i32
          %sign3A_1237 = arith.extui %sign3A_1236 : i1 to i32
          %sign3A_1238 = arith.subi %sign3A_1234, %sign3A_1237 : i32
          %ne3A_1239 = arith.cmpi ne, %sign3A_1231, %sign3A_1238 : i32
          %rem3A_1240 = arith.remsi %scan3A_1222, %jit3A_1223 : i32
          %ne3A_1241 = arith.constant 0 : i32
          %ne3A_1242 = arith.cmpi ne, %rem3A_1240, %ne3A_1241 : i32
          %and3A_1243 = arith.andi %ne3A_1239, %ne3A_1242 : i1
          %sub3A_1244 = arith.constant 1 : i32
          %sub3A_1245 = arith.subi %div3A_1224, %sub3A_1244 : i32
          %select_n3A_1246 = arith.select %and3A_1243, %sub3A_1245, %div3A_1224 : i32
          %jit3A_1247 = arith.constant 8 : i32
          %eq3A_1248 = arith.constant 0 : i32
          %eq3A_1249 = arith.cmpi eq, %jit3A_1247, %eq3A_1248 : i32
          %jit3A_1250 = arith.constant 1 : i32
          %select_n3A_1251 = arith.select %eq3A_1249, %jit3A_1250, %jit3A_1247 : i32
          %rem3A_1252 = arith.remsi %scan3A_1222, %select_n3A_1251 : i32
          %ne3A_1253 = arith.constant 0 : i32
          %ne3A_1254 = arith.cmpi ne, %rem3A_1252, %ne3A_1253 : i32
          %lt3A_1255 = arith.constant 0 : i32
          %lt3A_1256 = arith.cmpi slt, %rem3A_1252, %lt3A_1255 : i32
          %lt3A_1257 = arith.constant 0 : i32
          %lt3A_1258 = arith.cmpi slt, %select_n3A_1251, %lt3A_1257 : i32
          %ne3A_1259 = arith.xori %lt3A_1256, %lt3A_1258 : i1
          %and3A_1260 = arith.andi %ne3A_1259, %ne3A_1254 : i1
          %add3A_1261 = arith.addi %rem3A_1252, %select_n3A_1251 : i32
          %select_n3A_1262 = arith.select %and3A_1260, %add3A_1261, %rem3A_1252 : i32
          %mul3A_1263 = arith.constant 16 : i32
          %mul3A_1264 = arith.muli %select_n3A_1262, %mul3A_1263 : i32
          %get3A_1265 = arith.index_cast %select_n3A_1246 : i32 to index
          %get3A_1266 = arith.index_cast %mul3A_1264 : i32 to index
          %get3A_1267 = tpu.vector_load %arg7[%get3A_1265, %get3A_1266] {strides = array<i32>} : memref<25x128xi32, #tpu.memory_space<vmem>>, vector<16xi32>,
          %shift_right_arithmetic3A_1268 = arith.constant 2 : i32
          %shift_right_arithmetic3A_1269 = vector.broadcast %shift_right_arithmetic3A_1268 : i32 to vector<16xi32>
          %shift_right_arithmetic3A_1270 = arith.shrsi %get3A_1267, %shift_right_arithmetic3A_1269 : vector<16xi32>
          %mul3A_1271 = arith.constant 16 : i32
          %mul3A_1272 = arith.muli %select_n3A_1262, %mul3A_1271 : i32
          %swap3A_1273 = arith.index_cast %select_n3A_1246 : i32 to index
          %swap3A_1274 = arith.index_cast %mul3A_1272 : i32 to index
          %swap3A_1275 = tpu.vector_load %arg7[%swap3A_1273, %swap3A_1274] {strides = array<i32>} : memref<25x128xi32, #tpu.memory_space<vmem>>, vector<16xi32>,
          tpu.vector_store %arg7[%swap3A_1273, %swap3A_1274], %shift_right_arithmetic3A_1270 {strides = array<i32>} : memref<25x128xi32, #tpu.memory_space<vmem>>, vector<16xi32>,
          %and3A_1276 = arith.constant 3 : i32
          %and3A_1277 = vector.broadcast %and3A_1276 : i32 to vector<16xi32>
          %and3A_1278 = arith.andi %get3A_1267, %and3A_1277 : vector<16xi32>
          %shift_left3A_1279 = arith.constant 2 : i32
          %shift_left3A_1280 = vector.broadcast %shift_left3A_1279 : i32 to vector<16xi32>
          %shift_left3A_1281 = arith.shli %and3A_1278, %shift_left3A_1280 : vector<16xi32>
          %mul3A_1282 = arith.constant 128 : i32
          %mul3A_1283 = arith.muli %select_n3A_1246, %mul3A_1282 : i32
          %mul3A_1284 = arith.constant 16 : i32
          %mul3A_1285 = arith.muli %select_n3A_1262, %mul3A_1284 : i32
          %add3A_1286 = arith.addi %mul3A_1283, %mul3A_1285 : i32
          %swap3A_1287 = arith.index_cast %add3A_1286 : i32 to index
          %swap3A_1288 = tpu.vector_load %arg11[%swap3A_1287] {strides = array<i32>} : memref<3200xi32, #tpu.memory_space<vmem>>, vector<16xi32>,
          tpu.vector_store %arg11[%swap3A_1287], %shift_left3A_1281 {strides = array<i32>} : memref<3200xi32, #tpu.memory_space<vmem>>, vector<16xi32>,
          %scan3A_1289 = arith.constant 0 : i32
          %scan3A_1290 = arith.constant 5 : i32
          %scan3A_1291 = arith.addi %scan3A_949, %scan3A_1290 : i32
          %jit3A_1292 = arith.constant 8 : i32
          %div3A_1293 = arith.divsi %scan3A_1291, %jit3A_1292 : i32
          %sign3A_1294 = arith.constant 0 : i32
          %sign3A_1295 = arith.cmpi sgt, %scan3A_1291, %sign3A_1294 : i32
          %sign3A_1296 = arith.extui %sign3A_1295 : i1 to i32
          %sign3A_1297 = arith.constant 0 : i32
          %sign3A_1298 = arith.cmpi slt, %scan3A_1291, %sign3A_1297 : i32
          %sign3A_1299 = arith.extui %sign3A_1298 : i1 to i32
          %sign3A_1300 = arith.subi %sign3A_1296, %sign3A_1299 : i32
          %sign3A_1301 = arith.constant 0 : i32
          %sign3A_1302 = arith.cmpi sgt, %jit3A_1292, %sign3A_1301 : i32
          %sign3A_1303 = arith.extui %sign3A_1302 : i1 to i32
          %sign3A_1304 = arith.constant 0 : i32
          %sign3A_1305 = arith.cmpi slt, %jit3A_1292, %sign3A_1304 : i32
          %sign3A_1306 = arith.extui %sign3A_1305 : i1 to i32
          %sign3A_1307 = arith.subi %sign3A_1303, %sign3A_1306 : i32
          %ne3A_1308 = arith.cmpi ne, %sign3A_1300, %sign3A_1307 : i32
          %rem3A_1309 = arith.remsi %scan3A_1291, %jit3A_1292 : i32
          %ne3A_1310 = arith.constant 0 : i32
          %ne3A_1311 = arith.cmpi ne, %rem3A_1309, %ne3A_1310 : i32
          %and3A_1312 = arith.andi %ne3A_1308, %ne3A_1311 : i1
          %sub3A_1313 = arith.constant 1 : i32
          %sub3A_1314 = arith.subi %div3A_1293, %sub3A_1313 : i32
          %select_n3A_1315 = arith.select %and3A_1312, %sub3A_1314, %div3A_1293 : i32
          %jit3A_1316 = arith.constant 8 : i32
          %eq3A_1317 = arith.constant 0 : i32
          %eq3A_1318 = arith.cmpi eq, %jit3A_1316, %eq3A_1317 : i32
          %jit3A_1319 = arith.constant 1 : i32
          %select_n3A_1320 = arith.select %eq3A_1318, %jit3A_1319, %jit3A_1316 : i32
          %rem3A_1321 = arith.remsi %scan3A_1291, %select_n3A_1320 : i32
          %ne3A_1322 = arith.constant 0 : i32
          %ne3A_1323 = arith.cmpi ne, %rem3A_1321, %ne3A_1322 : i32
          %lt3A_1324 = arith.constant 0 : i32
          %lt3A_1325 = arith.cmpi slt, %rem3A_1321, %lt3A_1324 : i32
          %lt3A_1326 = arith.constant 0 : i32
          %lt3A_1327 = arith.cmpi slt, %select_n3A_1320, %lt3A_1326 : i32
          %ne3A_1328 = arith.xori %lt3A_1325, %lt3A_1327 : i1
          %and3A_1329 = arith.andi %ne3A_1328, %ne3A_1323 : i1
          %add3A_1330 = arith.addi %rem3A_1321, %select_n3A_1320 : i32
          %select_n3A_1331 = arith.select %and3A_1329, %add3A_1330, %rem3A_1321 : i32
          %mul3A_1332 = arith.constant 16 : i32
          %mul3A_1333 = arith.muli %select_n3A_1331, %mul3A_1332 : i32
          %get3A_1334 = arith.index_cast %select_n3A_1315 : i32 to index
          %get3A_1335 = arith.index_cast %mul3A_1333 : i32 to index
          %get3A_1336 = tpu.vector_load %arg7[%get3A_1334, %get3A_1335] {strides = array<i32>} : memref<25x128xi32, #tpu.memory_space<vmem>>, vector<16xi32>,
          %shift_right_arithmetic3A_1337 = arith.constant 2 : i32
          %shift_right_arithmetic3A_1338 = vector.broadcast %shift_right_arithmetic3A_1337 : i32 to vector<16xi32>
          %shift_right_arithmetic3A_1339 = arith.shrsi %get3A_1336, %shift_right_arithmetic3A_1338 : vector<16xi32>
          %mul3A_1340 = arith.constant 16 : i32
          %mul3A_1341 = arith.muli %select_n3A_1331, %mul3A_1340 : i32
          %swap3A_1342 = arith.index_cast %select_n3A_1315 : i32 to index
          %swap3A_1343 = arith.index_cast %mul3A_1341 : i32 to index
          %swap3A_1344 = tpu.vector_load %arg7[%swap3A_1342, %swap3A_1343] {strides = array<i32>} : memref<25x128xi32, #tpu.memory_space<vmem>>, vector<16xi32>,
          tpu.vector_store %arg7[%swap3A_1342, %swap3A_1343], %shift_right_arithmetic3A_1339 {strides = array<i32>} : memref<25x128xi32, #tpu.memory_space<vmem>>, vector<16xi32>,
          %and3A_1345 = arith.constant 3 : i32
          %and3A_1346 = vector.broadcast %and3A_1345 : i32 to vector<16xi32>
          %and3A_1347 = arith.andi %get3A_1336, %and3A_1346 : vector<16xi32>
          %shift_left3A_1348 = arith.constant 2 : i32
          %shift_left3A_1349 = vector.broadcast %shift_left3A_1348 : i32 to vector<16xi32>
          %shift_left3A_1350 = arith.shli %and3A_1347, %shift_left3A_1349 : vector<16xi32>
          %mul3A_1351 = arith.constant 128 : i32
          %mul3A_1352 = arith.muli %select_n3A_1315, %mul3A_1351 : i32
          %mul3A_1353 = arith.constant 16 : i32
          %mul3A_1354 = arith.muli %select_n3A_1331, %mul3A_1353 : i32
          %add3A_1355 = arith.addi %mul3A_1352, %mul3A_1354 : i32
          %swap3A_1356 = arith.index_cast %add3A_1355 : i32 to index
          %swap3A_1357 = tpu.vector_load %arg11[%swap3A_1356] {strides = array<i32>} : memref<3200xi32, #tpu.memory_space<vmem>>, vector<16xi32>,
          tpu.vector_store %arg11[%swap3A_1356], %shift_left3A_1350 {strides = array<i32>} : memref<3200xi32, #tpu.memory_space<vmem>>, vector<16xi32>,
          %scan3A_1358 = arith.constant 0 : i32
          %scan3A_1359 = arith.constant 6 : i32
          %scan3A_1360 = arith.addi %scan3A_949, %scan3A_1359 : i32
          %jit3A_1361 = arith.constant 8 : i32
          %div3A_1362 = arith.divsi %scan3A_1360, %jit3A_1361 : i32
          %sign3A_1363 = arith.constant 0 : i32
          %sign3A_1364 = arith.cmpi sgt, %scan3A_1360, %sign3A_1363 : i32
          %sign3A_1365 = arith.extui %sign3A_1364 : i1 to i32
          %sign3A_1366 = arith.constant 0 : i32
          %sign3A_1367 = arith.cmpi slt, %scan3A_1360, %sign3A_1366 : i32
          %sign3A_1368 = arith.extui %sign3A_1367 : i1 to i32
          %sign3A_1369 = arith.subi %sign3A_1365, %sign3A_1368 : i32
          %sign3A_1370 = arith.constant 0 : i32
          %sign3A_1371 = arith.cmpi sgt, %jit3A_1361, %sign3A_1370 : i32
          %sign3A_1372 = arith.extui %sign3A_1371 : i1 to i32
          %sign3A_1373 = arith.constant 0 : i32
          %sign3A_1374 = arith.cmpi slt, %jit3A_1361, %sign3A_1373 : i32
          %sign3A_1375 = arith.extui %sign3A_1374 : i1 to i32
          %sign3A_1376 = arith.subi %sign3A_1372, %sign3A_1375 : i32
          %ne3A_1377 = arith.cmpi ne, %sign3A_1369, %sign3A_1376 : i32
          %rem3A_1378 = arith.remsi %scan3A_1360, %jit3A_1361 : i32
          %ne3A_1379 = arith.constant 0 : i32
          %ne3A_1380 = arith.cmpi ne, %rem3A_1378, %ne3A_1379 : i32
          %and3A_1381 = arith.andi %ne3A_1377, %ne3A_1380 : i1
          %sub3A_1382 = arith.constant 1 : i32
          %sub3A_1383 = arith.subi %div3A_1362, %sub3A_1382 : i32
          %select_n3A_1384 = arith.select %and3A_1381, %sub3A_1383, %div3A_1362 : i32
          %jit3A_1385 = arith.constant 8 : i32
          %eq3A_1386 = arith.constant 0 : i32
          %eq3A_1387 = arith.cmpi eq, %jit3A_1385, %eq3A_1386 : i32
          %jit3A_1388 = arith.constant 1 : i32
          %select_n3A_1389 = arith.select %eq3A_1387, %jit3A_1388, %jit3A_1385 : i32
          %rem3A_1390 = arith.remsi %scan3A_1360, %select_n3A_1389 : i32
          %ne3A_1391 = arith.constant 0 : i32
          %ne3A_1392 = arith.cmpi ne, %rem3A_1390, %ne3A_1391 : i32
          %lt3A_1393 = arith.constant 0 : i32
          %lt3A_1394 = arith.cmpi slt, %rem3A_1390, %lt3A_1393 : i32
          %lt3A_1395 = arith.constant 0 : i32
          %lt3A_1396 = arith.cmpi slt, %select_n3A_1389, %lt3A_1395 : i32
          %ne3A_1397 = arith.xori %lt3A_1394, %lt3A_1396 : i1
          %and3A_1398 = arith.andi %ne3A_1397, %ne3A_1392 : i1
          %add3A_1399 = arith.addi %rem3A_1390, %select_n3A_1389 : i32
          %select_n3A_1400 = arith.select %and3A_1398, %add3A_1399, %rem3A_1390 : i32
          %mul3A_1401 = arith.constant 16 : i32
          %mul3A_1402 = arith.muli %select_n3A_1400, %mul3A_1401 : i32
          %get3A_1403 = arith.index_cast %select_n3A_1384 : i32 to index
          %get3A_1404 = arith.index_cast %mul3A_1402 : i32 to index
          %get3A_1405 = tpu.vector_load %arg7[%get3A_1403, %get3A_1404] {strides = array<i32>} : memref<25x128xi32, #tpu.memory_space<vmem>>, vector<16xi32>,
          %shift_right_arithmetic3A_1406 = arith.constant 2 : i32
          %shift_right_arithmetic3A_1407 = vector.broadcast %shift_right_arithmetic3A_1406 : i32 to vector<16xi32>
          %shift_right_arithmetic3A_1408 = arith.shrsi %get3A_1405, %shift_right_arithmetic3A_1407 : vector<16xi32>
          %mul3A_1409 = arith.constant 16 : i32
          %mul3A_1410 = arith.muli %select_n3A_1400, %mul3A_1409 : i32
          %swap3A_1411 = arith.index_cast %select_n3A_1384 : i32 to index
          %swap3A_1412 = arith.index_cast %mul3A_1410 : i32 to index
          %swap3A_1413 = tpu.vector_load %arg7[%swap3A_1411, %swap3A_1412] {strides = array<i32>} : memref<25x128xi32, #tpu.memory_space<vmem>>, vector<16xi32>,
          tpu.vector_store %arg7[%swap3A_1411, %swap3A_1412], %shift_right_arithmetic3A_1408 {strides = array<i32>} : memref<25x128xi32, #tpu.memory_space<vmem>>, vector<16xi32>,
          %and3A_1414 = arith.constant 3 : i32
          %and3A_1415 = vector.broadcast %and3A_1414 : i32 to vector<16xi32>
          %and3A_1416 = arith.andi %get3A_1405, %and3A_1415 : vector<16xi32>
          %shift_left3A_1417 = arith.constant 2 : i32
          %shift_left3A_1418 = vector.broadcast %shift_left3A_1417 : i32 to vector<16xi32>
          %shift_left3A_1419 = arith.shli %and3A_1416, %shift_left3A_1418 : vector<16xi32>
          %mul3A_1420 = arith.constant 128 : i32
          %mul3A_1421 = arith.muli %select_n3A_1384, %mul3A_1420 : i32
          %mul3A_1422 = arith.constant 16 : i32
          %mul3A_1423 = arith.muli %select_n3A_1400, %mul3A_1422 : i32
          %add3A_1424 = arith.addi %mul3A_1421, %mul3A_1423 : i32
          %swap3A_1425 = arith.index_cast %add3A_1424 : i32 to index
          %swap3A_1426 = tpu.vector_load %arg11[%swap3A_1425] {strides = array<i32>} : memref<3200xi32, #tpu.memory_space<vmem>>, vector<16xi32>,
          tpu.vector_store %arg11[%swap3A_1425], %shift_left3A_1419 {strides = array<i32>} : memref<3200xi32, #tpu.memory_space<vmem>>, vector<16xi32>,
          %scan3A_1427 = arith.constant 0 : i32
          %scan3A_1428 = arith.constant 7 : i32
          %scan3A_1429 = arith.addi %scan3A_949, %scan3A_1428 : i32
          %jit3A_1430 = arith.constant 8 : i32
          %div3A_1431 = arith.divsi %scan3A_1429, %jit3A_1430 : i32
          %sign3A_1432 = arith.constant 0 : i32
          %sign3A_1433 = arith.cmpi sgt, %scan3A_1429, %sign3A_1432 : i32
          %sign3A_1434 = arith.extui %sign3A_1433 : i1 to i32
          %sign3A_1435 = arith.constant 0 : i32
          %sign3A_1436 = arith.cmpi slt, %scan3A_1429, %sign3A_1435 : i32
          %sign3A_1437 = arith.extui %sign3A_1436 : i1 to i32
          %sign3A_1438 = arith.subi %sign3A_1434, %sign3A_1437 : i32
          %sign3A_1439 = arith.constant 0 : i32
          %sign3A_1440 = arith.cmpi sgt, %jit3A_1430, %sign3A_1439 : i32
          %sign3A_1441 = arith.extui %sign3A_1440 : i1 to i32
          %sign3A_1442 = arith.constant 0 : i32
          %sign3A_1443 = arith.cmpi slt, %jit3A_1430, %sign3A_1442 : i32
          %sign3A_1444 = arith.extui %sign3A_1443 : i1 to i32
          %sign3A_1445 = arith.subi %sign3A_1441, %sign3A_1444 : i32
          %ne3A_1446 = arith.cmpi ne, %sign3A_1438, %sign3A_1445 : i32
          %rem3A_1447 = arith.remsi %scan3A_1429, %jit3A_1430 : i32
          %ne3A_1448 = arith.constant 0 : i32
          %ne3A_1449 = arith.cmpi ne, %rem3A_1447, %ne3A_1448 : i32
          %and3A_1450 = arith.andi %ne3A_1446, %ne3A_1449 : i1
          %sub3A_1451 = arith.constant 1 : i32
          %sub3A_1452 = arith.subi %div3A_1431, %sub3A_1451 : i32
          %select_n3A_1453 = arith.select %and3A_1450, %sub3A_1452, %div3A_1431 : i32
          %jit3A_1454 = arith.constant 8 : i32
          %eq3A_1455 = arith.constant 0 : i32
          %eq3A_1456 = arith.cmpi eq, %jit3A_1454, %eq3A_1455 : i32
          %jit3A_1457 = arith.constant 1 : i32
          %select_n3A_1458 = arith.select %eq3A_1456, %jit3A_1457, %jit3A_1454 : i32
          %rem3A_1459 = arith.remsi %scan3A_1429, %select_n3A_1458 : i32
          %ne3A_1460 = arith.constant 0 : i32
          %ne3A_1461 = arith.cmpi ne, %rem3A_1459, %ne3A_1460 : i32
          %lt3A_1462 = arith.constant 0 : i32
          %lt3A_1463 = arith.cmpi slt, %rem3A_1459, %lt3A_1462 : i32
          %lt3A_1464 = arith.constant 0 : i32
          %lt3A_1465 = arith.cmpi slt, %select_n3A_1458, %lt3A_1464 : i32
          %ne3A_1466 = arith.xori %lt3A_1463, %lt3A_1465 : i1
          %and3A_1467 = arith.andi %ne3A_1466, %ne3A_1461 : i1
          %add3A_1468 = arith.addi %rem3A_1459, %select_n3A_1458 : i32
          %select_n3A_1469 = arith.select %and3A_1467, %add3A_1468, %rem3A_1459 : i32
          %mul3A_1470 = arith.constant 16 : i32
          %mul3A_1471 = arith.muli %select_n3A_1469, %mul3A_1470 : i32
          %get3A_1472 = arith.index_cast %select_n3A_1453 : i32 to index
          %get3A_1473 = arith.index_cast %mul3A_1471 : i32 to index
          %get3A_1474 = tpu.vector_load %arg7[%get3A_1472, %get3A_1473] {strides = array<i32>} : memref<25x128xi32, #tpu.memory_space<vmem>>, vector<16xi32>,
          %shift_right_arithmetic3A_1475 = arith.constant 2 : i32
          %shift_right_arithmetic3A_1476 = vector.broadcast %shift_right_arithmetic3A_1475 : i32 to vector<16xi32>
          %shift_right_arithmetic3A_1477 = arith.shrsi %get3A_1474, %shift_right_arithmetic3A_1476 : vector<16xi32>
          %mul3A_1478 = arith.constant 16 : i32
          %mul3A_1479 = arith.muli %select_n3A_1469, %mul3A_1478 : i32
          %swap3A_1480 = arith.index_cast %select_n3A_1453 : i32 to index
          %swap3A_1481 = arith.index_cast %mul3A_1479 : i32 to index
          %swap3A_1482 = tpu.vector_load %arg7[%swap3A_1480, %swap3A_1481] {strides = array<i32>} : memref<25x128xi32, #tpu.memory_space<vmem>>, vector<16xi32>,
          tpu.vector_store %arg7[%swap3A_1480, %swap3A_1481], %shift_right_arithmetic3A_1477 {strides = array<i32>} : memref<25x128xi32, #tpu.memory_space<vmem>>, vector<16xi32>,
          %and3A_1483 = arith.constant 3 : i32
          %and3A_1484 = vector.broadcast %and3A_1483 : i32 to vector<16xi32>
          %and3A_1485 = arith.andi %get3A_1474, %and3A_1484 : vector<16xi32>
          %shift_left3A_1486 = arith.constant 2 : i32
          %shift_left3A_1487 = vector.broadcast %shift_left3A_1486 : i32 to vector<16xi32>
          %shift_left3A_1488 = arith.shli %and3A_1485, %shift_left3A_1487 : vector<16xi32>
          %mul3A_1489 = arith.constant 128 : i32
          %mul3A_1490 = arith.muli %select_n3A_1453, %mul3A_1489 : i32
          %mul3A_1491 = arith.constant 16 : i32
          %mul3A_1492 = arith.muli %select_n3A_1469, %mul3A_1491 : i32
          %add3A_1493 = arith.addi %mul3A_1490, %mul3A_1492 : i32
          %swap3A_1494 = arith.index_cast %add3A_1493 : i32 to index
          %swap3A_1495 = tpu.vector_load %arg11[%swap3A_1494] {strides = array<i32>} : memref<3200xi32, #tpu.memory_space<vmem>>, vector<16xi32>,
          tpu.vector_store %arg11[%swap3A_1494], %shift_left3A_1488 {strides = array<i32>} : memref<3200xi32, #tpu.memory_space<vmem>>, vector<16xi32>,
          %scan3A_1496 = arith.constant 0 : i32
          scf.yield %scan3A_1496 : i32
        }
        %scan3A_698 = arith.constant 200 : i32
        %dma_start3A_699 = arith.constant 0 : i32
        %dma_start3A_700 = arith.constant 0 : i32
        %dma_start3A_701 = arith.constant 0 : i32
        %dma_start3A_702 = tpu.memref_slice %arg9[%dma_start3A_700, %dma_start3A_701] : memref<3200x16xf32, #tpu.memory_space<vmem>> -> memref<128x16xf32, #tpu.memory_space<vmem>>
        %dma_start3A_703 = arith.constant 0 : i32
        %dma_start3A_704 = tpu.memref_slice %arg7[%dma_start3A_699, %dma_start3A_703] : memref<25x128xi32, #tpu.memory_space<vmem>> -> memref<1x128xi32, #tpu.memory_space<vmem>>
        %dma_start3A_705 = tpu.memref_squeeze %dma_start3A_704 : memref<1x128xi32, #tpu.memory_space<vmem>> -> memref<128xi32, #tpu.memory_space<vmem>>
        %dma_start3A_706 = arith.constant 0 : i32
        %dma_start3A_707 = arith.constant 0 : i32
        %dma_start3A_708 = tpu.memref_slice %arg3[%dma_start3A_706, %dma_start3A_707] : memref<250000x16xf32, #tpu.memory_space<hbm>> -> memref<250000x16xf32, #tpu.memory_space<hbm>>
        tpu.enqueue_indirect_dma source(%dma_start3A_708 : memref<250000x16xf32, #tpu.memory_space<hbm>>) target(%dma_start3A_702 : memref<128x16xf32, #tpu.memory_space<vmem>>) offsets(%dma_start3A_705 : memref<128xi32, #tpu.memory_space<vmem>>) semaphore(%arg17 : memref<!tpu.dma_semaphore, #tpu.memory_space<semaphore_mem>>)
        %dma_start3A_709 = arith.constant 1 : i32
        %dma_start3A_710 = arith.constant 128 : i32
        %dma_start3A_711 = arith.constant 0 : i32
        %dma_start3A_712 = tpu.memref_slice %arg9[%dma_start3A_710, %dma_start3A_711] : memref<3200x16xf32, #tpu.memory_space<vmem>> -> memref<128x16xf32, #tpu.memory_space<vmem>>
        %dma_start3A_713 = arith.constant 0 : i32
        %dma_start3A_714 = tpu.memref_slice %arg7[%dma_start3A_709, %dma_start3A_713] : memref<25x128xi32, #tpu.memory_space<vmem>> -> memref<1x128xi32, #tpu.memory_space<vmem>>
        %dma_start3A_715 = tpu.memref_squeeze %dma_start3A_714 : memref<1x128xi32, #tpu.memory_space<vmem>> -> memref<128xi32, #tpu.memory_space<vmem>>
        %dma_start3A_716 = arith.constant 0 : i32
        %dma_start3A_717 = arith.constant 0 : i32
        %dma_start3A_718 = tpu.memref_slice %arg3[%dma_start3A_716, %dma_start3A_717] : memref<250000x16xf32, #tpu.memory_space<hbm>> -> memref<250000x16xf32, #tpu.memory_space<hbm>>
        tpu.enqueue_indirect_dma source(%dma_start3A_718 : memref<250000x16xf32, #tpu.memory_space<hbm>>) target(%dma_start3A_712 : memref<128x16xf32, #tpu.memory_space<vmem>>) offsets(%dma_start3A_715 : memref<128xi32, #tpu.memory_space<vmem>>) semaphore(%arg17 : memref<!tpu.dma_semaphore, #tpu.memory_space<semaphore_mem>>)
        %dma_start3A_719 = arith.constant 2 : i32
        %dma_start3A_720 = arith.constant 256 : i32
        %dma_start3A_721 = arith.constant 0 : i32
        %dma_start3A_722 = tpu.memref_slice %arg9[%dma_start3A_720, %dma_start3A_721] : memref<3200x16xf32, #tpu.memory_space<vmem>> -> memref<128x16xf32, #tpu.memory_space<vmem>>
        %dma_start3A_723 = arith.constant 0 : i32
        %dma_start3A_724 = tpu.memref_slice %arg7[%dma_start3A_719, %dma_start3A_723] : memref<25x128xi32, #tpu.memory_space<vmem>> -> memref<1x128xi32, #tpu.memory_space<vmem>>
        %dma_start3A_725 = tpu.memref_squeeze %dma_start3A_724 : memref<1x128xi32, #tpu.memory_space<vmem>> -> memref<128xi32, #tpu.memory_space<vmem>>
        %dma_start3A_726 = arith.constant 0 : i32
        %dma_start3A_727 = arith.constant 0 : i32
        %dma_start3A_728 = tpu.memref_slice %arg3[%dma_start3A_726, %dma_start3A_727] : memref<250000x16xf32, #tpu.memory_space<hbm>> -> memref<250000x16xf32, #tpu.memory_space<hbm>>
        tpu.enqueue_indirect_dma source(%dma_start3A_728 : memref<250000x16xf32, #tpu.memory_space<hbm>>) target(%dma_start3A_722 : memref<128x16xf32, #tpu.memory_space<vmem>>) offsets(%dma_start3A_725 : memref<128xi32, #tpu.memory_space<vmem>>) semaphore(%arg17 : memref<!tpu.dma_semaphore, #tpu.memory_space<semaphore_mem>>)
        %dma_start3A_729 = arith.constant 3 : i32
        %dma_start3A_730 = arith.constant 384 : i32
        %dma_start3A_731 = arith.constant 0 : i32
        %dma_start3A_732 = tpu.memref_slice %arg9[%dma_start3A_730, %dma_start3A_731] : memref<3200x16xf32, #tpu.memory_space<vmem>> -> memref<128x16xf32, #tpu.memory_space<vmem>>
        %dma_start3A_733 = arith.constant 0 : i32
        %dma_start3A_734 = tpu.memref_slice %arg7[%dma_start3A_729, %dma_start3A_733] : memref<25x128xi32, #tpu.memory_space<vmem>> -> memref<1x128xi32, #tpu.memory_space<vmem>>
        %dma_start3A_735 = tpu.memref_squeeze %dma_start3A_734 : memref<1x128xi32, #tpu.memory_space<vmem>> -> memref<128xi32, #tpu.memory_space<vmem>>
        %dma_start3A_736 = arith.constant 0 : i32
        %dma_start3A_737 = arith.constant 0 : i32
        %dma_start3A_738 = tpu.memref_slice %arg3[%dma_start3A_736, %dma_start3A_737] : memref<250000x16xf32, #tpu.memory_space<hbm>> -> memref<250000x16xf32, #tpu.memory_space<hbm>>
        tpu.enqueue_indirect_dma source(%dma_start3A_738 : memref<250000x16xf32, #tpu.memory_space<hbm>>) target(%dma_start3A_732 : memref<128x16xf32, #tpu.memory_space<vmem>>) offsets(%dma_start3A_735 : memref<128xi32, #tpu.memory_space<vmem>>) semaphore(%arg17 : memref<!tpu.dma_semaphore, #tpu.memory_space<semaphore_mem>>)
        %dma_start3A_739 = arith.constant 4 : i32
        %dma_start3A_740 = arith.constant 512 : i32
        %dma_start3A_741 = arith.constant 0 : i32
        %dma_start3A_742 = tpu.memref_slice %arg9[%dma_start3A_740, %dma_start3A_741] : memref<3200x16xf32, #tpu.memory_space<vmem>> -> memref<128x16xf32, #tpu.memory_space<vmem>>
        %dma_start3A_743 = arith.constant 0 : i32
        %dma_start3A_744 = tpu.memref_slice %arg7[%dma_start3A_739, %dma_start3A_743] : memref<25x128xi32, #tpu.memory_space<vmem>> -> memref<1x128xi32, #tpu.memory_space<vmem>>
        %dma_start3A_745 = tpu.memref_squeeze %dma_start3A_744 : memref<1x128xi32, #tpu.memory_space<vmem>> -> memref<128xi32, #tpu.memory_space<vmem>>
        %dma_start3A_746 = arith.constant 0 : i32
        %dma_start3A_747 = arith.constant 0 : i32
        %dma_start3A_748 = tpu.memref_slice %arg3[%dma_start3A_746, %dma_start3A_747] : memref<250000x16xf32, #tpu.memory_space<hbm>> -> memref<250000x16xf32, #tpu.memory_space<hbm>>
        tpu.enqueue_indirect_dma source(%dma_start3A_748 : memref<250000x16xf32, #tpu.memory_space<hbm>>) target(%dma_start3A_742 : memref<128x16xf32, #tpu.memory_space<vmem>>) offsets(%dma_start3A_745 : memref<128xi32, #tpu.memory_space<vmem>>) semaphore(%arg17 : memref<!tpu.dma_semaphore, #tpu.memory_space<semaphore_mem>>)
        %dma_start3A_749 = arith.constant 5 : i32
        %dma_start3A_750 = arith.constant 640 : i32
        %dma_start3A_751 = arith.constant 0 : i32
        %dma_start3A_752 = tpu.memref_slice %arg9[%dma_start3A_750, %dma_start3A_751] : memref<3200x16xf32, #tpu.memory_space<vmem>> -> memref<128x16xf32, #tpu.memory_space<vmem>>
        %dma_start3A_753 = arith.constant 0 : i32
        %dma_start3A_754 = tpu.memref_slice %arg7[%dma_start3A_749, %dma_start3A_753] : memref<25x128xi32, #tpu.memory_space<vmem>> -> memref<1x128xi32, #tpu.memory_space<vmem>>
        %dma_start3A_755 = tpu.memref_squeeze %dma_start3A_754 : memref<1x128xi32, #tpu.memory_space<vmem>> -> memref<128xi32, #tpu.memory_space<vmem>>
        %dma_start3A_756 = arith.constant 0 : i32
        %dma_start3A_757 = arith.constant 0 : i32
        %dma_start3A_758 = tpu.memref_slice %arg3[%dma_start3A_756, %dma_start3A_757] : memref<250000x16xf32, #tpu.memory_space<hbm>> -> memref<250000x16xf32, #tpu.memory_space<hbm>>
        tpu.enqueue_indirect_dma source(%dma_start3A_758 : memref<250000x16xf32, #tpu.memory_space<hbm>>) target(%dma_start3A_752 : memref<128x16xf32, #tpu.memory_space<vmem>>) offsets(%dma_start3A_755 : memref<128xi32, #tpu.memory_space<vmem>>) semaphore(%arg17 : memref<!tpu.dma_semaphore, #tpu.memory_space<semaphore_mem>>)
        %dma_start3A_759 = arith.constant 6 : i32
        %dma_start3A_760 = arith.constant 768 : i32
        %dma_start3A_761 = arith.constant 0 : i32
        %dma_start3A_762 = tpu.memref_slice %arg9[%dma_start3A_760, %dma_start3A_761] : memref<3200x16xf32, #tpu.memory_space<vmem>> -> memref<128x16xf32, #tpu.memory_space<vmem>>
        %dma_start3A_763 = arith.constant 0 : i32
        %dma_start3A_764 = tpu.memref_slice %arg7[%dma_start3A_759, %dma_start3A_763] : memref<25x128xi32, #tpu.memory_space<vmem>> -> memref<1x128xi32, #tpu.memory_space<vmem>>
        %dma_start3A_765 = tpu.memref_squeeze %dma_start3A_764 : memref<1x128xi32, #tpu.memory_space<vmem>> -> memref<128xi32, #tpu.memory_space<vmem>>
        %dma_start3A_766 = arith.constant 0 : i32
        %dma_start3A_767 = arith.constant 0 : i32
        %dma_start3A_768 = tpu.memref_slice %arg3[%dma_start3A_766, %dma_start3A_767] : memref<250000x16xf32, #tpu.memory_space<hbm>> -> memref<250000x16xf32, #tpu.memory_space<hbm>>
        tpu.enqueue_indirect_dma source(%dma_start3A_768 : memref<250000x16xf32, #tpu.memory_space<hbm>>) target(%dma_start3A_762 : memref<128x16xf32, #tpu.memory_space<vmem>>) offsets(%dma_start3A_765 : memref<128xi32, #tpu.memory_space<vmem>>) semaphore(%arg17 : memref<!tpu.dma_semaphore, #tpu.memory_space<semaphore_mem>>)
        %dma_start3A_769 = arith.constant 7 : i32
        %dma_start3A_770 = arith.constant 896 : i32
        %dma_start3A_771 = arith.constant 0 : i32
        %dma_start3A_772 = tpu.memref_slice %arg9[%dma_start3A_770, %dma_start3A_771] : memref<3200x16xf32, #tpu.memory_space<vmem>> -> memref<128x16xf32, #tpu.memory_space<vmem>>
        %dma_start3A_773 = arith.constant 0 : i32
        %dma_start3A_774 = tpu.memref_slice %arg7[%dma_start3A_769, %dma_start3A_773] : memref<25x128xi32, #tpu.memory_space<vmem>> -> memref<1x128xi32, #tpu.memory_space<vmem>>
        %dma_start3A_775 = tpu.memref_squeeze %dma_start3A_774 : memref<1x128xi32, #tpu.memory_space<vmem>> -> memref<128xi32, #tpu.memory_space<vmem>>
        %dma_start3A_776 = arith.constant 0 : i32
        %dma_start3A_777 = arith.constant 0 : i32
        %dma_start3A_778 = tpu.memref_slice %arg3[%dma_start3A_776, %dma_start3A_777] : memref<250000x16xf32, #tpu.memory_space<hbm>> -> memref<250000x16xf32, #tpu.memory_space<hbm>>
        tpu.enqueue_indirect_dma source(%dma_start3A_778 : memref<250000x16xf32, #tpu.memory_space<hbm>>) target(%dma_start3A_772 : memref<128x16xf32, #tpu.memory_space<vmem>>) offsets(%dma_start3A_775 : memref<128xi32, #tpu.memory_space<vmem>>) semaphore(%arg17 : memref<!tpu.dma_semaphore, #tpu.memory_space<semaphore_mem>>)
        %dma_start3A_779 = arith.constant 8 : i32
        %dma_start3A_780 = arith.constant 1024 : i32
        %dma_start3A_781 = arith.constant 0 : i32
        %dma_start3A_782 = tpu.memref_slice %arg9[%dma_start3A_780, %dma_start3A_781] : memref<3200x16xf32, #tpu.memory_space<vmem>> -> memref<128x16xf32, #tpu.memory_space<vmem>>
        %dma_start3A_783 = arith.constant 0 : i32
        %dma_start3A_784 = tpu.memref_slice %arg7[%dma_start3A_779, %dma_start3A_783] : memref<25x128xi32, #tpu.memory_space<vmem>> -> memref<1x128xi32, #tpu.memory_space<vmem>>
        %dma_start3A_785 = tpu.memref_squeeze %dma_start3A_784 : memref<1x128xi32, #tpu.memory_space<vmem>> -> memref<128xi32, #tpu.memory_space<vmem>>
        %dma_start3A_786 = arith.constant 0 : i32
        %dma_start3A_787 = arith.constant 0 : i32
        %dma_start3A_788 = tpu.memref_slice %arg3[%dma_start3A_786, %dma_start3A_787] : memref<250000x16xf32, #tpu.memory_space<hbm>> -> memref<250000x16xf32, #tpu.memory_space<hbm>>
        tpu.enqueue_indirect_dma source(%dma_start3A_788 : memref<250000x16xf32, #tpu.memory_space<hbm>>) target(%dma_start3A_782 : memref<128x16xf32, #tpu.memory_space<vmem>>) offsets(%dma_start3A_785 : memref<128xi32, #tpu.memory_space<vmem>>) semaphore(%arg17 : memref<!tpu.dma_semaphore, #tpu.memory_space<semaphore_mem>>)
        %dma_start3A_789 = arith.constant 9 : i32
        %dma_start3A_790 = arith.constant 1152 : i32
        %dma_start3A_791 = arith.constant 0 : i32
        %dma_start3A_792 = tpu.memref_slice %arg9[%dma_start3A_790, %dma_start3A_791] : memref<3200x16xf32, #tpu.memory_space<vmem>> -> memref<128x16xf32, #tpu.memory_space<vmem>>
        %dma_start3A_793 = arith.constant 0 : i32
        %dma_start3A_794 = tpu.memref_slice %arg7[%dma_start3A_789, %dma_start3A_793] : memref<25x128xi32, #tpu.memory_space<vmem>> -> memref<1x128xi32, #tpu.memory_space<vmem>>
        %dma_start3A_795 = tpu.memref_squeeze %dma_start3A_794 : memref<1x128xi32, #tpu.memory_space<vmem>> -> memref<128xi32, #tpu.memory_space<vmem>>
        %dma_start3A_796 = arith.constant 0 : i32
        %dma_start3A_797 = arith.constant 0 : i32
        %dma_start3A_798 = tpu.memref_slice %arg3[%dma_start3A_796, %dma_start3A_797] : memref<250000x16xf32, #tpu.memory_space<hbm>> -> memref<250000x16xf32, #tpu.memory_space<hbm>>
        tpu.enqueue_indirect_dma source(%dma_start3A_798 : memref<250000x16xf32, #tpu.memory_space<hbm>>) target(%dma_start3A_792 : memref<128x16xf32, #tpu.memory_space<vmem>>) offsets(%dma_start3A_795 : memref<128xi32, #tpu.memory_space<vmem>>) semaphore(%arg17 : memref<!tpu.dma_semaphore, #tpu.memory_space<semaphore_mem>>)
        %dma_start3A_799 = arith.constant 10 : i32
        %dma_start3A_800 = arith.constant 1280 : i32
        %dma_start3A_801 = arith.constant 0 : i32
        %dma_start3A_802 = tpu.memref_slice %arg9[%dma_start3A_800, %dma_start3A_801] : memref<3200x16xf32, #tpu.memory_space<vmem>> -> memref<128x16xf32, #tpu.memory_space<vmem>>
        %dma_start3A_803 = arith.constant 0 : i32
        %dma_start3A_804 = tpu.memref_slice %arg7[%dma_start3A_799, %dma_start3A_803] : memref<25x128xi32, #tpu.memory_space<vmem>> -> memref<1x128xi32, #tpu.memory_space<vmem>>
        %dma_start3A_805 = tpu.memref_squeeze %dma_start3A_804 : memref<1x128xi32, #tpu.memory_space<vmem>> -> memref<128xi32, #tpu.memory_space<vmem>>
        %dma_start3A_806 = arith.constant 0 : i32
        %dma_start3A_807 = arith.constant 0 : i32
        %dma_start3A_808 = tpu.memref_slice %arg3[%dma_start3A_806, %dma_start3A_807] : memref<250000x16xf32, #tpu.memory_space<hbm>> -> memref<250000x16xf32, #tpu.memory_space<hbm>>
        tpu.enqueue_indirect_dma source(%dma_start3A_808 : memref<250000x16xf32, #tpu.memory_space<hbm>>) target(%dma_start3A_802 : memref<128x16xf32, #tpu.memory_space<vmem>>) offsets(%dma_start3A_805 : memref<128xi32, #tpu.memory_space<vmem>>) semaphore(%arg17 : memref<!tpu.dma_semaphore, #tpu.memory_space<semaphore_mem>>)
        %dma_start3A_809 = arith.constant 11 : i32
        %dma_start3A_810 = arith.constant 1408 : i32
        %dma_start3A_811 = arith.constant 0 : i32
        %dma_start3A_812 = tpu.memref_slice %arg9[%dma_start3A_810, %dma_start3A_811] : memref<3200x16xf32, #tpu.memory_space<vmem>> -> memref<128x16xf32, #tpu.memory_space<vmem>>
        %dma_start3A_813 = arith.constant 0 : i32
        %dma_start3A_814 = tpu.memref_slice %arg7[%dma_start3A_809, %dma_start3A_813] : memref<25x128xi32, #tpu.memory_space<vmem>> -> memref<1x128xi32, #tpu.memory_space<vmem>>
        %dma_start3A_815 = tpu.memref_squeeze %dma_start3A_814 : memref<1x128xi32, #tpu.memory_space<vmem>> -> memref<128xi32, #tpu.memory_space<vmem>>
        %dma_start3A_816 = arith.constant 0 : i32
        %dma_start3A_817 = arith.constant 0 : i32
        %dma_start3A_818 = tpu.memref_slice %arg3[%dma_start3A_816, %dma_start3A_817] : memref<250000x16xf32, #tpu.memory_space<hbm>> -> memref<250000x16xf32, #tpu.memory_space<hbm>>
        tpu.enqueue_indirect_dma source(%dma_start3A_818 : memref<250000x16xf32, #tpu.memory_space<hbm>>) target(%dma_start3A_812 : memref<128x16xf32, #tpu.memory_space<vmem>>) offsets(%dma_start3A_815 : memref<128xi32, #tpu.memory_space<vmem>>) semaphore(%arg17 : memref<!tpu.dma_semaphore, #tpu.memory_space<semaphore_mem>>)
        %dma_start3A_819 = arith.constant 12 : i32
        %dma_start3A_820 = arith.constant 1536 : i32
        %dma_start3A_821 = arith.constant 0 : i32
        %dma_start3A_822 = tpu.memref_slice %arg9[%dma_start3A_820, %dma_start3A_821] : memref<3200x16xf32, #tpu.memory_space<vmem>> -> memref<128x16xf32, #tpu.memory_space<vmem>>
        %dma_start3A_823 = arith.constant 0 : i32
        %dma_start3A_824 = tpu.memref_slice %arg7[%dma_start3A_819, %dma_start3A_823] : memref<25x128xi32, #tpu.memory_space<vmem>> -> memref<1x128xi32, #tpu.memory_space<vmem>>
        %dma_start3A_825 = tpu.memref_squeeze %dma_start3A_824 : memref<1x128xi32, #tpu.memory_space<vmem>> -> memref<128xi32, #tpu.memory_space<vmem>>
        %dma_start3A_826 = arith.constant 0 : i32
        %dma_start3A_827 = arith.constant 0 : i32
        %dma_start3A_828 = tpu.memref_slice %arg3[%dma_start3A_826, %dma_start3A_827] : memref<250000x16xf32, #tpu.memory_space<hbm>> -> memref<250000x16xf32, #tpu.memory_space<hbm>>
        tpu.enqueue_indirect_dma source(%dma_start3A_828 : memref<250000x16xf32, #tpu.memory_space<hbm>>) target(%dma_start3A_822 : memref<128x16xf32, #tpu.memory_space<vmem>>) offsets(%dma_start3A_825 : memref<128xi32, #tpu.memory_space<vmem>>) semaphore(%arg17 : memref<!tpu.dma_semaphore, #tpu.memory_space<semaphore_mem>>)
        %dma_start3A_829 = arith.constant 13 : i32
        %dma_start3A_830 = arith.constant 1664 : i32
        %dma_start3A_831 = arith.constant 0 : i32
        %dma_start3A_832 = tpu.memref_slice %arg9[%dma_start3A_830, %dma_start3A_831] : memref<3200x16xf32, #tpu.memory_space<vmem>> -> memref<128x16xf32, #tpu.memory_space<vmem>>
        %dma_start3A_833 = arith.constant 0 : i32
        %dma_start3A_834 = tpu.memref_slice %arg7[%dma_start3A_829, %dma_start3A_833] : memref<25x128xi32, #tpu.memory_space<vmem>> -> memref<1x128xi32, #tpu.memory_space<vmem>>
        %dma_start3A_835 = tpu.memref_squeeze %dma_start3A_834 : memref<1x128xi32, #tpu.memory_space<vmem>> -> memref<128xi32, #tpu.memory_space<vmem>>
        %dma_start3A_836 = arith.constant 0 : i32
        %dma_start3A_837 = arith.constant 0 : i32
        %dma_start3A_838 = tpu.memref_slice %arg3[%dma_start3A_836, %dma_start3A_837] : memref<250000x16xf32, #tpu.memory_space<hbm>> -> memref<250000x16xf32, #tpu.memory_space<hbm>>
        tpu.enqueue_indirect_dma source(%dma_start3A_838 : memref<250000x16xf32, #tpu.memory_space<hbm>>) target(%dma_start3A_832 : memref<128x16xf32, #tpu.memory_space<vmem>>) offsets(%dma_start3A_835 : memref<128xi32, #tpu.memory_space<vmem>>) semaphore(%arg17 : memref<!tpu.dma_semaphore, #tpu.memory_space<semaphore_mem>>)
        %dma_start3A_839 = arith.constant 14 : i32
        %dma_start3A_840 = arith.constant 1792 : i32
        %dma_start3A_841 = arith.constant 0 : i32
        %dma_start3A_842 = tpu.memref_slice %arg9[%dma_start3A_840, %dma_start3A_841] : memref<3200x16xf32, #tpu.memory_space<vmem>> -> memref<128x16xf32, #tpu.memory_space<vmem>>
        %dma_start3A_843 = arith.constant 0 : i32
        %dma_start3A_844 = tpu.memref_slice %arg7[%dma_start3A_839, %dma_start3A_843] : memref<25x128xi32, #tpu.memory_space<vmem>> -> memref<1x128xi32, #tpu.memory_space<vmem>>
        %dma_start3A_845 = tpu.memref_squeeze %dma_start3A_844 : memref<1x128xi32, #tpu.memory_space<vmem>> -> memref<128xi32, #tpu.memory_space<vmem>>
        %dma_start3A_846 = arith.constant 0 : i32
        %dma_start3A_847 = arith.constant 0 : i32
        %dma_start3A_848 = tpu.memref_slice %arg3[%dma_start3A_846, %dma_start3A_847] : memref<250000x16xf32, #tpu.memory_space<hbm>> -> memref<250000x16xf32, #tpu.memory_space<hbm>>
        tpu.enqueue_indirect_dma source(%dma_start3A_848 : memref<250000x16xf32, #tpu.memory_space<hbm>>) target(%dma_start3A_842 : memref<128x16xf32, #tpu.memory_space<vmem>>) offsets(%dma_start3A_845 : memref<128xi32, #tpu.memory_space<vmem>>) semaphore(%arg17 : memref<!tpu.dma_semaphore, #tpu.memory_space<semaphore_mem>>)
        %dma_start3A_849 = arith.constant 15 : i32
        %dma_start3A_850 = arith.constant 1920 : i32
        %dma_start3A_851 = arith.constant 0 : i32
        %dma_start3A_852 = tpu.memref_slice %arg9[%dma_start3A_850, %dma_start3A_851] : memref<3200x16xf32, #tpu.memory_space<vmem>> -> memref<128x16xf32, #tpu.memory_space<vmem>>
        %dma_start3A_853 = arith.constant 0 : i32
        %dma_start3A_854 = tpu.memref_slice %arg7[%dma_start3A_849, %dma_start3A_853] : memref<25x128xi32, #tpu.memory_space<vmem>> -> memref<1x128xi32, #tpu.memory_space<vmem>>
        %dma_start3A_855 = tpu.memref_squeeze %dma_start3A_854 : memref<1x128xi32, #tpu.memory_space<vmem>> -> memref<128xi32, #tpu.memory_space<vmem>>
        %dma_start3A_856 = arith.constant 0 : i32
        %dma_start3A_857 = arith.constant 0 : i32
        %dma_start3A_858 = tpu.memref_slice %arg3[%dma_start3A_856, %dma_start3A_857] : memref<250000x16xf32, #tpu.memory_space<hbm>> -> memref<250000x16xf32, #tpu.memory_space<hbm>>
        tpu.enqueue_indirect_dma source(%dma_start3A_858 : memref<250000x16xf32, #tpu.memory_space<hbm>>) target(%dma_start3A_852 : memref<128x16xf32, #tpu.memory_space<vmem>>) offsets(%dma_start3A_855 : memref<128xi32, #tpu.memory_space<vmem>>) semaphore(%arg17 : memref<!tpu.dma_semaphore, #tpu.memory_space<semaphore_mem>>)
        %dma_start3A_859 = arith.constant 16 : i32
        %dma_start3A_860 = arith.constant 2048 : i32
        %dma_start3A_861 = arith.constant 0 : i32
        %dma_start3A_862 = tpu.memref_slice %arg9[%dma_start3A_860, %dma_start3A_861] : memref<3200x16xf32, #tpu.memory_space<vmem>> -> memref<128x16xf32, #tpu.memory_space<vmem>>
        %dma_start3A_863 = arith.constant 0 : i32
        %dma_start3A_864 = tpu.memref_slice %arg7[%dma_start3A_859, %dma_start3A_863] : memref<25x128xi32, #tpu.memory_space<vmem>> -> memref<1x128xi32, #tpu.memory_space<vmem>>
        %dma_start3A_865 = tpu.memref_squeeze %dma_start3A_864 : memref<1x128xi32, #tpu.memory_space<vmem>> -> memref<128xi32, #tpu.memory_space<vmem>>
        %dma_start3A_866 = arith.constant 0 : i32
        %dma_start3A_867 = arith.constant 0 : i32
        %dma_start3A_868 = tpu.memref_slice %arg3[%dma_start3A_866, %dma_start3A_867] : memref<250000x16xf32, #tpu.memory_space<hbm>> -> memref<250000x16xf32, #tpu.memory_space<hbm>>
        tpu.enqueue_indirect_dma source(%dma_start3A_868 : memref<250000x16xf32, #tpu.memory_space<hbm>>) target(%dma_start3A_862 : memref<128x16xf32, #tpu.memory_space<vmem>>) offsets(%dma_start3A_865 : memref<128xi32, #tpu.memory_space<vmem>>) semaphore(%arg17 : memref<!tpu.dma_semaphore, #tpu.memory_space<semaphore_mem>>)
        %dma_start3A_869 = arith.constant 17 : i32
        %dma_start3A_870 = arith.constant 2176 : i32
        %dma_start3A_871 = arith.constant 0 : i32
        %dma_start3A_872 = tpu.memref_slice %arg9[%dma_start3A_870, %dma_start3A_871] : memref<3200x16xf32, #tpu.memory_space<vmem>> -> memref<128x16xf32, #tpu.memory_space<vmem>>
        %dma_start3A_873 = arith.constant 0 : i32
        %dma_start3A_874 = tpu.memref_slice %arg7[%dma_start3A_869, %dma_start3A_873] : memref<25x128xi32, #tpu.memory_space<vmem>> -> memref<1x128xi32, #tpu.memory_space<vmem>>
        %dma_start3A_875 = tpu.memref_squeeze %dma_start3A_874 : memref<1x128xi32, #tpu.memory_space<vmem>> -> memref<128xi32, #tpu.memory_space<vmem>>
        %dma_start3A_876 = arith.constant 0 : i32
        %dma_start3A_877 = arith.constant 0 : i32
        %dma_start3A_878 = tpu.memref_slice %arg3[%dma_start3A_876, %dma_start3A_877] : memref<250000x16xf32, #tpu.memory_space<hbm>> -> memref<250000x16xf32, #tpu.memory_space<hbm>>
        tpu.enqueue_indirect_dma source(%dma_start3A_878 : memref<250000x16xf32, #tpu.memory_space<hbm>>) target(%dma_start3A_872 : memref<128x16xf32, #tpu.memory_space<vmem>>) offsets(%dma_start3A_875 : memref<128xi32, #tpu.memory_space<vmem>>) semaphore(%arg17 : memref<!tpu.dma_semaphore, #tpu.memory_space<semaphore_mem>>)
        %dma_start3A_879 = arith.constant 18 : i32
        %dma_start3A_880 = arith.constant 2304 : i32
        %dma_start3A_881 = arith.constant 0 : i32
        %dma_start3A_882 = tpu.memref_slice %arg9[%dma_start3A_880, %dma_start3A_881] : memref<3200x16xf32, #tpu.memory_space<vmem>> -> memref<128x16xf32, #tpu.memory_space<vmem>>
        %dma_start3A_883 = arith.constant 0 : i32
        %dma_start3A_884 = tpu.memref_slice %arg7[%dma_start3A_879, %dma_start3A_883] : memref<25x128xi32, #tpu.memory_space<vmem>> -> memref<1x128xi32, #tpu.memory_space<vmem>>
        %dma_start3A_885 = tpu.memref_squeeze %dma_start3A_884 : memref<1x128xi32, #tpu.memory_space<vmem>> -> memref<128xi32, #tpu.memory_space<vmem>>
        %dma_start3A_886 = arith.constant 0 : i32
        %dma_start3A_887 = arith.constant 0 : i32
        %dma_start3A_888 = tpu.memref_slice %arg3[%dma_start3A_886, %dma_start3A_887] : memref<250000x16xf32, #tpu.memory_space<hbm>> -> memref<250000x16xf32, #tpu.memory_space<hbm>>
        tpu.enqueue_indirect_dma source(%dma_start3A_888 : memref<250000x16xf32, #tpu.memory_space<hbm>>) target(%dma_start3A_882 : memref<128x16xf32, #tpu.memory_space<vmem>>) offsets(%dma_start3A_885 : memref<128xi32, #tpu.memory_space<vmem>>) semaphore(%arg17 : memref<!tpu.dma_semaphore, #tpu.memory_space<semaphore_mem>>)
        %dma_start3A_889 = arith.constant 19 : i32
        %dma_start3A_890 = arith.constant 2432 : i32
        %dma_start3A_891 = arith.constant 0 : i32
        %dma_start3A_892 = tpu.memref_slice %arg9[%dma_start3A_890, %dma_start3A_891] : memref<3200x16xf32, #tpu.memory_space<vmem>> -> memref<128x16xf32, #tpu.memory_space<vmem>>
        %dma_start3A_893 = arith.constant 0 : i32
        %dma_start3A_894 = tpu.memref_slice %arg7[%dma_start3A_889, %dma_start3A_893] : memref<25x128xi32, #tpu.memory_space<vmem>> -> memref<1x128xi32, #tpu.memory_space<vmem>>
        %dma_start3A_895 = tpu.memref_squeeze %dma_start3A_894 : memref<1x128xi32, #tpu.memory_space<vmem>> -> memref<128xi32, #tpu.memory_space<vmem>>
        %dma_start3A_896 = arith.constant 0 : i32
        %dma_start3A_897 = arith.constant 0 : i32
        %dma_start3A_898 = tpu.memref_slice %arg3[%dma_start3A_896, %dma_start3A_897] : memref<250000x16xf32, #tpu.memory_space<hbm>> -> memref<250000x16xf32, #tpu.memory_space<hbm>>
        tpu.enqueue_indirect_dma source(%dma_start3A_898 : memref<250000x16xf32, #tpu.memory_space<hbm>>) target(%dma_start3A_892 : memref<128x16xf32, #tpu.memory_space<vmem>>) offsets(%dma_start3A_895 : memref<128xi32, #tpu.memory_space<vmem>>) semaphore(%arg17 : memref<!tpu.dma_semaphore, #tpu.memory_space<semaphore_mem>>)
        %dma_start3A_899 = arith.constant 20 : i32
        %dma_start3A_900 = arith.constant 2560 : i32
        %dma_start3A_901 = arith.constant 0 : i32
        %dma_start3A_902 = tpu.memref_slice %arg9[%dma_start3A_900, %dma_start3A_901] : memref<3200x16xf32, #tpu.memory_space<vmem>> -> memref<128x16xf32, #tpu.memory_space<vmem>>
        %dma_start3A_903 = arith.constant 0 : i32
        %dma_start3A_904 = tpu.memref_slice %arg7[%dma_start3A_899, %dma_start3A_903] : memref<25x128xi32, #tpu.memory_space<vmem>> -> memref<1x128xi32, #tpu.memory_space<vmem>>
        %dma_start3A_905 = tpu.memref_squeeze %dma_start3A_904 : memref<1x128xi32, #tpu.memory_space<vmem>> -> memref<128xi32, #tpu.memory_space<vmem>>
        %dma_start3A_906 = arith.constant 0 : i32
        %dma_start3A_907 = arith.constant 0 : i32
        %dma_start3A_908 = tpu.memref_slice %arg3[%dma_start3A_906, %dma_start3A_907] : memref<250000x16xf32, #tpu.memory_space<hbm>> -> memref<250000x16xf32, #tpu.memory_space<hbm>>
        tpu.enqueue_indirect_dma source(%dma_start3A_908 : memref<250000x16xf32, #tpu.memory_space<hbm>>) target(%dma_start3A_902 : memref<128x16xf32, #tpu.memory_space<vmem>>) offsets(%dma_start3A_905 : memref<128xi32, #tpu.memory_space<vmem>>) semaphore(%arg17 : memref<!tpu.dma_semaphore, #tpu.memory_space<semaphore_mem>>)
        %dma_start3A_909 = arith.constant 21 : i32
        %dma_start3A_910 = arith.constant 2688 : i32
        %dma_start3A_911 = arith.constant 0 : i32
        %dma_start3A_912 = tpu.memref_slice %arg9[%dma_start3A_910, %dma_start3A_911] : memref<3200x16xf32, #tpu.memory_space<vmem>> -> memref<128x16xf32, #tpu.memory_space<vmem>>
        %dma_start3A_913 = arith.constant 0 : i32
        %dma_start3A_914 = tpu.memref_slice %arg7[%dma_start3A_909, %dma_start3A_913] : memref<25x128xi32, #tpu.memory_space<vmem>> -> memref<1x128xi32, #tpu.memory_space<vmem>>
        %dma_start3A_915 = tpu.memref_squeeze %dma_start3A_914 : memref<1x128xi32, #tpu.memory_space<vmem>> -> memref<128xi32, #tpu.memory_space<vmem>>
        %dma_start3A_916 = arith.constant 0 : i32
        %dma_start3A_917 = arith.constant 0 : i32
        %dma_start3A_918 = tpu.memref_slice %arg3[%dma_start3A_916, %dma_start3A_917] : memref<250000x16xf32, #tpu.memory_space<hbm>> -> memref<250000x16xf32, #tpu.memory_space<hbm>>
        tpu.enqueue_indirect_dma source(%dma_start3A_918 : memref<250000x16xf32, #tpu.memory_space<hbm>>) target(%dma_start3A_912 : memref<128x16xf32, #tpu.memory_space<vmem>>) offsets(%dma_start3A_915 : memref<128xi32, #tpu.memory_space<vmem>>) semaphore(%arg17 : memref<!tpu.dma_semaphore, #tpu.memory_space<semaphore_mem>>)
        %dma_start3A_919 = arith.constant 22 : i32
        %dma_start3A_920 = arith.constant 2816 : i32
        %dma_start3A_921 = arith.constant 0 : i32
        %dma_start3A_922 = tpu.memref_slice %arg9[%dma_start3A_920, %dma_start3A_921] : memref<3200x16xf32, #tpu.memory_space<vmem>> -> memref<128x16xf32, #tpu.memory_space<vmem>>
        %dma_start3A_923 = arith.constant 0 : i32
        %dma_start3A_924 = tpu.memref_slice %arg7[%dma_start3A_919, %dma_start3A_923] : memref<25x128xi32, #tpu.memory_space<vmem>> -> memref<1x128xi32, #tpu.memory_space<vmem>>
        %dma_start3A_925 = tpu.memref_squeeze %dma_start3A_924 : memref<1x128xi32, #tpu.memory_space<vmem>> -> memref<128xi32, #tpu.memory_space<vmem>>
        %dma_start3A_926 = arith.constant 0 : i32
        %dma_start3A_927 = arith.constant 0 : i32
        %dma_start3A_928 = tpu.memref_slice %arg3[%dma_start3A_926, %dma_start3A_927] : memref<250000x16xf32, #tpu.memory_space<hbm>> -> memref<250000x16xf32, #tpu.memory_space<hbm>>
        tpu.enqueue_indirect_dma source(%dma_start3A_928 : memref<250000x16xf32, #tpu.memory_space<hbm>>) target(%dma_start3A_922 : memref<128x16xf32, #tpu.memory_space<vmem>>) offsets(%dma_start3A_925 : memref<128xi32, #tpu.memory_space<vmem>>) semaphore(%arg17 : memref<!tpu.dma_semaphore, #tpu.memory_space<semaphore_mem>>)
        %dma_start3A_929 = arith.constant 23 : i32
        %dma_start3A_930 = arith.constant 2944 : i32
        %dma_start3A_931 = arith.constant 0 : i32
        %dma_start3A_932 = tpu.memref_slice %arg9[%dma_start3A_930, %dma_start3A_931] : memref<3200x16xf32, #tpu.memory_space<vmem>> -> memref<128x16xf32, #tpu.memory_space<vmem>>
        %dma_start3A_933 = arith.constant 0 : i32
        %dma_start3A_934 = tpu.memref_slice %arg7[%dma_start3A_929, %dma_start3A_933] : memref<25x128xi32, #tpu.memory_space<vmem>> -> memref<1x128xi32, #tpu.memory_space<vmem>>
        %dma_start3A_935 = tpu.memref_squeeze %dma_start3A_934 : memref<1x128xi32, #tpu.memory_space<vmem>> -> memref<128xi32, #tpu.memory_space<vmem>>
        %dma_start3A_936 = arith.constant 0 : i32
        %dma_start3A_937 = arith.constant 0 : i32
        %dma_start3A_938 = tpu.memref_slice %arg3[%dma_start3A_936, %dma_start3A_937] : memref<250000x16xf32, #tpu.memory_space<hbm>> -> memref<250000x16xf32, #tpu.memory_space<hbm>>
        tpu.enqueue_indirect_dma source(%dma_start3A_938 : memref<250000x16xf32, #tpu.memory_space<hbm>>) target(%dma_start3A_932 : memref<128x16xf32, #tpu.memory_space<vmem>>) offsets(%dma_start3A_935 : memref<128xi32, #tpu.memory_space<vmem>>) semaphore(%arg17 : memref<!tpu.dma_semaphore, #tpu.memory_space<semaphore_mem>>)
        %dma_start3A_939 = arith.constant 24 : i32
        %dma_start3A_940 = arith.constant 3072 : i32
        %dma_start3A_941 = arith.constant 0 : i32
        %dma_start3A_942 = tpu.memref_slice %arg9[%dma_start3A_940, %dma_start3A_941] : memref<3200x16xf32, #tpu.memory_space<vmem>> -> memref<128x16xf32, #tpu.memory_space<vmem>>
        %dma_start3A_943 = arith.constant 0 : i32
        %dma_start3A_944 = tpu.memref_slice %arg7[%dma_start3A_939, %dma_start3A_943] : memref<25x128xi32, #tpu.memory_space<vmem>> -> memref<1x128xi32, #tpu.memory_space<vmem>>
        %dma_start3A_945 = tpu.memref_squeeze %dma_start3A_944 : memref<1x128xi32, #tpu.memory_space<vmem>> -> memref<128xi32, #tpu.memory_space<vmem>>
        %dma_start3A_946 = arith.constant 0 : i32
        %dma_start3A_947 = arith.constant 0 : i32
        %dma_start3A_948 = tpu.memref_slice %arg3[%dma_start3A_946, %dma_start3A_947] : memref<250000x16xf32, #tpu.memory_space<hbm>> -> memref<250000x16xf32, #tpu.memory_space<hbm>>
        tpu.enqueue_indirect_dma source(%dma_start3A_948 : memref<250000x16xf32, #tpu.memory_space<hbm>>) target(%dma_start3A_942 : memref<128x16xf32, #tpu.memory_space<vmem>>) offsets(%dma_start3A_945 : memref<128xi32, #tpu.memory_space<vmem>>) semaphore(%arg17 : memref<!tpu.dma_semaphore, #tpu.memory_space<semaphore_mem>>)
      } else {
      }
      %dma_wait3A_645 = arith.constant 0 : i32
      %dma_wait3A_646 = arith.constant 0 : i32
      %dma_wait3A_647 = tpu.memref_slice %arg3[%dma_wait3A_645, %dma_wait3A_646] : memref<250000x16xf32, #tpu.memory_space<hbm>> -> memref<3200x16xf32, #tpu.memory_space<hbm>>
      %dma_wait3A_648 = arith.constant 0 : i32
      %dma_wait3A_649 = arith.constant 0 : i32
      %dma_wait3A_650 = tpu.memref_slice %arg3[%dma_wait3A_648, %dma_wait3A_649] : memref<250000x16xf32, #tpu.memory_space<hbm>> -> memref<3200x16xf32, #tpu.memory_space<hbm>>
      tpu.wait_dma2 semaphore(%arg18 : memref<!tpu.dma_semaphore, #tpu.memory_space<semaphore_mem>>) src(%dma_wait3A_650 : memref<3200x16xf32, #tpu.memory_space<hbm>>) dst(%arg10 : memref<3200x16xf32, #tpu.memory_space<vmem>>)
      %add3A_651 = arith.constant 1 : i32
      %add3A_652 = arith.addi %mul3A_340, %add3A_651 : i32
      %scan3A_653 = arith.constant 0 : i32
      %scan3A_654 = arith.constant 0 : i32
      %scan3A_655 = arith.constant 4 : i32
      %scan3A_656 = arith.addi %scan3A_654, %scan3A_655 : i32
      %scan3A_657 = arith.constant 1 : i32
      %scan3A_658 = scf.for %scan3A_661 = %scan3A_654 to %scan3A_656 step %scan3A_657 iter_args(%scan3A_662 = %scan3A_653) -> (i32)  : i32 {
        %mul3A_663 = arith.constant 800 : i32
        %mul3A_664 = arith.muli %scan3A_661, %mul3A_663 : i32
        %add3A_665 = vector.broadcast %mul3A_664 : i32 to vector<16xi32>
        %add3A_666 = arith.addi %mul3A_9, %add3A_665 : vector<16xi32>
        %scan3A_667 = arith.constant 0 : i32
        %scan3A_668 = arith.constant 200 : i32
        %scan3A_669 = arith.addi %scan3A_667, %scan3A_668 : i32
        %scan3A_670 = arith.constant 8 : i32
        %scan3A_671 = scf.for %scan3A_682 = %scan3A_667 to %scan3A_669 step %scan3A_670 iter_args(%scan3A_683 = %broadcast_in_dim3A_16) -> (vector<16xf32>)  : i32 {
          %add3A_684 = vector.broadcast %scan3A_682 : i32 to vector<16xi32>
          %add3A_685 = arith.addi %add3A_666, %add3A_684 : vector<16xi32>
          %gather3A_686 = tpu.vector_load_idx %arg12[%add3A_685] : memref<3200xi32, #tpu.memory_space<vmem>>[vector<16xi32>], vector<16xi32>,
          %add3A_687 = vector.broadcast %scan3A_682 : i32 to vector<16xi32>
          %add3A_688 = arith.addi %add3A_666, %add3A_687 : vector<16xi32>
          %add3A_689 = arith.addi %gather3A_686, %and3A_6 : vector<16xi32>
          %gather3A_690 = tpu.vector_load_idx %arg10[%add3A_688, %add3A_689] : memref<3200x16xf32, #tpu.memory_space<vmem>>[vector<16xi32>, vector<16xi32>], vector<16xf32>,
          %max3A = arith.maximumf %scan3A_683, %gather3A_690 : vector<16xf32>
          %scan3A_691 = arith.constant 1 : i32
          %scan3A_692 = arith.addi %scan3A_682, %scan3A_691 : i32
          %add3A_693 = vector.broadcast %scan3A_692 : i32 to vector<16xi32>
          %add3A_694 = arith.addi %add3A_666, %add3A_693 : vector<16xi32>
          %gather3A_695 = tpu.vector_load_idx %arg12[%add3A_694] : memref<3200xi32, #tpu.memory_space<vmem>>[vector<16xi32>], vector<16xi32>,
          %add3A_696 = vector.broadcast %scan3A_692 : i32 to vector<16xi32>
          %add3A_697 = arith.addi %add3A_666, %add3A_696 : vector<16xi32>
          %add3A_698 = arith.addi %gather3A_695, %and3A_6 : vector<16xi32>
          %gather3A_699 = tpu.vector_load_idx %arg10[%add3A_697, %add3A_698] : memref<3200x16xf32, #tpu.memory_space<vmem>>[vector<16xi32>, vector<16xi32>], vector<16xf32>,
          %max3A_700 = arith.maximumf %max3A, %gather3A_699 : vector<16xf32>
          %scan3A_701 = arith.constant 2 : i32
          %scan3A_702 = arith.addi %scan3A_682, %scan3A_701 : i32
          %add3A_703 = vector.broadcast %scan3A_702 : i32 to vector<16xi32>
          %add3A_704 = arith.addi %add3A_666, %add3A_703 : vector<16xi32>
          %gather3A_705 = tpu.vector_load_idx %arg12[%add3A_704] : memref<3200xi32, #tpu.memory_space<vmem>>[vector<16xi32>], vector<16xi32>,
          %add3A_706 = vector.broadcast %scan3A_702 : i32 to vector<16xi32>
          %add3A_707 = arith.addi %add3A_666, %add3A_706 : vector<16xi32>
          %add3A_708 = arith.addi %gather3A_705, %and3A_6 : vector<16xi32>
          %gather3A_709 = tpu.vector_load_idx %arg10[%add3A_707, %add3A_708] : memref<3200x16xf32, #tpu.memory_space<vmem>>[vector<16xi32>, vector<16xi32>], vector<16xf32>,
          %max3A_710 = arith.maximumf %max3A_700, %gather3A_709 : vector<16xf32>
          %scan3A_711 = arith.constant 3 : i32
          %scan3A_712 = arith.addi %scan3A_682, %scan3A_711 : i32
          %add3A_713 = vector.broadcast %scan3A_712 : i32 to vector<16xi32>
          %add3A_714 = arith.addi %add3A_666, %add3A_713 : vector<16xi32>
          %gather3A_715 = tpu.vector_load_idx %arg12[%add3A_714] : memref<3200xi32, #tpu.memory_space<vmem>>[vector<16xi32>], vector<16xi32>,
          %add3A_716 = vector.broadcast %scan3A_712 : i32 to vector<16xi32>
          %add3A_717 = arith.addi %add3A_666, %add3A_716 : vector<16xi32>
          %add3A_718 = arith.addi %gather3A_715, %and3A_6 : vector<16xi32>
          %gather3A_719 = tpu.vector_load_idx %arg10[%add3A_717, %add3A_718] : memref<3200x16xf32, #tpu.memory_space<vmem>>[vector<16xi32>, vector<16xi32>], vector<16xf32>,
          %max3A_720 = arith.maximumf %max3A_710, %gather3A_719 : vector<16xf32>
          %scan3A_721 = arith.constant 4 : i32
          %scan3A_722 = arith.addi %scan3A_682, %scan3A_721 : i32
          %add3A_723 = vector.broadcast %scan3A_722 : i32 to vector<16xi32>
          %add3A_724 = arith.addi %add3A_666, %add3A_723 : vector<16xi32>
          %gather3A_725 = tpu.vector_load_idx %arg12[%add3A_724] : memref<3200xi32, #tpu.memory_space<vmem>>[vector<16xi32>], vector<16xi32>,
          %add3A_726 = vector.broadcast %scan3A_722 : i32 to vector<16xi32>
          %add3A_727 = arith.addi %add3A_666, %add3A_726 : vector<16xi32>
          %add3A_728 = arith.addi %gather3A_725, %and3A_6 : vector<16xi32>
          %gather3A_729 = tpu.vector_load_idx %arg10[%add3A_727, %add3A_728] : memref<3200x16xf32, #tpu.memory_space<vmem>>[vector<16xi32>, vector<16xi32>], vector<16xf32>,
          %max3A_730 = arith.maximumf %max3A_720, %gather3A_729 : vector<16xf32>
          %scan3A_731 = arith.constant 5 : i32
          %scan3A_732 = arith.addi %scan3A_682, %scan3A_731 : i32
          %add3A_733 = vector.broadcast %scan3A_732 : i32 to vector<16xi32>
          %add3A_734 = arith.addi %add3A_666, %add3A_733 : vector<16xi32>
          %gather3A_735 = tpu.vector_load_idx %arg12[%add3A_734] : memref<3200xi32, #tpu.memory_space<vmem>>[vector<16xi32>], vector<16xi32>,
          %add3A_736 = vector.broadcast %scan3A_732 : i32 to vector<16xi32>
          %add3A_737 = arith.addi %add3A_666, %add3A_736 : vector<16xi32>
          %add3A_738 = arith.addi %gather3A_735, %and3A_6 : vector<16xi32>
          %gather3A_739 = tpu.vector_load_idx %arg10[%add3A_737, %add3A_738] : memref<3200x16xf32, #tpu.memory_space<vmem>>[vector<16xi32>, vector<16xi32>], vector<16xf32>,
          %max3A_740 = arith.maximumf %max3A_730, %gather3A_739 : vector<16xf32>
          %scan3A_741 = arith.constant 6 : i32
          %scan3A_742 = arith.addi %scan3A_682, %scan3A_741 : i32
          %add3A_743 = vector.broadcast %scan3A_742 : i32 to vector<16xi32>
          %add3A_744 = arith.addi %add3A_666, %add3A_743 : vector<16xi32>
          %gather3A_745 = tpu.vector_load_idx %arg12[%add3A_744] : memref<3200xi32, #tpu.memory_space<vmem>>[vector<16xi32>], vector<16xi32>,
          %add3A_746 = vector.broadcast %scan3A_742 : i32 to vector<16xi32>
          %add3A_747 = arith.addi %add3A_666, %add3A_746 : vector<16xi32>
          %add3A_748 = arith.addi %gather3A_745, %and3A_6 : vector<16xi32>
          %gather3A_749 = tpu.vector_load_idx %arg10[%add3A_747, %add3A_748] : memref<3200x16xf32, #tpu.memory_space<vmem>>[vector<16xi32>, vector<16xi32>], vector<16xf32>,
          %max3A_750 = arith.maximumf %max3A_740, %gather3A_749 : vector<16xf32>
          %scan3A_751 = arith.constant 7 : i32
          %scan3A_752 = arith.addi %scan3A_682, %scan3A_751 : i32
          %add3A_753 = vector.broadcast %scan3A_752 : i32 to vector<16xi32>
          %add3A_754 = arith.addi %add3A_666, %add3A_753 : vector<16xi32>
          %gather3A_755 = tpu.vector_load_idx %arg12[%add3A_754] : memref<3200xi32, #tpu.memory_space<vmem>>[vector<16xi32>], vector<16xi32>,
          %add3A_756 = vector.broadcast %scan3A_752 : i32 to vector<16xi32>
          %add3A_757 = arith.addi %add3A_666, %add3A_756 : vector<16xi32>
          %add3A_758 = arith.addi %gather3A_755, %and3A_6 : vector<16xi32>
          %gather3A_759 = tpu.vector_load_idx %arg10[%add3A_757, %add3A_758] : memref<3200x16xf32, #tpu.memory_space<vmem>>[vector<16xi32>, vector<16xi32>], vector<16xf32>,
          %max3A_760 = arith.maximumf %max3A_750, %gather3A_759 : vector<16xf32>
          scf.yield %max3A_760 : vector<16xf32>
        }
        %scan3A_672 = arith.constant 200 : i32
        %mul3A_673 = arith.constant 16 : i32
        %mul3A_674 = arith.muli %add3A_652, %mul3A_673 : i32
        %mul3A_675 = arith.constant 4 : i32
        %mul3A_676 = arith.muli %scan3A_661, %mul3A_675 : i32
        %add3A_677 = arith.addi %mul3A_674, %mul3A_676 : i32
        %mul3A_678 = arith.constant 4 : i32
        %mul3A_679 = arith.muli %add3A_677, %mul3A_678 : i32
        %swap3A = arith.index_cast %mul3A_679 : i32 to index
        %swap3A_680 = tpu.vector_load %arg13[%swap3A] {strides = array<i32>} : memref<2048xf32, #tpu.memory_space<vmem>>, vector<16xf32>,
        tpu.vector_store %arg13[%swap3A], %scan3A_671 {strides = array<i32>} : memref<2048xf32, #tpu.memory_space<vmem>>, vector<16xf32>,
        %scan3A_681 = arith.constant 0 : i32
        scf.yield %scan3A_681 : i32
      }
      %scan3A_659 = arith.constant 4 : i32
      %scan3A_660 = arith.constant 0 : i32
      scf.yield %scan3A_660 : i32
    }
    %scan3A_327 = arith.constant 16 : i32
    %scan3A_328 = arith.constant 0 : i32
    %scan3A_329 = arith.constant 0 : i32
    %scan3A_330 = arith.constant 64 : i32
    %scan3A_331 = arith.addi %scan3A_329, %scan3A_330 : i32
    %scan3A_332 = arith.constant 1 : i32
    %scan3A_333 = scf.for %scan3A_337 = %scan3A_329 to %scan3A_331 step %scan3A_332 iter_args(%scan3A_338 = %scan3A_328) -> (i32)  : i32 {
      %mul3A_339 = arith.constant 8 : i32
      %mul3A_340 = arith.muli %scan3A_337, %mul3A_339 : i32
      %add3A_341 = vector.broadcast %mul3A_340 : i32 to vector<16xi32>
      %add3A_342 = arith.addi %add3A_341, %shift_right_arithmetic3A_12 : vector<16xi32>
      %mul3A_343 = arith.constant 4 : i32
      %mul3A_344 = vector.broadcast %mul3A_343 : i32 to vector<16xi32>
      %mul3A_345 = arith.muli %add3A_342, %mul3A_344 : vector<16xi32>
      %add3A_346 = arith.constant 0 : i32
      %add3A_347 = vector.broadcast %add3A_346 : i32 to vector<16xi32>
      %add3A_348 = arith.addi %mul3A_345, %add3A_347 : vector<16xi32>
      %gather3A_349 = tpu.vector_load_idx %arg13[%add3A_348] : memref<2048xf32, #tpu.memory_space<vmem>>[vector<16xi32>], vector<16xf32>,
      %mul3A_350 = arith.mulf %gather3A, %gather3A_349 : vector<16xf32>
      %add3A_351 = arith.addf %gather3A_44, %mul3A_350 : vector<16xf32>
      %add3A_352 = arith.constant 1 : i32
      %add3A_353 = vector.broadcast %add3A_352 : i32 to vector<16xi32>
      %add3A_354 = arith.addi %mul3A_345, %add3A_353 : vector<16xi32>
      %gather3A_355 = tpu.vector_load_idx %arg13[%add3A_354] : memref<2048xf32, #tpu.memory_space<vmem>>[vector<16xi32>], vector<16xf32>,
      %mul3A_356 = arith.mulf %gather3A_29, %gather3A_355 : vector<16xf32>
      %add3A_357 = arith.addf %add3A_351, %mul3A_356 : vector<16xf32>
      %add3A_358 = arith.constant 2 : i32
      %add3A_359 = vector.broadcast %add3A_358 : i32 to vector<16xi32>
      %add3A_360 = arith.addi %mul3A_345, %add3A_359 : vector<16xi32>
      %gather3A_361 = tpu.vector_load_idx %arg13[%add3A_360] : memref<2048xf32, #tpu.memory_space<vmem>>[vector<16xi32>], vector<16xf32>,
      %mul3A_362 = arith.mulf %gather3A_36, %gather3A_361 : vector<16xf32>
      %add3A_363 = arith.addf %add3A_357, %mul3A_362 : vector<16xf32>
      %add3A_364 = arith.constant 3 : i32
      %add3A_365 = vector.broadcast %add3A_364 : i32 to vector<16xi32>
      %add3A_366 = arith.addi %mul3A_345, %add3A_365 : vector<16xi32>
      %gather3A_367 = tpu.vector_load_idx %arg13[%add3A_366] : memref<2048xf32, #tpu.memory_space<vmem>>[vector<16xi32>], vector<16xf32>,
      %mul3A_368 = arith.mulf %gather3A_43, %gather3A_367 : vector<16xf32>
      %add3A_369 = arith.addf %add3A_363, %mul3A_368 : vector<16xf32>
      %mul3A_370 = arith.constant 16 : i32
      %mul3A_371 = arith.muli %scan3A_337, %mul3A_370 : i32
      %swap3A = arith.index_cast %mul3A_371 : i32 to index
      %swap3A_372 = tpu.vector_load %arg14[%swap3A] {strides = array<i32>} : memref<1024xf32, #tpu.memory_space<vmem>>, vector<16xf32>,
      tpu.vector_store %arg14[%swap3A], %add3A_369 {strides = array<i32>} : memref<1024xf32, #tpu.memory_space<vmem>>, vector<16xf32>,
      %scan3A_373 = arith.constant 0 : i32
      scf.yield %scan3A_373 : i32
    }
    %scan3A_334 = arith.constant 64 : i32
    %mul3A_335 = arith.constant 2 : i32
    %mul3A_336 = arith.muli %mul3A_2, %mul3A_335 : i32
    "tpu.region"() ({
      %run_scoped3A = tpu.sem_alloc : memref<!tpu.dma_semaphore, #tpu.memory_space<semaphore_mem>>
      %dma_start3A_337 = tpu.memref_slice %arg6[%mul3A_336] : memref<32768xf32, #tpu.memory_space<hbm>> -> memref<1024xf32, #tpu.memory_space<hbm>>
      %dma_start3A_338 = tpu.memref_slice %arg6[%mul3A_336] : memref<32768xf32, #tpu.memory_space<hbm>> -> memref<1024xf32, #tpu.memory_space<hbm>>
      tpu.enqueue_dma source(%arg14 : memref<1024xf32, #tpu.memory_space<vmem>>) target(%dma_start3A_338 : memref<1024xf32, #tpu.memory_space<hbm>>) target_semaphore(%run_scoped3A : memref<!tpu.dma_semaphore, #tpu.memory_space<semaphore_mem>>)
      %dma_wait3A = tpu.memref_slice %arg6[%mul3A_336] : memref<32768xf32, #tpu.memory_space<hbm>> -> memref<1024xf32, #tpu.memory_space<hbm>>
      %dma_wait3A_339 = tpu.memref_slice %arg6[%mul3A_336] : memref<32768xf32, #tpu.memory_space<hbm>> -> memref<1024xf32, #tpu.memory_space<hbm>>
      tpu.wait_dma2 semaphore(%run_scoped3A : memref<!tpu.dma_semaphore, #tpu.memory_space<semaphore_mem>>) src(%arg14 : memref<1024xf32, #tpu.memory_space<vmem>>) dst(%dma_wait3A_339 : memref<1024xf32, #tpu.memory_space<hbm>>)
      tpu.yield
    }) : () -> ()
    return
  }
}

</mosaic_0001>

<sc_bundles>
// kernel: kernel.3.cloned.1.call-start
scs
__scs_entry_jumppad:
0x0: {  	(pc) =	sbr.rel $0x88, $3  }
0x1: {  	(tag) =	ssettag $0x0;
	lr =	simm.s32 $0x1  }
0x2: {  	[smem:$0x3F9D] =	sst lr;
	_ =	strace $0xD0000000  }
0x3: {  	_ = 	snop  }
0x4: {  	_ = 	snop  }
0x5: {  	_ = 	snop  }
0x6: {  	_ = 	snop  }
0x7: {  	_ = 	snop  }
__scs_overlays_trampoline_lowered:
0x8: {  	[smem:$0x3FAC] =	sst s0  }
0x9: {  	[smem:$0x3FAD] =	sst s1  }
0xa: {  	[smem:$0x3FAE] =	sst s2  }
0xb: {  	[smem:$0x3FAF] =	sst s3  }
0xc: {  	[smem:$0x3FB0] =	sst s4  }
0xd: {  	[smem:$0x3FB1] =	sst s5  }
0xe: {  	[smem:$0x3FB2] =	sst s6  }
0xf: {  	[smem:$0x3FB3] =	sst s7  }
0x10: {  	[smem:$0x3FB4] =	sst s8  }
0x11: {  	[smem:$0x3FB5] =	sst s9;
	s0 =	simm.s32 @!p0 $0x0  }
0x12: {  	s1 =	sld [smem:$0x3F9B];
	s0 =	simm.s32 @p0 $0x1  }
0x13: {  	[smem:$0x3FB6] =	sst s0;
	s0 =	simm.s32 @!p1 $0x0  }
0x14: {  	s2 =	sld [smem:$0x3F9A];
	s0 =	simm.s32 @p1 $0x1  }
0x15: {  	[smem:$0x3FB7] =	sst s0;
	s0 =	simm.s32 @!p2 $0x0  }
0x16: {  	s3 =	sld [smem:$0x3FDB];
	s0 =	simm.s32 @p2 $0x1  }
0x17: {  	s4 =	simm.s32 $0x1BF5;
	[smem:$0x3FB9] =	sst s0  }
0x18: {  	s0 =	sld [smem:$0x3F9C];
	_ =	swait.ge [sflag:s4], $0x0  }
0x19: {  	s7 =	sld [smem:$0x3F9D]  }
0x1a: {  	s8 =	sadd.s32 $0xFFFFE003, lr  }
0x1b: {  	s9 =	sadd.s32 $0xFFFFFEF7, lr;
	s5 =	simm.s32 $0xFFFFFFFF;
	p2 =	slt.u32 s8, $0xFFFFF086  }
0x1c: {  	p1 =	slt.u32 s9, $0xF7A;
	s5 =	simm.s32 @!p2 $0x0  }
0x1d: {  	s5 =	simm.s32 @p1 $0x1;
	p0 =	seq.s32 s7, s2  }
0x1e: {  	s7 =	smul.u32 @!p0 $0xF7A, s2;
	p2 =	seq.s32 @!p0 s5, $0x0  }
0x1f: {  	s9 =	smul.u32 $0xF7A, s1;
	s8 =	simm.s32 @!p0 $0x1BF5;
	p2 =	por !p2, p0  }
0x20: {  	[sflag:s8] =	ssyncset.s32 @!p0 $0xFFFFF086;
	s6 =	sadd.s32 @!p0 s3, s7;
	s7 =	simm.s32 @!p0 $0x108  }
0x21: {  	s3 =	sadd.s32 s3, s9;
	s6 =	sadd.s32 @!p0 $0x88, s6;
	s7 =	simm.s32 @p2 $0x1082  }
0x22: {  	[simem:s7], [sflag:s8] =	dma.local @!p0 [hbm:s6], $0xF7A  }
0x23: {  	s9 =	sor.u32 $0xD0000000, s2;
	s6 =	simm.s32 $0x108;
	_ =	swait.ge @!p0 [sflag:s8], $0x0  }
0x24: {  	s3 =	sadd.s32 $0x88, s3;
	s6 =	simm.s32 @!p1 $0x1082;
	[sflag:s4] =	ssyncset.s32 $0xFFFFF086  }
0x25: {  	[simem:s6], [sflag:s4] =	dma.local [hbm:s3], $0xF7A  }
0x26: {  	[smem:$0x3F9D] =	sst s1;
	(tag) =	ssettag s2;
	_ =	strace s9  }
0x27: {  	s1 =	sld [smem:$0x3FAD]  }
0x28: {  	s2 =	sld [smem:$0x3FAE]  }
0x29: {  	s4 =	sld [smem:$0x3FB0]  }
0x2a: {  	p0 =	seq.s32 s5, $0x0;
	s5 =	sld [smem:$0x3FB1]  }
0x2b: {  	s6 =	sld [smem:$0x3FB2]  }
0x2c: {  	s7 =	sld [smem:$0x3FB3]  }
0x2d: {  	s3 =	simm.s32 $0x108;
	s8 =	sld [smem:$0x3FB4]  }
0x2e: {  	s3 =	simm.s32 @!p0 $0x1082;
	s9 =	sld [smem:$0x3FB5]  }
0x2f: {  	lr =	sadd.s32 s0, s3;
	s0 =	sld [smem:$0x3FAC]  }
0x30: {  	s3 =	sld [smem:$0x3FAF]  }
0x31: {  	[smem:$0x3FB8] =	sst s10  }
0x32: {  	s10 =	sld [smem:$0x3FB6];
	_ =	sdelay $0x3  }
0x33: {  	p0 =	seq.s32 s10, $0x1;
	s10 =	sld [smem:$0x3FB8];
	_ =	sdelay $0x3  }
0x34: {  	[smem:$0x3FB8] =	sst s10  }
0x35: {  	s10 =	sld [smem:$0x3FB7];
	_ =	sdelay $0x3  }
0x36: {  	p1 =	seq.s32 s10, $0x1;
	s10 =	sld [smem:$0x3FB8];
	_ =	sdelay $0x3  }
0x37: {  	[smem:$0x3FB8] =	sst s10  }
0x38: {  	s10 =	sld [smem:$0x3FB9]  }
0x39: {  	_ = 	snop;
	(pc) =	sbr.ind lr, $3  }
0x3a: {  	_ = 	snop  }
0x3b: {  	_ = 	snop  }
0x3c: {  	p2 =	seq.s32 s10, $0x1;
	s10 =	sld [smem:$0x3FB8]  }
0x3d: {  	_ =	shalt  }
0x3e: {  	_ =	shalt  }
0x3f: {  	_ =	shalt  }
0x40: {  	_ =	shalt  }
0x41: {  	_ =	shalt  }
0x42: {  	_ =	shalt  }
0x43: {  	_ =	shalt  }
0x44: {  	_ =	shalt  }
0x45: {  	_ =	shalt  }
0x46: {  	_ =	shalt  }
0x47: {  	_ =	shalt  }
0x48: {  	_ =	shalt  }
0x49: {  	_ =	shalt  }
0x4a: {  	_ =	shalt  }
0x4b: {  	_ =	shalt  }
0x4c: {  	_ =	shalt  }
0x4d: {  	_ =	shalt  }
0x4e: {  	_ =	shalt  }
0x4f: {  	_ =	shalt  }
0x50: {  	_ =	shalt  }
0x51: {  	_ =	shalt  }
0x52: {  	_ =	shalt  }
0x53: {  	_ =	shalt  }
0x54: {  	_ =	shalt  }
0x55: {  	_ =	shalt  }
0x56: {  	_ =	shalt  }
0x57: {  	_ =	shalt  }
0x58: {  	_ =	shalt  }
0x59: {  	_ =	shalt  }
0x5a: {  	_ =	shalt  }
0x5b: {  	_ =	shalt  }
0x5c: {  	_ =	shalt  }
0x5d: {  	_ =	shalt  }
0x5e: {  	_ =	shalt  }
0x5f: {  	_ =	shalt  }
0x60: {  	_ =	shalt  }
0x61: {  	_ =	shalt  }
0x62: {  	_ =	shalt  }
0x63: {  	_ =	shalt  }
0x64: {  	_ =	shalt  }
0x65: {  	_ =	shalt  }
0x66: {  	_ =	shalt  }
0x67: {  	_ =	shalt  }
0x68: {  	_ =	shalt  }
0x69: {  	_ =	shalt  }
0x6a: {  	_ =	shalt  }
0x6b: {  	_ =	shalt  }
0x6c: {  	_ =	shalt  }
0x6d: {  	_ =	shalt  }
0x6e: {  	_ =	shalt  }
0x6f: {  	_ =	shalt  }
0x70: {  	_ =	shalt  }
0x71: {  	_ =	shalt  }
0x72: {  	_ =	shalt  }
0x73: {  	_ =	shalt  }
0x74: {  	_ =	shalt  }
0x75: {  	_ =	shalt  }
0x76: {  	_ =	shalt  }
0x77: {  	_ =	shalt  }
0x78: {  	_ =	shalt  }
0x79: {  	_ =	shalt  }
0x7a: {  	_ =	shalt  }
0x7b: {  	_ =	shalt  }
0x7c: {  	_ =	shalt  }
0x7d: {  	_ =	shalt  }
0x7e: {  	_ =	shalt  }
0x7f: {  	_ =	shalt  }
0x80: {  	_ =	shalt  }
0x81: {  	_ =	shalt  }
0x82: {  	_ =	shalt  }
0x83: {  	_ =	shalt  }
0x84: {  	_ =	shalt  }
0x85: {  	_ =	shalt  }
0x86: {  	_ =	shalt  }
0x87: {  	_ =	shalt  }
.Lfunc_end0:
.L_simem_size_0:
called_computation_lowered:
.L_overlay_start_0:
0x88: {  	s2 =	sld [smem:$0x3FD9]  }
0x89: {  	s3 =	sld [smem:$0x3FFE];
	_ =	sdelay $0x1  }
0x8a: {  	s1 =	srdreg.scid  }
0x8b: {  	s0 =	sand.u32 $0x1, s1  }
0x8c: {  	s17 =	sshll.u32 s0, $0xA;
	s2 =	sadd.s32 s3, s2  }
0x8d: {  	s2 =	sadd.s32 s2, s17  }
0x8e: {  	[smem:$0x3FC4] =	sst s2  }
0x8f: {  	_ = 	snop  }
0x90: {  	s2 =	sld [smem:$0x3FD0];
	(tm) =	ssettm $0x1  }
0x91: {  	s18 =	sld [smem:$0x3FFB];
	_ =	sdelay $0x3  }
0x92: {  	_ =	strace s18  }
0x93: {  	s3 =	sld [smem:$0x3FFC];
	_ =	sdelay $0x3  }
0x94: {  	_ =	strace s3  }
0x95: {  	s3 =	sld [smem:$0x3FFD];
	_ =	sdelay $0x3  }
0x96: {  	_ =	strace s3  }
0x97: {  	_ =	strace $0x8FFFFFFF  }
0x98: {  	s19 =	sld [smem:$0x3FDB];
	_ =	sdelay $0x1  }
0x99: {  	s4 =	simm.s32 $_scs_section_size  }
0x9a: {  	s5 =	simm.s32 $_size__tile_overlayer_lowered;
	s6 =	simm.s32 $_tile_overlayer_lowered  }
0x9b: {  	s22 =	simm.s32 $0x1BFF;
	s21 =	sshll.u32 s6, $0x1;
	s3 =	sadd.s32 s4, s19  }
0x9c: {  	s7 =	simm.s32 $0x0;
	s20 =	sshll.u32 s5, $0x1;
	s5 =	sadd.s32 s21, s3  }
0x9d: {  	[timem:s7], [sflag:s22] =	dma.local [hbm:s5], s20  }
0x9e: {  	_ =	swait.ge [sflag:s22], s20  }
0x9f: {  	s4 =	ssub.s32 $0x0, s20;
	[sflag:s22] =	ssyncset.done $0x0  }
0xa0: {  	[sflag:s22] =	ssyncadd.s32 s4;
	_ =	sdelay $0x1  }
0xa1: {  	s23 =	simm.s32 $0x1B8B  }
0xa2: {  	_ =	swait.ge [sflag:s23], $0x1  }
0xa3: {  	[sflag:s23] =	ssyncset.done $0x0  }
0xa4: {  	s25 =	simm.s32 $0x1B8E;
	s24 =	sld [smem:$0x3FFE];
	[sflag:s23] =	ssyncadd.s32 $0xFFFFFFFF  }
0xa5: {  	s26 =	simm.s32 $execute0_lowered;
	[smem:$0x3FD2] =	sst s25  }
0xa6: {  	s5 =	sshll.u32 s26, $0x1;
	_ =	strace $0x80000046;
	[dreg:$0x1] =	wrdreg $0xFFFFFFFF  }
0xa7: {  	s28 =	simm.s32 $_size_execute0_lowered;
	s3 =	sadd.s32 s3, s5;
	[dreg:$0x0] =	wrdreg $0x0  }
0xa8: {  	s5 =	sshll.u32 s28, $0x1;
	[dreg:$0x2] =	wrdreg s3  }
0xa9: {  	[dreg:$0x3] =	wrdreg s5  }
0xaa: {  	[dreg:$0x4] =	wrdreg $0xC0  }
0xab: {  	_ =	task [dreg:s7], $0x5FFFF  }
0xac: {  	[dreg:$0x1] =	wrdreg $0xFFFFFFFF  }
0xad: {  	[dreg:$0x0] =	wrdreg $0x60  }
0xae: {  	[dreg:$0x2] =	wrdreg s24  }
0xaf: {  	[dreg:$0x3] =	wrdreg s2  }
0xb0: {  	[dreg:$0x4] =	wrdreg $0x9  }
0xb1: {  	_ =	task.clear_ibuf [dreg:s7], $0x5FFFF;
	_ =	strace $0x90000046  }
0xb2: {  	s29 =	simm.s32 $0x9;
	_ =	strace $0x80000048  }
0xb3: {  	_ =	swait.ge [sflag:s29], $0x1  }
0xb4: {  	[sflag:s29] =	ssyncadd.s32 $0xFFFFFFFF  }
0xb5: {  	_ =	strace $0x90000048  }
0xb6: {  	_ =	sfence  }
0xb7: {  	s30 =	sld [smem:$0x0];
	_ =	sdelay $0x2  }
0xb8: {  	s31 =	sshll.u32 s1, $0xD;
	s1 =	sshrl.u32 s1, $0x2  }
0xb9: {  	s3 =	sand.u32 $0x4000, s31;
	s1 =	sadd.s32 s1, s30  }
0xba: {  	s0 =	sor.u32 s3, s0;
	s1 =	sshll.u32 s1, $0x11  }
0xbb: {  	s0 =	sor.u32 s1, s0  }
0xbc: {  	s0 =	sadd.s32 $0x8F2B, s0  }
0xbd: {  	[sflag:s0] =	ssyncadd.remote.s32 $0x1  }
0xbe: {  	_ =	sfence.sel $0xFFFF  }
0xbf: {  	[dreg:$0x0] =	wrdreg $0xFFFFFFFF;
	(pc) =	sbr.abs _section_cstart, $3  }
0xc0: {  	[dreg:$0x1] =	wrdreg $0xFFFFFFFF  }
0xc1: {  	_ =	task.clear_ibuf [dreg:s7], $0x2FFFF;
	_ =	strace $0x9FFFFFFF  }
0xc2: {  	(tm) =	ssettm $0x7FFFFFFF  }
0xc3: {  	_ =	shalt  }
tec
execute0_lowered:
.L_overlay_start_1:
0x0: {  	(tag) =	ssettag $0x1  }
0x1: {  	s0 =	rddreg [dreg:$0x0]  }
0x2: {  	s1 =	rddreg [dreg:$0x1];
	s2 =	simm.s32 $0x0  }
0x3: {  	s4 =	srdreg.scid;
	s6 =	stileid.u32;
	s13 =	simm.s32 $0x3  }
0x4: {  	s15 =	simm.s32 $0x80;
	s16 =	simm.s32 $0x1900;
	s18 =	simm.s32 $0xC80  }
0x5: {  	s19 =	simm.s32 $0xE100;
	s12 =	simm.s32 $0x18900;
	s17 =	simm.s32 $0x1780  }
0x6: {  	s9 =	simm.s32 $0x19100;
	s20 =	simm.s32 $0x1800;
	s21 =	simm.s32 $0x19900  }
0x7: {  	s22 =	simm.s32 $0x1880;
	s23 =	simm.s32 $0x1A100;
	s28 =	simm.s32 $0x1B580  }
0x8: {  	[smem:$0x7FF] =	sst s2;
	s3 =	sadd.s32 $0xA00, s0;
	s5 =	sand.u32 $0x1, s4  }
0x9: {  	s6 =	sshll.u32 s6, $0x1;
	s4 =	sadd.s32 $0xF42E00, s0;
	s24 =	sadd.s32 $0x64A00, s0  }
0xa: {  	s0 =	sadd.s32 $0x64C00, s0;
	s7 =	ssub.s32 $0x2, s5;
	s5 =	sor.u32 s5, s6  }
0xb: {  	_ =	strace $0x80000047;
	[dreg:$0x3] =	wrdreg s24;
	s8 =	smul.u32 $0x3200, s5  }
0xc: {  	s29 =	simm.s32 $0x1C200;
	[dreg:$0x4] =	wrdreg s0;
	s25 =	sshrl.u32 s7, $0x1  }
0xd: {  	v6 =	vlaneseq.u32;
	s26 =	ssub.s32 s7, s25;
	s7 =	sshll.u32 s5, $0x9;
	s30 =	sadd.s32 s3, s8  }
0xe: {  	v0 =	vand.u32 $0x1, v6;
	s5 =	sshll.u32 s5, $0x7;
	s31 =	sor.u32 $0x20, s7;
	[dreg:$0x5] =	wrdreg s30  }
0xf: {  	v5 =	vshrl.u32 v6, $0x2;
	v7 =	vshrl.u32 v6, $0x1;
	v1 =	vmul.u32 $0x4, v0;
	s24 =	simm.s32 $0x1;
	s1 =	sadd.s32 s1, s5;
	[dreg:$0x6] =	wrdreg s31  }
0x10: {  	v6 =	vand.u32 $0x3, v6;
	v5 =	vmul.u32 $0xC8, v5;
	v7 =	vmul.u32 $0x4, v7;
	s25 =	simm.s32 $0x1A900;
	s0 =	smax.u32 s26, $0x1;
	[dreg:$0x7] =	wrdreg s1  }
0x11: {  	v2 =	vor.u32 $0x1, v1;
	v3 =	vor.u32 $0x2, v1;
	v4 =	vor.u32 $0x3, v1;
	s26 =	simm.s32 $0x2;
	[dreg:$0x8] =	wrdreg s0;
	s1 =	simm.s32 $0x0  }
.LBB2_1:
0x12: {  	[dreg:$0x9] =	wrdreg s1  }
0x13: {  	s0 =	rddreg [dreg:$0x3];
	s14 =	simm.s32 $0x1CE00  }
0x14: {  	[tilespmem:s14], [sflag:$0x3] =	stream.linear.gather [hbm4b:s0+s2], $0x8, $0x38;
	[tilespmem:$0x1CE10] =	vst v63  }
0x15: {  	_ =	swait.ge [sflag:s13], $0x8  }
0x16: {  	[sflag:s13] =	ssyncset.done $0x0  }
0x17: {  	s5 =	simm.s32 $0x1CE08;
	s30 =	rddreg [dreg:$0x4];
	[sflag:s13] =	ssyncadd.s32 $0xFFFFFFF8  }
0x18: {  	[tilespmem:s5], [sflag:$0x3] =	stream.linear.gather [hbm4b:s30+s2], $0x8, $0x38;
	[tilespmem:$0x1CE10] =	vst v63  }
0x19: {  	_ =	swait.ge [sflag:s13], $0x8  }
0x1a: {  	[sflag:s13] =	ssyncset.done $0x0  }
0x1b: {  	[sflag:s13] =	ssyncadd.s32 $0xFFFFFFF8  }
0x1c: {  	v11 =	vld.idx.msk [tilespmem:v1+s14+$0x0], $0xffff  }
0x1d: {  	v10 =	vld.idx.msk [tilespmem:v2+s14+$0x0], $0xffff  }
0x1e: {  	v9 =	vld.idx.msk [tilespmem:v3+s14+$0x0], $0xffff  }
0x1f: {  	s31 =	rddreg [dreg:$0x5];
	v8 =	vld.idx.msk [tilespmem:v4+s14+$0x0], $0xffff  }
0x20: {  	v12 =	vld.idx.msk [tilespmem:v0+s5+$0x0], $0xffff;
	[tilespmem:s2], [sflag:$0x3] =	stream.linear.gather [hbm4b:s31+s2], $0xC80, $0x38  }
0x21: {  	_ =	swait.ge [sflag:s13], $0xC80  }
0x22: {  	[sflag:s13] =	ssyncset.done $0x0  }
0x23: {  	s0 =	simm.s32 $0x40;
	[sflag:s13] =	ssyncadd.s32 $0xFFFFF380  }
0x24: {  	v13 =	vld [tilespmem:s0+$0xFFFFFFC0];
	_ =	sdelay $0x4  }
0x25: {  	v14 =	vshra.s32 v13, $0x2;
	v13 =	vshll.u32 v13, $0x2  }
0x26: {  	s1 =	simm.s32 $0x1A940;
	[tilespmem:s0+$0xFFFFFFC0] =	vst v14;
	v13 =	vand.u32 $0xC, v13  }
0x27: {  	[tilespmem:s1+$0xFFFFFFC0] =	vst v13  }
0x28: {  	v13 =	vld [tilespmem:s0+$0xFFFFFFD0];
	_ =	sdelay $0x4  }
0x29: {  	v14 =	vshra.s32 v13, $0x2;
	v13 =	vshll.u32 v13, $0x2  }
0x2a: {  	[tilespmem:s0+$0xFFFFFFD0] =	vst v14;
	v13 =	vand.u32 $0xC, v13  }
0x2b: {  	[tilespmem:s1+$0xFFFFFFD0] =	vst v13  }
0x2c: {  	v13 =	vld [tilespmem:s0+$0xFFFFFFE0];
	_ =	sdelay $0x4  }
0x2d: {  	v14 =	vshra.s32 v13, $0x2;
	v13 =	vshll.u32 v13, $0x2  }
0x2e: {  	[tilespmem:s0+$0xFFFFFFE0] =	vst v14;
	v13 =	vand.u32 $0xC, v13  }
0x2f: {  	[tilespmem:s1+$0xFFFFFFE0] =	vst v13  }
0x30: {  	v13 =	vld [tilespmem:s0+$0xFFFFFFF0];
	_ =	sdelay $0x4  }
0x31: {  	v14 =	vshra.s32 v13, $0x2;
	v13 =	vshll.u32 v13, $0x2  }
0x32: {  	[tilespmem:s0+$0xFFFFFFF0] =	vst v14;
	v13 =	vand.u32 $0xC, v13  }
0x33: {  	[tilespmem:s1+$0xFFFFFFF0] =	vst v13  }
0x34: {  	v13 =	vld [tilespmem:s0+$0x0];
	_ =	sdelay $0x4  }
0x35: {  	v14 =	vshra.s32 v13, $0x2;
	v13 =	vshll.u32 v13, $0x2  }
0x36: {  	[tilespmem:s0+$0x0] =	vst v14;
	v13 =	vand.u32 $0xC, v13  }
0x37: {  	[tilespmem:s1+$0x0] =	vst v13  }
0x38: {  	v13 =	vld [tilespmem:s0+$0x10];
	_ =	sdelay $0x4  }
0x39: {  	v14 =	vshra.s32 v13, $0x2;
	v13 =	vshll.u32 v13, $0x2  }
0x3a: {  	[tilespmem:s0+$0x10] =	vst v14;
	v13 =	vand.u32 $0xC, v13  }
0x3b: {  	[tilespmem:s1+$0x10] =	vst v13  }
0x3c: {  	v13 =	vld [tilespmem:s0+$0x20];
	_ =	sdelay $0x4  }
0x3d: {  	v14 =	vshra.s32 v13, $0x2;
	v13 =	vshll.u32 v13, $0x2  }
0x3e: {  	[tilespmem:s0+$0x20] =	vst v14;
	v13 =	vand.u32 $0xC, v13  }
0x3f: {  	[tilespmem:s1+$0x20] =	vst v13  }
0x40: {  	v13 =	vld [tilespmem:s0+$0x30];
	_ =	sdelay $0x4  }
0x41: {  	v14 =	vshra.s32 v13, $0x2;
	v13 =	vshll.u32 v13, $0x2  }
0x42: {  	s14 =	simm.s32 $0x0;
	[tilespmem:s0+$0x30] =	vst v14;
	v13 =	vand.u32 $0xC, v13  }
.LBB2_2:
0x43: {  	s14 =	sadd.s32 $0x8, s14;
	[tilespmem:s1+$0x30] =	vst v13;
	s0 =	sadd.s32 $0x80, s0;
	s1 =	sadd.s32 $0x80, s1  }
0x44: {  	v13 =	vld [tilespmem:s0+$0xFFFFFFC0];
	p0 =	slt.u32 s14, $0xC0;
	_ =	sdelay $0x4  }
0x45: {  	v14 =	vshra.s32 v13, $0x2;
	v13 =	vshll.u32 v13, $0x2  }
0x46: {  	[tilespmem:s0+$0xFFFFFFC0] =	vst v14;
	v13 =	vand.u32 $0xC, v13  }
0x47: {  	[tilespmem:s1+$0xFFFFFFC0] =	vst v13  }
0x48: {  	v13 =	vld [tilespmem:s0+$0xFFFFFFD0];
	_ =	sdelay $0x4  }
0x49: {  	v14 =	vshra.s32 v13, $0x2;
	v13 =	vshll.u32 v13, $0x2  }
0x4a: {  	[tilespmem:s0+$0xFFFFFFD0] =	vst v14;
	v13 =	vand.u32 $0xC, v13  }
0x4b: {  	[tilespmem:s1+$0xFFFFFFD0] =	vst v13  }
0x4c: {  	v13 =	vld [tilespmem:s0+$0xFFFFFFE0];
	_ =	sdelay $0x4  }
0x4d: {  	v14 =	vshra.s32 v13, $0x2;
	v13 =	vshll.u32 v13, $0x2  }
0x4e: {  	[tilespmem:s0+$0xFFFFFFE0] =	vst v14;
	v13 =	vand.u32 $0xC, v13  }
0x4f: {  	[tilespmem:s1+$0xFFFFFFE0] =	vst v13  }
0x50: {  	v13 =	vld [tilespmem:s0+$0xFFFFFFF0];
	_ =	sdelay $0x4  }
0x51: {  	v14 =	vshra.s32 v13, $0x2;
	v13 =	vshll.u32 v13, $0x2  }
0x52: {  	[tilespmem:s0+$0xFFFFFFF0] =	vst v14;
	v13 =	vand.u32 $0xC, v13  }
0x53: {  	[tilespmem:s1+$0xFFFFFFF0] =	vst v13  }
0x54: {  	v13 =	vld [tilespmem:s0+$0x0];
	_ =	sdelay $0x4  }
0x55: {  	v14 =	vshra.s32 v13, $0x2;
	v13 =	vshll.u32 v13, $0x2  }
0x56: {  	[tilespmem:s0+$0x0] =	vst v14;
	v13 =	vand.u32 $0xC, v13  }
0x57: {  	[tilespmem:s1+$0x0] =	vst v13  }
0x58: {  	v13 =	vld [tilespmem:s0+$0x10];
	_ =	sdelay $0x4  }
0x59: {  	v14 =	vshra.s32 v13, $0x2;
	v13 =	vshll.u32 v13, $0x2  }
0x5a: {  	[tilespmem:s0+$0x10] =	vst v14;
	v13 =	vand.u32 $0xC, v13  }
0x5b: {  	[tilespmem:s1+$0x10] =	vst v13  }
0x5c: {  	v13 =	vld [tilespmem:s0+$0x20];
	_ =	sdelay $0x4  }
0x5d: {  	v14 =	vshra.s32 v13, $0x2;
	v13 =	vshll.u32 v13, $0x2  }
0x5e: {  	[tilespmem:s0+$0x20] =	vst v14;
	v13 =	vand.u32 $0xC, v13  }
0x5f: {  	[tilespmem:s1+$0x20] =	vst v13  }
0x60: {  	v13 =	vld [tilespmem:s0+$0x30];
	_ =	sdelay $0x1  }
.Ltmp0:
0x61: {  	(pc) =	sbr.rel @p0 .LBB2_2-.Ltmp0, $3  }
0x62: {  	_ =	sdelay $0x1  }
0x63: {  	v14 =	vshra.s32 v13, $0x2;
	v13 =	vshll.u32 v13, $0x2  }
0x64: {  	[tilespmem:s0+$0x30] =	vst v14;
	v13 =	vand.u32 $0xC, v13  }
0x65: {  	[tilespmem:s1+$0x30] =	vst v13;
	s30 =	simm.s32 $0x0  }
0x66: {  	[tilespmem:s16], [sflag:$0x1] =	stream.indirect.gather [hbm4b:s4+s15], $0x10, s30, s15, $0xb8;
	[tilespmem:$0x1CE10] =	vst v63  }
0x67: {  	s0 =	simm.s32 $0x2100  }
0x68: {  	[tilespmem:s0], [sflag:$0x1] =	stream.indirect.gather [hbm4b:s4+s15], $0x10, s15, s15, $0xb8;
	[tilespmem:$0x1CE10] =	vst v63  }
0x69: {  	s6 =	simm.s32 $0x100;
	s8 =	simm.s32 $0x2900  }
0x6a: {  	[tilespmem:s8], [sflag:$0x1] =	stream.indirect.gather [hbm4b:s4+s15], $0x10, s6, s15, $0xb8;
	[tilespmem:$0x1CE10] =	vst v63  }
0x6b: {  	s10 =	simm.s32 $0x180;
	s11 =	simm.s32 $0x3100  }
0x6c: {  	[tilespmem:s11], [sflag:$0x1] =	stream.indirect.gather [hbm4b:s4+s15], $0x10, s10, s15, $0xb8;
	[tilespmem:$0x1CE10] =	vst v63  }
0x6d: {  	s14 =	simm.s32 $0x200;
	s31 =	simm.s32 $0x3900  }
0x6e: {  	[tilespmem:s31], [sflag:$0x1] =	stream.indirect.gather [hbm4b:s4+s15], $0x10, s14, s15, $0xb8;
	[tilespmem:$0x1CE10] =	vst v63  }
0x6f: {  	s1 =	simm.s32 $0x280;
	s5 =	simm.s32 $0x4100  }
0x70: {  	[tilespmem:s5], [sflag:$0x1] =	stream.indirect.gather [hbm4b:s4+s15], $0x10, s1, s15, $0xb8;
	[tilespmem:$0x1CE10] =	vst v63  }
0x71: {  	s6 =	simm.s32 $0x300;
	s8 =	simm.s32 $0x4900  }
0x72: {  	[tilespmem:s8], [sflag:$0x1] =	stream.indirect.gather [hbm4b:s4+s15], $0x10, s6, s15, $0xb8;
	[tilespmem:$0x1CE10] =	vst v63  }
0x73: {  	s10 =	simm.s32 $0x380;
	s11 =	simm.s32 $0x5100  }
0x74: {  	[tilespmem:s11], [sflag:$0x1] =	stream.indirect.gather [hbm4b:s4+s15], $0x10, s10, s15, $0xb8;
	[tilespmem:$0x1CE10] =	vst v63  }
0x75: {  	s14 =	simm.s32 $0x400;
	s31 =	simm.s32 $0x5900  }
0x76: {  	[tilespmem:s31], [sflag:$0x1] =	stream.indirect.gather [hbm4b:s4+s15], $0x10, s14, s15, $0xb8;
	[tilespmem:$0x1CE10] =	vst v63  }
0x77: {  	s1 =	simm.s32 $0x480;
	s5 =	simm.s32 $0x6100  }
0x78: {  	[tilespmem:s5], [sflag:$0x1] =	stream.indirect.gather [hbm4b:s4+s15], $0x10, s1, s15, $0xb8;
	[tilespmem:$0x1CE10] =	vst v63  }
0x79: {  	s6 =	simm.s32 $0x500;
	s8 =	simm.s32 $0x6900  }
0x7a: {  	[tilespmem:s8], [sflag:$0x1] =	stream.indirect.gather [hbm4b:s4+s15], $0x10, s6, s15, $0xb8;
	[tilespmem:$0x1CE10] =	vst v63  }
0x7b: {  	s10 =	simm.s32 $0x580;
	s11 =	simm.s32 $0x7100  }
0x7c: {  	[tilespmem:s11], [sflag:$0x1] =	stream.indirect.gather [hbm4b:s4+s15], $0x10, s10, s15, $0xb8;
	[tilespmem:$0x1CE10] =	vst v63  }
0x7d: {  	s14 =	simm.s32 $0x600;
	s31 =	simm.s32 $0x7900  }
0x7e: {  	[tilespmem:s31], [sflag:$0x1] =	stream.indirect.gather [hbm4b:s4+s15], $0x10, s14, s15, $0xb8;
	[tilespmem:$0x1CE10] =	vst v63  }
0x7f: {  	s1 =	simm.s32 $0x680;
	s5 =	simm.s32 $0x8100  }
0x80: {  	[tilespmem:s5], [sflag:$0x1] =	stream.indirect.gather [hbm4b:s4+s15], $0x10, s1, s15, $0xb8;
	[tilespmem:$0x1CE10] =	vst v63  }
0x81: {  	s6 =	simm.s32 $0x700;
	s8 =	simm.s32 $0x8900  }
0x82: {  	[tilespmem:s8], [sflag:$0x1] =	stream.indirect.gather [hbm4b:s4+s15], $0x10, s6, s15, $0xb8;
	[tilespmem:$0x1CE10] =	vst v63  }
0x83: {  	s10 =	simm.s32 $0x780;
	s11 =	simm.s32 $0x9100  }
0x84: {  	[tilespmem:s11], [sflag:$0x1] =	stream.indirect.gather [hbm4b:s4+s15], $0x10, s10, s15, $0xb8;
	[tilespmem:$0x1CE10] =	vst v63  }
0x85: {  	s14 =	simm.s32 $0x800;
	s31 =	simm.s32 $0x9900  }
0x86: {  	[tilespmem:s31], [sflag:$0x1] =	stream.indirect.gather [hbm4b:s4+s15], $0x10, s14, s15, $0xb8;
	[tilespmem:$0x1CE10] =	vst v63  }
0x87: {  	s1 =	simm.s32 $0x880;
	s5 =	simm.s32 $0xA100  }
0x88: {  	[tilespmem:s5], [sflag:$0x1] =	stream.indirect.gather [hbm4b:s4+s15], $0x10, s1, s15, $0xb8;
	[tilespmem:$0x1CE10] =	vst v63  }
0x89: {  	s6 =	simm.s32 $0x900;
	s8 =	simm.s32 $0xA900  }
0x8a: {  	[tilespmem:s8], [sflag:$0x1] =	stream.indirect.gather [hbm4b:s4+s15], $0x10, s6, s15, $0xb8;
	[tilespmem:$0x1CE10] =	vst v63  }
0x8b: {  	s10 =	simm.s32 $0x980;
	s11 =	simm.s32 $0xB100  }
0x8c: {  	[tilespmem:s11], [sflag:$0x1] =	stream.indirect.gather [hbm4b:s4+s15], $0x10, s10, s15, $0xb8;
	[tilespmem:$0x1CE10] =	vst v63  }
0x8d: {  	s14 =	simm.s32 $0xA00;
	s31 =	simm.s32 $0xB900  }
0x8e: {  	[tilespmem:s31], [sflag:$0x1] =	stream.indirect.gather [hbm4b:s4+s15], $0x10, s14, s15, $0xb8;
	[tilespmem:$0x1CE10] =	vst v63  }
0x8f: {  	s1 =	simm.s32 $0xA80;
	s5 =	simm.s32 $0xC100  }
0x90: {  	[tilespmem:s5], [sflag:$0x1] =	stream.indirect.gather [hbm4b:s4+s15], $0x10, s1, s15, $0xb8;
	[tilespmem:$0x1CE10] =	vst v63  }
0x91: {  	s6 =	simm.s32 $0xB00;
	s8 =	simm.s32 $0xC900  }
0x92: {  	[tilespmem:s8], [sflag:$0x1] =	stream.indirect.gather [hbm4b:s4+s15], $0x10, s6, s15, $0xb8;
	[tilespmem:$0x1CE10] =	vst v63  }
0x93: {  	s10 =	simm.s32 $0xB80;
	s11 =	simm.s32 $0xD100  }
0x94: {  	[tilespmem:s11], [sflag:$0x1] =	stream.indirect.gather [hbm4b:s4+s15], $0x10, s10, s15, $0xb8;
	[tilespmem:$0x1CE10] =	vst v63  }
0x95: {  	s14 =	simm.s32 $0xC00;
	s31 =	simm.s32 $0xD900  }
0x96: {  	[tilespmem:s31], [sflag:$0x1] =	stream.indirect.gather [hbm4b:s4+s15], $0x10, s14, s15, $0xb8;
	[tilespmem:$0x1CE10] =	vst v63  }
.LBB2_4:
0x97: {  	s0 =	sshll.u32 s30, $0x5  }
0x98: {  	s31 =	sor.u32 $0x10, s0  }
0x99: {  	s1 =	sadd.s32 s7, s31  }
0x9a: {  	s1 =	smul.u32 $0x19, s1;
	_ =	sdelay $0x1  }
0x9b: {  	s1 =	sadd.s32 s3, s1  }
0x9c: {  	[tilespmem:s18], [sflag:$0x3] =	stream.linear.gather [hbm4b:s1+s2], $0xC80, $0x38;
	[tilespmem:$0x1CE10] =	vst v63  }
0x9d: {  	_ =	swait.ge [sflag:s13], $0xC80  }
0x9e: {  	[sflag:s13] =	ssyncset.done $0x0  }
0x9f: {  	s1 =	simm.s32 $0xCC0;
	[sflag:s13] =	ssyncadd.s32 $0xFFFFF380  }
0xa0: {  	v13 =	vld [tilespmem:s1+$0xFFFFFFC0];
	_ =	sdelay $0x4  }
0xa1: {  	v14 =	vshra.s32 v13, $0x2;
	v13 =	vshll.u32 v13, $0x2  }
0xa2: {  	s14 =	simm.s32 $0x1B5C0;
	[tilespmem:s1+$0xFFFFFFC0] =	vst v14;
	v13 =	vand.u32 $0xC, v13  }
0xa3: {  	[tilespmem:s14+$0xFFFFFFC0] =	vst v13  }
0xa4: {  	v13 =	vld [tilespmem:s1+$0xFFFFFFD0];
	_ =	sdelay $0x4  }
0xa5: {  	v14 =	vshra.s32 v13, $0x2;
	v13 =	vshll.u32 v13, $0x2  }
0xa6: {  	[tilespmem:s1+$0xFFFFFFD0] =	vst v14;
	v13 =	vand.u32 $0xC, v13  }
0xa7: {  	[tilespmem:s14+$0xFFFFFFD0] =	vst v13  }
0xa8: {  	v13 =	vld [tilespmem:s1+$0xFFFFFFE0];
	_ =	sdelay $0x4  }
0xa9: {  	v14 =	vshra.s32 v13, $0x2;
	v13 =	vshll.u32 v13, $0x2  }
0xaa: {  	[tilespmem:s1+$0xFFFFFFE0] =	vst v14;
	v13 =	vand.u32 $0xC, v13  }
0xab: {  	[tilespmem:s14+$0xFFFFFFE0] =	vst v13  }
0xac: {  	v13 =	vld [tilespmem:s1+$0xFFFFFFF0];
	_ =	sdelay $0x4  }
0xad: {  	v14 =	vshra.s32 v13, $0x2;
	v13 =	vshll.u32 v13, $0x2  }
0xae: {  	[tilespmem:s1+$0xFFFFFFF0] =	vst v14;
	v13 =	vand.u32 $0xC, v13  }
0xaf: {  	[tilespmem:s14+$0xFFFFFFF0] =	vst v13  }
0xb0: {  	v13 =	vld [tilespmem:s1+$0x0];
	_ =	sdelay $0x4  }
0xb1: {  	v14 =	vshra.s32 v13, $0x2;
	v13 =	vshll.u32 v13, $0x2  }
0xb2: {  	[tilespmem:s1+$0x0] =	vst v14;
	v13 =	vand.u32 $0xC, v13  }
0xb3: {  	[tilespmem:s14+$0x0] =	vst v13  }
0xb4: {  	v13 =	vld [tilespmem:s1+$0x10];
	_ =	sdelay $0x4  }
0xb5: {  	v14 =	vshra.s32 v13, $0x2;
	v13 =	vshll.u32 v13, $0x2  }
0xb6: {  	[tilespmem:s1+$0x10] =	vst v14;
	v13 =	vand.u32 $0xC, v13  }
0xb7: {  	[tilespmem:s14+$0x10] =	vst v13  }
0xb8: {  	v13 =	vld [tilespmem:s1+$0x20];
	_ =	sdelay $0x4  }
0xb9: {  	v14 =	vshra.s32 v13, $0x2;
	v13 =	vshll.u32 v13, $0x2  }
0xba: {  	[tilespmem:s1+$0x20] =	vst v14;
	v13 =	vand.u32 $0xC, v13  }
0xbb: {  	[tilespmem:s14+$0x20] =	vst v13  }
0xbc: {  	v13 =	vld [tilespmem:s1+$0x30];
	_ =	sdelay $0x4  }
0xbd: {  	v14 =	vshra.s32 v13, $0x2;
	v13 =	vshll.u32 v13, $0x2  }
0xbe: {  	s5 =	simm.s32 $0x0;
	[tilespmem:s1+$0x30] =	vst v14;
	v13 =	vand.u32 $0xC, v13  }
.LBB2_5:
0xbf: {  	s5 =	sadd.s32 $0x8, s5;
	[tilespmem:s14+$0x30] =	vst v13;
	s1 =	sadd.s32 $0x80, s1;
	s14 =	sadd.s32 $0x80, s14  }
0xc0: {  	v13 =	vld [tilespmem:s1+$0xFFFFFFC0];
	p0 =	slt.u32 s5, $0xC0;
	_ =	sdelay $0x4  }
0xc1: {  	v14 =	vshra.s32 v13, $0x2;
	v13 =	vshll.u32 v13, $0x2  }
0xc2: {  	[tilespmem:s1+$0xFFFFFFC0] =	vst v14;
	v13 =	vand.u32 $0xC, v13  }
0xc3: {  	[tilespmem:s14+$0xFFFFFFC0] =	vst v13  }
0xc4: {  	v13 =	vld [tilespmem:s1+$0xFFFFFFD0];
	_ =	sdelay $0x4  }
0xc5: {  	v14 =	vshra.s32 v13, $0x2;
	v13 =	vshll.u32 v13, $0x2  }
0xc6: {  	[tilespmem:s1+$0xFFFFFFD0] =	vst v14;
	v13 =	vand.u32 $0xC, v13  }
0xc7: {  	[tilespmem:s14+$0xFFFFFFD0] =	vst v13  }
0xc8: {  	v13 =	vld [tilespmem:s1+$0xFFFFFFE0];
	_ =	sdelay $0x4  }
0xc9: {  	v14 =	vshra.s32 v13, $0x2;
	v13 =	vshll.u32 v13, $0x2  }
0xca: {  	[tilespmem:s1+$0xFFFFFFE0] =	vst v14;
	v13 =	vand.u32 $0xC, v13  }
0xcb: {  	[tilespmem:s14+$0xFFFFFFE0] =	vst v13  }
0xcc: {  	v13 =	vld [tilespmem:s1+$0xFFFFFFF0];
	_ =	sdelay $0x4  }
0xcd: {  	v14 =	vshra.s32 v13, $0x2;
	v13 =	vshll.u32 v13, $0x2  }
0xce: {  	[tilespmem:s1+$0xFFFFFFF0] =	vst v14;
	v13 =	vand.u32 $0xC, v13  }
0xcf: {  	[tilespmem:s14+$0xFFFFFFF0] =	vst v13  }
0xd0: {  	v13 =	vld [tilespmem:s1+$0x0];
	_ =	sdelay $0x4  }
0xd1: {  	v14 =	vshra.s32 v13, $0x2;
	v13 =	vshll.u32 v13, $0x2  }
0xd2: {  	[tilespmem:s1+$0x0] =	vst v14;
	v13 =	vand.u32 $0xC, v13  }
0xd3: {  	[tilespmem:s14+$0x0] =	vst v13  }
0xd4: {  	v13 =	vld [tilespmem:s1+$0x10];
	_ =	sdelay $0x4  }
0xd5: {  	v14 =	vshra.s32 v13, $0x2;
	v13 =	vshll.u32 v13, $0x2  }
0xd6: {  	[tilespmem:s1+$0x10] =	vst v14;
	v13 =	vand.u32 $0xC, v13  }
0xd7: {  	[tilespmem:s14+$0x10] =	vst v13  }
0xd8: {  	v13 =	vld [tilespmem:s1+$0x20];
	_ =	sdelay $0x4  }
0xd9: {  	v14 =	vshra.s32 v13, $0x2;
	v13 =	vshll.u32 v13, $0x2  }
0xda: {  	[tilespmem:s1+$0x20] =	vst v14;
	v13 =	vand.u32 $0xC, v13  }
0xdb: {  	[tilespmem:s14+$0x20] =	vst v13  }
0xdc: {  	v13 =	vld [tilespmem:s1+$0x30];
	_ =	sdelay $0x1  }
.Ltmp1:
0xdd: {  	(pc) =	sbr.rel @p0 .LBB2_5-.Ltmp1, $3  }
0xde: {  	_ =	sdelay $0x1  }
0xdf: {  	v14 =	vshra.s32 v13, $0x2;
	v13 =	vshll.u32 v13, $0x2  }
0xe0: {  	[tilespmem:s1+$0x30] =	vst v14;
	v13 =	vand.u32 $0xC, v13  }
0xe1: {  	[tilespmem:s14+$0x30] =	vst v13  }
0xe2: {  	[tilespmem:s19], [sflag:$0x2] =	stream.indirect.gather [hbm4b:s4+s15], $0x10, s18, s15, $0xb8;
	[tilespmem:$0x1CE10] =	vst v63  }
0xe3: {  	s1 =	simm.s32 $0xD00;
	s5 =	simm.s32 $0xE900  }
0xe4: {  	[tilespmem:s5], [sflag:$0x2] =	stream.indirect.gather [hbm4b:s4+s15], $0x10, s1, s15, $0xb8;
	[tilespmem:$0x1CE10] =	vst v63  }
0xe5: {  	s6 =	simm.s32 $0xF100;
	s5 =	simm.s32 $0xD80  }
0xe6: {  	[tilespmem:s6], [sflag:$0x2] =	stream.indirect.gather [hbm4b:s4+s15], $0x10, s5, s15, $0xb8;
	[tilespmem:$0x1CE10] =	vst v63  }
0xe7: {  	s8 =	simm.s32 $0xE00;
	s10 =	simm.s32 $0xF900  }
0xe8: {  	[tilespmem:s10], [sflag:$0x2] =	stream.indirect.gather [hbm4b:s4+s15], $0x10, s8, s15, $0xb8;
	[tilespmem:$0x1CE10] =	vst v63  }
0xe9: {  	s11 =	simm.s32 $0xE80;
	s14 =	simm.s32 $0x10100  }
0xea: {  	[tilespmem:s14], [sflag:$0x2] =	stream.indirect.gather [hbm4b:s4+s15], $0x10, s11, s15, $0xb8;
	[tilespmem:$0x1CE10] =	vst v63  }
0xeb: {  	s5 =	simm.s32 $0xF00;
	s6 =	simm.s32 $0x10900  }
0xec: {  	[tilespmem:s6], [sflag:$0x2] =	stream.indirect.gather [hbm4b:s4+s15], $0x10, s5, s15, $0xb8;
	[tilespmem:$0x1CE10] =	vst v63  }
0xed: {  	s8 =	simm.s32 $0xF80;
	s10 =	simm.s32 $0x11100  }
0xee: {  	[tilespmem:s10], [sflag:$0x2] =	stream.indirect.gather [hbm4b:s4+s15], $0x10, s8, s15, $0xb8;
	[tilespmem:$0x1CE10] =	vst v63  }
0xef: {  	s11 =	simm.s32 $0x1000;
	s14 =	simm.s32 $0x11900  }
0xf0: {  	[tilespmem:s14], [sflag:$0x2] =	stream.indirect.gather [hbm4b:s4+s15], $0x10, s11, s15, $0xb8;
	[tilespmem:$0x1CE10] =	vst v63  }
0xf1: {  	s5 =	simm.s32 $0x1080;
	s6 =	simm.s32 $0x12100  }
0xf2: {  	[tilespmem:s6], [sflag:$0x2] =	stream.indirect.gather [hbm4b:s4+s15], $0x10, s5, s15, $0xb8;
	[tilespmem:$0x1CE10] =	vst v63  }
0xf3: {  	s8 =	simm.s32 $0x1100;
	s10 =	simm.s32 $0x12900  }
0xf4: {  	[tilespmem:s10], [sflag:$0x2] =	stream.indirect.gather [hbm4b:s4+s15], $0x10, s8, s15, $0xb8;
	[tilespmem:$0x1CE10] =	vst v63  }
0xf5: {  	s11 =	simm.s32 $0x1180;
	s14 =	simm.s32 $0x13100  }
0xf6: {  	[tilespmem:s14], [sflag:$0x2] =	stream.indirect.gather [hbm4b:s4+s15], $0x10, s11, s15, $0xb8;
	[tilespmem:$0x1CE10] =	vst v63  }
0xf7: {  	s5 =	simm.s32 $0x1200;
	s6 =	simm.s32 $0x13900  }
0xf8: {  	[tilespmem:s6], [sflag:$0x2] =	stream.indirect.gather [hbm4b:s4+s15], $0x10, s5, s15, $0xb8;
	[tilespmem:$0x1CE10] =	vst v63  }
0xf9: {  	s8 =	simm.s32 $0x1280;
	s10 =	simm.s32 $0x14100  }
0xfa: {  	[tilespmem:s10], [sflag:$0x2] =	stream.indirect.gather [hbm4b:s4+s15], $0x10, s8, s15, $0xb8;
	[tilespmem:$0x1CE10] =	vst v63  }
0xfb: {  	s11 =	simm.s32 $0x1300;
	s14 =	simm.s32 $0x14900  }
0xfc: {  	[tilespmem:s14], [sflag:$0x2] =	stream.indirect.gather [hbm4b:s4+s15], $0x10, s11, s15, $0xb8;
	[tilespmem:$0x1CE10] =	vst v63  }
0xfd: {  	s5 =	simm.s32 $0x1380;
	s6 =	simm.s32 $0x15100  }
0xfe: {  	[tilespmem:s6], [sflag:$0x2] =	stream.indirect.gather [hbm4b:s4+s15], $0x10, s5, s15, $0xb8;
	[tilespmem:$0x1CE10] =	vst v63  }
0xff: {  	s8 =	simm.s32 $0x1400;
	s10 =	simm.s32 $0x15900  }
0x100: {  	[tilespmem:s10], [sflag:$0x2] =	stream.indirect.gather [hbm4b:s4+s15], $0x10, s8, s15, $0xb8;
	[tilespmem:$0x1CE10] =	vst v63  }
0x101: {  	s11 =	simm.s32 $0x1480;
	s14 =	simm.s32 $0x16100  }
0x102: {  	[tilespmem:s14], [sflag:$0x2] =	stream.indirect.gather [hbm4b:s4+s15], $0x10, s11, s15, $0xb8;
	[tilespmem:$0x1CE10] =	vst v63  }
0x103: {  	s5 =	simm.s32 $0x1500;
	s6 =	simm.s32 $0x16900  }
0x104: {  	[tilespmem:s6], [sflag:$0x2] =	stream.indirect.gather [hbm4b:s4+s15], $0x10, s5, s15, $0xb8;
	[tilespmem:$0x1CE10] =	vst v63  }
0x105: {  	s8 =	simm.s32 $0x1580;
	s10 =	simm.s32 $0x17100  }
0x106: {  	[tilespmem:s10], [sflag:$0x2] =	stream.indirect.gather [hbm4b:s4+s15], $0x10, s8, s15, $0xb8;
	[tilespmem:$0x1CE10] =	vst v63  }
0x107: {  	s11 =	simm.s32 $0x1600;
	s14 =	simm.s32 $0x17900  }
0x108: {  	[tilespmem:s14], [sflag:$0x2] =	stream.indirect.gather [hbm4b:s4+s15], $0x10, s11, s15, $0xb8;
	[tilespmem:$0x1CE10] =	vst v63  }
0x109: {  	s6 =	simm.s32 $0x1680;
	s8 =	simm.s32 $0x18100  }
0x10a: {  	[tilespmem:s8], [sflag:$0x2] =	stream.indirect.gather [hbm4b:s4+s15], $0x10, s6, s15, $0xb8;
	[tilespmem:$0x1CE10] =	vst v63  }
0x10b: {  	s10 =	simm.s32 $0x1700  }
0x10c: {  	[tilespmem:s12], [sflag:$0x2] =	stream.indirect.gather [hbm4b:s4+s15], $0x10, s10, s15, $0xb8;
	[tilespmem:$0x1CE10] =	vst v63  }
0x10d: {  	_ = 	snop  }
0x10e: {  	[tilespmem:s9], [sflag:$0x2] =	stream.indirect.gather [hbm4b:s4+s15], $0x10, s17, s15, $0xb8;
	[tilespmem:$0x1CE10] =	vst v63  }
0x10f: {  	_ = 	snop  }
0x110: {  	[tilespmem:s21], [sflag:$0x2] =	stream.indirect.gather [hbm4b:s4+s15], $0x10, s20, s15, $0xb8;
	[tilespmem:$0x1CE10] =	vst v63  }
0x111: {  	s11 =	sshll.u32 s30, $0x7  }
0x112: {  	[tilespmem:s23], [sflag:$0x2] =	stream.indirect.gather [hbm4b:s4+s15], $0x10, s22, s15, $0xb8;
	[tilespmem:$0x1CE10] =	vst v63  }
0x113: {  	s1 =	sand.u32 $0x3FFFFF80, s11;
	_ =	swait.ge [sflag:s24], $0xC800  }
0x114: {  	s14 =	sadd.s32 $0x1C200, s1;
	[sflag:s24] =	ssyncset.done $0x0  }
0x115: {  	s1 =	simm.s32 $0x0;
	v13 =	vmov s14;
	s14 =	simm.s32 $0x0;
	[sflag:s24] =	ssyncadd.s32 $0xFFFF3800  }
.LBB2_7:
0x116: {  	s5 =	smul.u32 $0x320, s14;
	_ =	sdelay $0x1  }
0x117: {  	s11 =	simm.s32 $0x1;
	v14 =	vadd.s32 s5, v5  }
0x118: {  	s6 =	simm.s32 $0x2;
	v15 =	vadd.s32 s11, v14  }
0x119: {  	v16 =	vadd.s32 s6, v14  }
0x11a: {  	s8 =	simm.s32 $0x3  }
0x11b: {  	s10 =	simm.s32 $0x4;
	v17 =	vadd.s32 s8, v14  }
0x11c: {  	v18 =	vadd.s32 s10, v14  }
0x11d: {  	v19 =	vld.idx.msk [tilespmem:v15+s25+$0x0], $0xffff  }
0x11e: {  	s11 =	simm.s32 $0x5;
	v20 =	vld.idx.msk [tilespmem:v16+s25+$0x0], $0xffff  }
0x11f: {  	v21 =	vimm.f32 $-Inf;
	s6 =	simm.s32 $0x6;
	s8 =	simm.s32 $0x7;
	v22 =	vadd.s32 s11, v14  }
0x120: {  	v29 =	vadd.s32 s1, v14;
	v23 =	vadd.s32 s6, v14;
	v24 =	vadd.s32 s8, v14;
	v25 =	vld.idx.msk [tilespmem:v17+s25+$0x0], $0xffff  }
0x121: {  	v26 =	vshll.u32 v22, $0x4;
	v28 =	vshll.u32 v23, $0x4;
	v27 =	vld.idx.msk [tilespmem:v18+s25+$0x0], $0xffff;
	v15 =	vshll.u32 v15, $0x4  }
0x122: {  	v16 =	vshll.u32 v16, $0x4;
	v18 =	vshll.u32 v18, $0x4;
	v19 =	vadd.s32 v6, v19  }
0x123: {  	v17 =	vshll.u32 v17, $0x4;
	v20 =	vadd.s32 v6, v20;
	v30 =	vand.u32 $0xFFFFFFF8, v19  }
0x124: {  	v22 =	vld.idx.msk [tilespmem:v22+s25+$0x0], $0xffff;
	v19 =	vand.u32 $0x7, v19;
	v15 =	vadd.s32 v15, v30;
	v30 =	vand.u32 $0xFFFFFFF8, v20  }
0x125: {  	v23 =	vld.idx.msk [tilespmem:v23+s25+$0x0], $0xffff;
	v20 =	vand.u32 $0x7, v20;
	v15 =	vor.u32 v19, v15;
	v19 =	vadd.s32 v6, v25  }
0x126: {  	v16 =	vadd.s32 v16, v30;
	v25 =	vadd.s32 v6, v27;
	v27 =	vld.idx.msk [tilespmem:v29+s25+$0x0], $0xffff;
	v30 =	vand.u32 $0xFFFFFFF8, v19  }
0x127: {  	s11 =	simm.s32 $0xA;
	v19 =	vand.u32 $0x7, v19;
	v16 =	vor.u32 v20, v16;
	v20 =	vshll.u32 v29, $0x4  }
0x128: {  	v29 =	vadd.s32 s11, v14;
	v17 =	vadd.s32 v17, v30;
	v30 =	vand.u32 $0xFFFFFFF8, v25  }
0x129: {  	s11 =	simm.s32 $0xD;
	v19 =	vor.u32 v19, v17;
	v17 =	vadd.s32 v18, v30;
	v18 =	vand.u32 $0x7, v25  }
0x12a: {  	s10 =	simm.s32 $0x9;
	v33 =	vadd.s32 s11, v14;
	v18 =	vor.u32 v18, v17;
	v17 =	vadd.s32 v6, v22  }
0x12b: {  	s8 =	simm.s32 $0xB;
	v25 =	vld.idx.msk [tilespmem:v24+s25+$0x0], $0xffff;
	v22 =	vadd.s32 v6, v23;
	v23 =	vadd.s32 s10, v14;
	v27 =	vadd.s32 v6, v27  }
0x12c: {  	v30 =	vadd.s32 s8, v14;
	v24 =	vshll.u32 v24, $0x4;
	s10 =	simm.s32 $0xC;
	v31 =	vand.u32 $0xFFFFFFF8, v27  }
0x12d: {  	v32 =	vadd.s32 s10, v14;
	v34 =	vld.idx.msk [tilespmem:v15+s16+$0x0], $0xffff;
	s10 =	simm.s32 $0xF;
	v27 =	vand.u32 $0x7, v27;
	v20 =	vadd.s32 v20, v31  }
0x12e: {  	v15 =	vadd.s32 s10, v14;
	v35 =	vld.idx.msk [tilespmem:v29+s25+$0x0], $0xffff;
	v31 =	vand.u32 $0xFFFFFFF8, v22;
	v20 =	vor.u32 v27, v20  }
0x12f: {  	s8 =	simm.s32 $0xE;
	v29 =	vshll.u32 v29, $0x4;
	v22 =	vand.u32 $0x7, v22;
	v27 =	vadd.s32 v28, v31;
	v31 =	vld.idx.msk [tilespmem:v16+s16+$0x0], $0xffff  }
0x130: {  	v28 =	vadd.s32 s8, v14;
	v16 =	vadd.s32 v6, v25;
	v22 =	vor.u32 v22, v27;
	v27 =	vld.idx.msk [tilespmem:v23+s25+$0x0], $0xffff  }
0x131: {  	v25 =	vand.u32 $0xFFFFFFF8, v17;
	v17 =	vand.u32 $0x7, v17;
	v36 =	vand.u32 $0xFFFFFFF8, v16  }
0x132: {  	v25 =	vadd.s32 v26, v25;
	v16 =	vand.u32 $0x7, v16;
	v23 =	vshll.u32 v23, $0x4;
	v37 =	vld.idx.msk [tilespmem:v32+s25+$0x0], $0xffff  }
0x133: {  	v24 =	vadd.s32 v24, v36;
	v25 =	vor.u32 v17, v25;
	v17 =	vshll.u32 v28, $0x4;
	v60 =	vld.idx.msk [tilespmem:v20+s16+$0x0], $0xffff  }
0x134: {  	s11 =	simm.s32 $0x8;
	v26 =	vld.idx.msk [tilespmem:v30+s25+$0x0], $0xffff;
	v32 =	vshll.u32 v32, $0x4;
	v24 =	vor.u32 v16, v24;
	v16 =	vshll.u32 v33, $0x4  }
0x135: {  	v38 =	vld.idx.msk [tilespmem:v19+s16+$0x0], $0xffff;
	v35 =	vadd.s32 v6, v35;
	v20 =	vadd.s32 s11, v14;
	v19 =	vadd.s32 v6, v27  }
0x136: {  	v27 =	vshll.u32 v30, $0x4;
	v30 =	vld.idx.msk [tilespmem:v22+s16+$0x0], $0xffff;
	v22 =	vand.u32 $0xFFFFFFF8, v19;
	v19 =	vand.u32 $0x7, v19  }
0x137: {  	v18 =	vld.idx.msk [tilespmem:v18+s16+$0x0], $0xffff;
	v61 =	vadd.s32 v6, v37;
	v22 =	vadd.s32 v23, v22;
	v23 =	vand.u32 $0xFFFFFFF8, v35  }
0x138: {  	v25 =	vld.idx.msk [tilespmem:v25+s16+$0x0], $0xffff;
	v35 =	vand.u32 $0x7, v35;
	v19 =	vor.u32 v19, v22;
	v21 =	vmax.f32 v21, v60  }
0x139: {  	v23 =	vadd.s32 v29, v23;
	v29 =	vld.idx.msk [tilespmem:v33+s25+$0x0], $0xffff;
	v22 =	vadd.s32 v6, v26;
	v21 =	vmax.f32 v21, v34  }
0x13a: {  	v26 =	vand.u32 $0xFFFFFFF8, v22;
	v62 =	vand.u32 $0x7, v22;
	v22 =	vld.idx.msk [tilespmem:v24+s16+$0x0], $0xffff;
	v21 =	vmax.f32 v21, v31  }
0x13b: {  	v24 =	vadd.s32 v27, v26;
	v27 =	vand.u32 $0xFFFFFFF8, v61;
	v26 =	vld.idx.msk [tilespmem:v28+s25+$0x0], $0xffff;
	v31 =	vmax.f32 v21, v38  }
0x13c: {  	v28 =	vadd.s32 v32, v27;
	v27 =	vld.idx.msk [tilespmem:v20+s25+$0x0], $0xffff;
	v21 =	vor.u32 v62, v24;
	v18 =	vmax.f32 v31, v18  }
0x13d: {  	v24 =	vor.u32 v35, v23;
	v31 =	vand.u32 $0x7, v61;
	v63 =	vmax.f32 v18, v25  }
0x13e: {  	s5 =	simm.s32 $0x10;
	v23 =	vld.idx.msk [tilespmem:v15+s25+$0x0], $0xffff;
	v18 =	vor.u32 v31, v28;
	v25 =	vadd.s32 v6, v29;
	v28 =	vmax.f32 v63, v30  }
.LBB2_8:
0x13f: {  	s8 =	sadd.s32 $0x1, s5  }
0x140: {  	s10 =	sadd.s32 $0x2, s5;
	v20 =	vshll.u32 v20, $0x4;
	v26 =	vadd.s32 v6, v26;
	v22 =	vmax.f32 v28, v22;
	s11 =	smov.u32 s5;
	s6 =	sadd.s32 $0x8, s5  }
0x141: {  	p0 =	slt.u32 s5, $0xC0;
	v27 =	vadd.s32 v6, v27;
	v28 =	vadd.s32 s8, v14;
	v29 =	vadd.s32 s10, v14;
	s8 =	sadd.s32 $0x3, s11  }
0x142: {  	s5 =	sadd.s32 $0x4, s11;
	v31 =	vand.u32 $0xFFFFFFF8, v27;
	v27 =	vand.u32 $0x7, v27;
	v30 =	vadd.s32 s8, v14;
	s8 =	sadd.s32 $0x5, s11  }
0x143: {  	v32 =	vadd.s32 s5, v14;
	s5 =	sadd.s32 $0x6, s11;
	v20 =	vadd.s32 v20, v31;
	v33 =	vadd.s32 s8, v14;
	v31 =	vld.idx.msk [tilespmem:v19+s16+$0x0], $0xffff  }
0x144: {  	v34 =	vadd.s32 s5, v14;
	s5 =	sadd.s32 $0x7, s11;
	v19 =	vor.u32 v27, v20;
	v20 =	vand.u32 $0xFFFFFFF8, v26;
	v24 =	vld.idx.msk [tilespmem:v24+s16+$0x0], $0xffff  }
0x145: {  	v26 =	vand.u32 $0x7, v26;
	v27 =	vadd.s32 s5, v14;
	v17 =	vadd.s32 v17, v20;
	v21 =	vld.idx.msk [tilespmem:v21+s16+$0x0], $0xffff  }
0x146: {  	v20 =	vor.u32 v26, v17;
	v17 =	vadd.s32 v6, v23;
	v23 =	vshll.u32 v15, $0x4;
	v15 =	vmovc v27;
	v35 =	vld.idx.msk [tilespmem:v28+s25+$0x0], $0xffff  }
0x147: {  	v27 =	vand.u32 $0xFFFFFFF8, v25;
	v36 =	vand.u32 $0xFFFFFFF8, v17;
	v17 =	vand.u32 $0x7, v17;
	v26 =	vld.idx.msk [tilespmem:v29+s25+$0x0], $0xffff  }
0x148: {  	v25 =	vand.u32 $0x7, v25;
	v16 =	vadd.s32 v16, v27;
	v23 =	vadd.s32 v23, v36;
	v37 =	vld.idx.msk [tilespmem:v30+s25+$0x0], $0xffff  }
0x149: {  	v23 =	vor.u32 v17, v23;
	v27 =	vld.idx.msk [tilespmem:v19+s16+$0x0], $0xffff;
	v19 =	vor.u32 v25, v16  }
0x14a: {  	v17 =	vshll.u32 v34, $0x4;
	v16 =	vshll.u32 v33, $0x4;
	v25 =	vld.idx.msk [tilespmem:v32+s25+$0x0], $0xffff  }
0x14b: {  	v28 =	vshll.u32 v28, $0x4;
	v29 =	vshll.u32 v29, $0x4;
	v32 =	vshll.u32 v32, $0x4;
	v36 =	vld.idx.msk [tilespmem:v20+s16+$0x0], $0xffff  }
0x14c: {  	v30 =	vshll.u32 v30, $0x4;
	v20 =	vadd.s32 s11, v14;
	v35 =	vadd.s32 v6, v35;
	v18 =	vld.idx.msk [tilespmem:v18+s16+$0x0], $0xffff  }
0x14d: {  	v38 =	vand.u32 $0xFFFFFFF8, v35;
	v35 =	vand.u32 $0x7, v35;
	v26 =	vadd.s32 v6, v26;
	v33 =	vld.idx.msk [tilespmem:v33+s25+$0x0], $0xffff  }
0x14e: {  	v28 =	vadd.s32 v28, v38;
	v38 =	vand.u32 $0xFFFFFFF8, v26;
	v39 =	vand.u32 $0x7, v26;
	v40 =	vld.idx.msk [tilespmem:v19+s16+$0x0], $0xffff  }
0x14f: {  	v19 =	vor.u32 v35, v28;
	v28 =	vadd.s32 v29, v38;
	v27 =	vmax.f32 v22, v27;
	v22 =	vld.idx.msk [tilespmem:v23+s16+$0x0], $0xffff  }
0x150: {  	v23 =	vadd.s32 v6, v37;
	v25 =	vadd.s32 v6, v25;
	v29 =	vmax.f32 v27, v31;
	v26 =	vld.idx.msk [tilespmem:v34+s25+$0x0], $0xffff  }
.Ltmp2:
0x151: {  	v31 =	vand.u32 $0xFFFFFFF8, v23;
	v34 =	vand.u32 $0x7, v23;
	v24 =	vmax.f32 v29, v24;
	v27 =	vld.idx.msk [tilespmem:v20+s25+$0x0], $0xffff;
	(pc) =	sbr.rel @p0 .LBB2_8-.Ltmp2, $4  }
0x152: {  	v29 =	vadd.s32 v30, v31;
	v30 =	vand.u32 $0xFFFFFFF8, v25;
	v24 =	vmax.f32 v24, v21;
	v23 =	vld.idx.msk [tilespmem:v15+s25+$0x0], $0xffff  }
0x153: {  	v21 =	vor.u32 v34, v29;
	v29 =	vadd.s32 v32, v30;
	v18 =	vmax.f32 v24, v18  }
0x154: {  	v25 =	vand.u32 $0x7, v25;
	v24 =	vor.u32 v39, v28;
	v28 =	vmax.f32 v18, v40  }
0x155: {  	s5 =	smov.u32 s6;
	v18 =	vor.u32 v25, v29;
	v25 =	vadd.s32 v6, v33;
	v28 =	vmax.f32 v28, v36  }
0x156: {  	v14 =	vadd.s32 v6, v27  }
0x157: {  	v20 =	vshll.u32 v20, $0x4;
	v27 =	vand.u32 $0xFFFFFFF8, v14  }
0x158: {  	v14 =	vand.u32 $0x7, v14;
	v20 =	vadd.s32 v20, v27  }
0x159: {  	v14 =	vor.u32 v14, v20;
	_ =	sdelay $0x1  }
0x15a: {  	v56 =	vadd.s32 v6, v26;
	v57 =	vand.u32 $0xFFFFFFF8, v25  }
0x15b: {  	v58 =	vand.u32 $0x7, v25;
	v15 =	vshll.u32 v15, $0x4;
	v26 =	vand.u32 $0xFFFFFFF8, v56  }
0x15c: {  	v23 =	vadd.s32 v6, v23;
	v16 =	vadd.s32 v16, v57;
	v17 =	vadd.s32 v17, v26  }
0x15d: {  	v59 =	vand.u32 $0xFFFFFFF8, v23;
	v16 =	vor.u32 v58, v16;
	v20 =	vand.u32 $0x7, v56;
	v14 =	vld.idx.msk [tilespmem:v14+s16+$0x0], $0xffff  }
0x15e: {  	v19 =	vld.idx.msk [tilespmem:v19+s16+$0x0], $0xffff;
	v60 =	vand.u32 $0x7, v23;
	v15 =	vadd.s32 v15, v59;
	v17 =	vor.u32 v20, v17  }
0x15f: {  	v61 =	vld.idx.msk [tilespmem:v24+s16+$0x0], $0xffff;
	v15 =	vor.u32 v60, v15  }
0x160: {  	v62 =	vld.idx.msk [tilespmem:v21+s16+$0x0], $0xffff  }
0x161: {  	v63 =	vmax.f32 v28, v22;
	v18 =	vld.idx.msk [tilespmem:v18+s16+$0x0], $0xffff  }
0x162: {  	v16 =	vld.idx.msk [tilespmem:v16+s16+$0x0], $0xffff;
	v14 =	vmax.f32 v63, v14  }
0x163: {  	v17 =	vld.idx.msk [tilespmem:v17+s16+$0x0], $0xffff;
	v14 =	vmax.f32 v14, v19  }
0x164: {  	s5 =	sshll.u32 s14, $0x4;
	s14 =	sadd.s32 $0x1, s14;
	v15 =	vld.idx.msk [tilespmem:v15+s16+$0x0], $0xffff;
	v14 =	vmax.f32 v14, v61  }
0x165: {  	p0 =	sne.s32 s14, $0x4;
	v14 =	vmax.f32 v14, v62  }
.Ltmp3:
0x166: {  	v14 =	vmax.f32 v14, v18;
	(pc) =	sbr.rel @p0 .LBB2_7-.Ltmp3, $4  }
0x167: {  	v14 =	vmax.f32 v14, v16  }
0x168: {  	v14 =	vmax.f32 v14, v17  }
0x169: {  	s5 =	sand.u32 $0x3FFFFFF0, s5;
	v14 =	vmax.f32 v14, v15  }
0x16a: {  	[tilespmem:v13+s5+$0x0 ss:$0x1] =	vst.idx.msk $0xffff, v14  }
0x16b: {  	p0 =	seq.s32 s30, $0xF  }
.Ltmp4:
0x16c: {  	_ = 	snop;
	(pc) =	sbr.rel @p0 .LBB2_14-.Ltmp4, $1  }
0x16d: {  	_ =	sdelay $0x3  }
0x16e: {  	s1 =	rddreg [dreg:$0x6]  }
0x16f: {  	s0 =	sadd.s32 s0, s1  }
0x170: {  	s0 =	smul.u32 $0x19, s0;
	_ =	sdelay $0x1  }
0x171: {  	s0 =	sadd.s32 s3, s0  }
0x172: {  	[tilespmem:s2], [sflag:$0x3] =	stream.linear.gather [hbm4b:s0+s2], $0xC80, $0x38;
	[tilespmem:$0x1CE10] =	vst v63  }
0x173: {  	_ =	swait.ge [sflag:s13], $0xC80  }
0x174: {  	[sflag:s13] =	ssyncset.done $0x0  }
0x175: {  	s0 =	simm.s32 $0x40;
	[sflag:s13] =	ssyncadd.s32 $0xFFFFF380  }
0x176: {  	v13 =	vld [tilespmem:s0+$0xFFFFFFC0];
	_ =	sdelay $0x4  }
0x177: {  	v14 =	vshra.s32 v13, $0x2;
	v13 =	vshll.u32 v13, $0x2  }
0x178: {  	s1 =	simm.s32 $0x1A940;
	[tilespmem:s0+$0xFFFFFFC0] =	vst v14;
	v13 =	vand.u32 $0xC, v13  }
0x179: {  	[tilespmem:s1+$0xFFFFFFC0] =	vst v13  }
0x17a: {  	v13 =	vld [tilespmem:s0+$0xFFFFFFD0];
	_ =	sdelay $0x4  }
0x17b: {  	v14 =	vshra.s32 v13, $0x2;
	v13 =	vshll.u32 v13, $0x2  }
0x17c: {  	[tilespmem:s0+$0xFFFFFFD0] =	vst v14;
	v13 =	vand.u32 $0xC, v13  }
0x17d: {  	[tilespmem:s1+$0xFFFFFFD0] =	vst v13  }
0x17e: {  	v13 =	vld [tilespmem:s0+$0xFFFFFFE0];
	_ =	sdelay $0x4  }
0x17f: {  	v14 =	vshra.s32 v13, $0x2;
	v13 =	vshll.u32 v13, $0x2  }
0x180: {  	[tilespmem:s0+$0xFFFFFFE0] =	vst v14;
	v13 =	vand.u32 $0xC, v13  }
0x181: {  	[tilespmem:s1+$0xFFFFFFE0] =	vst v13  }
0x182: {  	v13 =	vld [tilespmem:s0+$0xFFFFFFF0];
	_ =	sdelay $0x4  }
0x183: {  	v14 =	vshra.s32 v13, $0x2;
	v13 =	vshll.u32 v13, $0x2  }
0x184: {  	[tilespmem:s0+$0xFFFFFFF0] =	vst v14;
	v13 =	vand.u32 $0xC, v13  }
0x185: {  	[tilespmem:s1+$0xFFFFFFF0] =	vst v13  }
0x186: {  	v13 =	vld [tilespmem:s0+$0x0];
	_ =	sdelay $0x4  }
0x187: {  	v14 =	vshra.s32 v13, $0x2;
	v13 =	vshll.u32 v13, $0x2  }
0x188: {  	[tilespmem:s0+$0x0] =	vst v14;
	v13 =	vand.u32 $0xC, v13  }
0x189: {  	[tilespmem:s1+$0x0] =	vst v13  }
0x18a: {  	v13 =	vld [tilespmem:s0+$0x10];
	_ =	sdelay $0x4  }
0x18b: {  	v14 =	vshra.s32 v13, $0x2;
	v13 =	vshll.u32 v13, $0x2  }
0x18c: {  	[tilespmem:s0+$0x10] =	vst v14;
	v13 =	vand.u32 $0xC, v13  }
0x18d: {  	[tilespmem:s1+$0x10] =	vst v13  }
0x18e: {  	v13 =	vld [tilespmem:s0+$0x20];
	_ =	sdelay $0x4  }
0x18f: {  	v14 =	vshra.s32 v13, $0x2;
	v13 =	vshll.u32 v13, $0x2  }
0x190: {  	[tilespmem:s0+$0x20] =	vst v14;
	v13 =	vand.u32 $0xC, v13  }
0x191: {  	[tilespmem:s1+$0x20] =	vst v13  }
0x192: {  	v13 =	vld [tilespmem:s0+$0x30];
	_ =	sdelay $0x4  }
0x193: {  	v14 =	vshra.s32 v13, $0x2;
	v13 =	vshll.u32 v13, $0x2  }
0x194: {  	s5 =	simm.s32 $0x0;
	[tilespmem:s0+$0x30] =	vst v14;
	v13 =	vand.u32 $0xC, v13  }
.LBB2_12:
0x195: {  	s5 =	sadd.s32 $0x8, s5;
	[tilespmem:s1+$0x30] =	vst v13;
	s0 =	sadd.s32 $0x80, s0;
	s1 =	sadd.s32 $0x80, s1  }
0x196: {  	v13 =	vld [tilespmem:s0+$0xFFFFFFC0];
	p0 =	slt.u32 s5, $0xC0;
	_ =	sdelay $0x4  }
0x197: {  	v14 =	vshra.s32 v13, $0x2;
	v13 =	vshll.u32 v13, $0x2  }
0x198: {  	[tilespmem:s0+$0xFFFFFFC0] =	vst v14;
	v13 =	vand.u32 $0xC, v13  }
0x199: {  	[tilespmem:s1+$0xFFFFFFC0] =	vst v13  }
0x19a: {  	v13 =	vld [tilespmem:s0+$0xFFFFFFD0];
	_ =	sdelay $0x4  }
0x19b: {  	v14 =	vshra.s32 v13, $0x2;
	v13 =	vshll.u32 v13, $0x2  }
0x19c: {  	[tilespmem:s0+$0xFFFFFFD0] =	vst v14;
	v13 =	vand.u32 $0xC, v13  }
0x19d: {  	[tilespmem:s1+$0xFFFFFFD0] =	vst v13  }
0x19e: {  	v13 =	vld [tilespmem:s0+$0xFFFFFFE0];
	_ =	sdelay $0x4  }
0x19f: {  	v14 =	vshra.s32 v13, $0x2;
	v13 =	vshll.u32 v13, $0x2  }
0x1a0: {  	[tilespmem:s0+$0xFFFFFFE0] =	vst v14;
	v13 =	vand.u32 $0xC, v13  }
0x1a1: {  	[tilespmem:s1+$0xFFFFFFE0] =	vst v13  }
0x1a2: {  	v13 =	vld [tilespmem:s0+$0xFFFFFFF0];
	_ =	sdelay $0x4  }
0x1a3: {  	v14 =	vshra.s32 v13, $0x2;
	v13 =	vshll.u32 v13, $0x2  }
0x1a4: {  	[tilespmem:s0+$0xFFFFFFF0] =	vst v14;
	v13 =	vand.u32 $0xC, v13  }
0x1a5: {  	[tilespmem:s1+$0xFFFFFFF0] =	vst v13  }
0x1a6: {  	v13 =	vld [tilespmem:s0+$0x0];
	_ =	sdelay $0x4  }
0x1a7: {  	v14 =	vshra.s32 v13, $0x2;
	v13 =	vshll.u32 v13, $0x2  }
0x1a8: {  	[tilespmem:s0+$0x0] =	vst v14;
	v13 =	vand.u32 $0xC, v13  }
0x1a9: {  	[tilespmem:s1+$0x0] =	vst v13  }
0x1aa: {  	v13 =	vld [tilespmem:s0+$0x10];
	_ =	sdelay $0x4  }
0x1ab: {  	v14 =	vshra.s32 v13, $0x2;
	v13 =	vshll.u32 v13, $0x2  }
0x1ac: {  	[tilespmem:s0+$0x10] =	vst v14;
	v13 =	vand.u32 $0xC, v13  }
0x1ad: {  	[tilespmem:s1+$0x10] =	vst v13  }
0x1ae: {  	v13 =	vld [tilespmem:s0+$0x20];
	_ =	sdelay $0x4  }
0x1af: {  	v14 =	vshra.s32 v13, $0x2;
	v13 =	vshll.u32 v13, $0x2  }
0x1b0: {  	[tilespmem:s0+$0x20] =	vst v14;
	v13 =	vand.u32 $0xC, v13  }
0x1b1: {  	[tilespmem:s1+$0x20] =	vst v13  }
0x1b2: {  	v13 =	vld [tilespmem:s0+$0x30];
	_ =	sdelay $0x1  }
.Ltmp5:
0x1b3: {  	(pc) =	sbr.rel @p0 .LBB2_12-.Ltmp5, $3  }
0x1b4: {  	_ =	sdelay $0x1  }
0x1b5: {  	v14 =	vshra.s32 v13, $0x2;
	v13 =	vshll.u32 v13, $0x2  }
0x1b6: {  	[tilespmem:s0+$0x30] =	vst v14;
	v13 =	vand.u32 $0xC, v13  }
0x1b7: {  	[tilespmem:s1+$0x30] =	vst v13  }
0x1b8: {  	[tilespmem:s16], [sflag:$0x1] =	stream.indirect.gather [hbm4b:s4+s15], $0x10, s2, s15, $0xb8;
	[tilespmem:$0x1CE10] =	vst v63  }
0x1b9: {  	s0 =	simm.s32 $0x2100  }
0x1ba: {  	[tilespmem:s0], [sflag:$0x1] =	stream.indirect.gather [hbm4b:s4+s15], $0x10, s15, s15, $0xb8;
	[tilespmem:$0x1CE10] =	vst v63  }
0x1bb: {  	s8 =	simm.s32 $0x100;
	s10 =	simm.s32 $0x2900  }
0x1bc: {  	[tilespmem:s10], [sflag:$0x1] =	stream.indirect.gather [hbm4b:s4+s15], $0x10, s8, s15, $0xb8;
	[tilespmem:$0x1CE10] =	vst v63  }
0x1bd: {  	s11 =	simm.s32 $0x180;
	s14 =	simm.s32 $0x3100  }
0x1be: {  	[tilespmem:s14], [sflag:$0x1] =	stream.indirect.gather [hbm4b:s4+s15], $0x10, s11, s15, $0xb8;
	[tilespmem:$0x1CE10] =	vst v63  }
0x1bf: {  	s5 =	simm.s32 $0x200;
	s6 =	simm.s32 $0x3900  }
0x1c0: {  	[tilespmem:s6], [sflag:$0x1] =	stream.indirect.gather [hbm4b:s4+s15], $0x10, s5, s15, $0xb8;
	[tilespmem:$0x1CE10] =	vst v63  }
0x1c1: {  	s8 =	simm.s32 $0x280;
	s10 =	simm.s32 $0x4100  }
0x1c2: {  	[tilespmem:s10], [sflag:$0x1] =	stream.indirect.gather [hbm4b:s4+s15], $0x10, s8, s15, $0xb8;
	[tilespmem:$0x1CE10] =	vst v63  }
0x1c3: {  	s11 =	simm.s32 $0x300;
	s14 =	simm.s32 $0x4900  }
0x1c4: {  	[tilespmem:s14], [sflag:$0x1] =	stream.indirect.gather [hbm4b:s4+s15], $0x10, s11, s15, $0xb8;
	[tilespmem:$0x1CE10] =	vst v63  }
0x1c5: {  	s5 =	simm.s32 $0x380;
	s6 =	simm.s32 $0x5100  }
0x1c6: {  	[tilespmem:s6], [sflag:$0x1] =	stream.indirect.gather [hbm4b:s4+s15], $0x10, s5, s15, $0xb8;
	[tilespmem:$0x1CE10] =	vst v63  }
0x1c7: {  	s8 =	simm.s32 $0x400;
	s10 =	simm.s32 $0x5900  }
0x1c8: {  	[tilespmem:s10], [sflag:$0x1] =	stream.indirect.gather [hbm4b:s4+s15], $0x10, s8, s15, $0xb8;
	[tilespmem:$0x1CE10] =	vst v63  }
0x1c9: {  	s11 =	simm.s32 $0x480;
	s14 =	simm.s32 $0x6100  }
0x1ca: {  	[tilespmem:s14], [sflag:$0x1] =	stream.indirect.gather [hbm4b:s4+s15], $0x10, s11, s15, $0xb8;
	[tilespmem:$0x1CE10] =	vst v63  }
0x1cb: {  	s5 =	simm.s32 $0x500;
	s6 =	simm.s32 $0x6900  }
0x1cc: {  	[tilespmem:s6], [sflag:$0x1] =	stream.indirect.gather [hbm4b:s4+s15], $0x10, s5, s15, $0xb8;
	[tilespmem:$0x1CE10] =	vst v63  }
0x1cd: {  	s8 =	simm.s32 $0x580;
	s10 =	simm.s32 $0x7100  }
0x1ce: {  	[tilespmem:s10], [sflag:$0x1] =	stream.indirect.gather [hbm4b:s4+s15], $0x10, s8, s15, $0xb8;
	[tilespmem:$0x1CE10] =	vst v63  }
0x1cf: {  	s11 =	simm.s32 $0x600;
	s14 =	simm.s32 $0x7900  }
0x1d0: {  	[tilespmem:s14], [sflag:$0x1] =	stream.indirect.gather [hbm4b:s4+s15], $0x10, s11, s15, $0xb8;
	[tilespmem:$0x1CE10] =	vst v63  }
0x1d1: {  	s5 =	simm.s32 $0x680;
	s6 =	simm.s32 $0x8100  }
0x1d2: {  	[tilespmem:s6], [sflag:$0x1] =	stream.indirect.gather [hbm4b:s4+s15], $0x10, s5, s15, $0xb8;
	[tilespmem:$0x1CE10] =	vst v63  }
0x1d3: {  	s8 =	simm.s32 $0x700;
	s10 =	simm.s32 $0x8900  }
0x1d4: {  	[tilespmem:s10], [sflag:$0x1] =	stream.indirect.gather [hbm4b:s4+s15], $0x10, s8, s15, $0xb8;
	[tilespmem:$0x1CE10] =	vst v63  }
0x1d5: {  	s11 =	simm.s32 $0x780;
	s14 =	simm.s32 $0x9100  }
0x1d6: {  	[tilespmem:s14], [sflag:$0x1] =	stream.indirect.gather [hbm4b:s4+s15], $0x10, s11, s15, $0xb8;
	[tilespmem:$0x1CE10] =	vst v63  }
0x1d7: {  	s5 =	simm.s32 $0x800;
	s6 =	simm.s32 $0x9900  }
0x1d8: {  	[tilespmem:s6], [sflag:$0x1] =	stream.indirect.gather [hbm4b:s4+s15], $0x10, s5, s15, $0xb8;
	[tilespmem:$0x1CE10] =	vst v63  }
0x1d9: {  	s8 =	simm.s32 $0x880;
	s10 =	simm.s32 $0xA100  }
0x1da: {  	[tilespmem:s10], [sflag:$0x1] =	stream.indirect.gather [hbm4b:s4+s15], $0x10, s8, s15, $0xb8;
	[tilespmem:$0x1CE10] =	vst v63  }
0x1db: {  	s11 =	simm.s32 $0x900;
	s14 =	simm.s32 $0xA900  }
0x1dc: {  	[tilespmem:s14], [sflag:$0x1] =	stream.indirect.gather [hbm4b:s4+s15], $0x10, s11, s15, $0xb8;
	[tilespmem:$0x1CE10] =	vst v63  }
0x1dd: {  	s5 =	simm.s32 $0x980;
	s6 =	simm.s32 $0xB100  }
0x1de: {  	[tilespmem:s6], [sflag:$0x1] =	stream.indirect.gather [hbm4b:s4+s15], $0x10, s5, s15, $0xb8;
	[tilespmem:$0x1CE10] =	vst v63  }
0x1df: {  	s8 =	simm.s32 $0xA00;
	s10 =	simm.s32 $0xB900  }
0x1e0: {  	[tilespmem:s10], [sflag:$0x1] =	stream.indirect.gather [hbm4b:s4+s15], $0x10, s8, s15, $0xb8;
	[tilespmem:$0x1CE10] =	vst v63  }
0x1e1: {  	s11 =	simm.s32 $0xA80;
	s14 =	simm.s32 $0xC100  }
0x1e2: {  	[tilespmem:s14], [sflag:$0x1] =	stream.indirect.gather [hbm4b:s4+s15], $0x10, s11, s15, $0xb8;
	[tilespmem:$0x1CE10] =	vst v63  }
0x1e3: {  	s5 =	simm.s32 $0xB00;
	s6 =	simm.s32 $0xC900  }
0x1e4: {  	[tilespmem:s6], [sflag:$0x1] =	stream.indirect.gather [hbm4b:s4+s15], $0x10, s5, s15, $0xb8;
	[tilespmem:$0x1CE10] =	vst v63  }
0x1e5: {  	s8 =	simm.s32 $0xB80;
	s10 =	simm.s32 $0xD100  }
0x1e6: {  	[tilespmem:s10], [sflag:$0x1] =	stream.indirect.gather [hbm4b:s4+s15], $0x10, s8, s15, $0xb8;
	[tilespmem:$0x1CE10] =	vst v63  }
0x1e7: {  	s11 =	simm.s32 $0xC00;
	s14 =	simm.s32 $0xD900  }
0x1e8: {  	[tilespmem:s14], [sflag:$0x1] =	stream.indirect.gather [hbm4b:s4+s15], $0x10, s11, s15, $0xb8;
	[tilespmem:$0x1CE10] =	vst v63  }
.LBB2_14:
0x1e9: {  	s0 =	sshll.u32 s31, $0x2  }
0x1ea: {  	_ =	swait.ge [sflag:s26], $0xC800;
	s0 =	sand.u32 $0x3FFFFFFC, s0  }
0x1eb: {  	[sflag:s26] =	ssyncset.done $0x0;
	s1 =	sadd.s32 $0x1C200, s0  }
0x1ec: {  	[sflag:s26] =	ssyncadd.s32 $0xFFFF3800;
	s0 =	simm.s32 $0x0;
	v13 =	vmov s1;
	s1 =	simm.s32 $0x0  }
.LBB2_15:
0x1ed: {  	s5 =	smul.u32 $0x320, s1;
	_ =	sdelay $0x1  }
0x1ee: {  	s11 =	simm.s32 $0x1;
	v14 =	vadd.s32 s5, v5  }
0x1ef: {  	v15 =	vadd.s32 s11, v14  }
0x1f0: {  	s6 =	simm.s32 $0x2  }
0x1f1: {  	s14 =	simm.s32 $0x3;
	v16 =	vadd.s32 s6, v14  }
0x1f2: {  	s31 =	simm.s32 $0x4;
	v17 =	vadd.s32 s14, v14  }
0x1f3: {  	v18 =	vadd.s32 s31, v14  }
0x1f4: {  	v19 =	vld.idx.msk [tilespmem:v15+s28+$0x0], $0xffff  }
0x1f5: {  	s8 =	simm.s32 $0x6  }
0x1f6: {  	v21 =	vimm.f32 $-Inf;
	s10 =	simm.s32 $0x7;
	s6 =	simm.s32 $0x5;
	v23 =	vadd.s32 s8, v14;
	v20 =	vld.idx.msk [tilespmem:v16+s28+$0x0], $0xffff  }
0x1f7: {  	v24 =	vadd.s32 s10, v14;
	v29 =	vadd.s32 s0, v14;
	s8 =	simm.s32 $0xC;
	v22 =	vadd.s32 s6, v14;
	v25 =	vld.idx.msk [tilespmem:v17+s28+$0x0], $0xffff  }
0x1f8: {  	v28 =	vshll.u32 v23, $0x4;
	v32 =	vadd.s32 s8, v14;
	v26 =	vshll.u32 v22, $0x4;
	v27 =	vld.idx.msk [tilespmem:v18+s28+$0x0], $0xffff  }
0x1f9: {  	v15 =	vshll.u32 v15, $0x4;
	v16 =	vshll.u32 v16, $0x4;
	v19 =	vadd.s32 v6, v19  }
0x1fa: {  	v18 =	vshll.u32 v18, $0x4;
	v17 =	vshll.u32 v17, $0x4;
	v30 =	vand.u32 $0xFFFFFFF8, v19  }
0x1fb: {  	v23 =	vld.idx.msk [tilespmem:v23+s28+$0x0], $0xffff;
	v20 =	vadd.s32 v6, v20;
	v19 =	vand.u32 $0x7, v19;
	v15 =	vadd.s32 v15, v30  }
0x1fc: {  	v22 =	vld.idx.msk [tilespmem:v22+s28+$0x0], $0xffff;
	v30 =	vand.u32 $0xFFFFFFF8, v20;
	v20 =	vand.u32 $0x7, v20;
	v15 =	vor.u32 v19, v15  }
0x1fd: {  	v19 =	vadd.s32 v6, v25;
	v16 =	vadd.s32 v16, v30;
	v25 =	vadd.s32 v6, v27;
	v27 =	vld.idx.msk [tilespmem:v29+s28+$0x0], $0xffff  }
0x1fe: {  	v30 =	vand.u32 $0xFFFFFFF8, v19;
	v19 =	vand.u32 $0x7, v19;
	v16 =	vor.u32 v20, v16  }
0x1ff: {  	v37 =	vld.idx.msk [tilespmem:v32+s28+$0x0], $0xffff;
	v20 =	vshll.u32 v29, $0x4;
	v17 =	vadd.s32 v17, v30;
	v30 =	vand.u32 $0xFFFFFFF8, v25  }
0x200: {  	s14 =	simm.s32 $0xA;
	v19 =	vor.u32 v19, v17;
	v17 =	vadd.s32 v18, v30;
	v18 =	vand.u32 $0x7, v25  }
0x201: {  	s11 =	simm.s32 $0x9;
	v29 =	vadd.s32 s14, v14;
	v18 =	vor.u32 v18, v17;
	v17 =	vadd.s32 v6, v22  }
0x202: {  	s10 =	simm.s32 $0xD;
	v22 =	vadd.s32 v6, v23;
	v23 =	vadd.s32 s11, v14;
	v27 =	vadd.s32 v6, v27  }
0x203: {  	v33 =	vadd.s32 s10, v14;
	v32 =	vshll.u32 v32, $0x4;
	v25 =	vld.idx.msk [tilespmem:v24+s28+$0x0], $0xffff;
	v31 =	vand.u32 $0xFFFFFFF8, v27  }
0x204: {  	s31 =	simm.s32 $0xB;
	v61 =	vadd.s32 v6, v37;
	v27 =	vand.u32 $0x7, v27;
	v20 =	vadd.s32 v20, v31  }
0x205: {  	v30 =	vadd.s32 s31, v14;
	v34 =	vld.idx.msk [tilespmem:v15+s19+$0x0], $0xffff;
	v31 =	vand.u32 $0xFFFFFFF8, v22;
	v20 =	vor.u32 v27, v20  }
0x206: {  	s14 =	simm.s32 $0xF;
	v24 =	vshll.u32 v24, $0x4;
	v35 =	vld.idx.msk [tilespmem:v29+s28+$0x0], $0xffff;
	v22 =	vand.u32 $0x7, v22;
	v27 =	vadd.s32 v28, v31  }
0x207: {  	s11 =	simm.s32 $0xE;
	v15 =	vadd.s32 s14, v14;
	v29 =	vshll.u32 v29, $0x4;
	v22 =	vor.u32 v22, v27;
	v27 =	vld.idx.msk [tilespmem:v23+s28+$0x0], $0xffff  }
0x208: {  	v28 =	vadd.s32 s11, v14;
	v31 =	vld.idx.msk [tilespmem:v16+s19+$0x0], $0xffff;
	v16 =	vadd.s32 v6, v25;
	v25 =	vand.u32 $0xFFFFFFF8, v17  }
0x209: {  	v17 =	vand.u32 $0x7, v17;
	v36 =	vand.u32 $0xFFFFFFF8, v16;
	v25 =	vadd.s32 v26, v25  }
0x20a: {  	v16 =	vand.u32 $0x7, v16;
	v24 =	vadd.s32 v24, v36;
	v25 =	vor.u32 v17, v25;
	v60 =	vld.idx.msk [tilespmem:v20+s19+$0x0], $0xffff  }
0x20b: {  	v26 =	vld.idx.msk [tilespmem:v30+s28+$0x0], $0xffff;
	v23 =	vshll.u32 v23, $0x4;
	v17 =	vshll.u32 v28, $0x4;
	v24 =	vor.u32 v16, v24  }
0x20c: {  	s31 =	simm.s32 $0x8;
	v38 =	vld.idx.msk [tilespmem:v19+s19+$0x0], $0xffff;
	v16 =	vshll.u32 v33, $0x4;
	v35 =	vadd.s32 v6, v35;
	v19 =	vadd.s32 v6, v27  }
0x20d: {  	v20 =	vadd.s32 s31, v14;
	v27 =	vshll.u32 v30, $0x4;
	v30 =	vld.idx.msk [tilespmem:v22+s19+$0x0], $0xffff;
	v22 =	vand.u32 $0xFFFFFFF8, v19  }
0x20e: {  	v18 =	vld.idx.msk [tilespmem:v18+s19+$0x0], $0xffff;
	v19 =	vand.u32 $0x7, v19;
	v22 =	vadd.s32 v23, v22;
	v23 =	vand.u32 $0xFFFFFFF8, v35  }
0x20f: {  	v25 =	vld.idx.msk [tilespmem:v25+s19+$0x0], $0xffff;
	v35 =	vand.u32 $0x7, v35;
	v19 =	vor.u32 v19, v22;
	v21 =	vmax.f32 v21, v60  }
0x210: {  	v23 =	vadd.s32 v29, v23;
	v29 =	vld.idx.msk [tilespmem:v33+s28+$0x0], $0xffff;
	v22 =	vadd.s32 v6, v26;
	v21 =	vmax.f32 v21, v34  }
0x211: {  	v26 =	vand.u32 $0xFFFFFFF8, v22;
	v62 =	vand.u32 $0x7, v22;
	v22 =	vld.idx.msk [tilespmem:v24+s19+$0x0], $0xffff;
	v21 =	vmax.f32 v21, v31  }
0x212: {  	v24 =	vadd.s32 v27, v26;
	v27 =	vand.u32 $0xFFFFFFF8, v61;
	v26 =	vld.idx.msk [tilespmem:v28+s28+$0x0], $0xffff;
	v31 =	vmax.f32 v21, v38  }
0x213: {  	v28 =	vadd.s32 v32, v27;
	v27 =	vld.idx.msk [tilespmem:v20+s28+$0x0], $0xffff;
	v21 =	vor.u32 v62, v24;
	v18 =	vmax.f32 v31, v18  }
0x214: {  	v24 =	vor.u32 v35, v23;
	v31 =	vand.u32 $0x7, v61;
	v63 =	vmax.f32 v18, v25  }
0x215: {  	s6 =	simm.s32 $0x10;
	v23 =	vld.idx.msk [tilespmem:v15+s28+$0x0], $0xffff;
	v18 =	vor.u32 v31, v28;
	v25 =	vadd.s32 v6, v29;
	v28 =	vmax.f32 v63, v30  }
.LBB2_16:
0x216: {  	s8 =	sadd.s32 $0x1, s6  }
0x217: {  	s10 =	sadd.s32 $0x2, s6;
	v20 =	vshll.u32 v20, $0x4;
	v26 =	vadd.s32 v6, v26;
	v22 =	vmax.f32 v28, v22;
	s11 =	smov.u32 s6;
	s5 =	sadd.s32 $0x8, s6  }
0x218: {  	p0 =	slt.u32 s6, $0xC0;
	v27 =	vadd.s32 v6, v27;
	v28 =	vadd.s32 s8, v14;
	v29 =	vadd.s32 s10, v14;
	s8 =	sadd.s32 $0x3, s11  }
0x219: {  	s6 =	sadd.s32 $0x4, s11;
	v31 =	vand.u32 $0xFFFFFFF8, v27;
	v27 =	vand.u32 $0x7, v27;
	v30 =	vadd.s32 s8, v14;
	s8 =	sadd.s32 $0x5, s11  }
0x21a: {  	v32 =	vadd.s32 s6, v14;
	s6 =	sadd.s32 $0x6, s11;
	v20 =	vadd.s32 v20, v31;
	v33 =	vadd.s32 s8, v14;
	v31 =	vld.idx.msk [tilespmem:v19+s19+$0x0], $0xffff  }
0x21b: {  	v34 =	vadd.s32 s6, v14;
	s6 =	sadd.s32 $0x7, s11;
	v19 =	vor.u32 v27, v20;
	v20 =	vand.u32 $0xFFFFFFF8, v26;
	v24 =	vld.idx.msk [tilespmem:v24+s19+$0x0], $0xffff  }
0x21c: {  	v26 =	vand.u32 $0x7, v26;
	v27 =	vadd.s32 s6, v14;
	v17 =	vadd.s32 v17, v20;
	v21 =	vld.idx.msk [tilespmem:v21+s19+$0x0], $0xffff  }
0x21d: {  	v20 =	vor.u32 v26, v17;
	v17 =	vadd.s32 v6, v23;
	v23 =	vshll.u32 v15, $0x4;
	v15 =	vmovc v27;
	v35 =	vld.idx.msk [tilespmem:v28+s28+$0x0], $0xffff  }
0x21e: {  	v27 =	vand.u32 $0xFFFFFFF8, v25;
	v36 =	vand.u32 $0xFFFFFFF8, v17;
	v17 =	vand.u32 $0x7, v17;
	v26 =	vld.idx.msk [tilespmem:v29+s28+$0x0], $0xffff  }
0x21f: {  	v25 =	vand.u32 $0x7, v25;
	v16 =	vadd.s32 v16, v27;
	v23 =	vadd.s32 v23, v36;
	v37 =	vld.idx.msk [tilespmem:v30+s28+$0x0], $0xffff  }
0x220: {  	v23 =	vor.u32 v17, v23;
	v27 =	vld.idx.msk [tilespmem:v19+s19+$0x0], $0xffff;
	v19 =	vor.u32 v25, v16  }
0x221: {  	v17 =	vshll.u32 v34, $0x4;
	v16 =	vshll.u32 v33, $0x4;
	v25 =	vld.idx.msk [tilespmem:v32+s28+$0x0], $0xffff  }
0x222: {  	v28 =	vshll.u32 v28, $0x4;
	v29 =	vshll.u32 v29, $0x4;
	v32 =	vshll.u32 v32, $0x4;
	v36 =	vld.idx.msk [tilespmem:v20+s19+$0x0], $0xffff  }
0x223: {  	v30 =	vshll.u32 v30, $0x4;
	v20 =	vadd.s32 s11, v14;
	v35 =	vadd.s32 v6, v35;
	v18 =	vld.idx.msk [tilespmem:v18+s19+$0x0], $0xffff  }
0x224: {  	v38 =	vand.u32 $0xFFFFFFF8, v35;
	v35 =	vand.u32 $0x7, v35;
	v26 =	vadd.s32 v6, v26;
	v33 =	vld.idx.msk [tilespmem:v33+s28+$0x0], $0xffff  }
0x225: {  	v28 =	vadd.s32 v28, v38;
	v38 =	vand.u32 $0xFFFFFFF8, v26;
	v39 =	vand.u32 $0x7, v26;
	v40 =	vld.idx.msk [tilespmem:v19+s19+$0x0], $0xffff  }
0x226: {  	v19 =	vor.u32 v35, v28;
	v28 =	vadd.s32 v29, v38;
	v27 =	vmax.f32 v22, v27;
	v22 =	vld.idx.msk [tilespmem:v23+s19+$0x0], $0xffff  }
0x227: {  	v23 =	vadd.s32 v6, v37;
	v25 =	vadd.s32 v6, v25;
	v29 =	vmax.f32 v27, v31;
	v26 =	vld.idx.msk [tilespmem:v34+s28+$0x0], $0xffff  }
.Ltmp6:
0x228: {  	v31 =	vand.u32 $0xFFFFFFF8, v23;
	v34 =	vand.u32 $0x7, v23;
	v24 =	vmax.f32 v29, v24;
	v27 =	vld.idx.msk [tilespmem:v20+s28+$0x0], $0xffff;
	(pc) =	sbr.rel @p0 .LBB2_16-.Ltmp6, $4  }
0x229: {  	v29 =	vadd.s32 v30, v31;
	v30 =	vand.u32 $0xFFFFFFF8, v25;
	v24 =	vmax.f32 v24, v21;
	v23 =	vld.idx.msk [tilespmem:v15+s28+$0x0], $0xffff  }
0x22a: {  	v21 =	vor.u32 v34, v29;
	v29 =	vadd.s32 v32, v30;
	v18 =	vmax.f32 v24, v18  }
0x22b: {  	v25 =	vand.u32 $0x7, v25;
	v24 =	vor.u32 v39, v28;
	v28 =	vmax.f32 v18, v40  }
0x22c: {  	s6 =	smov.u32 s5;
	v18 =	vor.u32 v25, v29;
	v25 =	vadd.s32 v6, v33;
	v28 =	vmax.f32 v28, v36  }
0x22d: {  	v14 =	vadd.s32 v6, v27  }
0x22e: {  	v20 =	vshll.u32 v20, $0x4;
	v27 =	vand.u32 $0xFFFFFFF8, v14  }
0x22f: {  	v14 =	vand.u32 $0x7, v14;
	v20 =	vadd.s32 v20, v27  }
0x230: {  	v14 =	vor.u32 v14, v20;
	_ =	sdelay $0x1  }
0x231: {  	v56 =	vadd.s32 v6, v26;
	v57 =	vand.u32 $0xFFFFFFF8, v25  }
0x232: {  	v58 =	vand.u32 $0x7, v25;
	v15 =	vshll.u32 v15, $0x4;
	v26 =	vand.u32 $0xFFFFFFF8, v56  }
0x233: {  	v23 =	vadd.s32 v6, v23;
	v16 =	vadd.s32 v16, v57;
	v17 =	vadd.s32 v17, v26  }
0x234: {  	v59 =	vand.u32 $0xFFFFFFF8, v23;
	v16 =	vor.u32 v58, v16;
	v20 =	vand.u32 $0x7, v56;
	v14 =	vld.idx.msk [tilespmem:v14+s19+$0x0], $0xffff  }
0x235: {  	v19 =	vld.idx.msk [tilespmem:v19+s19+$0x0], $0xffff;
	v60 =	vand.u32 $0x7, v23;
	v15 =	vadd.s32 v15, v59;
	v17 =	vor.u32 v20, v17  }
0x236: {  	v61 =	vld.idx.msk [tilespmem:v24+s19+$0x0], $0xffff;
	v15 =	vor.u32 v60, v15  }
0x237: {  	v62 =	vld.idx.msk [tilespmem:v21+s19+$0x0], $0xffff  }
0x238: {  	v63 =	vmax.f32 v28, v22;
	v18 =	vld.idx.msk [tilespmem:v18+s19+$0x0], $0xffff  }
0x239: {  	v16 =	vld.idx.msk [tilespmem:v16+s19+$0x0], $0xffff;
	v14 =	vmax.f32 v63, v14  }
0x23a: {  	v17 =	vld.idx.msk [tilespmem:v17+s19+$0x0], $0xffff;
	v14 =	vmax.f32 v14, v19  }
0x23b: {  	s5 =	sshll.u32 s1, $0x4;
	s1 =	sadd.s32 $0x1, s1;
	v15 =	vld.idx.msk [tilespmem:v15+s19+$0x0], $0xffff;
	v14 =	vmax.f32 v14, v61  }
0x23c: {  	p0 =	sne.s32 s1, $0x4;
	v14 =	vmax.f32 v14, v62  }
.Ltmp7:
0x23d: {  	v14 =	vmax.f32 v14, v18;
	(pc) =	sbr.rel @p0 .LBB2_15-.Ltmp7, $4  }
0x23e: {  	v14 =	vmax.f32 v14, v16  }
0x23f: {  	v14 =	vmax.f32 v14, v17  }
0x240: {  	s5 =	sand.u32 $0x3FFFFFF0, s5;
	v14 =	vmax.f32 v14, v15  }
0x241: {  	[tilespmem:v13+s5+$0x0 ss:$0x1] =	vst.idx.msk $0xffff, v14  }
0x242: {  	s30 =	sadd.s32 $0x1, s30  }
0x243: {  	p0 =	sne.s32 s30, $0x10  }
.Ltmp8:
0x244: {  	_ = 	snop;
	(pc) =	sbr.rel @p0 .LBB2_4-.Ltmp8, $1  }
0x245: {  	_ =	sdelay $0x3  }
0x246: {  	s0 =	simm.s32 $0x0  }
0x247: {  	v13 =	vmov s0  }
0x248: {  	v13 =	vshll.u32 v13, $0x2  }
0x249: {  	v13 =	vor.u32 v7, v13;
	_ =	sdelay $0x1  }
0x24a: {  	v14 =	vor.u32 $0x1, v13;
	_ =	sdelay $0x1  }
0x24b: {  	v15 =	vor.u32 $0x2, v13  }
0x24c: {  	v16 =	vld.idx.msk [tilespmem:v13+s29+$0x0], $0xffff  }
0x24d: {  	v13 =	vor.u32 $0x3, v13  }
0x24e: {  	v14 =	vld.idx.msk [tilespmem:v14+s29+$0x0], $0xffff;
	_ =	sdelay $0x1  }
0x24f: {  	v15 =	vld.idx.msk [tilespmem:v15+s29+$0x0], $0xffff  }
0x250: {  	v16 =	vmul.f32 v16, v11  }
0x251: {  	v13 =	vld.idx.msk [tilespmem:v13+s29+$0x0], $0xffff  }
0x252: {  	v14 =	vmul.f32 v14, v10;
	v16 =	vadd.f32 v16, v12  }
0x253: {  	s31 =	simm.s32 $0x8  }
0x254: {  	v17 =	vmov s31;
	v15 =	vmul.f32 v15, v9;
	v14 =	vadd.f32 v14, v16  }
0x255: {  	v16 =	vshll.u32 v17, $0x2  }
0x256: {  	v16 =	vor.u32 v7, v16;
	v13 =	vmul.f32 v13, v8;
	v14 =	vadd.f32 v15, v14;
	_ =	sdelay $0x1  }
0x257: {  	v13 =	vadd.f32 v13, v14  }
0x258: {  	s0 =	simm.s32 $0x1CA00;
	v15 =	vor.u32 $0x1, v16  }
0x259: {  	[tilespmem:s0+$0x0] =	vst v13  }
0x25a: {  	v14 =	vor.u32 $0x2, v16;
	v13 =	vld.idx.msk [tilespmem:v16+s29+$0x0], $0xffff;
	_ =	sdelay $0x1  }
0x25b: {  	v16 =	vor.u32 $0x3, v16  }
0x25c: {  	v15 =	vld.idx.msk [tilespmem:v15+s29+$0x0], $0xffff;
	_ =	sdelay $0x1  }
0x25d: {  	v17 =	vld.idx.msk [tilespmem:v14+s29+$0x0], $0xffff;
	v13 =	vmul.f32 v13, v11;
	_ =	sdelay $0x1  }
0x25e: {  	v14 =	vadd.f32 v13, v12;
	v13 =	vld.idx.msk [tilespmem:v16+s29+$0x0], $0xffff  }
0x25f: {  	v18 =	vmul.f32 v15, v10  }
0x260: {  	s1 =	simm.s32 $0x10  }
0x261: {  	v15 =	vmov s1;
	s1 =	simm.s32 $0x18;
	v16 =	vmul.f32 v17, v9;
	v14 =	vadd.f32 v18, v14  }
.LBB2_20:
0x262: {  	p0 =	sne.s32 s1, $0x1F8;
	v15 =	vshll.u32 v15, $0x2  }
0x263: {  	v13 =	vmul.f32 v13, v8;
	v15 =	vor.u32 v7, v15;
	v14 =	vadd.f32 v16, v14;
	_ =	sdelay $0x1  }
0x264: {  	v16 =	vor.u32 $0x1, v15;
	v13 =	vadd.f32 v13, v14  }
0x265: {  	s0 =	sadd.s32 $0x10, s0  }
0x266: {  	v14 =	vor.u32 $0x2, v15;
	[tilespmem:s0+$0x0] =	vst v13  }
0x267: {  	v13 =	vld.idx.msk [tilespmem:v15+s29+$0x0], $0xffff  }
0x268: {  	v15 =	vor.u32 $0x3, v15  }
0x269: {  	v16 =	vld.idx.msk [tilespmem:v16+s29+$0x0], $0xffff;
	_ =	sdelay $0x1  }
0x26a: {  	v17 =	vld.idx.msk [tilespmem:v14+s29+$0x0], $0xffff;
	_ =	sdelay $0x1  }
.Ltmp9:
0x26b: {  	v14 =	vmul.f32 v13, v11;
	v13 =	vld.idx.msk [tilespmem:v15+s29+$0x0], $0xffff;
	(pc) =	sbr.rel @p0 .LBB2_20-.Ltmp9, $3  }
0x26c: {  	_ = 	snop  }
0x26d: {  	v14 =	vadd.f32 v14, v12;
	v16 =	vmul.f32 v16, v10;
	_ =	sdelay $0x1  }
0x26e: {  	v15 =	vmov s1;
	s1 =	sadd.s32 $0x8, s1;
	v14 =	vadd.f32 v16, v14;
	v16 =	vmul.f32 v17, v9  }
0x26f: {  	v15 =	vshll.u32 v15, $0x2  }
0x270: {  	v13 =	vmul.f32 v13, v8;
	v15 =	vor.u32 v7, v15;
	v14 =	vadd.f32 v16, v14;
	_ =	sdelay $0x1  }
0x271: {  	v61 =	vor.u32 $0x1, v15;
	v13 =	vadd.f32 v13, v14  }
0x272: {  	s0 =	sadd.s32 $0x10, s0  }
0x273: {  	v62 =	vor.u32 $0x2, v15;
	[tilespmem:s0+$0x0] =	vst v13  }
0x274: {  	v13 =	vld.idx.msk [tilespmem:v15+s29+$0x0], $0xffff  }
0x275: {  	v15 =	vor.u32 $0x3, v15  }
0x276: {  	v16 =	vld.idx.msk [tilespmem:v61+s29+$0x0], $0xffff;
	_ =	sdelay $0x1  }
0x277: {  	v14 =	vld.idx.msk [tilespmem:v62+s29+$0x0], $0xffff  }
0x278: {  	v11 =	vmul.f32 v13, v11  }
0x279: {  	v63 =	vld.idx.msk [tilespmem:v15+s29+$0x0], $0xffff  }
0x27a: {  	v10 =	vmul.f32 v16, v10;
	v11 =	vadd.f32 v11, v12;
	_ =	sdelay $0x1  }
0x27b: {  	v9 =	vmul.f32 v14, v9;
	v10 =	vadd.f32 v10, v11;
	_ =	sdelay $0x1  }
0x27c: {  	v8 =	vmul.f32 v63, v8;
	v9 =	vadd.f32 v9, v10;
	_ =	sdelay $0x1  }
0x27d: {  	v8 =	vadd.f32 v8, v9  }
0x27e: {  	s0 =	sadd.s32 $0x10, s0  }
0x27f: {  	s14 =	rddreg [dreg:$0x7];
	s1 =	simm.s32 $0x1CA00;
	[tilespmem:s0+$0x0] =	vst v8  }
0x280: {  	[hbm4b:s14+s2] =	stream.linear.scatter [tilespmem:s1], [sflag:$0x3], $0x400, $0x38;
	[tilespmem:$0x1CE10] =	vst v63  }
0x281: {  	_ =	swait.ge [sflag:s13], $0x400  }
0x282: {  	s30 =	rddreg [dreg:$0x9]  }
0x283: {  	s31 =	rddreg [dreg:$0x8];
	s1 =	sadd.s32 $0x1, s30  }
0x284: {  	p0 =	sne.s32 s1, s31  }
.Ltmp10:
0x285: {  	_ = 	snop;
	(pc) =	sbr.rel @p0 .LBB2_1-.Ltmp10, $3  }
0x286: {  	_ =	sdelay $0x1  }
0x287: {  	[sflag:s13] =	ssyncset.done $0x0  }
0x288: {  	[sflag:s13] =	ssyncadd.s32 $0xFFFFFC00  }
0x289: {  	_ =	sfence.sel $0x180000  }
0x28a: {  	[bflag:$0x0] =	sbarrier.arrive $0xFFFF  }
0x28b: {  	_ =	strace $0x90000047  }
0x28c: {  	s0 =	stileid.u32;
	[bflag:$0x2] =	sbarrier.arrive $0xFFFF  }
0x28d: {  	p0 =	sne.s32 s0, $0x0;
	s0 =	rddreg [dreg:$0x2]  }
0x28e: {  	s0 =	sadd.s32 @!p0 $0x100000, s0  }
0x28f: {  	[sflag:s0] =	ssyncadd.tile.s32 @!p0 $0x1;
	_ =	shalt  }
.Lfunc_end2:
_tile_overlayer_lowered:
.L_overlay_start_2:
0x290: {  	(tag) =	ssettag $0x2  }
0x291: {  	s0 =	rddreg [dreg:$0x0];
	s2 =	stileid.u32  }
0x292: {  	s1 =	rddreg [dreg:$0x1];
	p0 =	sne.s32 s2, $0x0  }
0x293: {  	s3 =	rddreg [dreg:$0x2];
	[bflag:$0x3] =	sbarrier.arrive $0xFFFF;
	s2 =	simm.s32 @!p0 $0x1C03  }
0x294: {  	[timem:s3], [sflag:s2] =	dma.local @!p0 [hbm:s0], s1  }
0x295: {  	s0 =	simm.s32 @!p0 $0x3  }
0x296: {  	_ =	swait.ge @!p0 [sflag:s0], s1  }
0x297: {  	s1 =	ssub.s32 @!p0 $0x0, s1;
	[sflag:s0] =	ssyncset.done @!p0 $0x0  }
0x298: {  	[sflag:s0] =	ssyncadd.s32 @!p0 s1  }
0x299: {  	[bflag:$0x3] =	sbarrier.arrive $0xFFFF  }
0x29a: {  	_ =	shalt  }

</sc_bundles>
